<compile_context>
chip_gen: v7x
topology: tpu7x:2x2x1
jax: 0.10.2.dev20260603
libtpu: 0.0.44.dev20260713+nightly
codegen_flags: <defaults>
</compile_context>

<pallas_src>
import functools

import numpy as np
import jax
import jax.numpy as jnp
from jax import lax
from jax.experimental import pallas as pl
from jax.experimental.pallas import tpu as pltpu
from jax.experimental.pallas import tpu_sc as plsc

_B = 16384
_F = 26
_D = 16
_VPF = 38462
_V = _F * _VPF
_VP = 1000064
_NTC = _V // 128
_TAIL_V = _NTC * 128

_NW = 32
_G = 4
_NG = _NTC // _G
_BPW = _B // _NW
_XU_PER_W = _F * 16 // _NW


def _build_detile():
    mesh = plsc.VectorSubcoreMesh(core_axis_name="c", subcore_axis_name="s")

    @functools.partial(
        pl.kernel,
        mesh=mesh,
        out_type=(
            jax.ShapeDtypeStruct((_VP * _D // 128, 128), jnp.float32),
            jax.ShapeDtypeStruct((_F * _B // 128, 128), jnp.int32),
        ),
        scratch_types=[
            pltpu.VMEM((_D, _G * 128), jnp.float32),
            pltpu.VMEM((_D, _G * 128), jnp.float32),
            pltpu.VMEM((_G * 16, 128), jnp.float32),
            pltpu.VMEM((_G * 16, 128), jnp.float32),
            pltpu.VMEM((_F, 1024), jnp.int32),
            pltpu.VMEM((8, 128), jnp.int32),
            pltpu.SemaphoreType.DMA,
            pltpu.SemaphoreType.DMA,
            pltpu.SemaphoreType.DMA,
            pltpu.SemaphoreType.DMA,
        ],
        compiler_params=pltpu.CompilerParams(
            use_tc_tiling_on_sc=True, needs_layout_passes=False),
    )
    def body(xt_hbm, tabt_hbm, tail_hbm, tab_lin, x_lin,
             tbufa, tbufb, lbufa, lbufb, ibuf, xbuf, ssa, ssb, osa, osb):
        wid = lax.axis_index("s") * 2 + lax.axis_index("c")
        iota = lax.iota(jnp.int32, 16)

        def stage(g, tbuf, sem):
            src = tabt_hbm.at[:, pl.ds(pl.multiple_of(g * _G * 128, 128),
                                       _G * 128)]
            pltpu.async_copy(src, tbuf, sem)

        def stage_wait(tbuf, sem):
            src = tabt_hbm.at[:, pl.ds(0, _G * 128)]
            pltpu.make_async_copy(src, tbuf, sem).wait()

        def store(lbuf, g, sem):
            dst = tab_lin.at[pl.ds(pl.multiple_of(g * _G * 16, 8), _G * 16)]
            pltpu.async_copy(lbuf, dst, sem)

        def store_wait(lbuf, sem):
            dst = tab_lin.at[pl.ds(0, _G * 16)]
            pltpu.make_async_copy(lbuf, dst, sem).wait()

        c_row = iota // 8
        c_lane = (iota % 8) * 16

        def transpose(tbuf, lbuf, ncol):
            def ch_body(ch, carry):
                v0 = pl.multiple_of(ch * 16, 16)
                ridx = c_row + ch * 2
                lidx = c_lane
                for d in range(_D):
                    vals = tbuf[d, pl.ds(v0, 16)]
                    plsc.store_scatter(lbuf, [ridx, lidx], vals)
                    lidx = lidx + 1
                return carry

            lax.fori_loop(0, ncol * 8, ch_body, 0)

        base = wid * 61 + jnp.minimum(wid, 1)
        cnt = jnp.where(wid == 0, _NG - 61 * _NW + 61, 61)
        npairs = cnt // 2
        odd = cnt - npairs * 2
        last = base + cnt - 1

        stage(base, tbufa, ssa)

        def pair(p, carry):
            g0 = base + 2 * p
            stage_wait(tbufa, ssa)
            stage(g0 + 1, tbufb, ssb)

            @pl.when(p > 0)
            def _():
                store_wait(lbufa, osa)

            transpose(tbufa, lbufa, _G)
            store(lbufa, g0, osa)

            stage_wait(tbufb, ssb)
            stage(jnp.minimum(g0 + 2, last), tbufa, ssa)

            @pl.when(p > 0)
            def _():
                store_wait(lbufb, osb)

            transpose(tbufb, lbufb, _G)
            store(lbufb, g0 + 1, osb)
            return carry

        lax.fori_loop(0, npairs, pair, 0)

        stage_wait(tbufa, ssa)

        @pl.when(odd == 1)
        def _():
            store_wait(lbufa, osa)
            transpose(tbufa, lbufa, _G)
            store(lbufa, last, osa)

        store_wait(lbufa, osa)
        store_wait(lbufb, osb)

        @pl.when(wid == _NW - 1)
        def _():
            pltpu.sync_copy(tail_hbm, tbufa.at[:, pl.ds(0, 128)])
            transpose(tbufa, lbufa, 1)
            pltpu.sync_copy(lbufa.at[pl.ds(0, 16)],
                            tab_lin.at[pl.ds(_TAIL_V * _D // 128, 16)])

        def x_unit(i, last_oct):
            u = wid * _XU_PER_W + i
            oct_ = u // _F
            f = u - oct_ * _F

            @pl.when(oct_ != last_oct)
            def _():
                src = xt_hbm.at[:, pl.ds(pl.multiple_of(oct_ * 1024, 128), 1024)]
                pltpu.sync_copy(src, ibuf)

            off = iota * 0 + f * _VPF
            for s in range(8):
                for gg in range(8):
                    xbuf[s, pl.ds(gg * 16, 16)] = (
                        ibuf[f, pl.ds(s * 128 + gg * 16, 16)] + off
                    )
            dst = x_lin.at[pl.ds(pl.multiple_of(f * 128 + oct_ * 8, 8), 8)]
            pltpu.sync_copy(xbuf, dst)
            return oct_

        lax.fori_loop(0, _XU_PER_W, x_unit, jnp.int32(-1))

    return body


def _build_gather():
    mesh = plsc.VectorSubcoreMesh(core_axis_name="c", subcore_axis_name="s")

    @functools.partial(
        pl.kernel,
        mesh=mesh,
        out_type=jax.ShapeDtypeStruct((_F * 2 * 1024, 128), jnp.float32),
        scratch_types=[
            pltpu.VMEM((_F, 1, _BPW), jnp.int32),
            pltpu.VMEM((_BPW, _D), jnp.float32),
            pltpu.VMEM((_BPW, _D), jnp.float32),
            pltpu.VMEM((2, 32, 128), jnp.float32),
            pltpu.VMEM((2, 32, 128), jnp.float32),
            pltpu.SemaphoreType.DMA,
            pltpu.SemaphoreType.DMA,
            pltpu.SemaphoreType.DMA,
            pltpu.SemaphoreType.DMA,
        ],
        compiler_params=pltpu.CompilerParams(
            use_tc_tiling_on_sc=False, needs_layout_passes=False),
    )
    def body(x_hbm, tab_hbm, out_hbm, idx_all, rowsa, rowsb,
             obufa, obufb, gsa, gsb, osa, osb):
        wid = lax.axis_index("s") * 2 + lax.axis_index("c")
        iota = lax.iota(jnp.int32, 16)

        pltpu.sync_copy(x_hbm.at[:, pl.ds(wid, 1), :], idx_all)

        def gather(f, rows, sem):
            pltpu.async_copy(tab_hbm.at[idx_all.at[f, 0]], rows, sem)

        def gather_wait(rows, sem):
            pltpu.make_async_copy(tab_hbm.at[idx_all.at[0, 0]], rows,
                                  sem).wait()

        dvs = [(iota + c) & 15 for c in range(_D)]
        dhis = [dv >> 3 for dv in dvs]
        subs = [dv & 7 for dv in dvs]

        def transpose(rows, obuf):
            def gg_body(g, carry):
                r0 = g * 16
                bc8 = (g // 8) * 8
                lanes = iota + (r0 & 127)
                rows0 = iota + r0
                for c in range(_D):
                    vals = plsc.load_gather(rows, [rows0, dvs[c]])
                    plsc.store_scatter(
                        obuf, [dhis[c], subs[c] + bc8, lanes], vals)
                return carry

            lax.fori_loop(0, 32, gg_body, 0)

        def store(obuf, f, sem):
            for dhi in range(2):
                dst = out_hbm.at[pl.ds((f * 2 + dhi) * 1024 + wid * 32, 32)]
                pltpu.async_copy(obuf.at[dhi], dst, sem)

        def store_wait(obuf, sem):
            dst = out_hbm.at[pl.ds(0, 32)]
            pltpu.make_async_copy(obuf.at[0], dst, sem).wait()
            pltpu.make_async_copy(obuf.at[1], dst, sem).wait()

        gather(0, rowsa, gsa)

        def pair(p, carry):
            f0 = 2 * p
            gather_wait(rowsa, gsa)
            gather(f0 + 1, rowsb, gsb)

            @pl.when(p > 0)
            def _():
                store_wait(obufa, osa)

            transpose(rowsa, obufa)
            store(obufa, f0, osa)

            gather_wait(rowsb, gsb)
            gather(jnp.minimum(f0 + 2, _F - 1), rowsa, gsa)

            @pl.when(p > 0)
            def _():
                store_wait(obufb, osb)

            transpose(rowsb, obufb)
            store(obufb, f0 + 1, osb)
            return carry

        lax.fori_loop(0, _F // 2, pair, 0)

        gather_wait(rowsa, gsa)
        store_wait(obufa, osa)
        store_wait(obufb, osb)

    return body


_detile = _build_detile()
_gather = _build_gather()


def kernel(x, table):
    tail = jnp.pad(table[_TAIL_V:, :], ((0, _VP - _V), (0, 0))).T
    tab_lin8, x_lin = _detile(x.T, table.T, tail)
    tab_lin = tab_lin8.reshape(_VP, _D)
    x_idx = x_lin.reshape(_F, _NW, _BPW)
    out_lin = _gather(x_idx, tab_lin)
    out_t = (
        out_lin.reshape(_F, 2, 128, 8, 128)
        .transpose(0, 1, 3, 2, 4)
        .reshape(_F, _D, _B)
    )
    return out_t.transpose(2, 0, 1)

# --- scband reference (transcript-rebuilt; emitter-appended) ---
"""Pipeline reference for scband-features-embedding-66606352827240 (READ-ONLY COPY).

The authoritative reference and input builder live on the scoring server;
editing this copy changes nothing except your own understanding.
"""

import jax, jax.numpy as jnp
import numpy as np

FIELD_DIMS = [38462] * 26
EMBED_DIM = 16
BATCH = 16384
NUM_FIELDS = len(FIELD_DIMS)
TOTAL_VOCAB = int(sum(FIELD_DIMS))
OFFSETS = np.array((0, *np.cumsum(FIELD_DIMS)[:-1]), dtype=np.int64)


def setup_inputs(seed: int = 0) -> dict:
    key = jax.random.key(seed)
    k1, k2 = jax.random.split(key)
    x = jax.random.randint(k1, (BATCH, NUM_FIELDS), 0, FIELD_DIMS[0], dtype=jnp.int32)
    table = jax.random.normal(k2, (TOTAL_VOCAB, EMBED_DIM), dtype=jnp.float32) * 0.01
    return {"x": x, "table": table}


def reference(x, table):
    # x: int[B, F]; add per-field offsets into the single concatenated embedding table
    offsets = jnp.asarray(OFFSETS, dtype=x.dtype)[None, :]
    idx = x + offsets
    # embedding lookup -> [B, F, embed_dim]
    embed_x = jnp.take(table, idx, axis=0)
    return embed_x

if __name__ == "__main__":
    import jax
    _d = setup_inputs()
    print(jax.jit(kernel)(*tuple(_d.values())))

</pallas_src>

<mosaic_0001>
#map = affine_map<(d0, d1) -> (0, 0, 0)>
#map1 = affine_map<(d0, d1) -> (0, 0)>
module attributes {stable_mosaic.version = 14 : i64} {
  func.func @body(%arg0: i32, %arg1: i32, %arg2: memref<26x32x512xi32, #tpu.memory_space<hbm>>, %arg3: memref<1000064x16xf32, #tpu.memory_space<hbm>>, %arg4: memref<53248x128xf32, #tpu.memory_space<hbm>>, %arg5: memref<26x1x512xi32, #tpu.memory_space<vmem>>, %arg6: memref<512x16xf32, #tpu.memory_space<vmem>>, %arg7: memref<512x16xf32, #tpu.memory_space<vmem>>, %arg8: memref<2x32x128xf32, #tpu.memory_space<vmem>>, %arg9: memref<2x32x128xf32, #tpu.memory_space<vmem>>, %arg10: memref<!tpu.dma_semaphore, #tpu.memory_space<semaphore_mem>>, %arg11: memref<!tpu.dma_semaphore, #tpu.memory_space<semaphore_mem>>, %arg12: memref<!tpu.dma_semaphore, #tpu.memory_space<semaphore_mem>>, %arg13: memref<!tpu.dma_semaphore, #tpu.memory_space<semaphore_mem>>) attributes {dimension_semantics = [#tpu.dimension_semantics<core_parallel>, #tpu.dimension_semantics<subcore_parallel>], iteration_bounds = array<i64: 2, 16>, scalar_prefetch = 0 : i64, scratch_operands = 9 : i64, tpu.core_type = #tpu.core_type<sc_vector_subcore>, window_params = [{transform_indices = #map}, {transform_indices = #map1}, {transform_indices = #map1}]} {
    %mul3A = arith.constant 2 : i32
    %mul3A_0 = arith.muli %arg1, %mul3A : i32
    %add3A = arith.addi %mul3A_0, %arg0 : i32
    %iota3A = tpu.iota {dimensions = array<i32: 0>} : vector<16xi32>
    "tpu.region"() ({
      %run_scoped3A = tpu.sem_alloc : memref<!tpu.dma_semaphore, #tpu.memory_space<semaphore_mem>>
      %dma_start3A_270 = arith.constant 0 : i32
      %dma_start3A_271 = arith.constant 0 : i32
      %dma_start3A_272 = tpu.memref_slice %arg2[%dma_start3A_270, %add3A, %dma_start3A_271] : memref<26x32x512xi32, #tpu.memory_space<hbm>> -> memref<26x1x512xi32, #tpu.memory_space<hbm>>
      %dma_start3A_273 = arith.constant 0 : i32
      %dma_start3A_274 = arith.constant 0 : i32
      %dma_start3A_275 = tpu.memref_slice %arg2[%dma_start3A_273, %add3A, %dma_start3A_274] : memref<26x32x512xi32, #tpu.memory_space<hbm>> -> memref<26x1x512xi32, #tpu.memory_space<hbm>>
      tpu.enqueue_dma source(%dma_start3A_275 : memref<26x1x512xi32, #tpu.memory_space<hbm>>) target(%arg5 : memref<26x1x512xi32, #tpu.memory_space<vmem>>) target_semaphore(%run_scoped3A : memref<!tpu.dma_semaphore, #tpu.memory_space<semaphore_mem>>)
      %dma_wait3A_276 = arith.constant 0 : i32
      %dma_wait3A_277 = arith.constant 0 : i32
      %dma_wait3A_278 = tpu.memref_slice %arg2[%dma_wait3A_276, %add3A, %dma_wait3A_277] : memref<26x32x512xi32, #tpu.memory_space<hbm>> -> memref<26x1x512xi32, #tpu.memory_space<hbm>>
      %dma_wait3A_279 = arith.constant 0 : i32
      %dma_wait3A_280 = arith.constant 0 : i32
      %dma_wait3A_281 = tpu.memref_slice %arg2[%dma_wait3A_279, %add3A, %dma_wait3A_280] : memref<26x32x512xi32, #tpu.memory_space<hbm>> -> memref<26x1x512xi32, #tpu.memory_space<hbm>>
      tpu.wait_dma2 semaphore(%run_scoped3A : memref<!tpu.dma_semaphore, #tpu.memory_space<semaphore_mem>>) src(%dma_wait3A_281 : memref<26x1x512xi32, #tpu.memory_space<hbm>>) dst(%arg5 : memref<26x1x512xi32, #tpu.memory_space<vmem>>)
      tpu.yield
    }) : () -> ()
    %add3A_1 = arith.constant 0 : i32
    %add3A_2 = vector.broadcast %add3A_1 : i32 to vector<16xi32>
    %add3A_3 = arith.addi %iota3A, %add3A_2 : vector<16xi32>
    %and3A = arith.constant 15 : i32
    %and3A_4 = vector.broadcast %and3A : i32 to vector<16xi32>
    %and3A_5 = arith.andi %add3A_3, %and3A_4 : vector<16xi32>
    %add3A_6 = arith.constant 1 : i32
    %add3A_7 = vector.broadcast %add3A_6 : i32 to vector<16xi32>
    %add3A_8 = arith.addi %iota3A, %add3A_7 : vector<16xi32>
    %and3A_9 = arith.constant 15 : i32
    %and3A_10 = vector.broadcast %and3A_9 : i32 to vector<16xi32>
    %and3A_11 = arith.andi %add3A_8, %and3A_10 : vector<16xi32>
    %add3A_12 = arith.constant 2 : i32
    %add3A_13 = vector.broadcast %add3A_12 : i32 to vector<16xi32>
    %add3A_14 = arith.addi %iota3A, %add3A_13 : vector<16xi32>
    %and3A_15 = arith.constant 15 : i32
    %and3A_16 = vector.broadcast %and3A_15 : i32 to vector<16xi32>
    %and3A_17 = arith.andi %add3A_14, %and3A_16 : vector<16xi32>
    %add3A_18 = arith.constant 3 : i32
    %add3A_19 = vector.broadcast %add3A_18 : i32 to vector<16xi32>
    %add3A_20 = arith.addi %iota3A, %add3A_19 : vector<16xi32>
    %and3A_21 = arith.constant 15 : i32
    %and3A_22 = vector.broadcast %and3A_21 : i32 to vector<16xi32>
    %and3A_23 = arith.andi %add3A_20, %and3A_22 : vector<16xi32>
    %add3A_24 = arith.constant 4 : i32
    %add3A_25 = vector.broadcast %add3A_24 : i32 to vector<16xi32>
    %add3A_26 = arith.addi %iota3A, %add3A_25 : vector<16xi32>
    %and3A_27 = arith.constant 15 : i32
    %and3A_28 = vector.broadcast %and3A_27 : i32 to vector<16xi32>
    %and3A_29 = arith.andi %add3A_26, %and3A_28 : vector<16xi32>
    %add3A_30 = arith.constant 5 : i32
    %add3A_31 = vector.broadcast %add3A_30 : i32 to vector<16xi32>
    %add3A_32 = arith.addi %iota3A, %add3A_31 : vector<16xi32>
    %and3A_33 = arith.constant 15 : i32
    %and3A_34 = vector.broadcast %and3A_33 : i32 to vector<16xi32>
    %and3A_35 = arith.andi %add3A_32, %and3A_34 : vector<16xi32>
    %add3A_36 = arith.constant 6 : i32
    %add3A_37 = vector.broadcast %add3A_36 : i32 to vector<16xi32>
    %add3A_38 = arith.addi %iota3A, %add3A_37 : vector<16xi32>
    %and3A_39 = arith.constant 15 : i32
    %and3A_40 = vector.broadcast %and3A_39 : i32 to vector<16xi32>
    %and3A_41 = arith.andi %add3A_38, %and3A_40 : vector<16xi32>
    %add3A_42 = arith.constant 7 : i32
    %add3A_43 = vector.broadcast %add3A_42 : i32 to vector<16xi32>
    %add3A_44 = arith.addi %iota3A, %add3A_43 : vector<16xi32>
    %and3A_45 = arith.constant 15 : i32
    %and3A_46 = vector.broadcast %and3A_45 : i32 to vector<16xi32>
    %and3A_47 = arith.andi %add3A_44, %and3A_46 : vector<16xi32>
    %add3A_48 = arith.constant 8 : i32
    %add3A_49 = vector.broadcast %add3A_48 : i32 to vector<16xi32>
    %add3A_50 = arith.addi %iota3A, %add3A_49 : vector<16xi32>
    %and3A_51 = arith.constant 15 : i32
    %and3A_52 = vector.broadcast %and3A_51 : i32 to vector<16xi32>
    %and3A_53 = arith.andi %add3A_50, %and3A_52 : vector<16xi32>
    %add3A_54 = arith.constant 9 : i32
    %add3A_55 = vector.broadcast %add3A_54 : i32 to vector<16xi32>
    %add3A_56 = arith.addi %iota3A, %add3A_55 : vector<16xi32>
    %and3A_57 = arith.constant 15 : i32
    %and3A_58 = vector.broadcast %and3A_57 : i32 to vector<16xi32>
    %and3A_59 = arith.andi %add3A_56, %and3A_58 : vector<16xi32>
    %add3A_60 = arith.constant 10 : i32
    %add3A_61 = vector.broadcast %add3A_60 : i32 to vector<16xi32>
    %add3A_62 = arith.addi %iota3A, %add3A_61 : vector<16xi32>
    %and3A_63 = arith.constant 15 : i32
    %and3A_64 = vector.broadcast %and3A_63 : i32 to vector<16xi32>
    %and3A_65 = arith.andi %add3A_62, %and3A_64 : vector<16xi32>
    %add3A_66 = arith.constant 11 : i32
    %add3A_67 = vector.broadcast %add3A_66 : i32 to vector<16xi32>
    %add3A_68 = arith.addi %iota3A, %add3A_67 : vector<16xi32>
    %and3A_69 = arith.constant 15 : i32
    %and3A_70 = vector.broadcast %and3A_69 : i32 to vector<16xi32>
    %and3A_71 = arith.andi %add3A_68, %and3A_70 : vector<16xi32>
    %add3A_72 = arith.constant 12 : i32
    %add3A_73 = vector.broadcast %add3A_72 : i32 to vector<16xi32>
    %add3A_74 = arith.addi %iota3A, %add3A_73 : vector<16xi32>
    %and3A_75 = arith.constant 15 : i32
    %and3A_76 = vector.broadcast %and3A_75 : i32 to vector<16xi32>
    %and3A_77 = arith.andi %add3A_74, %and3A_76 : vector<16xi32>
    %add3A_78 = arith.constant 13 : i32
    %add3A_79 = vector.broadcast %add3A_78 : i32 to vector<16xi32>
    %add3A_80 = arith.addi %iota3A, %add3A_79 : vector<16xi32>
    %and3A_81 = arith.constant 15 : i32
    %and3A_82 = vector.broadcast %and3A_81 : i32 to vector<16xi32>
    %and3A_83 = arith.andi %add3A_80, %and3A_82 : vector<16xi32>
    %add3A_84 = arith.constant 14 : i32
    %add3A_85 = vector.broadcast %add3A_84 : i32 to vector<16xi32>
    %add3A_86 = arith.addi %iota3A, %add3A_85 : vector<16xi32>
    %and3A_87 = arith.constant 15 : i32
    %and3A_88 = vector.broadcast %and3A_87 : i32 to vector<16xi32>
    %and3A_89 = arith.andi %add3A_86, %and3A_88 : vector<16xi32>
    %add3A_90 = arith.constant 15 : i32
    %add3A_91 = vector.broadcast %add3A_90 : i32 to vector<16xi32>
    %add3A_92 = arith.addi %iota3A, %add3A_91 : vector<16xi32>
    %and3A_93 = arith.constant 15 : i32
    %and3A_94 = vector.broadcast %and3A_93 : i32 to vector<16xi32>
    %and3A_95 = arith.andi %add3A_92, %and3A_94 : vector<16xi32>
    %shift_right_arithmetic3A = arith.constant 3 : i32
    %shift_right_arithmetic3A_96 = vector.broadcast %shift_right_arithmetic3A : i32 to vector<16xi32>
    %shift_right_arithmetic3A_97 = arith.shrsi %and3A_5, %shift_right_arithmetic3A_96 : vector<16xi32>
    %shift_right_arithmetic3A_98 = arith.constant 3 : i32
    %shift_right_arithmetic3A_99 = vector.broadcast %shift_right_arithmetic3A_98 : i32 to vector<16xi32>
    %shift_right_arithmetic3A_100 = arith.shrsi %and3A_11, %shift_right_arithmetic3A_99 : vector<16xi32>
    %shift_right_arithmetic3A_101 = arith.constant 3 : i32
    %shift_right_arithmetic3A_102 = vector.broadcast %shift_right_arithmetic3A_101 : i32 to vector<16xi32>
    %shift_right_arithmetic3A_103 = arith.shrsi %and3A_17, %shift_right_arithmetic3A_102 : vector<16xi32>
    %shift_right_arithmetic3A_104 = arith.constant 3 : i32
    %shift_right_arithmetic3A_105 = vector.broadcast %shift_right_arithmetic3A_104 : i32 to vector<16xi32>
    %shift_right_arithmetic3A_106 = arith.shrsi %and3A_23, %shift_right_arithmetic3A_105 : vector<16xi32>
    %shift_right_arithmetic3A_107 = arith.constant 3 : i32
    %shift_right_arithmetic3A_108 = vector.broadcast %shift_right_arithmetic3A_107 : i32 to vector<16xi32>
    %shift_right_arithmetic3A_109 = arith.shrsi %and3A_29, %shift_right_arithmetic3A_108 : vector<16xi32>
    %shift_right_arithmetic3A_110 = arith.constant 3 : i32
    %shift_right_arithmetic3A_111 = vector.broadcast %shift_right_arithmetic3A_110 : i32 to vector<16xi32>
    %shift_right_arithmetic3A_112 = arith.shrsi %and3A_35, %shift_right_arithmetic3A_111 : vector<16xi32>
    %shift_right_arithmetic3A_113 = arith.constant 3 : i32
    %shift_right_arithmetic3A_114 = vector.broadcast %shift_right_arithmetic3A_113 : i32 to vector<16xi32>
    %shift_right_arithmetic3A_115 = arith.shrsi %and3A_41, %shift_right_arithmetic3A_114 : vector<16xi32>
    %shift_right_arithmetic3A_116 = arith.constant 3 : i32
    %shift_right_arithmetic3A_117 = vector.broadcast %shift_right_arithmetic3A_116 : i32 to vector<16xi32>
    %shift_right_arithmetic3A_118 = arith.shrsi %and3A_47, %shift_right_arithmetic3A_117 : vector<16xi32>
    %shift_right_arithmetic3A_119 = arith.constant 3 : i32
    %shift_right_arithmetic3A_120 = vector.broadcast %shift_right_arithmetic3A_119 : i32 to vector<16xi32>
    %shift_right_arithmetic3A_121 = arith.shrsi %and3A_53, %shift_right_arithmetic3A_120 : vector<16xi32>
    %shift_right_arithmetic3A_122 = arith.constant 3 : i32
    %shift_right_arithmetic3A_123 = vector.broadcast %shift_right_arithmetic3A_122 : i32 to vector<16xi32>
    %shift_right_arithmetic3A_124 = arith.shrsi %and3A_59, %shift_right_arithmetic3A_123 : vector<16xi32>
    %shift_right_arithmetic3A_125 = arith.constant 3 : i32
    %shift_right_arithmetic3A_126 = vector.broadcast %shift_right_arithmetic3A_125 : i32 to vector<16xi32>
    %shift_right_arithmetic3A_127 = arith.shrsi %and3A_65, %shift_right_arithmetic3A_126 : vector<16xi32>
    %shift_right_arithmetic3A_128 = arith.constant 3 : i32
    %shift_right_arithmetic3A_129 = vector.broadcast %shift_right_arithmetic3A_128 : i32 to vector<16xi32>
    %shift_right_arithmetic3A_130 = arith.shrsi %and3A_71, %shift_right_arithmetic3A_129 : vector<16xi32>
    %shift_right_arithmetic3A_131 = arith.constant 3 : i32
    %shift_right_arithmetic3A_132 = vector.broadcast %shift_right_arithmetic3A_131 : i32 to vector<16xi32>
    %shift_right_arithmetic3A_133 = arith.shrsi %and3A_77, %shift_right_arithmetic3A_132 : vector<16xi32>
    %shift_right_arithmetic3A_134 = arith.constant 3 : i32
    %shift_right_arithmetic3A_135 = vector.broadcast %shift_right_arithmetic3A_134 : i32 to vector<16xi32>
    %shift_right_arithmetic3A_136 = arith.shrsi %and3A_83, %shift_right_arithmetic3A_135 : vector<16xi32>
    %shift_right_arithmetic3A_137 = arith.constant 3 : i32
    %shift_right_arithmetic3A_138 = vector.broadcast %shift_right_arithmetic3A_137 : i32 to vector<16xi32>
    %shift_right_arithmetic3A_139 = arith.shrsi %and3A_89, %shift_right_arithmetic3A_138 : vector<16xi32>
    %shift_right_arithmetic3A_140 = arith.constant 3 : i32
    %shift_right_arithmetic3A_141 = vector.broadcast %shift_right_arithmetic3A_140 : i32 to vector<16xi32>
    %shift_right_arithmetic3A_142 = arith.shrsi %and3A_95, %shift_right_arithmetic3A_141 : vector<16xi32>
    %and3A_143 = arith.constant 7 : i32
    %and3A_144 = vector.broadcast %and3A_143 : i32 to vector<16xi32>
    %and3A_145 = arith.andi %and3A_5, %and3A_144 : vector<16xi32>
    %and3A_146 = arith.constant 7 : i32
    %and3A_147 = vector.broadcast %and3A_146 : i32 to vector<16xi32>
    %and3A_148 = arith.andi %and3A_11, %and3A_147 : vector<16xi32>
    %and3A_149 = arith.constant 7 : i32
    %and3A_150 = vector.broadcast %and3A_149 : i32 to vector<16xi32>
    %and3A_151 = arith.andi %and3A_17, %and3A_150 : vector<16xi32>
    %and3A_152 = arith.constant 7 : i32
    %and3A_153 = vector.broadcast %and3A_152 : i32 to vector<16xi32>
    %and3A_154 = arith.andi %and3A_23, %and3A_153 : vector<16xi32>
    %and3A_155 = arith.constant 7 : i32
    %and3A_156 = vector.broadcast %and3A_155 : i32 to vector<16xi32>
    %and3A_157 = arith.andi %and3A_29, %and3A_156 : vector<16xi32>
    %and3A_158 = arith.constant 7 : i32
    %and3A_159 = vector.broadcast %and3A_158 : i32 to vector<16xi32>
    %and3A_160 = arith.andi %and3A_35, %and3A_159 : vector<16xi32>
    %and3A_161 = arith.constant 7 : i32
    %and3A_162 = vector.broadcast %and3A_161 : i32 to vector<16xi32>
    %and3A_163 = arith.andi %and3A_41, %and3A_162 : vector<16xi32>
    %and3A_164 = arith.constant 7 : i32
    %and3A_165 = vector.broadcast %and3A_164 : i32 to vector<16xi32>
    %and3A_166 = arith.andi %and3A_47, %and3A_165 : vector<16xi32>
    %and3A_167 = arith.constant 7 : i32
    %and3A_168 = vector.broadcast %and3A_167 : i32 to vector<16xi32>
    %and3A_169 = arith.andi %and3A_53, %and3A_168 : vector<16xi32>
    %and3A_170 = arith.constant 7 : i32
    %and3A_171 = vector.broadcast %and3A_170 : i32 to vector<16xi32>
    %and3A_172 = arith.andi %and3A_59, %and3A_171 : vector<16xi32>
    %and3A_173 = arith.constant 7 : i32
    %and3A_174 = vector.broadcast %and3A_173 : i32 to vector<16xi32>
    %and3A_175 = arith.andi %and3A_65, %and3A_174 : vector<16xi32>
    %and3A_176 = arith.constant 7 : i32
    %and3A_177 = vector.broadcast %and3A_176 : i32 to vector<16xi32>
    %and3A_178 = arith.andi %and3A_71, %and3A_177 : vector<16xi32>
    %and3A_179 = arith.constant 7 : i32
    %and3A_180 = vector.broadcast %and3A_179 : i32 to vector<16xi32>
    %and3A_181 = arith.andi %and3A_77, %and3A_180 : vector<16xi32>
    %and3A_182 = arith.constant 7 : i32
    %and3A_183 = vector.broadcast %and3A_182 : i32 to vector<16xi32>
    %and3A_184 = arith.andi %and3A_83, %and3A_183 : vector<16xi32>
    %and3A_185 = arith.constant 7 : i32
    %and3A_186 = vector.broadcast %and3A_185 : i32 to vector<16xi32>
    %and3A_187 = arith.andi %and3A_89, %and3A_186 : vector<16xi32>
    %and3A_188 = arith.constant 7 : i32
    %and3A_189 = vector.broadcast %and3A_188 : i32 to vector<16xi32>
    %and3A_190 = arith.andi %and3A_95, %and3A_189 : vector<16xi32>
    %dma_start3A = arith.constant 0 : i32
    %dma_start3A_191 = arith.constant 0 : i32
    %dma_start3A_192 = arith.constant 0 : i32
    %dma_start3A_193 = tpu.memref_slice %arg5[%dma_start3A, %dma_start3A_191, %dma_start3A_192] : memref<26x1x512xi32, #tpu.memory_space<vmem>> -> memref<1x1x512xi32, #tpu.memory_space<vmem>>
    %dma_start3A_194 = tpu.memref_squeeze %dma_start3A_193 : memref<1x1x512xi32, #tpu.memory_space<vmem>> -> memref<512xi32, #tpu.memory_space<vmem>>
    %dma_start3A_195 = arith.constant 0 : i32
    %dma_start3A_196 = arith.constant 0 : i32
    %dma_start3A_197 = tpu.memref_slice %arg3[%dma_start3A_195, %dma_start3A_196] : memref<1000064x16xf32, #tpu.memory_space<hbm>> -> memref<1000064x16xf32, #tpu.memory_space<hbm>>
    tpu.enqueue_indirect_dma source(%dma_start3A_197 : memref<1000064x16xf32, #tpu.memory_space<hbm>>) target(%arg6 : memref<512x16xf32, #tpu.memory_space<vmem>>) offsets(%dma_start3A_194 : memref<512xi32, #tpu.memory_space<vmem>>) semaphore(%arg10 : memref<!tpu.dma_semaphore, #tpu.memory_space<semaphore_mem>>)
    %scan3A = arith.constant 0 : i32
    %scan3A_198 = arith.constant 0 : i32
    %scan3A_199 = arith.constant 13 : i32
    %scan3A_200 = arith.addi %scan3A_198, %scan3A_199 : i32
    %scan3A_201 = arith.constant 1 : i32
    scf.for %scan3A_270 = %scan3A_198 to %scan3A_200 step %scan3A_201  : i32 {
      %mul3A_271 = arith.constant 2 : i32
      %mul3A_272 = arith.muli %mul3A_271, %scan3A_270 : i32
      %dma_wait3A_273 = arith.constant 0 : i32
      %dma_wait3A_274 = arith.constant 0 : i32
      %dma_wait3A_275 = arith.constant 0 : i32
      %dma_wait3A_276 = tpu.memref_slice %arg5[%dma_wait3A_273, %dma_wait3A_274, %dma_wait3A_275] : memref<26x1x512xi32, #tpu.memory_space<vmem>> -> memref<1x1x512xi32, #tpu.memory_space<vmem>>
      %dma_wait3A_277 = tpu.memref_squeeze %dma_wait3A_276 : memref<1x1x512xi32, #tpu.memory_space<vmem>> -> memref<512xi32, #tpu.memory_space<vmem>>
      %dma_wait3A_278 = arith.constant 0 : i32
      %dma_wait3A_279 = arith.constant 0 : i32
      %dma_wait3A_280 = tpu.memref_slice %arg3[%dma_wait3A_278, %dma_wait3A_279] : memref<1000064x16xf32, #tpu.memory_space<hbm>> -> memref<1000064x16xf32, #tpu.memory_space<hbm>>
      tpu.wait_indirect_dma semaphore(%arg10 : memref<!tpu.dma_semaphore, #tpu.memory_space<semaphore_mem>>) src(%dma_wait3A_280 : memref<1000064x16xf32, #tpu.memory_space<hbm>>) dst(%arg6 : memref<512x16xf32, #tpu.memory_space<vmem>>)
      %add3A_281 = arith.constant 1 : i32
      %add3A_282 = arith.addi %mul3A_272, %add3A_281 : i32
      %dma_start3A_283 = arith.constant 0 : i32
      %dma_start3A_284 = arith.constant 0 : i32
      %dma_start3A_285 = tpu.memref_slice %arg5[%add3A_282, %dma_start3A_283, %dma_start3A_284] : memref<26x1x512xi32, #tpu.memory_space<vmem>> -> memref<1x1x512xi32, #tpu.memory_space<vmem>>
      %dma_start3A_286 = tpu.memref_squeeze %dma_start3A_285 : memref<1x1x512xi32, #tpu.memory_space<vmem>> -> memref<512xi32, #tpu.memory_space<vmem>>
      %dma_start3A_287 = arith.constant 0 : i32
      %dma_start3A_288 = arith.constant 0 : i32
      %dma_start3A_289 = tpu.memref_slice %arg3[%dma_start3A_287, %dma_start3A_288] : memref<1000064x16xf32, #tpu.memory_space<hbm>> -> memref<1000064x16xf32, #tpu.memory_space<hbm>>
      tpu.enqueue_indirect_dma source(%dma_start3A_289 : memref<1000064x16xf32, #tpu.memory_space<hbm>>) target(%arg7 : memref<512x16xf32, #tpu.memory_space<vmem>>) offsets(%dma_start3A_286 : memref<512xi32, #tpu.memory_space<vmem>>) semaphore(%arg11 : memref<!tpu.dma_semaphore, #tpu.memory_space<semaphore_mem>>)
      %gt3A = arith.constant 0 : i32
      %gt3A_290 = arith.cmpi sgt, %scan3A_270, %gt3A : i32
      %convert_element_type3A = arith.extui %gt3A_290 : i1 to i32
      %cond3A = arith.constant 0 : i32
      %cond3A_291 = arith.cmpi ne, %convert_element_type3A, %cond3A : i32
      scf.if %cond3A_291 {
        %dma_wait3A_417 = arith.constant 0 : i32
        %dma_wait3A_418 = arith.constant 0 : i32
        %dma_wait3A_419 = arith.constant 0 : i32
        %dma_wait3A_420 = tpu.memref_slice %arg8[%dma_wait3A_417, %dma_wait3A_418, %dma_wait3A_419] : memref<2x32x128xf32, #tpu.memory_space<vmem>> -> memref<1x32x128xf32, #tpu.memory_space<vmem>>
        %dma_wait3A_421 = tpu.memref_squeeze %dma_wait3A_420 : memref<1x32x128xf32, #tpu.memory_space<vmem>> -> memref<32x128xf32, #tpu.memory_space<vmem>>
        %dma_wait3A_422 = arith.constant 0 : i32
        %dma_wait3A_423 = arith.constant 0 : i32
        %dma_wait3A_424 = tpu.memref_slice %arg4[%dma_wait3A_422, %dma_wait3A_423] : memref<53248x128xf32, #tpu.memory_space<hbm>> -> memref<32x128xf32, #tpu.memory_space<hbm>>
        %dma_wait3A_425 = arith.constant 0 : i32
        %dma_wait3A_426 = arith.constant 0 : i32
        %dma_wait3A_427 = tpu.memref_slice %arg4[%dma_wait3A_425, %dma_wait3A_426] : memref<53248x128xf32, #tpu.memory_space<hbm>> -> memref<32x128xf32, #tpu.memory_space<hbm>>
        %dma_wait3A_428 = arith.constant 0 : i32
        %dma_wait3A_429 = arith.constant 0 : i32
        %dma_wait3A_430 = tpu.memref_slice %arg8[%dma_wait3A_417, %dma_wait3A_428, %dma_wait3A_429] : memref<2x32x128xf32, #tpu.memory_space<vmem>> -> memref<1x32x128xf32, #tpu.memory_space<vmem>>
        %dma_wait3A_431 = tpu.memref_squeeze %dma_wait3A_430 : memref<1x32x128xf32, #tpu.memory_space<vmem>> -> memref<32x128xf32, #tpu.memory_space<vmem>>
        tpu.wait_dma2 semaphore(%arg12 : memref<!tpu.dma_semaphore, #tpu.memory_space<semaphore_mem>>) src(%dma_wait3A_431 : memref<32x128xf32, #tpu.memory_space<vmem>>) dst(%dma_wait3A_427 : memref<32x128xf32, #tpu.memory_space<hbm>>)
        %dma_wait3A_432 = arith.constant 1 : i32
        %dma_wait3A_433 = arith.constant 0 : i32
        %dma_wait3A_434 = arith.constant 0 : i32
        %dma_wait3A_435 = tpu.memref_slice %arg8[%dma_wait3A_432, %dma_wait3A_433, %dma_wait3A_434] : memref<2x32x128xf32, #tpu.memory_space<vmem>> -> memref<1x32x128xf32, #tpu.memory_space<vmem>>
        %dma_wait3A_436 = tpu.memref_squeeze %dma_wait3A_435 : memref<1x32x128xf32, #tpu.memory_space<vmem>> -> memref<32x128xf32, #tpu.memory_space<vmem>>
        %dma_wait3A_437 = arith.constant 0 : i32
        %dma_wait3A_438 = arith.constant 0 : i32
        %dma_wait3A_439 = tpu.memref_slice %arg4[%dma_wait3A_437, %dma_wait3A_438] : memref<53248x128xf32, #tpu.memory_space<hbm>> -> memref<32x128xf32, #tpu.memory_space<hbm>>
        %dma_wait3A_440 = arith.constant 0 : i32
        %dma_wait3A_441 = arith.constant 0 : i32
        %dma_wait3A_442 = tpu.memref_slice %arg4[%dma_wait3A_440, %dma_wait3A_441] : memref<53248x128xf32, #tpu.memory_space<hbm>> -> memref<32x128xf32, #tpu.memory_space<hbm>>
        %dma_wait3A_443 = arith.constant 0 : i32
        %dma_wait3A_444 = arith.constant 0 : i32
        %dma_wait3A_445 = tpu.memref_slice %arg8[%dma_wait3A_432, %dma_wait3A_443, %dma_wait3A_444] : memref<2x32x128xf32, #tpu.memory_space<vmem>> -> memref<1x32x128xf32, #tpu.memory_space<vmem>>
        %dma_wait3A_446 = tpu.memref_squeeze %dma_wait3A_445 : memref<1x32x128xf32, #tpu.memory_space<vmem>> -> memref<32x128xf32, #tpu.memory_space<vmem>>
        tpu.wait_dma2 semaphore(%arg12 : memref<!tpu.dma_semaphore, #tpu.memory_space<semaphore_mem>>) src(%dma_wait3A_446 : memref<32x128xf32, #tpu.memory_space<vmem>>) dst(%dma_wait3A_442 : memref<32x128xf32, #tpu.memory_space<hbm>>)
      } else {
      }
      %scan3A_292 = arith.constant 0 : i32
      %scan3A_293 = arith.constant 0 : i32
      %scan3A_294 = arith.constant 32 : i32
      %scan3A_295 = arith.addi %scan3A_293, %scan3A_294 : i32
      %scan3A_296 = arith.constant 1 : i32
      scf.for %scan3A_417 = %scan3A_293 to %scan3A_295 step %scan3A_296  : i32 {
        %mul3A_418 = arith.constant 16 : i32
        %mul3A_419 = arith.muli %scan3A_417, %mul3A_418 : i32
        %jit3A = arith.constant 8 : i32
        %div3A = arith.divsi %scan3A_417, %jit3A : i32
        %sign3A = arith.constant 0 : i32
        %sign3A_420 = arith.cmpi sgt, %scan3A_417, %sign3A : i32
        %sign3A_421 = arith.extui %sign3A_420 : i1 to i32
        %sign3A_422 = arith.constant 0 : i32
        %sign3A_423 = arith.cmpi slt, %scan3A_417, %sign3A_422 : i32
        %sign3A_424 = arith.extui %sign3A_423 : i1 to i32
        %sign3A_425 = arith.subi %sign3A_421, %sign3A_424 : i32
        %sign3A_426 = arith.constant 0 : i32
        %sign3A_427 = arith.cmpi sgt, %jit3A, %sign3A_426 : i32
        %sign3A_428 = arith.extui %sign3A_427 : i1 to i32
        %sign3A_429 = arith.constant 0 : i32
        %sign3A_430 = arith.cmpi slt, %jit3A, %sign3A_429 : i32
        %sign3A_431 = arith.extui %sign3A_430 : i1 to i32
        %sign3A_432 = arith.subi %sign3A_428, %sign3A_431 : i32
        %ne3A = arith.cmpi ne, %sign3A_425, %sign3A_432 : i32
        %rem3A = arith.remsi %scan3A_417, %jit3A : i32
        %ne3A_433 = arith.constant 0 : i32
        %ne3A_434 = arith.cmpi ne, %rem3A, %ne3A_433 : i32
        %and3A_435 = arith.andi %ne3A, %ne3A_434 : i1
        %sub3A = arith.constant 1 : i32
        %sub3A_436 = arith.subi %div3A, %sub3A : i32
        %select_n3A = arith.select %and3A_435, %sub3A_436, %div3A : i32
        %mul3A_437 = arith.constant 8 : i32
        %mul3A_438 = arith.muli %select_n3A, %mul3A_437 : i32
        %and3A_439 = arith.constant 127 : i32
        %and3A_440 = arith.andi %mul3A_419, %and3A_439 : i32
        %add3A_441 = vector.broadcast %and3A_440 : i32 to vector<16xi32>
        %add3A_442 = arith.addi %iota3A, %add3A_441 : vector<16xi32>
        %add3A_443 = vector.broadcast %mul3A_419 : i32 to vector<16xi32>
        %add3A_444 = arith.addi %iota3A, %add3A_443 : vector<16xi32>
        %gather3A = tpu.vector_load_idx %arg6[%add3A_444, %and3A_5] : memref<512x16xf32, #tpu.memory_space<vmem>>[vector<16xi32>, vector<16xi32>], vector<16xf32>,
        %add3A_445 = vector.broadcast %mul3A_438 : i32 to vector<16xi32>
        %add3A_446 = arith.addi %and3A_145, %add3A_445 : vector<16xi32>
        tpu.vector_store_idx %arg8[%shift_right_arithmetic3A_97, %add3A_446, %add3A_442], %gather3A : memref<2x32x128xf32, #tpu.memory_space<vmem>>[vector<16xi32>, vector<16xi32>, vector<16xi32>], vector<16xf32>,
        %gather3A_447 = tpu.vector_load_idx %arg6[%add3A_444, %and3A_11] : memref<512x16xf32, #tpu.memory_space<vmem>>[vector<16xi32>, vector<16xi32>], vector<16xf32>,
        %add3A_448 = vector.broadcast %mul3A_438 : i32 to vector<16xi32>
        %add3A_449 = arith.addi %and3A_148, %add3A_448 : vector<16xi32>
        tpu.vector_store_idx %arg8[%shift_right_arithmetic3A_100, %add3A_449, %add3A_442], %gather3A_447 : memref<2x32x128xf32, #tpu.memory_space<vmem>>[vector<16xi32>, vector<16xi32>, vector<16xi32>], vector<16xf32>,
        %gather3A_450 = tpu.vector_load_idx %arg6[%add3A_444, %and3A_17] : memref<512x16xf32, #tpu.memory_space<vmem>>[vector<16xi32>, vector<16xi32>], vector<16xf32>,
        %add3A_451 = vector.broadcast %mul3A_438 : i32 to vector<16xi32>
        %add3A_452 = arith.addi %and3A_151, %add3A_451 : vector<16xi32>
        tpu.vector_store_idx %arg8[%shift_right_arithmetic3A_103, %add3A_452, %add3A_442], %gather3A_450 : memref<2x32x128xf32, #tpu.memory_space<vmem>>[vector<16xi32>, vector<16xi32>, vector<16xi32>], vector<16xf32>,
        %gather3A_453 = tpu.vector_load_idx %arg6[%add3A_444, %and3A_23] : memref<512x16xf32, #tpu.memory_space<vmem>>[vector<16xi32>, vector<16xi32>], vector<16xf32>,
        %add3A_454 = vector.broadcast %mul3A_438 : i32 to vector<16xi32>
        %add3A_455 = arith.addi %and3A_154, %add3A_454 : vector<16xi32>
        tpu.vector_store_idx %arg8[%shift_right_arithmetic3A_106, %add3A_455, %add3A_442], %gather3A_453 : memref<2x32x128xf32, #tpu.memory_space<vmem>>[vector<16xi32>, vector<16xi32>, vector<16xi32>], vector<16xf32>,
        %gather3A_456 = tpu.vector_load_idx %arg6[%add3A_444, %and3A_29] : memref<512x16xf32, #tpu.memory_space<vmem>>[vector<16xi32>, vector<16xi32>], vector<16xf32>,
        %add3A_457 = vector.broadcast %mul3A_438 : i32 to vector<16xi32>
        %add3A_458 = arith.addi %and3A_157, %add3A_457 : vector<16xi32>
        tpu.vector_store_idx %arg8[%shift_right_arithmetic3A_109, %add3A_458, %add3A_442], %gather3A_456 : memref<2x32x128xf32, #tpu.memory_space<vmem>>[vector<16xi32>, vector<16xi32>, vector<16xi32>], vector<16xf32>,
        %gather3A_459 = tpu.vector_load_idx %arg6[%add3A_444, %and3A_35] : memref<512x16xf32, #tpu.memory_space<vmem>>[vector<16xi32>, vector<16xi32>], vector<16xf32>,
        %add3A_460 = vector.broadcast %mul3A_438 : i32 to vector<16xi32>
        %add3A_461 = arith.addi %and3A_160, %add3A_460 : vector<16xi32>
        tpu.vector_store_idx %arg8[%shift_right_arithmetic3A_112, %add3A_461, %add3A_442], %gather3A_459 : memref<2x32x128xf32, #tpu.memory_space<vmem>>[vector<16xi32>, vector<16xi32>, vector<16xi32>], vector<16xf32>,
        %gather3A_462 = tpu.vector_load_idx %arg6[%add3A_444, %and3A_41] : memref<512x16xf32, #tpu.memory_space<vmem>>[vector<16xi32>, vector<16xi32>], vector<16xf32>,
        %add3A_463 = vector.broadcast %mul3A_438 : i32 to vector<16xi32>
        %add3A_464 = arith.addi %and3A_163, %add3A_463 : vector<16xi32>
        tpu.vector_store_idx %arg8[%shift_right_arithmetic3A_115, %add3A_464, %add3A_442], %gather3A_462 : memref<2x32x128xf32, #tpu.memory_space<vmem>>[vector<16xi32>, vector<16xi32>, vector<16xi32>], vector<16xf32>,
        %gather3A_465 = tpu.vector_load_idx %arg6[%add3A_444, %and3A_47] : memref<512x16xf32, #tpu.memory_space<vmem>>[vector<16xi32>, vector<16xi32>], vector<16xf32>,
        %add3A_466 = vector.broadcast %mul3A_438 : i32 to vector<16xi32>
        %add3A_467 = arith.addi %and3A_166, %add3A_466 : vector<16xi32>
        tpu.vector_store_idx %arg8[%shift_right_arithmetic3A_118, %add3A_467, %add3A_442], %gather3A_465 : memref<2x32x128xf32, #tpu.memory_space<vmem>>[vector<16xi32>, vector<16xi32>, vector<16xi32>], vector<16xf32>,
        %gather3A_468 = tpu.vector_load_idx %arg6[%add3A_444, %and3A_53] : memref<512x16xf32, #tpu.memory_space<vmem>>[vector<16xi32>, vector<16xi32>], vector<16xf32>,
        %add3A_469 = vector.broadcast %mul3A_438 : i32 to vector<16xi32>
        %add3A_470 = arith.addi %and3A_169, %add3A_469 : vector<16xi32>
        tpu.vector_store_idx %arg8[%shift_right_arithmetic3A_121, %add3A_470, %add3A_442], %gather3A_468 : memref<2x32x128xf32, #tpu.memory_space<vmem>>[vector<16xi32>, vector<16xi32>, vector<16xi32>], vector<16xf32>,
        %gather3A_471 = tpu.vector_load_idx %arg6[%add3A_444, %and3A_59] : memref<512x16xf32, #tpu.memory_space<vmem>>[vector<16xi32>, vector<16xi32>], vector<16xf32>,
        %add3A_472 = vector.broadcast %mul3A_438 : i32 to vector<16xi32>
        %add3A_473 = arith.addi %and3A_172, %add3A_472 : vector<16xi32>
        tpu.vector_store_idx %arg8[%shift_right_arithmetic3A_124, %add3A_473, %add3A_442], %gather3A_471 : memref<2x32x128xf32, #tpu.memory_space<vmem>>[vector<16xi32>, vector<16xi32>, vector<16xi32>], vector<16xf32>,
        %gather3A_474 = tpu.vector_load_idx %arg6[%add3A_444, %and3A_65] : memref<512x16xf32, #tpu.memory_space<vmem>>[vector<16xi32>, vector<16xi32>], vector<16xf32>,
        %add3A_475 = vector.broadcast %mul3A_438 : i32 to vector<16xi32>
        %add3A_476 = arith.addi %and3A_175, %add3A_475 : vector<16xi32>
        tpu.vector_store_idx %arg8[%shift_right_arithmetic3A_127, %add3A_476, %add3A_442], %gather3A_474 : memref<2x32x128xf32, #tpu.memory_space<vmem>>[vector<16xi32>, vector<16xi32>, vector<16xi32>], vector<16xf32>,
        %gather3A_477 = tpu.vector_load_idx %arg6[%add3A_444, %and3A_71] : memref<512x16xf32, #tpu.memory_space<vmem>>[vector<16xi32>, vector<16xi32>], vector<16xf32>,
        %add3A_478 = vector.broadcast %mul3A_438 : i32 to vector<16xi32>
        %add3A_479 = arith.addi %and3A_178, %add3A_478 : vector<16xi32>
        tpu.vector_store_idx %arg8[%shift_right_arithmetic3A_130, %add3A_479, %add3A_442], %gather3A_477 : memref<2x32x128xf32, #tpu.memory_space<vmem>>[vector<16xi32>, vector<16xi32>, vector<16xi32>], vector<16xf32>,
        %gather3A_480 = tpu.vector_load_idx %arg6[%add3A_444, %and3A_77] : memref<512x16xf32, #tpu.memory_space<vmem>>[vector<16xi32>, vector<16xi32>], vector<16xf32>,
        %add3A_481 = vector.broadcast %mul3A_438 : i32 to vector<16xi32>
        %add3A_482 = arith.addi %and3A_181, %add3A_481 : vector<16xi32>
        tpu.vector_store_idx %arg8[%shift_right_arithmetic3A_133, %add3A_482, %add3A_442], %gather3A_480 : memref<2x32x128xf32, #tpu.memory_space<vmem>>[vector<16xi32>, vector<16xi32>, vector<16xi32>], vector<16xf32>,
        %gather3A_483 = tpu.vector_load_idx %arg6[%add3A_444, %and3A_83] : memref<512x16xf32, #tpu.memory_space<vmem>>[vector<16xi32>, vector<16xi32>], vector<16xf32>,
        %add3A_484 = vector.broadcast %mul3A_438 : i32 to vector<16xi32>
        %add3A_485 = arith.addi %and3A_184, %add3A_484 : vector<16xi32>
        tpu.vector_store_idx %arg8[%shift_right_arithmetic3A_136, %add3A_485, %add3A_442], %gather3A_483 : memref<2x32x128xf32, #tpu.memory_space<vmem>>[vector<16xi32>, vector<16xi32>, vector<16xi32>], vector<16xf32>,
        %gather3A_486 = tpu.vector_load_idx %arg6[%add3A_444, %and3A_89] : memref<512x16xf32, #tpu.memory_space<vmem>>[vector<16xi32>, vector<16xi32>], vector<16xf32>,
        %add3A_487 = vector.broadcast %mul3A_438 : i32 to vector<16xi32>
        %add3A_488 = arith.addi %and3A_187, %add3A_487 : vector<16xi32>
        tpu.vector_store_idx %arg8[%shift_right_arithmetic3A_139, %add3A_488, %add3A_442], %gather3A_486 : memref<2x32x128xf32, #tpu.memory_space<vmem>>[vector<16xi32>, vector<16xi32>, vector<16xi32>], vector<16xf32>,
        %gather3A_489 = tpu.vector_load_idx %arg6[%add3A_444, %and3A_95] : memref<512x16xf32, #tpu.memory_space<vmem>>[vector<16xi32>, vector<16xi32>], vector<16xf32>,
        %add3A_490 = vector.broadcast %mul3A_438 : i32 to vector<16xi32>
        %add3A_491 = arith.addi %and3A_190, %add3A_490 : vector<16xi32>
        tpu.vector_store_idx %arg8[%shift_right_arithmetic3A_142, %add3A_491, %add3A_442], %gather3A_489 : memref<2x32x128xf32, #tpu.memory_space<vmem>>[vector<16xi32>, vector<16xi32>, vector<16xi32>], vector<16xf32>,
      }
      %scan3A_297 = arith.constant 32 : i32
      %mul3A_298 = arith.constant 2 : i32
      %mul3A_299 = arith.muli %mul3A_272, %mul3A_298 : i32
      %add3A_300 = arith.constant 0 : i32
      %add3A_301 = arith.addi %mul3A_299, %add3A_300 : i32
      %mul3A_302 = arith.constant 1024 : i32
      %mul3A_303 = arith.muli %add3A_301, %mul3A_302 : i32
      %mul3A_304 = arith.constant 32 : i32
      %mul3A_305 = arith.muli %add3A, %mul3A_304 : i32
      %add3A_306 = arith.addi %mul3A_303, %mul3A_305 : i32
      %dma_start3A_307 = arith.constant 0 : i32
      %dma_start3A_308 = arith.constant 0 : i32
      %dma_start3A_309 = arith.constant 0 : i32
      %dma_start3A_310 = tpu.memref_slice %arg8[%dma_start3A_307, %dma_start3A_308, %dma_start3A_309] : memref<2x32x128xf32, #tpu.memory_space<vmem>> -> memref<1x32x128xf32, #tpu.memory_space<vmem>>
      %dma_start3A_311 = tpu.memref_squeeze %dma_start3A_310 : memref<1x32x128xf32, #tpu.memory_space<vmem>> -> memref<32x128xf32, #tpu.memory_space<vmem>>
      %dma_start3A_312 = arith.constant 0 : i32
      %dma_start3A_313 = tpu.memref_slice %arg4[%add3A_306, %dma_start3A_312] : memref<53248x128xf32, #tpu.memory_space<hbm>> -> memref<32x128xf32, #tpu.memory_space<hbm>>
      %dma_start3A_314 = arith.constant 0 : i32
      %dma_start3A_315 = tpu.memref_slice %arg4[%add3A_306, %dma_start3A_314] : memref<53248x128xf32, #tpu.memory_space<hbm>> -> memref<32x128xf32, #tpu.memory_space<hbm>>
      %dma_start3A_316 = arith.constant 0 : i32
      %dma_start3A_317 = arith.constant 0 : i32
      %dma_start3A_318 = tpu.memref_slice %arg8[%dma_start3A_307, %dma_start3A_316, %dma_start3A_317] : memref<2x32x128xf32, #tpu.memory_space<vmem>> -> memref<1x32x128xf32, #tpu.memory_space<vmem>>
      %dma_start3A_319 = tpu.memref_squeeze %dma_start3A_318 : memref<1x32x128xf32, #tpu.memory_space<vmem>> -> memref<32x128xf32, #tpu.memory_space<vmem>>
      tpu.enqueue_dma source(%dma_start3A_319 : memref<32x128xf32, #tpu.memory_space<vmem>>) target(%dma_start3A_315 : memref<32x128xf32, #tpu.memory_space<hbm>>) target_semaphore(%arg12 : memref<!tpu.dma_semaphore, #tpu.memory_space<semaphore_mem>>)
      %mul3A_320 = arith.constant 2 : i32
      %mul3A_321 = arith.muli %mul3A_272, %mul3A_320 : i32
      %add3A_322 = arith.constant 1 : i32
      %add3A_323 = arith.addi %mul3A_321, %add3A_322 : i32
      %mul3A_324 = arith.constant 1024 : i32
      %mul3A_325 = arith.muli %add3A_323, %mul3A_324 : i32
      %mul3A_326 = arith.constant 32 : i32
      %mul3A_327 = arith.muli %add3A, %mul3A_326 : i32
      %add3A_328 = arith.addi %mul3A_325, %mul3A_327 : i32
      %dma_start3A_329 = arith.constant 1 : i32
      %dma_start3A_330 = arith.constant 0 : i32
      %dma_start3A_331 = arith.constant 0 : i32
      %dma_start3A_332 = tpu.memref_slice %arg8[%dma_start3A_329, %dma_start3A_330, %dma_start3A_331] : memref<2x32x128xf32, #tpu.memory_space<vmem>> -> memref<1x32x128xf32, #tpu.memory_space<vmem>>
      %dma_start3A_333 = tpu.memref_squeeze %dma_start3A_332 : memref<1x32x128xf32, #tpu.memory_space<vmem>> -> memref<32x128xf32, #tpu.memory_space<vmem>>
      %dma_start3A_334 = arith.constant 0 : i32
      %dma_start3A_335 = tpu.memref_slice %arg4[%add3A_328, %dma_start3A_334] : memref<53248x128xf32, #tpu.memory_space<hbm>> -> memref<32x128xf32, #tpu.memory_space<hbm>>
      %dma_start3A_336 = arith.constant 0 : i32
      %dma_start3A_337 = tpu.memref_slice %arg4[%add3A_328, %dma_start3A_336] : memref<53248x128xf32, #tpu.memory_space<hbm>> -> memref<32x128xf32, #tpu.memory_space<hbm>>
      %dma_start3A_338 = arith.constant 0 : i32
      %dma_start3A_339 = arith.constant 0 : i32
      %dma_start3A_340 = tpu.memref_slice %arg8[%dma_start3A_329, %dma_start3A_338, %dma_start3A_339] : memref<2x32x128xf32, #tpu.memory_space<vmem>> -> memref<1x32x128xf32, #tpu.memory_space<vmem>>
      %dma_start3A_341 = tpu.memref_squeeze %dma_start3A_340 : memref<1x32x128xf32, #tpu.memory_space<vmem>> -> memref<32x128xf32, #tpu.memory_space<vmem>>
      tpu.enqueue_dma source(%dma_start3A_341 : memref<32x128xf32, #tpu.memory_space<vmem>>) target(%dma_start3A_337 : memref<32x128xf32, #tpu.memory_space<hbm>>) target_semaphore(%arg12 : memref<!tpu.dma_semaphore, #tpu.memory_space<semaphore_mem>>)
      %dma_wait3A_342 = arith.constant 0 : i32
      %dma_wait3A_343 = arith.constant 0 : i32
      %dma_wait3A_344 = arith.constant 0 : i32
      %dma_wait3A_345 = tpu.memref_slice %arg5[%dma_wait3A_342, %dma_wait3A_343, %dma_wait3A_344] : memref<26x1x512xi32, #tpu.memory_space<vmem>> -> memref<1x1x512xi32, #tpu.memory_space<vmem>>
      %dma_wait3A_346 = tpu.memref_squeeze %dma_wait3A_345 : memref<1x1x512xi32, #tpu.memory_space<vmem>> -> memref<512xi32, #tpu.memory_space<vmem>>
      %dma_wait3A_347 = arith.constant 0 : i32
      %dma_wait3A_348 = arith.constant 0 : i32
      %dma_wait3A_349 = tpu.memref_slice %arg3[%dma_wait3A_347, %dma_wait3A_348] : memref<1000064x16xf32, #tpu.memory_space<hbm>> -> memref<1000064x16xf32, #tpu.memory_space<hbm>>
      tpu.wait_indirect_dma semaphore(%arg11 : memref<!tpu.dma_semaphore, #tpu.memory_space<semaphore_mem>>) src(%dma_wait3A_349 : memref<1000064x16xf32, #tpu.memory_space<hbm>>) dst(%arg7 : memref<512x16xf32, #tpu.memory_space<vmem>>)
      %add3A_350 = arith.constant 2 : i32
      %add3A_351 = arith.addi %mul3A_272, %add3A_350 : i32
      %min3A = arith.constant 25 : i32
      %min3A_352 = arith.minsi %add3A_351, %min3A : i32
      %dma_start3A_353 = arith.constant 0 : i32
      %dma_start3A_354 = arith.constant 0 : i32
      %dma_start3A_355 = tpu.memref_slice %arg5[%min3A_352, %dma_start3A_353, %dma_start3A_354] : memref<26x1x512xi32, #tpu.memory_space<vmem>> -> memref<1x1x512xi32, #tpu.memory_space<vmem>>
      %dma_start3A_356 = tpu.memref_squeeze %dma_start3A_355 : memref<1x1x512xi32, #tpu.memory_space<vmem>> -> memref<512xi32, #tpu.memory_space<vmem>>
      %dma_start3A_357 = arith.constant 0 : i32
      %dma_start3A_358 = arith.constant 0 : i32
      %dma_start3A_359 = tpu.memref_slice %arg3[%dma_start3A_357, %dma_start3A_358] : memref<1000064x16xf32, #tpu.memory_space<hbm>> -> memref<1000064x16xf32, #tpu.memory_space<hbm>>
      tpu.enqueue_indirect_dma source(%dma_start3A_359 : memref<1000064x16xf32, #tpu.memory_space<hbm>>) target(%arg6 : memref<512x16xf32, #tpu.memory_space<vmem>>) offsets(%dma_start3A_356 : memref<512xi32, #tpu.memory_space<vmem>>) semaphore(%arg10 : memref<!tpu.dma_semaphore, #tpu.memory_space<semaphore_mem>>)
      %gt3A_360 = arith.constant 0 : i32
      %gt3A_361 = arith.cmpi sgt, %scan3A_270, %gt3A_360 : i32
      %convert_element_type3A_362 = arith.extui %gt3A_361 : i1 to i32
      %cond3A_363 = arith.constant 0 : i32
      %cond3A_364 = arith.cmpi ne, %convert_element_type3A_362, %cond3A_363 : i32
      scf.if %cond3A_364 {
        %dma_wait3A_417 = arith.constant 0 : i32
        %dma_wait3A_418 = arith.constant 0 : i32
        %dma_wait3A_419 = arith.constant 0 : i32
        %dma_wait3A_420 = tpu.memref_slice %arg9[%dma_wait3A_417, %dma_wait3A_418, %dma_wait3A_419] : memref<2x32x128xf32, #tpu.memory_space<vmem>> -> memref<1x32x128xf32, #tpu.memory_space<vmem>>
        %dma_wait3A_421 = tpu.memref_squeeze %dma_wait3A_420 : memref<1x32x128xf32, #tpu.memory_space<vmem>> -> memref<32x128xf32, #tpu.memory_space<vmem>>
        %dma_wait3A_422 = arith.constant 0 : i32
        %dma_wait3A_423 = arith.constant 0 : i32
        %dma_wait3A_424 = tpu.memref_slice %arg4[%dma_wait3A_422, %dma_wait3A_423] : memref<53248x128xf32, #tpu.memory_space<hbm>> -> memref<32x128xf32, #tpu.memory_space<hbm>>
        %dma_wait3A_425 = arith.constant 0 : i32
        %dma_wait3A_426 = arith.constant 0 : i32
        %dma_wait3A_427 = tpu.memref_slice %arg4[%dma_wait3A_425, %dma_wait3A_426] : memref<53248x128xf32, #tpu.memory_space<hbm>> -> memref<32x128xf32, #tpu.memory_space<hbm>>
        %dma_wait3A_428 = arith.constant 0 : i32
        %dma_wait3A_429 = arith.constant 0 : i32
        %dma_wait3A_430 = tpu.memref_slice %arg9[%dma_wait3A_417, %dma_wait3A_428, %dma_wait3A_429] : memref<2x32x128xf32, #tpu.memory_space<vmem>> -> memref<1x32x128xf32, #tpu.memory_space<vmem>>
        %dma_wait3A_431 = tpu.memref_squeeze %dma_wait3A_430 : memref<1x32x128xf32, #tpu.memory_space<vmem>> -> memref<32x128xf32, #tpu.memory_space<vmem>>
        tpu.wait_dma2 semaphore(%arg13 : memref<!tpu.dma_semaphore, #tpu.memory_space<semaphore_mem>>) src(%dma_wait3A_431 : memref<32x128xf32, #tpu.memory_space<vmem>>) dst(%dma_wait3A_427 : memref<32x128xf32, #tpu.memory_space<hbm>>)
        %dma_wait3A_432 = arith.constant 1 : i32
        %dma_wait3A_433 = arith.constant 0 : i32
        %dma_wait3A_434 = arith.constant 0 : i32
        %dma_wait3A_435 = tpu.memref_slice %arg9[%dma_wait3A_432, %dma_wait3A_433, %dma_wait3A_434] : memref<2x32x128xf32, #tpu.memory_space<vmem>> -> memref<1x32x128xf32, #tpu.memory_space<vmem>>
        %dma_wait3A_436 = tpu.memref_squeeze %dma_wait3A_435 : memref<1x32x128xf32, #tpu.memory_space<vmem>> -> memref<32x128xf32, #tpu.memory_space<vmem>>
        %dma_wait3A_437 = arith.constant 0 : i32
        %dma_wait3A_438 = arith.constant 0 : i32
        %dma_wait3A_439 = tpu.memref_slice %arg4[%dma_wait3A_437, %dma_wait3A_438] : memref<53248x128xf32, #tpu.memory_space<hbm>> -> memref<32x128xf32, #tpu.memory_space<hbm>>
        %dma_wait3A_440 = arith.constant 0 : i32
        %dma_wait3A_441 = arith.constant 0 : i32
        %dma_wait3A_442 = tpu.memref_slice %arg4[%dma_wait3A_440, %dma_wait3A_441] : memref<53248x128xf32, #tpu.memory_space<hbm>> -> memref<32x128xf32, #tpu.memory_space<hbm>>
        %dma_wait3A_443 = arith.constant 0 : i32
        %dma_wait3A_444 = arith.constant 0 : i32
        %dma_wait3A_445 = tpu.memref_slice %arg9[%dma_wait3A_432, %dma_wait3A_443, %dma_wait3A_444] : memref<2x32x128xf32, #tpu.memory_space<vmem>> -> memref<1x32x128xf32, #tpu.memory_space<vmem>>
        %dma_wait3A_446 = tpu.memref_squeeze %dma_wait3A_445 : memref<1x32x128xf32, #tpu.memory_space<vmem>> -> memref<32x128xf32, #tpu.memory_space<vmem>>
        tpu.wait_dma2 semaphore(%arg13 : memref<!tpu.dma_semaphore, #tpu.memory_space<semaphore_mem>>) src(%dma_wait3A_446 : memref<32x128xf32, #tpu.memory_space<vmem>>) dst(%dma_wait3A_442 : memref<32x128xf32, #tpu.memory_space<hbm>>)
      } else {
      }
      %scan3A_365 = arith.constant 0 : i32
      %scan3A_366 = arith.constant 0 : i32
      %scan3A_367 = arith.constant 32 : i32
      %scan3A_368 = arith.addi %scan3A_366, %scan3A_367 : i32
      %scan3A_369 = arith.constant 1 : i32
      scf.for %scan3A_417 = %scan3A_366 to %scan3A_368 step %scan3A_369  : i32 {
        %mul3A_418 = arith.constant 16 : i32
        %mul3A_419 = arith.muli %scan3A_417, %mul3A_418 : i32
        %jit3A = arith.constant 8 : i32
        %div3A = arith.divsi %scan3A_417, %jit3A : i32
        %sign3A = arith.constant 0 : i32
        %sign3A_420 = arith.cmpi sgt, %scan3A_417, %sign3A : i32
        %sign3A_421 = arith.extui %sign3A_420 : i1 to i32
        %sign3A_422 = arith.constant 0 : i32
        %sign3A_423 = arith.cmpi slt, %scan3A_417, %sign3A_422 : i32
        %sign3A_424 = arith.extui %sign3A_423 : i1 to i32
        %sign3A_425 = arith.subi %sign3A_421, %sign3A_424 : i32
        %sign3A_426 = arith.constant 0 : i32
        %sign3A_427 = arith.cmpi sgt, %jit3A, %sign3A_426 : i32
        %sign3A_428 = arith.extui %sign3A_427 : i1 to i32
        %sign3A_429 = arith.constant 0 : i32
        %sign3A_430 = arith.cmpi slt, %jit3A, %sign3A_429 : i32
        %sign3A_431 = arith.extui %sign3A_430 : i1 to i32
        %sign3A_432 = arith.subi %sign3A_428, %sign3A_431 : i32
        %ne3A = arith.cmpi ne, %sign3A_425, %sign3A_432 : i32
        %rem3A = arith.remsi %scan3A_417, %jit3A : i32
        %ne3A_433 = arith.constant 0 : i32
        %ne3A_434 = arith.cmpi ne, %rem3A, %ne3A_433 : i32
        %and3A_435 = arith.andi %ne3A, %ne3A_434 : i1
        %sub3A = arith.constant 1 : i32
        %sub3A_436 = arith.subi %div3A, %sub3A : i32
        %select_n3A = arith.select %and3A_435, %sub3A_436, %div3A : i32
        %mul3A_437 = arith.constant 8 : i32
        %mul3A_438 = arith.muli %select_n3A, %mul3A_437 : i32
        %and3A_439 = arith.constant 127 : i32
        %and3A_440 = arith.andi %mul3A_419, %and3A_439 : i32
        %add3A_441 = vector.broadcast %and3A_440 : i32 to vector<16xi32>
        %add3A_442 = arith.addi %iota3A, %add3A_441 : vector<16xi32>
        %add3A_443 = vector.broadcast %mul3A_419 : i32 to vector<16xi32>
        %add3A_444 = arith.addi %iota3A, %add3A_443 : vector<16xi32>
        %gather3A = tpu.vector_load_idx %arg7[%add3A_444, %and3A_5] : memref<512x16xf32, #tpu.memory_space<vmem>>[vector<16xi32>, vector<16xi32>], vector<16xf32>,
        %add3A_445 = vector.broadcast %mul3A_438 : i32 to vector<16xi32>
        %add3A_446 = arith.addi %and3A_145, %add3A_445 : vector<16xi32>
        tpu.vector_store_idx %arg9[%shift_right_arithmetic3A_97, %add3A_446, %add3A_442], %gather3A : memref<2x32x128xf32, #tpu.memory_space<vmem>>[vector<16xi32>, vector<16xi32>, vector<16xi32>], vector<16xf32>,
        %gather3A_447 = tpu.vector_load_idx %arg7[%add3A_444, %and3A_11] : memref<512x16xf32, #tpu.memory_space<vmem>>[vector<16xi32>, vector<16xi32>], vector<16xf32>,
        %add3A_448 = vector.broadcast %mul3A_438 : i32 to vector<16xi32>
        %add3A_449 = arith.addi %and3A_148, %add3A_448 : vector<16xi32>
        tpu.vector_store_idx %arg9[%shift_right_arithmetic3A_100, %add3A_449, %add3A_442], %gather3A_447 : memref<2x32x128xf32, #tpu.memory_space<vmem>>[vector<16xi32>, vector<16xi32>, vector<16xi32>], vector<16xf32>,
        %gather3A_450 = tpu.vector_load_idx %arg7[%add3A_444, %and3A_17] : memref<512x16xf32, #tpu.memory_space<vmem>>[vector<16xi32>, vector<16xi32>], vector<16xf32>,
        %add3A_451 = vector.broadcast %mul3A_438 : i32 to vector<16xi32>
        %add3A_452 = arith.addi %and3A_151, %add3A_451 : vector<16xi32>
        tpu.vector_store_idx %arg9[%shift_right_arithmetic3A_103, %add3A_452, %add3A_442], %gather3A_450 : memref<2x32x128xf32, #tpu.memory_space<vmem>>[vector<16xi32>, vector<16xi32>, vector<16xi32>], vector<16xf32>,
        %gather3A_453 = tpu.vector_load_idx %arg7[%add3A_444, %and3A_23] : memref<512x16xf32, #tpu.memory_space<vmem>>[vector<16xi32>, vector<16xi32>], vector<16xf32>,
        %add3A_454 = vector.broadcast %mul3A_438 : i32 to vector<16xi32>
        %add3A_455 = arith.addi %and3A_154, %add3A_454 : vector<16xi32>
        tpu.vector_store_idx %arg9[%shift_right_arithmetic3A_106, %add3A_455, %add3A_442], %gather3A_453 : memref<2x32x128xf32, #tpu.memory_space<vmem>>[vector<16xi32>, vector<16xi32>, vector<16xi32>], vector<16xf32>,
        %gather3A_456 = tpu.vector_load_idx %arg7[%add3A_444, %and3A_29] : memref<512x16xf32, #tpu.memory_space<vmem>>[vector<16xi32>, vector<16xi32>], vector<16xf32>,
        %add3A_457 = vector.broadcast %mul3A_438 : i32 to vector<16xi32>
        %add3A_458 = arith.addi %and3A_157, %add3A_457 : vector<16xi32>
        tpu.vector_store_idx %arg9[%shift_right_arithmetic3A_109, %add3A_458, %add3A_442], %gather3A_456 : memref<2x32x128xf32, #tpu.memory_space<vmem>>[vector<16xi32>, vector<16xi32>, vector<16xi32>], vector<16xf32>,
        %gather3A_459 = tpu.vector_load_idx %arg7[%add3A_444, %and3A_35] : memref<512x16xf32, #tpu.memory_space<vmem>>[vector<16xi32>, vector<16xi32>], vector<16xf32>,
        %add3A_460 = vector.broadcast %mul3A_438 : i32 to vector<16xi32>
        %add3A_461 = arith.addi %and3A_160, %add3A_460 : vector<16xi32>
        tpu.vector_store_idx %arg9[%shift_right_arithmetic3A_112, %add3A_461, %add3A_442], %gather3A_459 : memref<2x32x128xf32, #tpu.memory_space<vmem>>[vector<16xi32>, vector<16xi32>, vector<16xi32>], vector<16xf32>,
        %gather3A_462 = tpu.vector_load_idx %arg7[%add3A_444, %and3A_41] : memref<512x16xf32, #tpu.memory_space<vmem>>[vector<16xi32>, vector<16xi32>], vector<16xf32>,
        %add3A_463 = vector.broadcast %mul3A_438 : i32 to vector<16xi32>
        %add3A_464 = arith.addi %and3A_163, %add3A_463 : vector<16xi32>
        tpu.vector_store_idx %arg9[%shift_right_arithmetic3A_115, %add3A_464, %add3A_442], %gather3A_462 : memref<2x32x128xf32, #tpu.memory_space<vmem>>[vector<16xi32>, vector<16xi32>, vector<16xi32>], vector<16xf32>,
        %gather3A_465 = tpu.vector_load_idx %arg7[%add3A_444, %and3A_47] : memref<512x16xf32, #tpu.memory_space<vmem>>[vector<16xi32>, vector<16xi32>], vector<16xf32>,
        %add3A_466 = vector.broadcast %mul3A_438 : i32 to vector<16xi32>
        %add3A_467 = arith.addi %and3A_166, %add3A_466 : vector<16xi32>
        tpu.vector_store_idx %arg9[%shift_right_arithmetic3A_118, %add3A_467, %add3A_442], %gather3A_465 : memref<2x32x128xf32, #tpu.memory_space<vmem>>[vector<16xi32>, vector<16xi32>, vector<16xi32>], vector<16xf32>,
        %gather3A_468 = tpu.vector_load_idx %arg7[%add3A_444, %and3A_53] : memref<512x16xf32, #tpu.memory_space<vmem>>[vector<16xi32>, vector<16xi32>], vector<16xf32>,
        %add3A_469 = vector.broadcast %mul3A_438 : i32 to vector<16xi32>
        %add3A_470 = arith.addi %and3A_169, %add3A_469 : vector<16xi32>
        tpu.vector_store_idx %arg9[%shift_right_arithmetic3A_121, %add3A_470, %add3A_442], %gather3A_468 : memref<2x32x128xf32, #tpu.memory_space<vmem>>[vector<16xi32>, vector<16xi32>, vector<16xi32>], vector<16xf32>,
        %gather3A_471 = tpu.vector_load_idx %arg7[%add3A_444, %and3A_59] : memref<512x16xf32, #tpu.memory_space<vmem>>[vector<16xi32>, vector<16xi32>], vector<16xf32>,
        %add3A_472 = vector.broadcast %mul3A_438 : i32 to vector<16xi32>
        %add3A_473 = arith.addi %and3A_172, %add3A_472 : vector<16xi32>
        tpu.vector_store_idx %arg9[%shift_right_arithmetic3A_124, %add3A_473, %add3A_442], %gather3A_471 : memref<2x32x128xf32, #tpu.memory_space<vmem>>[vector<16xi32>, vector<16xi32>, vector<16xi32>], vector<16xf32>,
        %gather3A_474 = tpu.vector_load_idx %arg7[%add3A_444, %and3A_65] : memref<512x16xf32, #tpu.memory_space<vmem>>[vector<16xi32>, vector<16xi32>], vector<16xf32>,
        %add3A_475 = vector.broadcast %mul3A_438 : i32 to vector<16xi32>
        %add3A_476 = arith.addi %and3A_175, %add3A_475 : vector<16xi32>
        tpu.vector_store_idx %arg9[%shift_right_arithmetic3A_127, %add3A_476, %add3A_442], %gather3A_474 : memref<2x32x128xf32, #tpu.memory_space<vmem>>[vector<16xi32>, vector<16xi32>, vector<16xi32>], vector<16xf32>,
        %gather3A_477 = tpu.vector_load_idx %arg7[%add3A_444, %and3A_71] : memref<512x16xf32, #tpu.memory_space<vmem>>[vector<16xi32>, vector<16xi32>], vector<16xf32>,
        %add3A_478 = vector.broadcast %mul3A_438 : i32 to vector<16xi32>
        %add3A_479 = arith.addi %and3A_178, %add3A_478 : vector<16xi32>
        tpu.vector_store_idx %arg9[%shift_right_arithmetic3A_130, %add3A_479, %add3A_442], %gather3A_477 : memref<2x32x128xf32, #tpu.memory_space<vmem>>[vector<16xi32>, vector<16xi32>, vector<16xi32>], vector<16xf32>,
        %gather3A_480 = tpu.vector_load_idx %arg7[%add3A_444, %and3A_77] : memref<512x16xf32, #tpu.memory_space<vmem>>[vector<16xi32>, vector<16xi32>], vector<16xf32>,
        %add3A_481 = vector.broadcast %mul3A_438 : i32 to vector<16xi32>
        %add3A_482 = arith.addi %and3A_181, %add3A_481 : vector<16xi32>
        tpu.vector_store_idx %arg9[%shift_right_arithmetic3A_133, %add3A_482, %add3A_442], %gather3A_480 : memref<2x32x128xf32, #tpu.memory_space<vmem>>[vector<16xi32>, vector<16xi32>, vector<16xi32>], vector<16xf32>,
        %gather3A_483 = tpu.vector_load_idx %arg7[%add3A_444, %and3A_83] : memref<512x16xf32, #tpu.memory_space<vmem>>[vector<16xi32>, vector<16xi32>], vector<16xf32>,
        %add3A_484 = vector.broadcast %mul3A_438 : i32 to vector<16xi32>
        %add3A_485 = arith.addi %and3A_184, %add3A_484 : vector<16xi32>
        tpu.vector_store_idx %arg9[%shift_right_arithmetic3A_136, %add3A_485, %add3A_442], %gather3A_483 : memref<2x32x128xf32, #tpu.memory_space<vmem>>[vector<16xi32>, vector<16xi32>, vector<16xi32>], vector<16xf32>,
        %gather3A_486 = tpu.vector_load_idx %arg7[%add3A_444, %and3A_89] : memref<512x16xf32, #tpu.memory_space<vmem>>[vector<16xi32>, vector<16xi32>], vector<16xf32>,
        %add3A_487 = vector.broadcast %mul3A_438 : i32 to vector<16xi32>
        %add3A_488 = arith.addi %and3A_187, %add3A_487 : vector<16xi32>
        tpu.vector_store_idx %arg9[%shift_right_arithmetic3A_139, %add3A_488, %add3A_442], %gather3A_486 : memref<2x32x128xf32, #tpu.memory_space<vmem>>[vector<16xi32>, vector<16xi32>, vector<16xi32>], vector<16xf32>,
        %gather3A_489 = tpu.vector_load_idx %arg7[%add3A_444, %and3A_95] : memref<512x16xf32, #tpu.memory_space<vmem>>[vector<16xi32>, vector<16xi32>], vector<16xf32>,
        %add3A_490 = vector.broadcast %mul3A_438 : i32 to vector<16xi32>
        %add3A_491 = arith.addi %and3A_190, %add3A_490 : vector<16xi32>
        tpu.vector_store_idx %arg9[%shift_right_arithmetic3A_142, %add3A_491, %add3A_442], %gather3A_489 : memref<2x32x128xf32, #tpu.memory_space<vmem>>[vector<16xi32>, vector<16xi32>, vector<16xi32>], vector<16xf32>,
      }
      %scan3A_370 = arith.constant 32 : i32
      %add3A_371 = arith.constant 1 : i32
      %add3A_372 = arith.addi %mul3A_272, %add3A_371 : i32
      %mul3A_373 = arith.constant 2 : i32
      %mul3A_374 = arith.muli %add3A_372, %mul3A_373 : i32
      %add3A_375 = arith.constant 0 : i32
      %add3A_376 = arith.addi %mul3A_374, %add3A_375 : i32
      %mul3A_377 = arith.constant 1024 : i32
      %mul3A_378 = arith.muli %add3A_376, %mul3A_377 : i32
      %mul3A_379 = arith.constant 32 : i32
      %mul3A_380 = arith.muli %add3A, %mul3A_379 : i32
      %add3A_381 = arith.addi %mul3A_378, %mul3A_380 : i32
      %dma_start3A_382 = arith.constant 0 : i32
      %dma_start3A_383 = arith.constant 0 : i32
      %dma_start3A_384 = arith.constant 0 : i32
      %dma_start3A_385 = tpu.memref_slice %arg9[%dma_start3A_382, %dma_start3A_383, %dma_start3A_384] : memref<2x32x128xf32, #tpu.memory_space<vmem>> -> memref<1x32x128xf32, #tpu.memory_space<vmem>>
      %dma_start3A_386 = tpu.memref_squeeze %dma_start3A_385 : memref<1x32x128xf32, #tpu.memory_space<vmem>> -> memref<32x128xf32, #tpu.memory_space<vmem>>
      %dma_start3A_387 = arith.constant 0 : i32
      %dma_start3A_388 = tpu.memref_slice %arg4[%add3A_381, %dma_start3A_387] : memref<53248x128xf32, #tpu.memory_space<hbm>> -> memref<32x128xf32, #tpu.memory_space<hbm>>
      %dma_start3A_389 = arith.constant 0 : i32
      %dma_start3A_390 = tpu.memref_slice %arg4[%add3A_381, %dma_start3A_389] : memref<53248x128xf32, #tpu.memory_space<hbm>> -> memref<32x128xf32, #tpu.memory_space<hbm>>
      %dma_start3A_391 = arith.constant 0 : i32
      %dma_start3A_392 = arith.constant 0 : i32
      %dma_start3A_393 = tpu.memref_slice %arg9[%dma_start3A_382, %dma_start3A_391, %dma_start3A_392] : memref<2x32x128xf32, #tpu.memory_space<vmem>> -> memref<1x32x128xf32, #tpu.memory_space<vmem>>
      %dma_start3A_394 = tpu.memref_squeeze %dma_start3A_393 : memref<1x32x128xf32, #tpu.memory_space<vmem>> -> memref<32x128xf32, #tpu.memory_space<vmem>>
      tpu.enqueue_dma source(%dma_start3A_394 : memref<32x128xf32, #tpu.memory_space<vmem>>) target(%dma_start3A_390 : memref<32x128xf32, #tpu.memory_space<hbm>>) target_semaphore(%arg13 : memref<!tpu.dma_semaphore, #tpu.memory_space<semaphore_mem>>)
      %mul3A_395 = arith.constant 2 : i32
      %mul3A_396 = arith.muli %add3A_372, %mul3A_395 : i32
      %add3A_397 = arith.constant 1 : i32
      %add3A_398 = arith.addi %mul3A_396, %add3A_397 : i32
      %mul3A_399 = arith.constant 1024 : i32
      %mul3A_400 = arith.muli %add3A_398, %mul3A_399 : i32
      %mul3A_401 = arith.constant 32 : i32
      %mul3A_402 = arith.muli %add3A, %mul3A_401 : i32
      %add3A_403 = arith.addi %mul3A_400, %mul3A_402 : i32
      %dma_start3A_404 = arith.constant 1 : i32
      %dma_start3A_405 = arith.constant 0 : i32
      %dma_start3A_406 = arith.constant 0 : i32
      %dma_start3A_407 = tpu.memref_slice %arg9[%dma_start3A_404, %dma_start3A_405, %dma_start3A_406] : memref<2x32x128xf32, #tpu.memory_space<vmem>> -> memref<1x32x128xf32, #tpu.memory_space<vmem>>
      %dma_start3A_408 = tpu.memref_squeeze %dma_start3A_407 : memref<1x32x128xf32, #tpu.memory_space<vmem>> -> memref<32x128xf32, #tpu.memory_space<vmem>>
      %dma_start3A_409 = arith.constant 0 : i32
      %dma_start3A_410 = tpu.memref_slice %arg4[%add3A_403, %dma_start3A_409] : memref<53248x128xf32, #tpu.memory_space<hbm>> -> memref<32x128xf32, #tpu.memory_space<hbm>>
      %dma_start3A_411 = arith.constant 0 : i32
      %dma_start3A_412 = tpu.memref_slice %arg4[%add3A_403, %dma_start3A_411] : memref<53248x128xf32, #tpu.memory_space<hbm>> -> memref<32x128xf32, #tpu.memory_space<hbm>>
      %dma_start3A_413 = arith.constant 0 : i32
      %dma_start3A_414 = arith.constant 0 : i32
      %dma_start3A_415 = tpu.memref_slice %arg9[%dma_start3A_404, %dma_start3A_413, %dma_start3A_414] : memref<2x32x128xf32, #tpu.memory_space<vmem>> -> memref<1x32x128xf32, #tpu.memory_space<vmem>>
      %dma_start3A_416 = tpu.memref_squeeze %dma_start3A_415 : memref<1x32x128xf32, #tpu.memory_space<vmem>> -> memref<32x128xf32, #tpu.memory_space<vmem>>
      tpu.enqueue_dma source(%dma_start3A_416 : memref<32x128xf32, #tpu.memory_space<vmem>>) target(%dma_start3A_412 : memref<32x128xf32, #tpu.memory_space<hbm>>) target_semaphore(%arg13 : memref<!tpu.dma_semaphore, #tpu.memory_space<semaphore_mem>>)
    }
    %scan3A_202 = arith.constant 13 : i32
    %dma_wait3A = arith.constant 0 : i32
    %dma_wait3A_203 = arith.constant 0 : i32
    %dma_wait3A_204 = arith.constant 0 : i32
    %dma_wait3A_205 = tpu.memref_slice %arg5[%dma_wait3A, %dma_wait3A_203, %dma_wait3A_204] : memref<26x1x512xi32, #tpu.memory_space<vmem>> -> memref<1x1x512xi32, #tpu.memory_space<vmem>>
    %dma_wait3A_206 = tpu.memref_squeeze %dma_wait3A_205 : memref<1x1x512xi32, #tpu.memory_space<vmem>> -> memref<512xi32, #tpu.memory_space<vmem>>
    %dma_wait3A_207 = arith.constant 0 : i32
    %dma_wait3A_208 = arith.constant 0 : i32
    %dma_wait3A_209 = tpu.memref_slice %arg3[%dma_wait3A_207, %dma_wait3A_208] : memref<1000064x16xf32, #tpu.memory_space<hbm>> -> memref<1000064x16xf32, #tpu.memory_space<hbm>>
    tpu.wait_indirect_dma semaphore(%arg10 : memref<!tpu.dma_semaphore, #tpu.memory_space<semaphore_mem>>) src(%dma_wait3A_209 : memref<1000064x16xf32, #tpu.memory_space<hbm>>) dst(%arg6 : memref<512x16xf32, #tpu.memory_space<vmem>>)
    %dma_wait3A_210 = arith.constant 0 : i32
    %dma_wait3A_211 = arith.constant 0 : i32
    %dma_wait3A_212 = arith.constant 0 : i32
    %dma_wait3A_213 = tpu.memref_slice %arg8[%dma_wait3A_210, %dma_wait3A_211, %dma_wait3A_212] : memref<2x32x128xf32, #tpu.memory_space<vmem>> -> memref<1x32x128xf32, #tpu.memory_space<vmem>>
    %dma_wait3A_214 = tpu.memref_squeeze %dma_wait3A_213 : memref<1x32x128xf32, #tpu.memory_space<vmem>> -> memref<32x128xf32, #tpu.memory_space<vmem>>
    %dma_wait3A_215 = arith.constant 0 : i32
    %dma_wait3A_216 = arith.constant 0 : i32
    %dma_wait3A_217 = tpu.memref_slice %arg4[%dma_wait3A_215, %dma_wait3A_216] : memref<53248x128xf32, #tpu.memory_space<hbm>> -> memref<32x128xf32, #tpu.memory_space<hbm>>
    %dma_wait3A_218 = arith.constant 0 : i32
    %dma_wait3A_219 = arith.constant 0 : i32
    %dma_wait3A_220 = tpu.memref_slice %arg4[%dma_wait3A_218, %dma_wait3A_219] : memref<53248x128xf32, #tpu.memory_space<hbm>> -> memref<32x128xf32, #tpu.memory_space<hbm>>
    %dma_wait3A_221 = arith.constant 0 : i32
    %dma_wait3A_222 = arith.constant 0 : i32
    %dma_wait3A_223 = tpu.memref_slice %arg8[%dma_wait3A_210, %dma_wait3A_221, %dma_wait3A_222] : memref<2x32x128xf32, #tpu.memory_space<vmem>> -> memref<1x32x128xf32, #tpu.memory_space<vmem>>
    %dma_wait3A_224 = tpu.memref_squeeze %dma_wait3A_223 : memref<1x32x128xf32, #tpu.memory_space<vmem>> -> memref<32x128xf32, #tpu.memory_space<vmem>>
    tpu.wait_dma2 semaphore(%arg12 : memref<!tpu.dma_semaphore, #tpu.memory_space<semaphore_mem>>) src(%dma_wait3A_224 : memref<32x128xf32, #tpu.memory_space<vmem>>) dst(%dma_wait3A_220 : memref<32x128xf32, #tpu.memory_space<hbm>>)
    %dma_wait3A_225 = arith.constant 1 : i32
    %dma_wait3A_226 = arith.constant 0 : i32
    %dma_wait3A_227 = arith.constant 0 : i32
    %dma_wait3A_228 = tpu.memref_slice %arg8[%dma_wait3A_225, %dma_wait3A_226, %dma_wait3A_227] : memref<2x32x128xf32, #tpu.memory_space<vmem>> -> memref<1x32x128xf32, #tpu.memory_space<vmem>>
    %dma_wait3A_229 = tpu.memref_squeeze %dma_wait3A_228 : memref<1x32x128xf32, #tpu.memory_space<vmem>> -> memref<32x128xf32, #tpu.memory_space<vmem>>
    %dma_wait3A_230 = arith.constant 0 : i32
    %dma_wait3A_231 = arith.constant 0 : i32
    %dma_wait3A_232 = tpu.memref_slice %arg4[%dma_wait3A_230, %dma_wait3A_231] : memref<53248x128xf32, #tpu.memory_space<hbm>> -> memref<32x128xf32, #tpu.memory_space<hbm>>
    %dma_wait3A_233 = arith.constant 0 : i32
    %dma_wait3A_234 = arith.constant 0 : i32
    %dma_wait3A_235 = tpu.memref_slice %arg4[%dma_wait3A_233, %dma_wait3A_234] : memref<53248x128xf32, #tpu.memory_space<hbm>> -> memref<32x128xf32, #tpu.memory_space<hbm>>
    %dma_wait3A_236 = arith.constant 0 : i32
    %dma_wait3A_237 = arith.constant 0 : i32
    %dma_wait3A_238 = tpu.memref_slice %arg8[%dma_wait3A_225, %dma_wait3A_236, %dma_wait3A_237] : memref<2x32x128xf32, #tpu.memory_space<vmem>> -> memref<1x32x128xf32, #tpu.memory_space<vmem>>
    %dma_wait3A_239 = tpu.memref_squeeze %dma_wait3A_238 : memref<1x32x128xf32, #tpu.memory_space<vmem>> -> memref<32x128xf32, #tpu.memory_space<vmem>>
    tpu.wait_dma2 semaphore(%arg12 : memref<!tpu.dma_semaphore, #tpu.memory_space<semaphore_mem>>) src(%dma_wait3A_239 : memref<32x128xf32, #tpu.memory_space<vmem>>) dst(%dma_wait3A_235 : memref<32x128xf32, #tpu.memory_space<hbm>>)
    %dma_wait3A_240 = arith.constant 0 : i32
    %dma_wait3A_241 = arith.constant 0 : i32
    %dma_wait3A_242 = arith.constant 0 : i32
    %dma_wait3A_243 = tpu.memref_slice %arg9[%dma_wait3A_240, %dma_wait3A_241, %dma_wait3A_242] : memref<2x32x128xf32, #tpu.memory_space<vmem>> -> memref<1x32x128xf32, #tpu.memory_space<vmem>>
    %dma_wait3A_244 = tpu.memref_squeeze %dma_wait3A_243 : memref<1x32x128xf32, #tpu.memory_space<vmem>> -> memref<32x128xf32, #tpu.memory_space<vmem>>
    %dma_wait3A_245 = arith.constant 0 : i32
    %dma_wait3A_246 = arith.constant 0 : i32
    %dma_wait3A_247 = tpu.memref_slice %arg4[%dma_wait3A_245, %dma_wait3A_246] : memref<53248x128xf32, #tpu.memory_space<hbm>> -> memref<32x128xf32, #tpu.memory_space<hbm>>
    %dma_wait3A_248 = arith.constant 0 : i32
    %dma_wait3A_249 = arith.constant 0 : i32
    %dma_wait3A_250 = tpu.memref_slice %arg4[%dma_wait3A_248, %dma_wait3A_249] : memref<53248x128xf32, #tpu.memory_space<hbm>> -> memref<32x128xf32, #tpu.memory_space<hbm>>
    %dma_wait3A_251 = arith.constant 0 : i32
    %dma_wait3A_252 = arith.constant 0 : i32
    %dma_wait3A_253 = tpu.memref_slice %arg9[%dma_wait3A_240, %dma_wait3A_251, %dma_wait3A_252] : memref<2x32x128xf32, #tpu.memory_space<vmem>> -> memref<1x32x128xf32, #tpu.memory_space<vmem>>
    %dma_wait3A_254 = tpu.memref_squeeze %dma_wait3A_253 : memref<1x32x128xf32, #tpu.memory_space<vmem>> -> memref<32x128xf32, #tpu.memory_space<vmem>>
    tpu.wait_dma2 semaphore(%arg13 : memref<!tpu.dma_semaphore, #tpu.memory_space<semaphore_mem>>) src(%dma_wait3A_254 : memref<32x128xf32, #tpu.memory_space<vmem>>) dst(%dma_wait3A_250 : memref<32x128xf32, #tpu.memory_space<hbm>>)
    %dma_wait3A_255 = arith.constant 1 : i32
    %dma_wait3A_256 = arith.constant 0 : i32
    %dma_wait3A_257 = arith.constant 0 : i32
    %dma_wait3A_258 = tpu.memref_slice %arg9[%dma_wait3A_255, %dma_wait3A_256, %dma_wait3A_257] : memref<2x32x128xf32, #tpu.memory_space<vmem>> -> memref<1x32x128xf32, #tpu.memory_space<vmem>>
    %dma_wait3A_259 = tpu.memref_squeeze %dma_wait3A_258 : memref<1x32x128xf32, #tpu.memory_space<vmem>> -> memref<32x128xf32, #tpu.memory_space<vmem>>
    %dma_wait3A_260 = arith.constant 0 : i32
    %dma_wait3A_261 = arith.constant 0 : i32
    %dma_wait3A_262 = tpu.memref_slice %arg4[%dma_wait3A_260, %dma_wait3A_261] : memref<53248x128xf32, #tpu.memory_space<hbm>> -> memref<32x128xf32, #tpu.memory_space<hbm>>
    %dma_wait3A_263 = arith.constant 0 : i32
    %dma_wait3A_264 = arith.constant 0 : i32
    %dma_wait3A_265 = tpu.memref_slice %arg4[%dma_wait3A_263, %dma_wait3A_264] : memref<53248x128xf32, #tpu.memory_space<hbm>> -> memref<32x128xf32, #tpu.memory_space<hbm>>
    %dma_wait3A_266 = arith.constant 0 : i32
    %dma_wait3A_267 = arith.constant 0 : i32
    %dma_wait3A_268 = tpu.memref_slice %arg9[%dma_wait3A_255, %dma_wait3A_266, %dma_wait3A_267] : memref<2x32x128xf32, #tpu.memory_space<vmem>> -> memref<1x32x128xf32, #tpu.memory_space<vmem>>
    %dma_wait3A_269 = tpu.memref_squeeze %dma_wait3A_268 : memref<1x32x128xf32, #tpu.memory_space<vmem>> -> memref<32x128xf32, #tpu.memory_space<vmem>>
    tpu.wait_dma2 semaphore(%arg13 : memref<!tpu.dma_semaphore, #tpu.memory_space<semaphore_mem>>) src(%dma_wait3A_269 : memref<32x128xf32, #tpu.memory_space<vmem>>) dst(%dma_wait3A_265 : memref<32x128xf32, #tpu.memory_space<hbm>>)
    return
  }
}

#map = affine_map<(d0, d1) -> (0, 0)>
module attributes {stable_mosaic.version = 14 : i64} {
  func.func @body(%arg0: i32, %arg1: i32, %arg2: memref<26x16384xi32, #tpu.memory_space<hbm>>, %arg3: memref<16x1000012xf32, #tpu.memory_space<hbm>>, %arg4: memref<16x128xf32, #tpu.memory_space<hbm>>, %arg5: memref<125008x128xf32, #tpu.memory_space<hbm>>, %arg6: memref<3328x128xi32, #tpu.memory_space<hbm>>, %arg7: memref<16x512xf32, #tpu.memory_space<vmem>>, %arg8: memref<16x512xf32, #tpu.memory_space<vmem>>, %arg9: memref<64x128xf32, #tpu.memory_space<vmem>>, %arg10: memref<64x128xf32, #tpu.memory_space<vmem>>, %arg11: memref<26x1024xi32, #tpu.memory_space<vmem>>, %arg12: memref<8x128xi32, #tpu.memory_space<vmem>>, %arg13: memref<!tpu.dma_semaphore, #tpu.memory_space<semaphore_mem>>, %arg14: memref<!tpu.dma_semaphore, #tpu.memory_space<semaphore_mem>>, %arg15: memref<!tpu.dma_semaphore, #tpu.memory_space<semaphore_mem>>, %arg16: memref<!tpu.dma_semaphore, #tpu.memory_space<semaphore_mem>>) attributes {dimension_semantics = [#tpu.dimension_semantics<core_parallel>, #tpu.dimension_semantics<subcore_parallel>], iteration_bounds = array<i64: 2, 16>, scalar_prefetch = 0 : i64, scratch_operands = 10 : i64, tpu.core_type = #tpu.core_type<sc_vector_subcore>, window_params = [{transform_indices = #map}, {transform_indices = #map}, {transform_indices = #map}, {transform_indices = #map}, {transform_indices = #map}]} {
    %mul3A = arith.constant 2 : i32
    %mul3A_0 = arith.muli %arg1, %mul3A : i32
    %add3A = arith.addi %mul3A_0, %arg0 : i32
    %iota3A = tpu.iota {dimensions = array<i32: 0>} : vector<16xi32>
    %jit3A = arith.constant 8 : i32
    %div3A = vector.broadcast %jit3A : i32 to vector<16xi32>
    %div3A_1 = arith.divsi %iota3A, %div3A : vector<16xi32>
    %sign3A = arith.constant 0 : i32
    %sign3A_2 = vector.broadcast %sign3A : i32 to vector<16xi32>
    %sign3A_3 = arith.cmpi sgt, %iota3A, %sign3A_2 : vector<16xi32>
    %sign3A_4 = arith.extui %sign3A_3 : vector<16xi1> to vector<16xi32>
    %sign3A_5 = arith.constant 0 : i32
    %sign3A_6 = vector.broadcast %sign3A_5 : i32 to vector<16xi32>
    %sign3A_7 = arith.cmpi slt, %iota3A, %sign3A_6 : vector<16xi32>
    %sign3A_8 = arith.extui %sign3A_7 : vector<16xi1> to vector<16xi32>
    %sign3A_9 = arith.subi %sign3A_4, %sign3A_8 : vector<16xi32>
    %sign3A_10 = arith.constant 0 : i32
    %sign3A_11 = arith.cmpi sgt, %jit3A, %sign3A_10 : i32
    %sign3A_12 = arith.extui %sign3A_11 : i1 to i32
    %sign3A_13 = arith.constant 0 : i32
    %sign3A_14 = arith.cmpi slt, %jit3A, %sign3A_13 : i32
    %sign3A_15 = arith.extui %sign3A_14 : i1 to i32
    %sign3A_16 = arith.subi %sign3A_12, %sign3A_15 : i32
    %ne3A = vector.broadcast %sign3A_16 : i32 to vector<16xi32>
    %ne3A_17 = arith.cmpi ne, %sign3A_9, %ne3A : vector<16xi32>
    %rem3A = vector.broadcast %jit3A : i32 to vector<16xi32>
    %rem3A_18 = arith.remsi %iota3A, %rem3A : vector<16xi32>
    %ne3A_19 = arith.constant 0 : i32
    %ne3A_20 = vector.broadcast %ne3A_19 : i32 to vector<16xi32>
    %ne3A_21 = arith.cmpi ne, %rem3A_18, %ne3A_20 : vector<16xi32>
    %and3A = arith.andi %ne3A_17, %ne3A_21 : vector<16xi1>
    %sub3A = arith.constant 1 : i32
    %sub3A_22 = vector.broadcast %sub3A : i32 to vector<16xi32>
    %sub3A_23 = arith.subi %div3A_1, %sub3A_22 : vector<16xi32>
    %select_n3A = arith.select %and3A, %sub3A_23, %div3A_1 : vector<16xi1>, vector<16xi32>
    %jit3A_24 = arith.constant 8 : i32
    %eq3A = arith.constant 0 : i32
    %eq3A_25 = arith.cmpi eq, %jit3A_24, %eq3A : i32
    %jit3A_26 = arith.constant 1 : i32
    %select_n3A_27 = arith.select %eq3A_25, %jit3A_26, %jit3A_24 : i32
    %rem3A_28 = vector.broadcast %select_n3A_27 : i32 to vector<16xi32>
    %rem3A_29 = arith.remsi %iota3A, %rem3A_28 : vector<16xi32>
    %ne3A_30 = arith.constant 0 : i32
    %ne3A_31 = vector.broadcast %ne3A_30 : i32 to vector<16xi32>
    %ne3A_32 = arith.cmpi ne, %rem3A_29, %ne3A_31 : vector<16xi32>
    %lt3A = arith.constant 0 : i32
    %lt3A_33 = vector.broadcast %lt3A : i32 to vector<16xi32>
    %lt3A_34 = arith.cmpi slt, %rem3A_29, %lt3A_33 : vector<16xi32>
    %lt3A_35 = arith.constant 0 : i32
    %lt3A_36 = arith.cmpi slt, %select_n3A_27, %lt3A_35 : i32
    %ne3A_37 = vector.broadcast %lt3A_36 : i1 to vector<16xi1>
    %ne3A_38 = vector.broadcast %ne3A_37 : vector<16xi1> to vector<16xi1>
    %ne3A_39 = arith.xori %lt3A_34, %ne3A_38 : vector<16xi1>
    %and3A_40 = arith.andi %ne3A_39, %ne3A_32 : vector<16xi1>
    %add3A_41 = vector.broadcast %select_n3A_27 : i32 to vector<16xi32>
    %add3A_42 = arith.addi %rem3A_29, %add3A_41 : vector<16xi32>
    %select_n3A_43 = arith.select %and3A_40, %add3A_42, %rem3A_29 : vector<16xi1>, vector<16xi32>
    %mul3A_44 = arith.constant 16 : i32
    %mul3A_45 = vector.broadcast %mul3A_44 : i32 to vector<16xi32>
    %mul3A_46 = arith.muli %select_n3A_43, %mul3A_45 : vector<16xi32>
    %mul3A_47 = arith.constant 61 : i32
    %mul3A_48 = arith.muli %add3A, %mul3A_47 : i32
    %min3A = arith.constant 1 : i32
    %min3A_49 = arith.minsi %add3A, %min3A : i32
    %add3A_50 = arith.addi %mul3A_48, %min3A_49 : i32
    %eq3A_51 = arith.constant 0 : i32
    %eq3A_52 = arith.cmpi eq, %add3A, %eq3A_51 : i32
    %jit3A_53 = arith.constant 62 : i32
    %jit3A_54 = arith.constant 61 : i32
    %select_n3A_55 = arith.select %eq3A_52, %jit3A_53, %jit3A_54 : i32
    %jit3A_56 = arith.constant 2 : i32
    %div3A_57 = arith.divsi %select_n3A_55, %jit3A_56 : i32
    %sign3A_58 = arith.constant 0 : i32
    %sign3A_59 = arith.cmpi sgt, %select_n3A_55, %sign3A_58 : i32
    %sign3A_60 = arith.extui %sign3A_59 : i1 to i32
    %sign3A_61 = arith.constant 0 : i32
    %sign3A_62 = arith.cmpi slt, %select_n3A_55, %sign3A_61 : i32
    %sign3A_63 = arith.extui %sign3A_62 : i1 to i32
    %sign3A_64 = arith.subi %sign3A_60, %sign3A_63 : i32
    %sign3A_65 = arith.constant 0 : i32
    %sign3A_66 = arith.cmpi sgt, %jit3A_56, %sign3A_65 : i32
    %sign3A_67 = arith.extui %sign3A_66 : i1 to i32
    %sign3A_68 = arith.constant 0 : i32
    %sign3A_69 = arith.cmpi slt, %jit3A_56, %sign3A_68 : i32
    %sign3A_70 = arith.extui %sign3A_69 : i1 to i32
    %sign3A_71 = arith.subi %sign3A_67, %sign3A_70 : i32
    %ne3A_72 = arith.cmpi ne, %sign3A_64, %sign3A_71 : i32
    %rem3A_73 = arith.remsi %select_n3A_55, %jit3A_56 : i32
    %ne3A_74 = arith.constant 0 : i32
    %ne3A_75 = arith.cmpi ne, %rem3A_73, %ne3A_74 : i32
    %and3A_76 = arith.andi %ne3A_72, %ne3A_75 : i1
    %sub3A_77 = arith.constant 1 : i32
    %sub3A_78 = arith.subi %div3A_57, %sub3A_77 : i32
    %select_n3A_79 = arith.select %and3A_76, %sub3A_78, %div3A_57 : i32
    %mul3A_80 = arith.constant 2 : i32
    %mul3A_81 = arith.muli %select_n3A_79, %mul3A_80 : i32
    %sub3A_82 = arith.subi %select_n3A_55, %mul3A_81 : i32
    %add3A_83 = arith.addi %add3A_50, %select_n3A_55 : i32
    %sub3A_84 = arith.constant 1 : i32
    %sub3A_85 = arith.subi %add3A_83, %sub3A_84 : i32
    %mul3A_86 = arith.constant 4 : i32
    %mul3A_87 = arith.muli %add3A_50, %mul3A_86 : i32
    %mul3A_88 = arith.constant 128 : i32
    %mul3A_89 = arith.muli %mul3A_87, %mul3A_88 : i32
    %multiple_of3A = tpu.assume_multiple %mul3A_89, 128 : i32
    %dma_start3A = arith.constant 0 : i32
    %dma_start3A_90 = tpu.memref_slice %arg3[%dma_start3A, %multiple_of3A] : memref<16x1000012xf32, #tpu.memory_space<hbm>> -> memref<16x512xf32, #tpu.memory_space<hbm>>
    %dma_start3A_91 = arith.constant 0 : i32
    %dma_start3A_92 = tpu.memref_slice %arg3[%dma_start3A_91, %multiple_of3A] : memref<16x1000012xf32, #tpu.memory_space<hbm>> -> memref<16x512xf32, #tpu.memory_space<hbm>>
    tpu.enqueue_dma source(%dma_start3A_92 : memref<16x512xf32, #tpu.memory_space<hbm>>) target(%arg7 : memref<16x512xf32, #tpu.memory_space<vmem>>) target_semaphore(%arg13 : memref<!tpu.dma_semaphore, #tpu.memory_space<semaphore_mem>>)
    %while3A = arith.constant 0 : i32
    %while3A_93 = arith.constant 0 : i32
    %while3A_94 = arith.subi %select_n3A_79, %while3A_93 : i32
    %while3A_95 = arith.addi %while3A_93, %while3A_94 : i32
    %while3A_96 = arith.constant 1 : i32
    %while3A_97 = arith.divsi %while3A_94, %while3A_96 : i32
    %while3A_98 = arith.muli %while3A_97, %while3A_96 : i32
    %while3A_99 = arith.addi %while3A_93, %while3A_98 : i32
    %while3A_100 = arith.constant 1 : i32
    scf.for %while3A_133 = %while3A_93 to %while3A_99 step %while3A_100  : i32 {
      %mul3A_134 = arith.constant 2 : i32
      %mul3A_135 = arith.muli %mul3A_134, %while3A_133 : i32
      %add3A_136 = arith.addi %add3A_50, %mul3A_135 : i32
      %dma_wait3A_137 = arith.constant 0 : i32
      %dma_wait3A_138 = arith.constant 0 : i32
      %dma_wait3A_139 = tpu.memref_slice %arg3[%dma_wait3A_137, %dma_wait3A_138] : memref<16x1000012xf32, #tpu.memory_space<hbm>> -> memref<16x512xf32, #tpu.memory_space<hbm>>
      %dma_wait3A_140 = arith.constant 0 : i32
      %dma_wait3A_141 = arith.constant 0 : i32
      %dma_wait3A_142 = tpu.memref_slice %arg3[%dma_wait3A_140, %dma_wait3A_141] : memref<16x1000012xf32, #tpu.memory_space<hbm>> -> memref<16x512xf32, #tpu.memory_space<hbm>>
      tpu.wait_dma2 semaphore(%arg13 : memref<!tpu.dma_semaphore, #tpu.memory_space<semaphore_mem>>) src(%dma_wait3A_142 : memref<16x512xf32, #tpu.memory_space<hbm>>) dst(%arg7 : memref<16x512xf32, #tpu.memory_space<vmem>>)
      %add3A_143 = arith.constant 1 : i32
      %add3A_144 = arith.addi %add3A_136, %add3A_143 : i32
      %mul3A_145 = arith.constant 4 : i32
      %mul3A_146 = arith.muli %add3A_144, %mul3A_145 : i32
      %mul3A_147 = arith.constant 128 : i32
      %mul3A_148 = arith.muli %mul3A_146, %mul3A_147 : i32
      %multiple_of3A_149 = tpu.assume_multiple %mul3A_148, 128 : i32
      %dma_start3A_150 = arith.constant 0 : i32
      %dma_start3A_151 = tpu.memref_slice %arg3[%dma_start3A_150, %multiple_of3A_149] : memref<16x1000012xf32, #tpu.memory_space<hbm>> -> memref<16x512xf32, #tpu.memory_space<hbm>>
      %dma_start3A_152 = arith.constant 0 : i32
      %dma_start3A_153 = tpu.memref_slice %arg3[%dma_start3A_152, %multiple_of3A_149] : memref<16x1000012xf32, #tpu.memory_space<hbm>> -> memref<16x512xf32, #tpu.memory_space<hbm>>
      tpu.enqueue_dma source(%dma_start3A_153 : memref<16x512xf32, #tpu.memory_space<hbm>>) target(%arg8 : memref<16x512xf32, #tpu.memory_space<vmem>>) target_semaphore(%arg14 : memref<!tpu.dma_semaphore, #tpu.memory_space<semaphore_mem>>)
      %gt3A = arith.constant 0 : i32
      %gt3A_154 = arith.cmpi sgt, %while3A_133, %gt3A : i32
      %convert_element_type3A_155 = arith.extui %gt3A_154 : i1 to i32
      %cond3A_156 = arith.constant 0 : i32
      %cond3A_157 = arith.cmpi ne, %convert_element_type3A_155, %cond3A_156 : i32
      scf.if %cond3A_157 {
        %dma_wait3A_213 = arith.constant 0 : i32
        %dma_wait3A_214 = arith.constant 0 : i32
        %dma_wait3A_215 = tpu.memref_slice %arg5[%dma_wait3A_213, %dma_wait3A_214] : memref<125008x128xf32, #tpu.memory_space<hbm>> -> memref<64x128xf32, #tpu.memory_space<hbm>>
        %dma_wait3A_216 = arith.constant 0 : i32
        %dma_wait3A_217 = arith.constant 0 : i32
        %dma_wait3A_218 = tpu.memref_slice %arg5[%dma_wait3A_216, %dma_wait3A_217] : memref<125008x128xf32, #tpu.memory_space<hbm>> -> memref<64x128xf32, #tpu.memory_space<hbm>>
        tpu.wait_dma2 semaphore(%arg15 : memref<!tpu.dma_semaphore, #tpu.memory_space<semaphore_mem>>) src(%arg9 : memref<64x128xf32, #tpu.memory_space<vmem>>) dst(%dma_wait3A_218 : memref<64x128xf32, #tpu.memory_space<hbm>>)
      } else {
      }
      %scan3A_158 = arith.constant 0 : i32
      %scan3A_159 = arith.constant 0 : i32
      %scan3A_160 = arith.constant 32 : i32
      %scan3A_161 = arith.addi %scan3A_159, %scan3A_160 : i32
      %scan3A_162 = arith.constant 1 : i32
      scf.for %scan3A_213 = %scan3A_159 to %scan3A_161 step %scan3A_162  : i32 {
        %mul3A_214 = arith.constant 16 : i32
        %mul3A_215 = arith.muli %scan3A_213, %mul3A_214 : i32
        %multiple_of3A_216 = tpu.assume_multiple %mul3A_215, 16 : i32
        %mul3A_217 = arith.constant 2 : i32
        %mul3A_218 = arith.muli %scan3A_213, %mul3A_217 : i32
        %add3A_219 = vector.broadcast %mul3A_218 : i32 to vector<16xi32>
        %add3A_220 = arith.addi %select_n3A, %add3A_219 : vector<16xi32>
        %get3A = arith.constant 0 : i32
        %get3A_221 = arith.index_cast %get3A : i32 to index
        %get3A_222 = arith.index_cast %multiple_of3A_216 : i32 to index
        %get3A_223 = tpu.vector_load %arg7[%get3A_221, %get3A_222] {strides = array<i32>} : memref<16x512xf32, #tpu.memory_space<vmem>>, vector<16xf32>,
        tpu.vector_store_idx %arg9[%add3A_220, %mul3A_46], %get3A_223 : memref<64x128xf32, #tpu.memory_space<vmem>>[vector<16xi32>, vector<16xi32>], vector<16xf32>,
        %add3A_224 = arith.constant 1 : i32
        %add3A_225 = vector.broadcast %add3A_224 : i32 to vector<16xi32>
        %add3A_226 = arith.addi %mul3A_46, %add3A_225 : vector<16xi32>
        %get3A_227 = arith.constant 1 : i32
        %get3A_228 = arith.index_cast %get3A_227 : i32 to index
        %get3A_229 = arith.index_cast %multiple_of3A_216 : i32 to index
        %get3A_230 = tpu.vector_load %arg7[%get3A_228, %get3A_229] {strides = array<i32>} : memref<16x512xf32, #tpu.memory_space<vmem>>, vector<16xf32>,
        tpu.vector_store_idx %arg9[%add3A_220, %add3A_226], %get3A_230 : memref<64x128xf32, #tpu.memory_space<vmem>>[vector<16xi32>, vector<16xi32>], vector<16xf32>,
        %add3A_231 = arith.constant 1 : i32
        %add3A_232 = vector.broadcast %add3A_231 : i32 to vector<16xi32>
        %add3A_233 = arith.addi %add3A_226, %add3A_232 : vector<16xi32>
        %get3A_234 = arith.constant 2 : i32
        %get3A_235 = arith.index_cast %get3A_234 : i32 to index
        %get3A_236 = arith.index_cast %multiple_of3A_216 : i32 to index
        %get3A_237 = tpu.vector_load %arg7[%get3A_235, %get3A_236] {strides = array<i32>} : memref<16x512xf32, #tpu.memory_space<vmem>>, vector<16xf32>,
        tpu.vector_store_idx %arg9[%add3A_220, %add3A_233], %get3A_237 : memref<64x128xf32, #tpu.memory_space<vmem>>[vector<16xi32>, vector<16xi32>], vector<16xf32>,
        %add3A_238 = arith.constant 1 : i32
        %add3A_239 = vector.broadcast %add3A_238 : i32 to vector<16xi32>
        %add3A_240 = arith.addi %add3A_233, %add3A_239 : vector<16xi32>
        %get3A_241 = arith.constant 3 : i32
        %get3A_242 = arith.index_cast %get3A_241 : i32 to index
        %get3A_243 = arith.index_cast %multiple_of3A_216 : i32 to index
        %get3A_244 = tpu.vector_load %arg7[%get3A_242, %get3A_243] {strides = array<i32>} : memref<16x512xf32, #tpu.memory_space<vmem>>, vector<16xf32>,
        tpu.vector_store_idx %arg9[%add3A_220, %add3A_240], %get3A_244 : memref<64x128xf32, #tpu.memory_space<vmem>>[vector<16xi32>, vector<16xi32>], vector<16xf32>,
        %add3A_245 = arith.constant 1 : i32
        %add3A_246 = vector.broadcast %add3A_245 : i32 to vector<16xi32>
        %add3A_247 = arith.addi %add3A_240, %add3A_246 : vector<16xi32>
        %get3A_248 = arith.constant 4 : i32
        %get3A_249 = arith.index_cast %get3A_248 : i32 to index
        %get3A_250 = arith.index_cast %multiple_of3A_216 : i32 to index
        %get3A_251 = tpu.vector_load %arg7[%get3A_249, %get3A_250] {strides = array<i32>} : memref<16x512xf32, #tpu.memory_space<vmem>>, vector<16xf32>,
        tpu.vector_store_idx %arg9[%add3A_220, %add3A_247], %get3A_251 : memref<64x128xf32, #tpu.memory_space<vmem>>[vector<16xi32>, vector<16xi32>], vector<16xf32>,
        %add3A_252 = arith.constant 1 : i32
        %add3A_253 = vector.broadcast %add3A_252 : i32 to vector<16xi32>
        %add3A_254 = arith.addi %add3A_247, %add3A_253 : vector<16xi32>
        %get3A_255 = arith.constant 5 : i32
        %get3A_256 = arith.index_cast %get3A_255 : i32 to index
        %get3A_257 = arith.index_cast %multiple_of3A_216 : i32 to index
        %get3A_258 = tpu.vector_load %arg7[%get3A_256, %get3A_257] {strides = array<i32>} : memref<16x512xf32, #tpu.memory_space<vmem>>, vector<16xf32>,
        tpu.vector_store_idx %arg9[%add3A_220, %add3A_254], %get3A_258 : memref<64x128xf32, #tpu.memory_space<vmem>>[vector<16xi32>, vector<16xi32>], vector<16xf32>,
        %add3A_259 = arith.constant 1 : i32
        %add3A_260 = vector.broadcast %add3A_259 : i32 to vector<16xi32>
        %add3A_261 = arith.addi %add3A_254, %add3A_260 : vector<16xi32>
        %get3A_262 = arith.constant 6 : i32
        %get3A_263 = arith.index_cast %get3A_262 : i32 to index
        %get3A_264 = arith.index_cast %multiple_of3A_216 : i32 to index
        %get3A_265 = tpu.vector_load %arg7[%get3A_263, %get3A_264] {strides = array<i32>} : memref<16x512xf32, #tpu.memory_space<vmem>>, vector<16xf32>,
        tpu.vector_store_idx %arg9[%add3A_220, %add3A_261], %get3A_265 : memref<64x128xf32, #tpu.memory_space<vmem>>[vector<16xi32>, vector<16xi32>], vector<16xf32>,
        %add3A_266 = arith.constant 1 : i32
        %add3A_267 = vector.broadcast %add3A_266 : i32 to vector<16xi32>
        %add3A_268 = arith.addi %add3A_261, %add3A_267 : vector<16xi32>
        %get3A_269 = arith.constant 7 : i32
        %get3A_270 = arith.index_cast %get3A_269 : i32 to index
        %get3A_271 = arith.index_cast %multiple_of3A_216 : i32 to index
        %get3A_272 = tpu.vector_load %arg7[%get3A_270, %get3A_271] {strides = array<i32>} : memref<16x512xf32, #tpu.memory_space<vmem>>, vector<16xf32>,
        tpu.vector_store_idx %arg9[%add3A_220, %add3A_268], %get3A_272 : memref<64x128xf32, #tpu.memory_space<vmem>>[vector<16xi32>, vector<16xi32>], vector<16xf32>,
        %add3A_273 = arith.constant 1 : i32
        %add3A_274 = vector.broadcast %add3A_273 : i32 to vector<16xi32>
        %add3A_275 = arith.addi %add3A_268, %add3A_274 : vector<16xi32>
        %get3A_276 = arith.constant 8 : i32
        %get3A_277 = arith.index_cast %get3A_276 : i32 to index
        %get3A_278 = arith.index_cast %multiple_of3A_216 : i32 to index
        %get3A_279 = tpu.vector_load %arg7[%get3A_277, %get3A_278] {strides = array<i32>} : memref<16x512xf32, #tpu.memory_space<vmem>>, vector<16xf32>,
        tpu.vector_store_idx %arg9[%add3A_220, %add3A_275], %get3A_279 : memref<64x128xf32, #tpu.memory_space<vmem>>[vector<16xi32>, vector<16xi32>], vector<16xf32>,
        %add3A_280 = arith.constant 1 : i32
        %add3A_281 = vector.broadcast %add3A_280 : i32 to vector<16xi32>
        %add3A_282 = arith.addi %add3A_275, %add3A_281 : vector<16xi32>
        %get3A_283 = arith.constant 9 : i32
        %get3A_284 = arith.index_cast %get3A_283 : i32 to index
        %get3A_285 = arith.index_cast %multiple_of3A_216 : i32 to index
        %get3A_286 = tpu.vector_load %arg7[%get3A_284, %get3A_285] {strides = array<i32>} : memref<16x512xf32, #tpu.memory_space<vmem>>, vector<16xf32>,
        tpu.vector_store_idx %arg9[%add3A_220, %add3A_282], %get3A_286 : memref<64x128xf32, #tpu.memory_space<vmem>>[vector<16xi32>, vector<16xi32>], vector<16xf32>,
        %add3A_287 = arith.constant 1 : i32
        %add3A_288 = vector.broadcast %add3A_287 : i32 to vector<16xi32>
        %add3A_289 = arith.addi %add3A_282, %add3A_288 : vector<16xi32>
        %get3A_290 = arith.constant 10 : i32
        %get3A_291 = arith.index_cast %get3A_290 : i32 to index
        %get3A_292 = arith.index_cast %multiple_of3A_216 : i32 to index
        %get3A_293 = tpu.vector_load %arg7[%get3A_291, %get3A_292] {strides = array<i32>} : memref<16x512xf32, #tpu.memory_space<vmem>>, vector<16xf32>,
        tpu.vector_store_idx %arg9[%add3A_220, %add3A_289], %get3A_293 : memref<64x128xf32, #tpu.memory_space<vmem>>[vector<16xi32>, vector<16xi32>], vector<16xf32>,
        %add3A_294 = arith.constant 1 : i32
        %add3A_295 = vector.broadcast %add3A_294 : i32 to vector<16xi32>
        %add3A_296 = arith.addi %add3A_289, %add3A_295 : vector<16xi32>
        %get3A_297 = arith.constant 11 : i32
        %get3A_298 = arith.index_cast %get3A_297 : i32 to index
        %get3A_299 = arith.index_cast %multiple_of3A_216 : i32 to index
        %get3A_300 = tpu.vector_load %arg7[%get3A_298, %get3A_299] {strides = array<i32>} : memref<16x512xf32, #tpu.memory_space<vmem>>, vector<16xf32>,
        tpu.vector_store_idx %arg9[%add3A_220, %add3A_296], %get3A_300 : memref<64x128xf32, #tpu.memory_space<vmem>>[vector<16xi32>, vector<16xi32>], vector<16xf32>,
        %add3A_301 = arith.constant 1 : i32
        %add3A_302 = vector.broadcast %add3A_301 : i32 to vector<16xi32>
        %add3A_303 = arith.addi %add3A_296, %add3A_302 : vector<16xi32>
        %get3A_304 = arith.constant 12 : i32
        %get3A_305 = arith.index_cast %get3A_304 : i32 to index
        %get3A_306 = arith.index_cast %multiple_of3A_216 : i32 to index
        %get3A_307 = tpu.vector_load %arg7[%get3A_305, %get3A_306] {strides = array<i32>} : memref<16x512xf32, #tpu.memory_space<vmem>>, vector<16xf32>,
        tpu.vector_store_idx %arg9[%add3A_220, %add3A_303], %get3A_307 : memref<64x128xf32, #tpu.memory_space<vmem>>[vector<16xi32>, vector<16xi32>], vector<16xf32>,
        %add3A_308 = arith.constant 1 : i32
        %add3A_309 = vector.broadcast %add3A_308 : i32 to vector<16xi32>
        %add3A_310 = arith.addi %add3A_303, %add3A_309 : vector<16xi32>
        %get3A_311 = arith.constant 13 : i32
        %get3A_312 = arith.index_cast %get3A_311 : i32 to index
        %get3A_313 = arith.index_cast %multiple_of3A_216 : i32 to index
        %get3A_314 = tpu.vector_load %arg7[%get3A_312, %get3A_313] {strides = array<i32>} : memref<16x512xf32, #tpu.memory_space<vmem>>, vector<16xf32>,
        tpu.vector_store_idx %arg9[%add3A_220, %add3A_310], %get3A_314 : memref<64x128xf32, #tpu.memory_space<vmem>>[vector<16xi32>, vector<16xi32>], vector<16xf32>,
        %add3A_315 = arith.constant 1 : i32
        %add3A_316 = vector.broadcast %add3A_315 : i32 to vector<16xi32>
        %add3A_317 = arith.addi %add3A_310, %add3A_316 : vector<16xi32>
        %get3A_318 = arith.constant 14 : i32
        %get3A_319 = arith.index_cast %get3A_318 : i32 to index
        %get3A_320 = arith.index_cast %multiple_of3A_216 : i32 to index
        %get3A_321 = tpu.vector_load %arg7[%get3A_319, %get3A_320] {strides = array<i32>} : memref<16x512xf32, #tpu.memory_space<vmem>>, vector<16xf32>,
        tpu.vector_store_idx %arg9[%add3A_220, %add3A_317], %get3A_321 : memref<64x128xf32, #tpu.memory_space<vmem>>[vector<16xi32>, vector<16xi32>], vector<16xf32>,
        %add3A_322 = arith.constant 1 : i32
        %add3A_323 = vector.broadcast %add3A_322 : i32 to vector<16xi32>
        %add3A_324 = arith.addi %add3A_317, %add3A_323 : vector<16xi32>
        %get3A_325 = arith.constant 15 : i32
        %get3A_326 = arith.index_cast %get3A_325 : i32 to index
        %get3A_327 = arith.index_cast %multiple_of3A_216 : i32 to index
        %get3A_328 = tpu.vector_load %arg7[%get3A_326, %get3A_327] {strides = array<i32>} : memref<16x512xf32, #tpu.memory_space<vmem>>, vector<16xf32>,
        tpu.vector_store_idx %arg9[%add3A_220, %add3A_324], %get3A_328 : memref<64x128xf32, #tpu.memory_space<vmem>>[vector<16xi32>, vector<16xi32>], vector<16xf32>,
        %add3A_329 = arith.constant 1 : i32
        %add3A_330 = vector.broadcast %add3A_329 : i32 to vector<16xi32>
        %add3A_331 = arith.addi %add3A_324, %add3A_330 : vector<16xi32>
      }
      %scan3A_163 = arith.constant 32 : i32
      %mul3A_164 = arith.constant 4 : i32
      %mul3A_165 = arith.muli %add3A_136, %mul3A_164 : i32
      %mul3A_166 = arith.constant 16 : i32
      %mul3A_167 = arith.muli %mul3A_165, %mul3A_166 : i32
      %multiple_of3A_168 = tpu.assume_multiple %mul3A_167, 8 : i32
      %dma_start3A_169 = arith.constant 0 : i32
      %dma_start3A_170 = tpu.memref_slice %arg5[%multiple_of3A_168, %dma_start3A_169] : memref<125008x128xf32, #tpu.memory_space<hbm>> -> memref<64x128xf32, #tpu.memory_space<hbm>>
      %dma_start3A_171 = arith.constant 0 : i32
      %dma_start3A_172 = tpu.memref_slice %arg5[%multiple_of3A_168, %dma_start3A_171] : memref<125008x128xf32, #tpu.memory_space<hbm>> -> memref<64x128xf32, #tpu.memory_space<hbm>>
      tpu.enqueue_dma source(%arg9 : memref<64x128xf32, #tpu.memory_space<vmem>>) target(%dma_start3A_172 : memref<64x128xf32, #tpu.memory_space<hbm>>) target_semaphore(%arg15 : memref<!tpu.dma_semaphore, #tpu.memory_space<semaphore_mem>>)
      %dma_wait3A_173 = arith.constant 0 : i32
      %dma_wait3A_174 = arith.constant 0 : i32
      %dma_wait3A_175 = tpu.memref_slice %arg3[%dma_wait3A_173, %dma_wait3A_174] : memref<16x1000012xf32, #tpu.memory_space<hbm>> -> memref<16x512xf32, #tpu.memory_space<hbm>>
      %dma_wait3A_176 = arith.constant 0 : i32
      %dma_wait3A_177 = arith.constant 0 : i32
      %dma_wait3A_178 = tpu.memref_slice %arg3[%dma_wait3A_176, %dma_wait3A_177] : memref<16x1000012xf32, #tpu.memory_space<hbm>> -> memref<16x512xf32, #tpu.memory_space<hbm>>
      tpu.wait_dma2 semaphore(%arg14 : memref<!tpu.dma_semaphore, #tpu.memory_space<semaphore_mem>>) src(%dma_wait3A_178 : memref<16x512xf32, #tpu.memory_space<hbm>>) dst(%arg8 : memref<16x512xf32, #tpu.memory_space<vmem>>)
      %add3A_179 = arith.constant 2 : i32
      %add3A_180 = arith.addi %add3A_136, %add3A_179 : i32
      %min3A_181 = arith.minsi %add3A_180, %sub3A_85 : i32
      %mul3A_182 = arith.constant 4 : i32
      %mul3A_183 = arith.muli %min3A_181, %mul3A_182 : i32
      %mul3A_184 = arith.constant 128 : i32
      %mul3A_185 = arith.muli %mul3A_183, %mul3A_184 : i32
      %multiple_of3A_186 = tpu.assume_multiple %mul3A_185, 128 : i32
      %dma_start3A_187 = arith.constant 0 : i32
      %dma_start3A_188 = tpu.memref_slice %arg3[%dma_start3A_187, %multiple_of3A_186] : memref<16x1000012xf32, #tpu.memory_space<hbm>> -> memref<16x512xf32, #tpu.memory_space<hbm>>
      %dma_start3A_189 = arith.constant 0 : i32
      %dma_start3A_190 = tpu.memref_slice %arg3[%dma_start3A_189, %multiple_of3A_186] : memref<16x1000012xf32, #tpu.memory_space<hbm>> -> memref<16x512xf32, #tpu.memory_space<hbm>>
      tpu.enqueue_dma source(%dma_start3A_190 : memref<16x512xf32, #tpu.memory_space<hbm>>) target(%arg7 : memref<16x512xf32, #tpu.memory_space<vmem>>) target_semaphore(%arg13 : memref<!tpu.dma_semaphore, #tpu.memory_space<semaphore_mem>>)
      %gt3A_191 = arith.constant 0 : i32
      %gt3A_192 = arith.cmpi sgt, %while3A_133, %gt3A_191 : i32
      %convert_element_type3A_193 = arith.extui %gt3A_192 : i1 to i32
      %cond3A_194 = arith.constant 0 : i32
      %cond3A_195 = arith.cmpi ne, %convert_element_type3A_193, %cond3A_194 : i32
      scf.if %cond3A_195 {
        %dma_wait3A_213 = arith.constant 0 : i32
        %dma_wait3A_214 = arith.constant 0 : i32
        %dma_wait3A_215 = tpu.memref_slice %arg5[%dma_wait3A_213, %dma_wait3A_214] : memref<125008x128xf32, #tpu.memory_space<hbm>> -> memref<64x128xf32, #tpu.memory_space<hbm>>
        %dma_wait3A_216 = arith.constant 0 : i32
        %dma_wait3A_217 = arith.constant 0 : i32
        %dma_wait3A_218 = tpu.memref_slice %arg5[%dma_wait3A_216, %dma_wait3A_217] : memref<125008x128xf32, #tpu.memory_space<hbm>> -> memref<64x128xf32, #tpu.memory_space<hbm>>
        tpu.wait_dma2 semaphore(%arg16 : memref<!tpu.dma_semaphore, #tpu.memory_space<semaphore_mem>>) src(%arg10 : memref<64x128xf32, #tpu.memory_space<vmem>>) dst(%dma_wait3A_218 : memref<64x128xf32, #tpu.memory_space<hbm>>)
      } else {
      }
      %scan3A_196 = arith.constant 0 : i32
      %scan3A_197 = arith.constant 0 : i32
      %scan3A_198 = arith.constant 32 : i32
      %scan3A_199 = arith.addi %scan3A_197, %scan3A_198 : i32
      %scan3A_200 = arith.constant 1 : i32
      scf.for %scan3A_213 = %scan3A_197 to %scan3A_199 step %scan3A_200  : i32 {
        %mul3A_214 = arith.constant 16 : i32
        %mul3A_215 = arith.muli %scan3A_213, %mul3A_214 : i32
        %multiple_of3A_216 = tpu.assume_multiple %mul3A_215, 16 : i32
        %mul3A_217 = arith.constant 2 : i32
        %mul3A_218 = arith.muli %scan3A_213, %mul3A_217 : i32
        %add3A_219 = vector.broadcast %mul3A_218 : i32 to vector<16xi32>
        %add3A_220 = arith.addi %select_n3A, %add3A_219 : vector<16xi32>
        %get3A = arith.constant 0 : i32
        %get3A_221 = arith.index_cast %get3A : i32 to index
        %get3A_222 = arith.index_cast %multiple_of3A_216 : i32 to index
        %get3A_223 = tpu.vector_load %arg8[%get3A_221, %get3A_222] {strides = array<i32>} : memref<16x512xf32, #tpu.memory_space<vmem>>, vector<16xf32>,
        tpu.vector_store_idx %arg10[%add3A_220, %mul3A_46], %get3A_223 : memref<64x128xf32, #tpu.memory_space<vmem>>[vector<16xi32>, vector<16xi32>], vector<16xf32>,
        %add3A_224 = arith.constant 1 : i32
        %add3A_225 = vector.broadcast %add3A_224 : i32 to vector<16xi32>
        %add3A_226 = arith.addi %mul3A_46, %add3A_225 : vector<16xi32>
        %get3A_227 = arith.constant 1 : i32
        %get3A_228 = arith.index_cast %get3A_227 : i32 to index
        %get3A_229 = arith.index_cast %multiple_of3A_216 : i32 to index
        %get3A_230 = tpu.vector_load %arg8[%get3A_228, %get3A_229] {strides = array<i32>} : memref<16x512xf32, #tpu.memory_space<vmem>>, vector<16xf32>,
        tpu.vector_store_idx %arg10[%add3A_220, %add3A_226], %get3A_230 : memref<64x128xf32, #tpu.memory_space<vmem>>[vector<16xi32>, vector<16xi32>], vector<16xf32>,
        %add3A_231 = arith.constant 1 : i32
        %add3A_232 = vector.broadcast %add3A_231 : i32 to vector<16xi32>
        %add3A_233 = arith.addi %add3A_226, %add3A_232 : vector<16xi32>
        %get3A_234 = arith.constant 2 : i32
        %get3A_235 = arith.index_cast %get3A_234 : i32 to index
        %get3A_236 = arith.index_cast %multiple_of3A_216 : i32 to index
        %get3A_237 = tpu.vector_load %arg8[%get3A_235, %get3A_236] {strides = array<i32>} : memref<16x512xf32, #tpu.memory_space<vmem>>, vector<16xf32>,
        tpu.vector_store_idx %arg10[%add3A_220, %add3A_233], %get3A_237 : memref<64x128xf32, #tpu.memory_space<vmem>>[vector<16xi32>, vector<16xi32>], vector<16xf32>,
        %add3A_238 = arith.constant 1 : i32
        %add3A_239 = vector.broadcast %add3A_238 : i32 to vector<16xi32>
        %add3A_240 = arith.addi %add3A_233, %add3A_239 : vector<16xi32>
        %get3A_241 = arith.constant 3 : i32
        %get3A_242 = arith.index_cast %get3A_241 : i32 to index
        %get3A_243 = arith.index_cast %multiple_of3A_216 : i32 to index
        %get3A_244 = tpu.vector_load %arg8[%get3A_242, %get3A_243] {strides = array<i32>} : memref<16x512xf32, #tpu.memory_space<vmem>>, vector<16xf32>,
        tpu.vector_store_idx %arg10[%add3A_220, %add3A_240], %get3A_244 : memref<64x128xf32, #tpu.memory_space<vmem>>[vector<16xi32>, vector<16xi32>], vector<16xf32>,
        %add3A_245 = arith.constant 1 : i32
        %add3A_246 = vector.broadcast %add3A_245 : i32 to vector<16xi32>
        %add3A_247 = arith.addi %add3A_240, %add3A_246 : vector<16xi32>
        %get3A_248 = arith.constant 4 : i32
        %get3A_249 = arith.index_cast %get3A_248 : i32 to index
        %get3A_250 = arith.index_cast %multiple_of3A_216 : i32 to index
        %get3A_251 = tpu.vector_load %arg8[%get3A_249, %get3A_250] {strides = array<i32>} : memref<16x512xf32, #tpu.memory_space<vmem>>, vector<16xf32>,
        tpu.vector_store_idx %arg10[%add3A_220, %add3A_247], %get3A_251 : memref<64x128xf32, #tpu.memory_space<vmem>>[vector<16xi32>, vector<16xi32>], vector<16xf32>,
        %add3A_252 = arith.constant 1 : i32
        %add3A_253 = vector.broadcast %add3A_252 : i32 to vector<16xi32>
        %add3A_254 = arith.addi %add3A_247, %add3A_253 : vector<16xi32>
        %get3A_255 = arith.constant 5 : i32
        %get3A_256 = arith.index_cast %get3A_255 : i32 to index
        %get3A_257 = arith.index_cast %multiple_of3A_216 : i32 to index
        %get3A_258 = tpu.vector_load %arg8[%get3A_256, %get3A_257] {strides = array<i32>} : memref<16x512xf32, #tpu.memory_space<vmem>>, vector<16xf32>,
        tpu.vector_store_idx %arg10[%add3A_220, %add3A_254], %get3A_258 : memref<64x128xf32, #tpu.memory_space<vmem>>[vector<16xi32>, vector<16xi32>], vector<16xf32>,
        %add3A_259 = arith.constant 1 : i32
        %add3A_260 = vector.broadcast %add3A_259 : i32 to vector<16xi32>
        %add3A_261 = arith.addi %add3A_254, %add3A_260 : vector<16xi32>
        %get3A_262 = arith.constant 6 : i32
        %get3A_263 = arith.index_cast %get3A_262 : i32 to index
        %get3A_264 = arith.index_cast %multiple_of3A_216 : i32 to index
        %get3A_265 = tpu.vector_load %arg8[%get3A_263, %get3A_264] {strides = array<i32>} : memref<16x512xf32, #tpu.memory_space<vmem>>, vector<16xf32>,
        tpu.vector_store_idx %arg10[%add3A_220, %add3A_261], %get3A_265 : memref<64x128xf32, #tpu.memory_space<vmem>>[vector<16xi32>, vector<16xi32>], vector<16xf32>,
        %add3A_266 = arith.constant 1 : i32
        %add3A_267 = vector.broadcast %add3A_266 : i32 to vector<16xi32>
        %add3A_268 = arith.addi %add3A_261, %add3A_267 : vector<16xi32>
        %get3A_269 = arith.constant 7 : i32
        %get3A_270 = arith.index_cast %get3A_269 : i32 to index
        %get3A_271 = arith.index_cast %multiple_of3A_216 : i32 to index
        %get3A_272 = tpu.vector_load %arg8[%get3A_270, %get3A_271] {strides = array<i32>} : memref<16x512xf32, #tpu.memory_space<vmem>>, vector<16xf32>,
        tpu.vector_store_idx %arg10[%add3A_220, %add3A_268], %get3A_272 : memref<64x128xf32, #tpu.memory_space<vmem>>[vector<16xi32>, vector<16xi32>], vector<16xf32>,
        %add3A_273 = arith.constant 1 : i32
        %add3A_274 = vector.broadcast %add3A_273 : i32 to vector<16xi32>
        %add3A_275 = arith.addi %add3A_268, %add3A_274 : vector<16xi32>
        %get3A_276 = arith.constant 8 : i32
        %get3A_277 = arith.index_cast %get3A_276 : i32 to index
        %get3A_278 = arith.index_cast %multiple_of3A_216 : i32 to index
        %get3A_279 = tpu.vector_load %arg8[%get3A_277, %get3A_278] {strides = array<i32>} : memref<16x512xf32, #tpu.memory_space<vmem>>, vector<16xf32>,
        tpu.vector_store_idx %arg10[%add3A_220, %add3A_275], %get3A_279 : memref<64x128xf32, #tpu.memory_space<vmem>>[vector<16xi32>, vector<16xi32>], vector<16xf32>,
        %add3A_280 = arith.constant 1 : i32
        %add3A_281 = vector.broadcast %add3A_280 : i32 to vector<16xi32>
        %add3A_282 = arith.addi %add3A_275, %add3A_281 : vector<16xi32>
        %get3A_283 = arith.constant 9 : i32
        %get3A_284 = arith.index_cast %get3A_283 : i32 to index
        %get3A_285 = arith.index_cast %multiple_of3A_216 : i32 to index
        %get3A_286 = tpu.vector_load %arg8[%get3A_284, %get3A_285] {strides = array<i32>} : memref<16x512xf32, #tpu.memory_space<vmem>>, vector<16xf32>,
        tpu.vector_store_idx %arg10[%add3A_220, %add3A_282], %get3A_286 : memref<64x128xf32, #tpu.memory_space<vmem>>[vector<16xi32>, vector<16xi32>], vector<16xf32>,
        %add3A_287 = arith.constant 1 : i32
        %add3A_288 = vector.broadcast %add3A_287 : i32 to vector<16xi32>
        %add3A_289 = arith.addi %add3A_282, %add3A_288 : vector<16xi32>
        %get3A_290 = arith.constant 10 : i32
        %get3A_291 = arith.index_cast %get3A_290 : i32 to index
        %get3A_292 = arith.index_cast %multiple_of3A_216 : i32 to index
        %get3A_293 = tpu.vector_load %arg8[%get3A_291, %get3A_292] {strides = array<i32>} : memref<16x512xf32, #tpu.memory_space<vmem>>, vector<16xf32>,
        tpu.vector_store_idx %arg10[%add3A_220, %add3A_289], %get3A_293 : memref<64x128xf32, #tpu.memory_space<vmem>>[vector<16xi32>, vector<16xi32>], vector<16xf32>,
        %add3A_294 = arith.constant 1 : i32
        %add3A_295 = vector.broadcast %add3A_294 : i32 to vector<16xi32>
        %add3A_296 = arith.addi %add3A_289, %add3A_295 : vector<16xi32>
        %get3A_297 = arith.constant 11 : i32
        %get3A_298 = arith.index_cast %get3A_297 : i32 to index
        %get3A_299 = arith.index_cast %multiple_of3A_216 : i32 to index
        %get3A_300 = tpu.vector_load %arg8[%get3A_298, %get3A_299] {strides = array<i32>} : memref<16x512xf32, #tpu.memory_space<vmem>>, vector<16xf32>,
        tpu.vector_store_idx %arg10[%add3A_220, %add3A_296], %get3A_300 : memref<64x128xf32, #tpu.memory_space<vmem>>[vector<16xi32>, vector<16xi32>], vector<16xf32>,
        %add3A_301 = arith.constant 1 : i32
        %add3A_302 = vector.broadcast %add3A_301 : i32 to vector<16xi32>
        %add3A_303 = arith.addi %add3A_296, %add3A_302 : vector<16xi32>
        %get3A_304 = arith.constant 12 : i32
        %get3A_305 = arith.index_cast %get3A_304 : i32 to index
        %get3A_306 = arith.index_cast %multiple_of3A_216 : i32 to index
        %get3A_307 = tpu.vector_load %arg8[%get3A_305, %get3A_306] {strides = array<i32>} : memref<16x512xf32, #tpu.memory_space<vmem>>, vector<16xf32>,
        tpu.vector_store_idx %arg10[%add3A_220, %add3A_303], %get3A_307 : memref<64x128xf32, #tpu.memory_space<vmem>>[vector<16xi32>, vector<16xi32>], vector<16xf32>,
        %add3A_308 = arith.constant 1 : i32
        %add3A_309 = vector.broadcast %add3A_308 : i32 to vector<16xi32>
        %add3A_310 = arith.addi %add3A_303, %add3A_309 : vector<16xi32>
        %get3A_311 = arith.constant 13 : i32
        %get3A_312 = arith.index_cast %get3A_311 : i32 to index
        %get3A_313 = arith.index_cast %multiple_of3A_216 : i32 to index
        %get3A_314 = tpu.vector_load %arg8[%get3A_312, %get3A_313] {strides = array<i32>} : memref<16x512xf32, #tpu.memory_space<vmem>>, vector<16xf32>,
        tpu.vector_store_idx %arg10[%add3A_220, %add3A_310], %get3A_314 : memref<64x128xf32, #tpu.memory_space<vmem>>[vector<16xi32>, vector<16xi32>], vector<16xf32>,
        %add3A_315 = arith.constant 1 : i32
        %add3A_316 = vector.broadcast %add3A_315 : i32 to vector<16xi32>
        %add3A_317 = arith.addi %add3A_310, %add3A_316 : vector<16xi32>
        %get3A_318 = arith.constant 14 : i32
        %get3A_319 = arith.index_cast %get3A_318 : i32 to index
        %get3A_320 = arith.index_cast %multiple_of3A_216 : i32 to index
        %get3A_321 = tpu.vector_load %arg8[%get3A_319, %get3A_320] {strides = array<i32>} : memref<16x512xf32, #tpu.memory_space<vmem>>, vector<16xf32>,
        tpu.vector_store_idx %arg10[%add3A_220, %add3A_317], %get3A_321 : memref<64x128xf32, #tpu.memory_space<vmem>>[vector<16xi32>, vector<16xi32>], vector<16xf32>,
        %add3A_322 = arith.constant 1 : i32
        %add3A_323 = vector.broadcast %add3A_322 : i32 to vector<16xi32>
        %add3A_324 = arith.addi %add3A_317, %add3A_323 : vector<16xi32>
        %get3A_325 = arith.constant 15 : i32
        %get3A_326 = arith.index_cast %get3A_325 : i32 to index
        %get3A_327 = arith.index_cast %multiple_of3A_216 : i32 to index
        %get3A_328 = tpu.vector_load %arg8[%get3A_326, %get3A_327] {strides = array<i32>} : memref<16x512xf32, #tpu.memory_space<vmem>>, vector<16xf32>,
        tpu.vector_store_idx %arg10[%add3A_220, %add3A_324], %get3A_328 : memref<64x128xf32, #tpu.memory_space<vmem>>[vector<16xi32>, vector<16xi32>], vector<16xf32>,
        %add3A_329 = arith.constant 1 : i32
        %add3A_330 = vector.broadcast %add3A_329 : i32 to vector<16xi32>
        %add3A_331 = arith.addi %add3A_324, %add3A_330 : vector<16xi32>
      }
      %scan3A_201 = arith.constant 32 : i32
      %add3A_202 = arith.constant 1 : i32
      %add3A_203 = arith.addi %add3A_136, %add3A_202 : i32
      %mul3A_204 = arith.constant 4 : i32
      %mul3A_205 = arith.muli %add3A_203, %mul3A_204 : i32
      %mul3A_206 = arith.constant 16 : i32
      %mul3A_207 = arith.muli %mul3A_205, %mul3A_206 : i32
      %multiple_of3A_208 = tpu.assume_multiple %mul3A_207, 8 : i32
      %dma_start3A_209 = arith.constant 0 : i32
      %dma_start3A_210 = tpu.memref_slice %arg5[%multiple_of3A_208, %dma_start3A_209] : memref<125008x128xf32, #tpu.memory_space<hbm>> -> memref<64x128xf32, #tpu.memory_space<hbm>>
      %dma_start3A_211 = arith.constant 0 : i32
      %dma_start3A_212 = tpu.memref_slice %arg5[%multiple_of3A_208, %dma_start3A_211] : memref<125008x128xf32, #tpu.memory_space<hbm>> -> memref<64x128xf32, #tpu.memory_space<hbm>>
      tpu.enqueue_dma source(%arg10 : memref<64x128xf32, #tpu.memory_space<vmem>>) target(%dma_start3A_212 : memref<64x128xf32, #tpu.memory_space<hbm>>) target_semaphore(%arg16 : memref<!tpu.dma_semaphore, #tpu.memory_space<semaphore_mem>>)
    }
    %while3A_101 = arith.constant 1 : i32
    scf.for %while3A_133 = %while3A_99 to %while3A_95 step %while3A_101  : i32 {
      %mul3A_134 = arith.constant 2 : i32
      %mul3A_135 = arith.muli %mul3A_134, %while3A_133 : i32
      %add3A_136 = arith.addi %add3A_50, %mul3A_135 : i32
      %dma_wait3A_137 = arith.constant 0 : i32
      %dma_wait3A_138 = arith.constant 0 : i32
      %dma_wait3A_139 = tpu.memref_slice %arg3[%dma_wait3A_137, %dma_wait3A_138] : memref<16x1000012xf32, #tpu.memory_space<hbm>> -> memref<16x512xf32, #tpu.memory_space<hbm>>
      %dma_wait3A_140 = arith.constant 0 : i32
      %dma_wait3A_141 = arith.constant 0 : i32
      %dma_wait3A_142 = tpu.memref_slice %arg3[%dma_wait3A_140, %dma_wait3A_141] : memref<16x1000012xf32, #tpu.memory_space<hbm>> -> memref<16x512xf32, #tpu.memory_space<hbm>>
      tpu.wait_dma2 semaphore(%arg13 : memref<!tpu.dma_semaphore, #tpu.memory_space<semaphore_mem>>) src(%dma_wait3A_142 : memref<16x512xf32, #tpu.memory_space<hbm>>) dst(%arg7 : memref<16x512xf32, #tpu.memory_space<vmem>>)
      %add3A_143 = arith.constant 1 : i32
      %add3A_144 = arith.addi %add3A_136, %add3A_143 : i32
      %mul3A_145 = arith.constant 4 : i32
      %mul3A_146 = arith.muli %add3A_144, %mul3A_145 : i32
      %mul3A_147 = arith.constant 128 : i32
      %mul3A_148 = arith.muli %mul3A_146, %mul3A_147 : i32
      %multiple_of3A_149 = tpu.assume_multiple %mul3A_148, 128 : i32
      %dma_start3A_150 = arith.constant 0 : i32
      %dma_start3A_151 = tpu.memref_slice %arg3[%dma_start3A_150, %multiple_of3A_149] : memref<16x1000012xf32, #tpu.memory_space<hbm>> -> memref<16x512xf32, #tpu.memory_space<hbm>>
      %dma_start3A_152 = arith.constant 0 : i32
      %dma_start3A_153 = tpu.memref_slice %arg3[%dma_start3A_152, %multiple_of3A_149] : memref<16x1000012xf32, #tpu.memory_space<hbm>> -> memref<16x512xf32, #tpu.memory_space<hbm>>
      tpu.enqueue_dma source(%dma_start3A_153 : memref<16x512xf32, #tpu.memory_space<hbm>>) target(%arg8 : memref<16x512xf32, #tpu.memory_space<vmem>>) target_semaphore(%arg14 : memref<!tpu.dma_semaphore, #tpu.memory_space<semaphore_mem>>)
      %gt3A = arith.constant 0 : i32
      %gt3A_154 = arith.cmpi sgt, %while3A_133, %gt3A : i32
      %convert_element_type3A_155 = arith.extui %gt3A_154 : i1 to i32
      %cond3A_156 = arith.constant 0 : i32
      %cond3A_157 = arith.cmpi ne, %convert_element_type3A_155, %cond3A_156 : i32
      scf.if %cond3A_157 {
        %dma_wait3A_213 = arith.constant 0 : i32
        %dma_wait3A_214 = arith.constant 0 : i32
        %dma_wait3A_215 = tpu.memref_slice %arg5[%dma_wait3A_213, %dma_wait3A_214] : memref<125008x128xf32, #tpu.memory_space<hbm>> -> memref<64x128xf32, #tpu.memory_space<hbm>>
        %dma_wait3A_216 = arith.constant 0 : i32
        %dma_wait3A_217 = arith.constant 0 : i32
        %dma_wait3A_218 = tpu.memref_slice %arg5[%dma_wait3A_216, %dma_wait3A_217] : memref<125008x128xf32, #tpu.memory_space<hbm>> -> memref<64x128xf32, #tpu.memory_space<hbm>>
        tpu.wait_dma2 semaphore(%arg15 : memref<!tpu.dma_semaphore, #tpu.memory_space<semaphore_mem>>) src(%arg9 : memref<64x128xf32, #tpu.memory_space<vmem>>) dst(%dma_wait3A_218 : memref<64x128xf32, #tpu.memory_space<hbm>>)
      } else {
      }
      %scan3A_158 = arith.constant 0 : i32
      %scan3A_159 = arith.constant 0 : i32
      %scan3A_160 = arith.constant 32 : i32
      %scan3A_161 = arith.addi %scan3A_159, %scan3A_160 : i32
      %scan3A_162 = arith.constant 1 : i32
      scf.for %scan3A_213 = %scan3A_159 to %scan3A_161 step %scan3A_162  : i32 {
        %mul3A_214 = arith.constant 16 : i32
        %mul3A_215 = arith.muli %scan3A_213, %mul3A_214 : i32
        %multiple_of3A_216 = tpu.assume_multiple %mul3A_215, 16 : i32
        %mul3A_217 = arith.constant 2 : i32
        %mul3A_218 = arith.muli %scan3A_213, %mul3A_217 : i32
        %add3A_219 = vector.broadcast %mul3A_218 : i32 to vector<16xi32>
        %add3A_220 = arith.addi %select_n3A, %add3A_219 : vector<16xi32>
        %get3A = arith.constant 0 : i32
        %get3A_221 = arith.index_cast %get3A : i32 to index
        %get3A_222 = arith.index_cast %multiple_of3A_216 : i32 to index
        %get3A_223 = tpu.vector_load %arg7[%get3A_221, %get3A_222] {strides = array<i32>} : memref<16x512xf32, #tpu.memory_space<vmem>>, vector<16xf32>,
        tpu.vector_store_idx %arg9[%add3A_220, %mul3A_46], %get3A_223 : memref<64x128xf32, #tpu.memory_space<vmem>>[vector<16xi32>, vector<16xi32>], vector<16xf32>,
        %add3A_224 = arith.constant 1 : i32
        %add3A_225 = vector.broadcast %add3A_224 : i32 to vector<16xi32>
        %add3A_226 = arith.addi %mul3A_46, %add3A_225 : vector<16xi32>
        %get3A_227 = arith.constant 1 : i32
        %get3A_228 = arith.index_cast %get3A_227 : i32 to index
        %get3A_229 = arith.index_cast %multiple_of3A_216 : i32 to index
        %get3A_230 = tpu.vector_load %arg7[%get3A_228, %get3A_229] {strides = array<i32>} : memref<16x512xf32, #tpu.memory_space<vmem>>, vector<16xf32>,
        tpu.vector_store_idx %arg9[%add3A_220, %add3A_226], %get3A_230 : memref<64x128xf32, #tpu.memory_space<vmem>>[vector<16xi32>, vector<16xi32>], vector<16xf32>,
        %add3A_231 = arith.constant 1 : i32
        %add3A_232 = vector.broadcast %add3A_231 : i32 to vector<16xi32>
        %add3A_233 = arith.addi %add3A_226, %add3A_232 : vector<16xi32>
        %get3A_234 = arith.constant 2 : i32
        %get3A_235 = arith.index_cast %get3A_234 : i32 to index
        %get3A_236 = arith.index_cast %multiple_of3A_216 : i32 to index
        %get3A_237 = tpu.vector_load %arg7[%get3A_235, %get3A_236] {strides = array<i32>} : memref<16x512xf32, #tpu.memory_space<vmem>>, vector<16xf32>,
        tpu.vector_store_idx %arg9[%add3A_220, %add3A_233], %get3A_237 : memref<64x128xf32, #tpu.memory_space<vmem>>[vector<16xi32>, vector<16xi32>], vector<16xf32>,
        %add3A_238 = arith.constant 1 : i32
        %add3A_239 = vector.broadcast %add3A_238 : i32 to vector<16xi32>
        %add3A_240 = arith.addi %add3A_233, %add3A_239 : vector<16xi32>
        %get3A_241 = arith.constant 3 : i32
        %get3A_242 = arith.index_cast %get3A_241 : i32 to index
        %get3A_243 = arith.index_cast %multiple_of3A_216 : i32 to index
        %get3A_244 = tpu.vector_load %arg7[%get3A_242, %get3A_243] {strides = array<i32>} : memref<16x512xf32, #tpu.memory_space<vmem>>, vector<16xf32>,
        tpu.vector_store_idx %arg9[%add3A_220, %add3A_240], %get3A_244 : memref<64x128xf32, #tpu.memory_space<vmem>>[vector<16xi32>, vector<16xi32>], vector<16xf32>,
        %add3A_245 = arith.constant 1 : i32
        %add3A_246 = vector.broadcast %add3A_245 : i32 to vector<16xi32>
        %add3A_247 = arith.addi %add3A_240, %add3A_246 : vector<16xi32>
        %get3A_248 = arith.constant 4 : i32
        %get3A_249 = arith.index_cast %get3A_248 : i32 to index
        %get3A_250 = arith.index_cast %multiple_of3A_216 : i32 to index
        %get3A_251 = tpu.vector_load %arg7[%get3A_249, %get3A_250] {strides = array<i32>} : memref<16x512xf32, #tpu.memory_space<vmem>>, vector<16xf32>,
        tpu.vector_store_idx %arg9[%add3A_220, %add3A_247], %get3A_251 : memref<64x128xf32, #tpu.memory_space<vmem>>[vector<16xi32>, vector<16xi32>], vector<16xf32>,
        %add3A_252 = arith.constant 1 : i32
        %add3A_253 = vector.broadcast %add3A_252 : i32 to vector<16xi32>
        %add3A_254 = arith.addi %add3A_247, %add3A_253 : vector<16xi32>
        %get3A_255 = arith.constant 5 : i32
        %get3A_256 = arith.index_cast %get3A_255 : i32 to index
        %get3A_257 = arith.index_cast %multiple_of3A_216 : i32 to index
        %get3A_258 = tpu.vector_load %arg7[%get3A_256, %get3A_257] {strides = array<i32>} : memref<16x512xf32, #tpu.memory_space<vmem>>, vector<16xf32>,
        tpu.vector_store_idx %arg9[%add3A_220, %add3A_254], %get3A_258 : memref<64x128xf32, #tpu.memory_space<vmem>>[vector<16xi32>, vector<16xi32>], vector<16xf32>,
        %add3A_259 = arith.constant 1 : i32
        %add3A_260 = vector.broadcast %add3A_259 : i32 to vector<16xi32>
        %add3A_261 = arith.addi %add3A_254, %add3A_260 : vector<16xi32>
        %get3A_262 = arith.constant 6 : i32
        %get3A_263 = arith.index_cast %get3A_262 : i32 to index
        %get3A_264 = arith.index_cast %multiple_of3A_216 : i32 to index
        %get3A_265 = tpu.vector_load %arg7[%get3A_263, %get3A_264] {strides = array<i32>} : memref<16x512xf32, #tpu.memory_space<vmem>>, vector<16xf32>,
        tpu.vector_store_idx %arg9[%add3A_220, %add3A_261], %get3A_265 : memref<64x128xf32, #tpu.memory_space<vmem>>[vector<16xi32>, vector<16xi32>], vector<16xf32>,
        %add3A_266 = arith.constant 1 : i32
        %add3A_267 = vector.broadcast %add3A_266 : i32 to vector<16xi32>
        %add3A_268 = arith.addi %add3A_261, %add3A_267 : vector<16xi32>
        %get3A_269 = arith.constant 7 : i32
        %get3A_270 = arith.index_cast %get3A_269 : i32 to index
        %get3A_271 = arith.index_cast %multiple_of3A_216 : i32 to index
        %get3A_272 = tpu.vector_load %arg7[%get3A_270, %get3A_271] {strides = array<i32>} : memref<16x512xf32, #tpu.memory_space<vmem>>, vector<16xf32>,
        tpu.vector_store_idx %arg9[%add3A_220, %add3A_268], %get3A_272 : memref<64x128xf32, #tpu.memory_space<vmem>>[vector<16xi32>, vector<16xi32>], vector<16xf32>,
        %add3A_273 = arith.constant 1 : i32
        %add3A_274 = vector.broadcast %add3A_273 : i32 to vector<16xi32>
        %add3A_275 = arith.addi %add3A_268, %add3A_274 : vector<16xi32>
        %get3A_276 = arith.constant 8 : i32
        %get3A_277 = arith.index_cast %get3A_276 : i32 to index
        %get3A_278 = arith.index_cast %multiple_of3A_216 : i32 to index
        %get3A_279 = tpu.vector_load %arg7[%get3A_277, %get3A_278] {strides = array<i32>} : memref<16x512xf32, #tpu.memory_space<vmem>>, vector<16xf32>,
        tpu.vector_store_idx %arg9[%add3A_220, %add3A_275], %get3A_279 : memref<64x128xf32, #tpu.memory_space<vmem>>[vector<16xi32>, vector<16xi32>], vector<16xf32>,
        %add3A_280 = arith.constant 1 : i32
        %add3A_281 = vector.broadcast %add3A_280 : i32 to vector<16xi32>
        %add3A_282 = arith.addi %add3A_275, %add3A_281 : vector<16xi32>
        %get3A_283 = arith.constant 9 : i32
        %get3A_284 = arith.index_cast %get3A_283 : i32 to index
        %get3A_285 = arith.index_cast %multiple_of3A_216 : i32 to index
        %get3A_286 = tpu.vector_load %arg7[%get3A_284, %get3A_285] {strides = array<i32>} : memref<16x512xf32, #tpu.memory_space<vmem>>, vector<16xf32>,
        tpu.vector_store_idx %arg9[%add3A_220, %add3A_282], %get3A_286 : memref<64x128xf32, #tpu.memory_space<vmem>>[vector<16xi32>, vector<16xi32>], vector<16xf32>,
        %add3A_287 = arith.constant 1 : i32
        %add3A_288 = vector.broadcast %add3A_287 : i32 to vector<16xi32>
        %add3A_289 = arith.addi %add3A_282, %add3A_288 : vector<16xi32>
        %get3A_290 = arith.constant 10 : i32
        %get3A_291 = arith.index_cast %get3A_290 : i32 to index
        %get3A_292 = arith.index_cast %multiple_of3A_216 : i32 to index
        %get3A_293 = tpu.vector_load %arg7[%get3A_291, %get3A_292] {strides = array<i32>} : memref<16x512xf32, #tpu.memory_space<vmem>>, vector<16xf32>,
        tpu.vector_store_idx %arg9[%add3A_220, %add3A_289], %get3A_293 : memref<64x128xf32, #tpu.memory_space<vmem>>[vector<16xi32>, vector<16xi32>], vector<16xf32>,
        %add3A_294 = arith.constant 1 : i32
        %add3A_295 = vector.broadcast %add3A_294 : i32 to vector<16xi32>
        %add3A_296 = arith.addi %add3A_289, %add3A_295 : vector<16xi32>
        %get3A_297 = arith.constant 11 : i32
        %get3A_298 = arith.index_cast %get3A_297 : i32 to index
        %get3A_299 = arith.index_cast %multiple_of3A_216 : i32 to index
        %get3A_300 = tpu.vector_load %arg7[%get3A_298, %get3A_299] {strides = array<i32>} : memref<16x512xf32, #tpu.memory_space<vmem>>, vector<16xf32>,
        tpu.vector_store_idx %arg9[%add3A_220, %add3A_296], %get3A_300 : memref<64x128xf32, #tpu.memory_space<vmem>>[vector<16xi32>, vector<16xi32>], vector<16xf32>,
        %add3A_301 = arith.constant 1 : i32
        %add3A_302 = vector.broadcast %add3A_301 : i32 to vector<16xi32>
        %add3A_303 = arith.addi %add3A_296, %add3A_302 : vector<16xi32>
        %get3A_304 = arith.constant 12 : i32
        %get3A_305 = arith.index_cast %get3A_304 : i32 to index
        %get3A_306 = arith.index_cast %multiple_of3A_216 : i32 to index
        %get3A_307 = tpu.vector_load %arg7[%get3A_305, %get3A_306] {strides = array<i32>} : memref<16x512xf32, #tpu.memory_space<vmem>>, vector<16xf32>,
        tpu.vector_store_idx %arg9[%add3A_220, %add3A_303], %get3A_307 : memref<64x128xf32, #tpu.memory_space<vmem>>[vector<16xi32>, vector<16xi32>], vector<16xf32>,
        %add3A_308 = arith.constant 1 : i32
        %add3A_309 = vector.broadcast %add3A_308 : i32 to vector<16xi32>
        %add3A_310 = arith.addi %add3A_303, %add3A_309 : vector<16xi32>
        %get3A_311 = arith.constant 13 : i32
        %get3A_312 = arith.index_cast %get3A_311 : i32 to index
        %get3A_313 = arith.index_cast %multiple_of3A_216 : i32 to index
        %get3A_314 = tpu.vector_load %arg7[%get3A_312, %get3A_313] {strides = array<i32>} : memref<16x512xf32, #tpu.memory_space<vmem>>, vector<16xf32>,
        tpu.vector_store_idx %arg9[%add3A_220, %add3A_310], %get3A_314 : memref<64x128xf32, #tpu.memory_space<vmem>>[vector<16xi32>, vector<16xi32>], vector<16xf32>,
        %add3A_315 = arith.constant 1 : i32
        %add3A_316 = vector.broadcast %add3A_315 : i32 to vector<16xi32>
        %add3A_317 = arith.addi %add3A_310, %add3A_316 : vector<16xi32>
        %get3A_318 = arith.constant 14 : i32
        %get3A_319 = arith.index_cast %get3A_318 : i32 to index
        %get3A_320 = arith.index_cast %multiple_of3A_216 : i32 to index
        %get3A_321 = tpu.vector_load %arg7[%get3A_319, %get3A_320] {strides = array<i32>} : memref<16x512xf32, #tpu.memory_space<vmem>>, vector<16xf32>,
        tpu.vector_store_idx %arg9[%add3A_220, %add3A_317], %get3A_321 : memref<64x128xf32, #tpu.memory_space<vmem>>[vector<16xi32>, vector<16xi32>], vector<16xf32>,
        %add3A_322 = arith.constant 1 : i32
        %add3A_323 = vector.broadcast %add3A_322 : i32 to vector<16xi32>
        %add3A_324 = arith.addi %add3A_317, %add3A_323 : vector<16xi32>
        %get3A_325 = arith.constant 15 : i32
        %get3A_326 = arith.index_cast %get3A_325 : i32 to index
        %get3A_327 = arith.index_cast %multiple_of3A_216 : i32 to index
        %get3A_328 = tpu.vector_load %arg7[%get3A_326, %get3A_327] {strides = array<i32>} : memref<16x512xf32, #tpu.memory_space<vmem>>, vector<16xf32>,
        tpu.vector_store_idx %arg9[%add3A_220, %add3A_324], %get3A_328 : memref<64x128xf32, #tpu.memory_space<vmem>>[vector<16xi32>, vector<16xi32>], vector<16xf32>,
        %add3A_329 = arith.constant 1 : i32
        %add3A_330 = vector.broadcast %add3A_329 : i32 to vector<16xi32>
        %add3A_331 = arith.addi %add3A_324, %add3A_330 : vector<16xi32>
      }
      %scan3A_163 = arith.constant 32 : i32
      %mul3A_164 = arith.constant 4 : i32
      %mul3A_165 = arith.muli %add3A_136, %mul3A_164 : i32
      %mul3A_166 = arith.constant 16 : i32
      %mul3A_167 = arith.muli %mul3A_165, %mul3A_166 : i32
      %multiple_of3A_168 = tpu.assume_multiple %mul3A_167, 8 : i32
      %dma_start3A_169 = arith.constant 0 : i32
      %dma_start3A_170 = tpu.memref_slice %arg5[%multiple_of3A_168, %dma_start3A_169] : memref<125008x128xf32, #tpu.memory_space<hbm>> -> memref<64x128xf32, #tpu.memory_space<hbm>>
      %dma_start3A_171 = arith.constant 0 : i32
      %dma_start3A_172 = tpu.memref_slice %arg5[%multiple_of3A_168, %dma_start3A_171] : memref<125008x128xf32, #tpu.memory_space<hbm>> -> memref<64x128xf32, #tpu.memory_space<hbm>>
      tpu.enqueue_dma source(%arg9 : memref<64x128xf32, #tpu.memory_space<vmem>>) target(%dma_start3A_172 : memref<64x128xf32, #tpu.memory_space<hbm>>) target_semaphore(%arg15 : memref<!tpu.dma_semaphore, #tpu.memory_space<semaphore_mem>>)
      %dma_wait3A_173 = arith.constant 0 : i32
      %dma_wait3A_174 = arith.constant 0 : i32
      %dma_wait3A_175 = tpu.memref_slice %arg3[%dma_wait3A_173, %dma_wait3A_174] : memref<16x1000012xf32, #tpu.memory_space<hbm>> -> memref<16x512xf32, #tpu.memory_space<hbm>>
      %dma_wait3A_176 = arith.constant 0 : i32
      %dma_wait3A_177 = arith.constant 0 : i32
      %dma_wait3A_178 = tpu.memref_slice %arg3[%dma_wait3A_176, %dma_wait3A_177] : memref<16x1000012xf32, #tpu.memory_space<hbm>> -> memref<16x512xf32, #tpu.memory_space<hbm>>
      tpu.wait_dma2 semaphore(%arg14 : memref<!tpu.dma_semaphore, #tpu.memory_space<semaphore_mem>>) src(%dma_wait3A_178 : memref<16x512xf32, #tpu.memory_space<hbm>>) dst(%arg8 : memref<16x512xf32, #tpu.memory_space<vmem>>)
      %add3A_179 = arith.constant 2 : i32
      %add3A_180 = arith.addi %add3A_136, %add3A_179 : i32
      %min3A_181 = arith.minsi %add3A_180, %sub3A_85 : i32
      %mul3A_182 = arith.constant 4 : i32
      %mul3A_183 = arith.muli %min3A_181, %mul3A_182 : i32
      %mul3A_184 = arith.constant 128 : i32
      %mul3A_185 = arith.muli %mul3A_183, %mul3A_184 : i32
      %multiple_of3A_186 = tpu.assume_multiple %mul3A_185, 128 : i32
      %dma_start3A_187 = arith.constant 0 : i32
      %dma_start3A_188 = tpu.memref_slice %arg3[%dma_start3A_187, %multiple_of3A_186] : memref<16x1000012xf32, #tpu.memory_space<hbm>> -> memref<16x512xf32, #tpu.memory_space<hbm>>
      %dma_start3A_189 = arith.constant 0 : i32
      %dma_start3A_190 = tpu.memref_slice %arg3[%dma_start3A_189, %multiple_of3A_186] : memref<16x1000012xf32, #tpu.memory_space<hbm>> -> memref<16x512xf32, #tpu.memory_space<hbm>>
      tpu.enqueue_dma source(%dma_start3A_190 : memref<16x512xf32, #tpu.memory_space<hbm>>) target(%arg7 : memref<16x512xf32, #tpu.memory_space<vmem>>) target_semaphore(%arg13 : memref<!tpu.dma_semaphore, #tpu.memory_space<semaphore_mem>>)
      %gt3A_191 = arith.constant 0 : i32
      %gt3A_192 = arith.cmpi sgt, %while3A_133, %gt3A_191 : i32
      %convert_element_type3A_193 = arith.extui %gt3A_192 : i1 to i32
      %cond3A_194 = arith.constant 0 : i32
      %cond3A_195 = arith.cmpi ne, %convert_element_type3A_193, %cond3A_194 : i32
      scf.if %cond3A_195 {
        %dma_wait3A_213 = arith.constant 0 : i32
        %dma_wait3A_214 = arith.constant 0 : i32
        %dma_wait3A_215 = tpu.memref_slice %arg5[%dma_wait3A_213, %dma_wait3A_214] : memref<125008x128xf32, #tpu.memory_space<hbm>> -> memref<64x128xf32, #tpu.memory_space<hbm>>
        %dma_wait3A_216 = arith.constant 0 : i32
        %dma_wait3A_217 = arith.constant 0 : i32
        %dma_wait3A_218 = tpu.memref_slice %arg5[%dma_wait3A_216, %dma_wait3A_217] : memref<125008x128xf32, #tpu.memory_space<hbm>> -> memref<64x128xf32, #tpu.memory_space<hbm>>
        tpu.wait_dma2 semaphore(%arg16 : memref<!tpu.dma_semaphore, #tpu.memory_space<semaphore_mem>>) src(%arg10 : memref<64x128xf32, #tpu.memory_space<vmem>>) dst(%dma_wait3A_218 : memref<64x128xf32, #tpu.memory_space<hbm>>)
      } else {
      }
      %scan3A_196 = arith.constant 0 : i32
      %scan3A_197 = arith.constant 0 : i32
      %scan3A_198 = arith.constant 32 : i32
      %scan3A_199 = arith.addi %scan3A_197, %scan3A_198 : i32
      %scan3A_200 = arith.constant 1 : i32
      scf.for %scan3A_213 = %scan3A_197 to %scan3A_199 step %scan3A_200  : i32 {
        %mul3A_214 = arith.constant 16 : i32
        %mul3A_215 = arith.muli %scan3A_213, %mul3A_214 : i32
        %multiple_of3A_216 = tpu.assume_multiple %mul3A_215, 16 : i32
        %mul3A_217 = arith.constant 2 : i32
        %mul3A_218 = arith.muli %scan3A_213, %mul3A_217 : i32
        %add3A_219 = vector.broadcast %mul3A_218 : i32 to vector<16xi32>
        %add3A_220 = arith.addi %select_n3A, %add3A_219 : vector<16xi32>
        %get3A = arith.constant 0 : i32
        %get3A_221 = arith.index_cast %get3A : i32 to index
        %get3A_222 = arith.index_cast %multiple_of3A_216 : i32 to index
        %get3A_223 = tpu.vector_load %arg8[%get3A_221, %get3A_222] {strides = array<i32>} : memref<16x512xf32, #tpu.memory_space<vmem>>, vector<16xf32>,
        tpu.vector_store_idx %arg10[%add3A_220, %mul3A_46], %get3A_223 : memref<64x128xf32, #tpu.memory_space<vmem>>[vector<16xi32>, vector<16xi32>], vector<16xf32>,
        %add3A_224 = arith.constant 1 : i32
        %add3A_225 = vector.broadcast %add3A_224 : i32 to vector<16xi32>
        %add3A_226 = arith.addi %mul3A_46, %add3A_225 : vector<16xi32>
        %get3A_227 = arith.constant 1 : i32
        %get3A_228 = arith.index_cast %get3A_227 : i32 to index
        %get3A_229 = arith.index_cast %multiple_of3A_216 : i32 to index
        %get3A_230 = tpu.vector_load %arg8[%get3A_228, %get3A_229] {strides = array<i32>} : memref<16x512xf32, #tpu.memory_space<vmem>>, vector<16xf32>,
        tpu.vector_store_idx %arg10[%add3A_220, %add3A_226], %get3A_230 : memref<64x128xf32, #tpu.memory_space<vmem>>[vector<16xi32>, vector<16xi32>], vector<16xf32>,
        %add3A_231 = arith.constant 1 : i32
        %add3A_232 = vector.broadcast %add3A_231 : i32 to vector<16xi32>
        %add3A_233 = arith.addi %add3A_226, %add3A_232 : vector<16xi32>
        %get3A_234 = arith.constant 2 : i32
        %get3A_235 = arith.index_cast %get3A_234 : i32 to index
        %get3A_236 = arith.index_cast %multiple_of3A_216 : i32 to index
        %get3A_237 = tpu.vector_load %arg8[%get3A_235, %get3A_236] {strides = array<i32>} : memref<16x512xf32, #tpu.memory_space<vmem>>, vector<16xf32>,
        tpu.vector_store_idx %arg10[%add3A_220, %add3A_233], %get3A_237 : memref<64x128xf32, #tpu.memory_space<vmem>>[vector<16xi32>, vector<16xi32>], vector<16xf32>,
        %add3A_238 = arith.constant 1 : i32
        %add3A_239 = vector.broadcast %add3A_238 : i32 to vector<16xi32>
        %add3A_240 = arith.addi %add3A_233, %add3A_239 : vector<16xi32>
        %get3A_241 = arith.constant 3 : i32
        %get3A_242 = arith.index_cast %get3A_241 : i32 to index
        %get3A_243 = arith.index_cast %multiple_of3A_216 : i32 to index
        %get3A_244 = tpu.vector_load %arg8[%get3A_242, %get3A_243] {strides = array<i32>} : memref<16x512xf32, #tpu.memory_space<vmem>>, vector<16xf32>,
        tpu.vector_store_idx %arg10[%add3A_220, %add3A_240], %get3A_244 : memref<64x128xf32, #tpu.memory_space<vmem>>[vector<16xi32>, vector<16xi32>], vector<16xf32>,
        %add3A_245 = arith.constant 1 : i32
        %add3A_246 = vector.broadcast %add3A_245 : i32 to vector<16xi32>
        %add3A_247 = arith.addi %add3A_240, %add3A_246 : vector<16xi32>
        %get3A_248 = arith.constant 4 : i32
        %get3A_249 = arith.index_cast %get3A_248 : i32 to index
        %get3A_250 = arith.index_cast %multiple_of3A_216 : i32 to index
        %get3A_251 = tpu.vector_load %arg8[%get3A_249, %get3A_250] {strides = array<i32>} : memref<16x512xf32, #tpu.memory_space<vmem>>, vector<16xf32>,
        tpu.vector_store_idx %arg10[%add3A_220, %add3A_247], %get3A_251 : memref<64x128xf32, #tpu.memory_space<vmem>>[vector<16xi32>, vector<16xi32>], vector<16xf32>,
        %add3A_252 = arith.constant 1 : i32
        %add3A_253 = vector.broadcast %add3A_252 : i32 to vector<16xi32>
        %add3A_254 = arith.addi %add3A_247, %add3A_253 : vector<16xi32>
        %get3A_255 = arith.constant 5 : i32
        %get3A_256 = arith.index_cast %get3A_255 : i32 to index
        %get3A_257 = arith.index_cast %multiple_of3A_216 : i32 to index
        %get3A_258 = tpu.vector_load %arg8[%get3A_256, %get3A_257] {strides = array<i32>} : memref<16x512xf32, #tpu.memory_space<vmem>>, vector<16xf32>,
        tpu.vector_store_idx %arg10[%add3A_220, %add3A_254], %get3A_258 : memref<64x128xf32, #tpu.memory_space<vmem>>[vector<16xi32>, vector<16xi32>], vector<16xf32>,
        %add3A_259 = arith.constant 1 : i32
        %add3A_260 = vector.broadcast %add3A_259 : i32 to vector<16xi32>
        %add3A_261 = arith.addi %add3A_254, %add3A_260 : vector<16xi32>
        %get3A_262 = arith.constant 6 : i32
        %get3A_263 = arith.index_cast %get3A_262 : i32 to index
        %get3A_264 = arith.index_cast %multiple_of3A_216 : i32 to index
        %get3A_265 = tpu.vector_load %arg8[%get3A_263, %get3A_264] {strides = array<i32>} : memref<16x512xf32, #tpu.memory_space<vmem>>, vector<16xf32>,
        tpu.vector_store_idx %arg10[%add3A_220, %add3A_261], %get3A_265 : memref<64x128xf32, #tpu.memory_space<vmem>>[vector<16xi32>, vector<16xi32>], vector<16xf32>,
        %add3A_266 = arith.constant 1 : i32
        %add3A_267 = vector.broadcast %add3A_266 : i32 to vector<16xi32>
        %add3A_268 = arith.addi %add3A_261, %add3A_267 : vector<16xi32>
        %get3A_269 = arith.constant 7 : i32
        %get3A_270 = arith.index_cast %get3A_269 : i32 to index
        %get3A_271 = arith.index_cast %multiple_of3A_216 : i32 to index
        %get3A_272 = tpu.vector_load %arg8[%get3A_270, %get3A_271] {strides = array<i32>} : memref<16x512xf32, #tpu.memory_space<vmem>>, vector<16xf32>,
        tpu.vector_store_idx %arg10[%add3A_220, %add3A_268], %get3A_272 : memref<64x128xf32, #tpu.memory_space<vmem>>[vector<16xi32>, vector<16xi32>], vector<16xf32>,
        %add3A_273 = arith.constant 1 : i32
        %add3A_274 = vector.broadcast %add3A_273 : i32 to vector<16xi32>
        %add3A_275 = arith.addi %add3A_268, %add3A_274 : vector<16xi32>
        %get3A_276 = arith.constant 8 : i32
        %get3A_277 = arith.index_cast %get3A_276 : i32 to index
        %get3A_278 = arith.index_cast %multiple_of3A_216 : i32 to index
        %get3A_279 = tpu.vector_load %arg8[%get3A_277, %get3A_278] {strides = array<i32>} : memref<16x512xf32, #tpu.memory_space<vmem>>, vector<16xf32>,
        tpu.vector_store_idx %arg10[%add3A_220, %add3A_275], %get3A_279 : memref<64x128xf32, #tpu.memory_space<vmem>>[vector<16xi32>, vector<16xi32>], vector<16xf32>,
        %add3A_280 = arith.constant 1 : i32
        %add3A_281 = vector.broadcast %add3A_280 : i32 to vector<16xi32>
        %add3A_282 = arith.addi %add3A_275, %add3A_281 : vector<16xi32>
        %get3A_283 = arith.constant 9 : i32
        %get3A_284 = arith.index_cast %get3A_283 : i32 to index
        %get3A_285 = arith.index_cast %multiple_of3A_216 : i32 to index
        %get3A_286 = tpu.vector_load %arg8[%get3A_284, %get3A_285] {strides = array<i32>} : memref<16x512xf32, #tpu.memory_space<vmem>>, vector<16xf32>,
        tpu.vector_store_idx %arg10[%add3A_220, %add3A_282], %get3A_286 : memref<64x128xf32, #tpu.memory_space<vmem>>[vector<16xi32>, vector<16xi32>], vector<16xf32>,
        %add3A_287 = arith.constant 1 : i32
        %add3A_288 = vector.broadcast %add3A_287 : i32 to vector<16xi32>
        %add3A_289 = arith.addi %add3A_282, %add3A_288 : vector<16xi32>
        %get3A_290 = arith.constant 10 : i32
        %get3A_291 = arith.index_cast %get3A_290 : i32 to index
        %get3A_292 = arith.index_cast %multiple_of3A_216 : i32 to index
        %get3A_293 = tpu.vector_load %arg8[%get3A_291, %get3A_292] {strides = array<i32>} : memref<16x512xf32, #tpu.memory_space<vmem>>, vector<16xf32>,
        tpu.vector_store_idx %arg10[%add3A_220, %add3A_289], %get3A_293 : memref<64x128xf32, #tpu.memory_space<vmem>>[vector<16xi32>, vector<16xi32>], vector<16xf32>,
        %add3A_294 = arith.constant 1 : i32
        %add3A_295 = vector.broadcast %add3A_294 : i32 to vector<16xi32>
        %add3A_296 = arith.addi %add3A_289, %add3A_295 : vector<16xi32>
        %get3A_297 = arith.constant 11 : i32
        %get3A_298 = arith.index_cast %get3A_297 : i32 to index
        %get3A_299 = arith.index_cast %multiple_of3A_216 : i32 to index
        %get3A_300 = tpu.vector_load %arg8[%get3A_298, %get3A_299] {strides = array<i32>} : memref<16x512xf32, #tpu.memory_space<vmem>>, vector<16xf32>,
        tpu.vector_store_idx %arg10[%add3A_220, %add3A_296], %get3A_300 : memref<64x128xf32, #tpu.memory_space<vmem>>[vector<16xi32>, vector<16xi32>], vector<16xf32>,
        %add3A_301 = arith.constant 1 : i32
        %add3A_302 = vector.broadcast %add3A_301 : i32 to vector<16xi32>
        %add3A_303 = arith.addi %add3A_296, %add3A_302 : vector<16xi32>
        %get3A_304 = arith.constant 12 : i32
        %get3A_305 = arith.index_cast %get3A_304 : i32 to index
        %get3A_306 = arith.index_cast %multiple_of3A_216 : i32 to index
        %get3A_307 = tpu.vector_load %arg8[%get3A_305, %get3A_306] {strides = array<i32>} : memref<16x512xf32, #tpu.memory_space<vmem>>, vector<16xf32>,
        tpu.vector_store_idx %arg10[%add3A_220, %add3A_303], %get3A_307 : memref<64x128xf32, #tpu.memory_space<vmem>>[vector<16xi32>, vector<16xi32>], vector<16xf32>,
        %add3A_308 = arith.constant 1 : i32
        %add3A_309 = vector.broadcast %add3A_308 : i32 to vector<16xi32>
        %add3A_310 = arith.addi %add3A_303, %add3A_309 : vector<16xi32>
        %get3A_311 = arith.constant 13 : i32
        %get3A_312 = arith.index_cast %get3A_311 : i32 to index
        %get3A_313 = arith.index_cast %multiple_of3A_216 : i32 to index
        %get3A_314 = tpu.vector_load %arg8[%get3A_312, %get3A_313] {strides = array<i32>} : memref<16x512xf32, #tpu.memory_space<vmem>>, vector<16xf32>,
        tpu.vector_store_idx %arg10[%add3A_220, %add3A_310], %get3A_314 : memref<64x128xf32, #tpu.memory_space<vmem>>[vector<16xi32>, vector<16xi32>], vector<16xf32>,
        %add3A_315 = arith.constant 1 : i32
        %add3A_316 = vector.broadcast %add3A_315 : i32 to vector<16xi32>
        %add3A_317 = arith.addi %add3A_310, %add3A_316 : vector<16xi32>
        %get3A_318 = arith.constant 14 : i32
        %get3A_319 = arith.index_cast %get3A_318 : i32 to index
        %get3A_320 = arith.index_cast %multiple_of3A_216 : i32 to index
        %get3A_321 = tpu.vector_load %arg8[%get3A_319, %get3A_320] {strides = array<i32>} : memref<16x512xf32, #tpu.memory_space<vmem>>, vector<16xf32>,
        tpu.vector_store_idx %arg10[%add3A_220, %add3A_317], %get3A_321 : memref<64x128xf32, #tpu.memory_space<vmem>>[vector<16xi32>, vector<16xi32>], vector<16xf32>,
        %add3A_322 = arith.constant 1 : i32
        %add3A_323 = vector.broadcast %add3A_322 : i32 to vector<16xi32>
        %add3A_324 = arith.addi %add3A_317, %add3A_323 : vector<16xi32>
        %get3A_325 = arith.constant 15 : i32
        %get3A_326 = arith.index_cast %get3A_325 : i32 to index
        %get3A_327 = arith.index_cast %multiple_of3A_216 : i32 to index
        %get3A_328 = tpu.vector_load %arg8[%get3A_326, %get3A_327] {strides = array<i32>} : memref<16x512xf32, #tpu.memory_space<vmem>>, vector<16xf32>,
        tpu.vector_store_idx %arg10[%add3A_220, %add3A_324], %get3A_328 : memref<64x128xf32, #tpu.memory_space<vmem>>[vector<16xi32>, vector<16xi32>], vector<16xf32>,
        %add3A_329 = arith.constant 1 : i32
        %add3A_330 = vector.broadcast %add3A_329 : i32 to vector<16xi32>
        %add3A_331 = arith.addi %add3A_324, %add3A_330 : vector<16xi32>
      }
      %scan3A_201 = arith.constant 32 : i32
      %add3A_202 = arith.constant 1 : i32
      %add3A_203 = arith.addi %add3A_136, %add3A_202 : i32
      %mul3A_204 = arith.constant 4 : i32
      %mul3A_205 = arith.muli %add3A_203, %mul3A_204 : i32
      %mul3A_206 = arith.constant 16 : i32
      %mul3A_207 = arith.muli %mul3A_205, %mul3A_206 : i32
      %multiple_of3A_208 = tpu.assume_multiple %mul3A_207, 8 : i32
      %dma_start3A_209 = arith.constant 0 : i32
      %dma_start3A_210 = tpu.memref_slice %arg5[%multiple_of3A_208, %dma_start3A_209] : memref<125008x128xf32, #tpu.memory_space<hbm>> -> memref<64x128xf32, #tpu.memory_space<hbm>>
      %dma_start3A_211 = arith.constant 0 : i32
      %dma_start3A_212 = tpu.memref_slice %arg5[%multiple_of3A_208, %dma_start3A_211] : memref<125008x128xf32, #tpu.memory_space<hbm>> -> memref<64x128xf32, #tpu.memory_space<hbm>>
      tpu.enqueue_dma source(%arg10 : memref<64x128xf32, #tpu.memory_space<vmem>>) target(%dma_start3A_212 : memref<64x128xf32, #tpu.memory_space<hbm>>) target_semaphore(%arg16 : memref<!tpu.dma_semaphore, #tpu.memory_space<semaphore_mem>>)
    }
    %dma_wait3A = arith.constant 0 : i32
    %dma_wait3A_102 = arith.constant 0 : i32
    %dma_wait3A_103 = tpu.memref_slice %arg3[%dma_wait3A, %dma_wait3A_102] : memref<16x1000012xf32, #tpu.memory_space<hbm>> -> memref<16x512xf32, #tpu.memory_space<hbm>>
    %dma_wait3A_104 = arith.constant 0 : i32
    %dma_wait3A_105 = arith.constant 0 : i32
    %dma_wait3A_106 = tpu.memref_slice %arg3[%dma_wait3A_104, %dma_wait3A_105] : memref<16x1000012xf32, #tpu.memory_space<hbm>> -> memref<16x512xf32, #tpu.memory_space<hbm>>
    tpu.wait_dma2 semaphore(%arg13 : memref<!tpu.dma_semaphore, #tpu.memory_space<semaphore_mem>>) src(%dma_wait3A_106 : memref<16x512xf32, #tpu.memory_space<hbm>>) dst(%arg7 : memref<16x512xf32, #tpu.memory_space<vmem>>)
    %eq3A_107 = arith.constant 1 : i32
    %eq3A_108 = arith.cmpi eq, %sub3A_82, %eq3A_107 : i32
    %convert_element_type3A = arith.extui %eq3A_108 : i1 to i32
    %cond3A = arith.constant 0 : i32
    %cond3A_109 = arith.cmpi ne, %convert_element_type3A, %cond3A : i32
    scf.if %cond3A_109 {
      %dma_wait3A_133 = arith.constant 0 : i32
      %dma_wait3A_134 = arith.constant 0 : i32
      %dma_wait3A_135 = tpu.memref_slice %arg5[%dma_wait3A_133, %dma_wait3A_134] : memref<125008x128xf32, #tpu.memory_space<hbm>> -> memref<64x128xf32, #tpu.memory_space<hbm>>
      %dma_wait3A_136 = arith.constant 0 : i32
      %dma_wait3A_137 = arith.constant 0 : i32
      %dma_wait3A_138 = tpu.memref_slice %arg5[%dma_wait3A_136, %dma_wait3A_137] : memref<125008x128xf32, #tpu.memory_space<hbm>> -> memref<64x128xf32, #tpu.memory_space<hbm>>
      tpu.wait_dma2 semaphore(%arg15 : memref<!tpu.dma_semaphore, #tpu.memory_space<semaphore_mem>>) src(%arg9 : memref<64x128xf32, #tpu.memory_space<vmem>>) dst(%dma_wait3A_138 : memref<64x128xf32, #tpu.memory_space<hbm>>)
      %scan3A_139 = arith.constant 0 : i32
      %scan3A_140 = arith.constant 0 : i32
      %scan3A_141 = arith.constant 32 : i32
      %scan3A_142 = arith.addi %scan3A_140, %scan3A_141 : i32
      %scan3A_143 = arith.constant 1 : i32
      scf.for %scan3A_154 = %scan3A_140 to %scan3A_142 step %scan3A_143  : i32 {
        %mul3A_155 = arith.constant 16 : i32
        %mul3A_156 = arith.muli %scan3A_154, %mul3A_155 : i32
        %multiple_of3A_157 = tpu.assume_multiple %mul3A_156, 16 : i32
        %mul3A_158 = arith.constant 2 : i32
        %mul3A_159 = arith.muli %scan3A_154, %mul3A_158 : i32
        %add3A_160 = vector.broadcast %mul3A_159 : i32 to vector<16xi32>
        %add3A_161 = arith.addi %select_n3A, %add3A_160 : vector<16xi32>
        %get3A = arith.constant 0 : i32
        %get3A_162 = arith.index_cast %get3A : i32 to index
        %get3A_163 = arith.index_cast %multiple_of3A_157 : i32 to index
        %get3A_164 = tpu.vector_load %arg7[%get3A_162, %get3A_163] {strides = array<i32>} : memref<16x512xf32, #tpu.memory_space<vmem>>, vector<16xf32>,
        tpu.vector_store_idx %arg9[%add3A_161, %mul3A_46], %get3A_164 : memref<64x128xf32, #tpu.memory_space<vmem>>[vector<16xi32>, vector<16xi32>], vector<16xf32>,
        %add3A_165 = arith.constant 1 : i32
        %add3A_166 = vector.broadcast %add3A_165 : i32 to vector<16xi32>
        %add3A_167 = arith.addi %mul3A_46, %add3A_166 : vector<16xi32>
        %get3A_168 = arith.constant 1 : i32
        %get3A_169 = arith.index_cast %get3A_168 : i32 to index
        %get3A_170 = arith.index_cast %multiple_of3A_157 : i32 to index
        %get3A_171 = tpu.vector_load %arg7[%get3A_169, %get3A_170] {strides = array<i32>} : memref<16x512xf32, #tpu.memory_space<vmem>>, vector<16xf32>,
        tpu.vector_store_idx %arg9[%add3A_161, %add3A_167], %get3A_171 : memref<64x128xf32, #tpu.memory_space<vmem>>[vector<16xi32>, vector<16xi32>], vector<16xf32>,
        %add3A_172 = arith.constant 1 : i32
        %add3A_173 = vector.broadcast %add3A_172 : i32 to vector<16xi32>
        %add3A_174 = arith.addi %add3A_167, %add3A_173 : vector<16xi32>
        %get3A_175 = arith.constant 2 : i32
        %get3A_176 = arith.index_cast %get3A_175 : i32 to index
        %get3A_177 = arith.index_cast %multiple_of3A_157 : i32 to index
        %get3A_178 = tpu.vector_load %arg7[%get3A_176, %get3A_177] {strides = array<i32>} : memref<16x512xf32, #tpu.memory_space<vmem>>, vector<16xf32>,
        tpu.vector_store_idx %arg9[%add3A_161, %add3A_174], %get3A_178 : memref<64x128xf32, #tpu.memory_space<vmem>>[vector<16xi32>, vector<16xi32>], vector<16xf32>,
        %add3A_179 = arith.constant 1 : i32
        %add3A_180 = vector.broadcast %add3A_179 : i32 to vector<16xi32>
        %add3A_181 = arith.addi %add3A_174, %add3A_180 : vector<16xi32>
        %get3A_182 = arith.constant 3 : i32
        %get3A_183 = arith.index_cast %get3A_182 : i32 to index
        %get3A_184 = arith.index_cast %multiple_of3A_157 : i32 to index
        %get3A_185 = tpu.vector_load %arg7[%get3A_183, %get3A_184] {strides = array<i32>} : memref<16x512xf32, #tpu.memory_space<vmem>>, vector<16xf32>,
        tpu.vector_store_idx %arg9[%add3A_161, %add3A_181], %get3A_185 : memref<64x128xf32, #tpu.memory_space<vmem>>[vector<16xi32>, vector<16xi32>], vector<16xf32>,
        %add3A_186 = arith.constant 1 : i32
        %add3A_187 = vector.broadcast %add3A_186 : i32 to vector<16xi32>
        %add3A_188 = arith.addi %add3A_181, %add3A_187 : vector<16xi32>
        %get3A_189 = arith.constant 4 : i32
        %get3A_190 = arith.index_cast %get3A_189 : i32 to index
        %get3A_191 = arith.index_cast %multiple_of3A_157 : i32 to index
        %get3A_192 = tpu.vector_load %arg7[%get3A_190, %get3A_191] {strides = array<i32>} : memref<16x512xf32, #tpu.memory_space<vmem>>, vector<16xf32>,
        tpu.vector_store_idx %arg9[%add3A_161, %add3A_188], %get3A_192 : memref<64x128xf32, #tpu.memory_space<vmem>>[vector<16xi32>, vector<16xi32>], vector<16xf32>,
        %add3A_193 = arith.constant 1 : i32
        %add3A_194 = vector.broadcast %add3A_193 : i32 to vector<16xi32>
        %add3A_195 = arith.addi %add3A_188, %add3A_194 : vector<16xi32>
        %get3A_196 = arith.constant 5 : i32
        %get3A_197 = arith.index_cast %get3A_196 : i32 to index
        %get3A_198 = arith.index_cast %multiple_of3A_157 : i32 to index
        %get3A_199 = tpu.vector_load %arg7[%get3A_197, %get3A_198] {strides = array<i32>} : memref<16x512xf32, #tpu.memory_space<vmem>>, vector<16xf32>,
        tpu.vector_store_idx %arg9[%add3A_161, %add3A_195], %get3A_199 : memref<64x128xf32, #tpu.memory_space<vmem>>[vector<16xi32>, vector<16xi32>], vector<16xf32>,
        %add3A_200 = arith.constant 1 : i32
        %add3A_201 = vector.broadcast %add3A_200 : i32 to vector<16xi32>
        %add3A_202 = arith.addi %add3A_195, %add3A_201 : vector<16xi32>
        %get3A_203 = arith.constant 6 : i32
        %get3A_204 = arith.index_cast %get3A_203 : i32 to index
        %get3A_205 = arith.index_cast %multiple_of3A_157 : i32 to index
        %get3A_206 = tpu.vector_load %arg7[%get3A_204, %get3A_205] {strides = array<i32>} : memref<16x512xf32, #tpu.memory_space<vmem>>, vector<16xf32>,
        tpu.vector_store_idx %arg9[%add3A_161, %add3A_202], %get3A_206 : memref<64x128xf32, #tpu.memory_space<vmem>>[vector<16xi32>, vector<16xi32>], vector<16xf32>,
        %add3A_207 = arith.constant 1 : i32
        %add3A_208 = vector.broadcast %add3A_207 : i32 to vector<16xi32>
        %add3A_209 = arith.addi %add3A_202, %add3A_208 : vector<16xi32>
        %get3A_210 = arith.constant 7 : i32
        %get3A_211 = arith.index_cast %get3A_210 : i32 to index
        %get3A_212 = arith.index_cast %multiple_of3A_157 : i32 to index
        %get3A_213 = tpu.vector_load %arg7[%get3A_211, %get3A_212] {strides = array<i32>} : memref<16x512xf32, #tpu.memory_space<vmem>>, vector<16xf32>,
        tpu.vector_store_idx %arg9[%add3A_161, %add3A_209], %get3A_213 : memref<64x128xf32, #tpu.memory_space<vmem>>[vector<16xi32>, vector<16xi32>], vector<16xf32>,
        %add3A_214 = arith.constant 1 : i32
        %add3A_215 = vector.broadcast %add3A_214 : i32 to vector<16xi32>
        %add3A_216 = arith.addi %add3A_209, %add3A_215 : vector<16xi32>
        %get3A_217 = arith.constant 8 : i32
        %get3A_218 = arith.index_cast %get3A_217 : i32 to index
        %get3A_219 = arith.index_cast %multiple_of3A_157 : i32 to index
        %get3A_220 = tpu.vector_load %arg7[%get3A_218, %get3A_219] {strides = array<i32>} : memref<16x512xf32, #tpu.memory_space<vmem>>, vector<16xf32>,
        tpu.vector_store_idx %arg9[%add3A_161, %add3A_216], %get3A_220 : memref<64x128xf32, #tpu.memory_space<vmem>>[vector<16xi32>, vector<16xi32>], vector<16xf32>,
        %add3A_221 = arith.constant 1 : i32
        %add3A_222 = vector.broadcast %add3A_221 : i32 to vector<16xi32>
        %add3A_223 = arith.addi %add3A_216, %add3A_222 : vector<16xi32>
        %get3A_224 = arith.constant 9 : i32
        %get3A_225 = arith.index_cast %get3A_224 : i32 to index
        %get3A_226 = arith.index_cast %multiple_of3A_157 : i32 to index
        %get3A_227 = tpu.vector_load %arg7[%get3A_225, %get3A_226] {strides = array<i32>} : memref<16x512xf32, #tpu.memory_space<vmem>>, vector<16xf32>,
        tpu.vector_store_idx %arg9[%add3A_161, %add3A_223], %get3A_227 : memref<64x128xf32, #tpu.memory_space<vmem>>[vector<16xi32>, vector<16xi32>], vector<16xf32>,
        %add3A_228 = arith.constant 1 : i32
        %add3A_229 = vector.broadcast %add3A_228 : i32 to vector<16xi32>
        %add3A_230 = arith.addi %add3A_223, %add3A_229 : vector<16xi32>
        %get3A_231 = arith.constant 10 : i32
        %get3A_232 = arith.index_cast %get3A_231 : i32 to index
        %get3A_233 = arith.index_cast %multiple_of3A_157 : i32 to index
        %get3A_234 = tpu.vector_load %arg7[%get3A_232, %get3A_233] {strides = array<i32>} : memref<16x512xf32, #tpu.memory_space<vmem>>, vector<16xf32>,
        tpu.vector_store_idx %arg9[%add3A_161, %add3A_230], %get3A_234 : memref<64x128xf32, #tpu.memory_space<vmem>>[vector<16xi32>, vector<16xi32>], vector<16xf32>,
        %add3A_235 = arith.constant 1 : i32
        %add3A_236 = vector.broadcast %add3A_235 : i32 to vector<16xi32>
        %add3A_237 = arith.addi %add3A_230, %add3A_236 : vector<16xi32>
        %get3A_238 = arith.constant 11 : i32
        %get3A_239 = arith.index_cast %get3A_238 : i32 to index
        %get3A_240 = arith.index_cast %multiple_of3A_157 : i32 to index
        %get3A_241 = tpu.vector_load %arg7[%get3A_239, %get3A_240] {strides = array<i32>} : memref<16x512xf32, #tpu.memory_space<vmem>>, vector<16xf32>,
        tpu.vector_store_idx %arg9[%add3A_161, %add3A_237], %get3A_241 : memref<64x128xf32, #tpu.memory_space<vmem>>[vector<16xi32>, vector<16xi32>], vector<16xf32>,
        %add3A_242 = arith.constant 1 : i32
        %add3A_243 = vector.broadcast %add3A_242 : i32 to vector<16xi32>
        %add3A_244 = arith.addi %add3A_237, %add3A_243 : vector<16xi32>
        %get3A_245 = arith.constant 12 : i32
        %get3A_246 = arith.index_cast %get3A_245 : i32 to index
        %get3A_247 = arith.index_cast %multiple_of3A_157 : i32 to index
        %get3A_248 = tpu.vector_load %arg7[%get3A_246, %get3A_247] {strides = array<i32>} : memref<16x512xf32, #tpu.memory_space<vmem>>, vector<16xf32>,
        tpu.vector_store_idx %arg9[%add3A_161, %add3A_244], %get3A_248 : memref<64x128xf32, #tpu.memory_space<vmem>>[vector<16xi32>, vector<16xi32>], vector<16xf32>,
        %add3A_249 = arith.constant 1 : i32
        %add3A_250 = vector.broadcast %add3A_249 : i32 to vector<16xi32>
        %add3A_251 = arith.addi %add3A_244, %add3A_250 : vector<16xi32>
        %get3A_252 = arith.constant 13 : i32
        %get3A_253 = arith.index_cast %get3A_252 : i32 to index
        %get3A_254 = arith.index_cast %multiple_of3A_157 : i32 to index
        %get3A_255 = tpu.vector_load %arg7[%get3A_253, %get3A_254] {strides = array<i32>} : memref<16x512xf32, #tpu.memory_space<vmem>>, vector<16xf32>,
        tpu.vector_store_idx %arg9[%add3A_161, %add3A_251], %get3A_255 : memref<64x128xf32, #tpu.memory_space<vmem>>[vector<16xi32>, vector<16xi32>], vector<16xf32>,
        %add3A_256 = arith.constant 1 : i32
        %add3A_257 = vector.broadcast %add3A_256 : i32 to vector<16xi32>
        %add3A_258 = arith.addi %add3A_251, %add3A_257 : vector<16xi32>
        %get3A_259 = arith.constant 14 : i32
        %get3A_260 = arith.index_cast %get3A_259 : i32 to index
        %get3A_261 = arith.index_cast %multiple_of3A_157 : i32 to index
        %get3A_262 = tpu.vector_load %arg7[%get3A_260, %get3A_261] {strides = array<i32>} : memref<16x512xf32, #tpu.memory_space<vmem>>, vector<16xf32>,
        tpu.vector_store_idx %arg9[%add3A_161, %add3A_258], %get3A_262 : memref<64x128xf32, #tpu.memory_space<vmem>>[vector<16xi32>, vector<16xi32>], vector<16xf32>,
        %add3A_263 = arith.constant 1 : i32
        %add3A_264 = vector.broadcast %add3A_263 : i32 to vector<16xi32>
        %add3A_265 = arith.addi %add3A_258, %add3A_264 : vector<16xi32>
        %get3A_266 = arith.constant 15 : i32
        %get3A_267 = arith.index_cast %get3A_266 : i32 to index
        %get3A_268 = arith.index_cast %multiple_of3A_157 : i32 to index
        %get3A_269 = tpu.vector_load %arg7[%get3A_267, %get3A_268] {strides = array<i32>} : memref<16x512xf32, #tpu.memory_space<vmem>>, vector<16xf32>,
        tpu.vector_store_idx %arg9[%add3A_161, %add3A_265], %get3A_269 : memref<64x128xf32, #tpu.memory_space<vmem>>[vector<16xi32>, vector<16xi32>], vector<16xf32>,
        %add3A_270 = arith.constant 1 : i32
        %add3A_271 = vector.broadcast %add3A_270 : i32 to vector<16xi32>
        %add3A_272 = arith.addi %add3A_265, %add3A_271 : vector<16xi32>
      }
      %scan3A_144 = arith.constant 32 : i32
      %mul3A_145 = arith.constant 4 : i32
      %mul3A_146 = arith.muli %sub3A_85, %mul3A_145 : i32
      %mul3A_147 = arith.constant 16 : i32
      %mul3A_148 = arith.muli %mul3A_146, %mul3A_147 : i32
      %multiple_of3A_149 = tpu.assume_multiple %mul3A_148, 8 : i32
      %dma_start3A_150 = arith.constant 0 : i32
      %dma_start3A_151 = tpu.memref_slice %arg5[%multiple_of3A_149, %dma_start3A_150] : memref<125008x128xf32, #tpu.memory_space<hbm>> -> memref<64x128xf32, #tpu.memory_space<hbm>>
      %dma_start3A_152 = arith.constant 0 : i32
      %dma_start3A_153 = tpu.memref_slice %arg5[%multiple_of3A_149, %dma_start3A_152] : memref<125008x128xf32, #tpu.memory_space<hbm>> -> memref<64x128xf32, #tpu.memory_space<hbm>>
      tpu.enqueue_dma source(%arg9 : memref<64x128xf32, #tpu.memory_space<vmem>>) target(%dma_start3A_153 : memref<64x128xf32, #tpu.memory_space<hbm>>) target_semaphore(%arg15 : memref<!tpu.dma_semaphore, #tpu.memory_space<semaphore_mem>>)
    } else {
    }
    %dma_wait3A_110 = arith.constant 0 : i32
    %dma_wait3A_111 = arith.constant 0 : i32
    %dma_wait3A_112 = tpu.memref_slice %arg5[%dma_wait3A_110, %dma_wait3A_111] : memref<125008x128xf32, #tpu.memory_space<hbm>> -> memref<64x128xf32, #tpu.memory_space<hbm>>
    %dma_wait3A_113 = arith.constant 0 : i32
    %dma_wait3A_114 = arith.constant 0 : i32
    %dma_wait3A_115 = tpu.memref_slice %arg5[%dma_wait3A_113, %dma_wait3A_114] : memref<125008x128xf32, #tpu.memory_space<hbm>> -> memref<64x128xf32, #tpu.memory_space<hbm>>
    tpu.wait_dma2 semaphore(%arg15 : memref<!tpu.dma_semaphore, #tpu.memory_space<semaphore_mem>>) src(%arg9 : memref<64x128xf32, #tpu.memory_space<vmem>>) dst(%dma_wait3A_115 : memref<64x128xf32, #tpu.memory_space<hbm>>)
    %dma_wait3A_116 = arith.constant 0 : i32
    %dma_wait3A_117 = arith.constant 0 : i32
    %dma_wait3A_118 = tpu.memref_slice %arg5[%dma_wait3A_116, %dma_wait3A_117] : memref<125008x128xf32, #tpu.memory_space<hbm>> -> memref<64x128xf32, #tpu.memory_space<hbm>>
    %dma_wait3A_119 = arith.constant 0 : i32
    %dma_wait3A_120 = arith.constant 0 : i32
    %dma_wait3A_121 = tpu.memref_slice %arg5[%dma_wait3A_119, %dma_wait3A_120] : memref<125008x128xf32, #tpu.memory_space<hbm>> -> memref<64x128xf32, #tpu.memory_space<hbm>>
    tpu.wait_dma2 semaphore(%arg16 : memref<!tpu.dma_semaphore, #tpu.memory_space<semaphore_mem>>) src(%arg10 : memref<64x128xf32, #tpu.memory_space<vmem>>) dst(%dma_wait3A_121 : memref<64x128xf32, #tpu.memory_space<hbm>>)
    %eq3A_122 = arith.constant 31 : i32
    %eq3A_123 = arith.cmpi eq, %add3A, %eq3A_122 : i32
    %convert_element_type3A_124 = arith.extui %eq3A_123 : i1 to i32
    %cond3A_125 = arith.constant 0 : i32
    %cond3A_126 = arith.cmpi ne, %convert_element_type3A_124, %cond3A_125 : i32
    scf.if %cond3A_126 {
      "tpu.region"() ({
        %run_scoped3A = tpu.sem_alloc : memref<!tpu.dma_semaphore, #tpu.memory_space<semaphore_mem>>
        %dma_start3A_139 = arith.constant 0 : i32
        %dma_start3A_140 = arith.constant 0 : i32
        %dma_start3A_141 = tpu.memref_slice %arg7[%dma_start3A_139, %dma_start3A_140] : memref<16x512xf32, #tpu.memory_space<vmem>> -> memref<16x128xf32, #tpu.memory_space<vmem>>
        %dma_start3A_142 = arith.constant 0 : i32
        %dma_start3A_143 = arith.constant 0 : i32
        %dma_start3A_144 = tpu.memref_slice %arg7[%dma_start3A_142, %dma_start3A_143] : memref<16x512xf32, #tpu.memory_space<vmem>> -> memref<16x128xf32, #tpu.memory_space<vmem>>
        tpu.enqueue_dma source(%arg4 : memref<16x128xf32, #tpu.memory_space<hbm>>) target(%dma_start3A_144 : memref<16x128xf32, #tpu.memory_space<vmem>>) target_semaphore(%run_scoped3A : memref<!tpu.dma_semaphore, #tpu.memory_space<semaphore_mem>>)
        %dma_wait3A_145 = arith.constant 0 : i32
        %dma_wait3A_146 = arith.constant 0 : i32
        %dma_wait3A_147 = tpu.memref_slice %arg7[%dma_wait3A_145, %dma_wait3A_146] : memref<16x512xf32, #tpu.memory_space<vmem>> -> memref<16x128xf32, #tpu.memory_space<vmem>>
        %dma_wait3A_148 = arith.constant 0 : i32
        %dma_wait3A_149 = arith.constant 0 : i32
        %dma_wait3A_150 = tpu.memref_slice %arg7[%dma_wait3A_148, %dma_wait3A_149] : memref<16x512xf32, #tpu.memory_space<vmem>> -> memref<16x128xf32, #tpu.memory_space<vmem>>
        tpu.wait_dma2 semaphore(%run_scoped3A : memref<!tpu.dma_semaphore, #tpu.memory_space<semaphore_mem>>) src(%arg4 : memref<16x128xf32, #tpu.memory_space<hbm>>) dst(%dma_wait3A_150 : memref<16x128xf32, #tpu.memory_space<vmem>>)
        tpu.yield
      }) : () -> ()
      %scan3A_133 = arith.constant 0 : i32
      %scan3A_134 = arith.constant 0 : i32
      %scan3A_135 = arith.constant 8 : i32
      %scan3A_136 = arith.addi %scan3A_134, %scan3A_135 : i32
      %scan3A_137 = arith.constant 1 : i32
      scf.for %scan3A_139 = %scan3A_134 to %scan3A_136 step %scan3A_137  : i32 {
        %mul3A_140 = arith.constant 16 : i32
        %mul3A_141 = arith.muli %scan3A_139, %mul3A_140 : i32
        %multiple_of3A_142 = tpu.assume_multiple %mul3A_141, 16 : i32
        %mul3A_143 = arith.constant 2 : i32
        %mul3A_144 = arith.muli %scan3A_139, %mul3A_143 : i32
        %add3A_145 = vector.broadcast %mul3A_144 : i32 to vector<16xi32>
        %add3A_146 = arith.addi %select_n3A, %add3A_145 : vector<16xi32>
        %get3A = arith.constant 0 : i32
        %get3A_147 = arith.index_cast %get3A : i32 to index
        %get3A_148 = arith.index_cast %multiple_of3A_142 : i32 to index
        %get3A_149 = tpu.vector_load %arg7[%get3A_147, %get3A_148] {strides = array<i32>} : memref<16x512xf32, #tpu.memory_space<vmem>>, vector<16xf32>,
        tpu.vector_store_idx %arg9[%add3A_146, %mul3A_46], %get3A_149 : memref<64x128xf32, #tpu.memory_space<vmem>>[vector<16xi32>, vector<16xi32>], vector<16xf32>,
        %add3A_150 = arith.constant 1 : i32
        %add3A_151 = vector.broadcast %add3A_150 : i32 to vector<16xi32>
        %add3A_152 = arith.addi %mul3A_46, %add3A_151 : vector<16xi32>
        %get3A_153 = arith.constant 1 : i32
        %get3A_154 = arith.index_cast %get3A_153 : i32 to index
        %get3A_155 = arith.index_cast %multiple_of3A_142 : i32 to index
        %get3A_156 = tpu.vector_load %arg7[%get3A_154, %get3A_155] {strides = array<i32>} : memref<16x512xf32, #tpu.memory_space<vmem>>, vector<16xf32>,
        tpu.vector_store_idx %arg9[%add3A_146, %add3A_152], %get3A_156 : memref<64x128xf32, #tpu.memory_space<vmem>>[vector<16xi32>, vector<16xi32>], vector<16xf32>,
        %add3A_157 = arith.constant 1 : i32
        %add3A_158 = vector.broadcast %add3A_157 : i32 to vector<16xi32>
        %add3A_159 = arith.addi %add3A_152, %add3A_158 : vector<16xi32>
        %get3A_160 = arith.constant 2 : i32
        %get3A_161 = arith.index_cast %get3A_160 : i32 to index
        %get3A_162 = arith.index_cast %multiple_of3A_142 : i32 to index
        %get3A_163 = tpu.vector_load %arg7[%get3A_161, %get3A_162] {strides = array<i32>} : memref<16x512xf32, #tpu.memory_space<vmem>>, vector<16xf32>,
        tpu.vector_store_idx %arg9[%add3A_146, %add3A_159], %get3A_163 : memref<64x128xf32, #tpu.memory_space<vmem>>[vector<16xi32>, vector<16xi32>], vector<16xf32>,
        %add3A_164 = arith.constant 1 : i32
        %add3A_165 = vector.broadcast %add3A_164 : i32 to vector<16xi32>
        %add3A_166 = arith.addi %add3A_159, %add3A_165 : vector<16xi32>
        %get3A_167 = arith.constant 3 : i32
        %get3A_168 = arith.index_cast %get3A_167 : i32 to index
        %get3A_169 = arith.index_cast %multiple_of3A_142 : i32 to index
        %get3A_170 = tpu.vector_load %arg7[%get3A_168, %get3A_169] {strides = array<i32>} : memref<16x512xf32, #tpu.memory_space<vmem>>, vector<16xf32>,
        tpu.vector_store_idx %arg9[%add3A_146, %add3A_166], %get3A_170 : memref<64x128xf32, #tpu.memory_space<vmem>>[vector<16xi32>, vector<16xi32>], vector<16xf32>,
        %add3A_171 = arith.constant 1 : i32
        %add3A_172 = vector.broadcast %add3A_171 : i32 to vector<16xi32>
        %add3A_173 = arith.addi %add3A_166, %add3A_172 : vector<16xi32>
        %get3A_174 = arith.constant 4 : i32
        %get3A_175 = arith.index_cast %get3A_174 : i32 to index
        %get3A_176 = arith.index_cast %multiple_of3A_142 : i32 to index
        %get3A_177 = tpu.vector_load %arg7[%get3A_175, %get3A_176] {strides = array<i32>} : memref<16x512xf32, #tpu.memory_space<vmem>>, vector<16xf32>,
        tpu.vector_store_idx %arg9[%add3A_146, %add3A_173], %get3A_177 : memref<64x128xf32, #tpu.memory_space<vmem>>[vector<16xi32>, vector<16xi32>], vector<16xf32>,
        %add3A_178 = arith.constant 1 : i32
        %add3A_179 = vector.broadcast %add3A_178 : i32 to vector<16xi32>
        %add3A_180 = arith.addi %add3A_173, %add3A_179 : vector<16xi32>
        %get3A_181 = arith.constant 5 : i32
        %get3A_182 = arith.index_cast %get3A_181 : i32 to index
        %get3A_183 = arith.index_cast %multiple_of3A_142 : i32 to index
        %get3A_184 = tpu.vector_load %arg7[%get3A_182, %get3A_183] {strides = array<i32>} : memref<16x512xf32, #tpu.memory_space<vmem>>, vector<16xf32>,
        tpu.vector_store_idx %arg9[%add3A_146, %add3A_180], %get3A_184 : memref<64x128xf32, #tpu.memory_space<vmem>>[vector<16xi32>, vector<16xi32>], vector<16xf32>,
        %add3A_185 = arith.constant 1 : i32
        %add3A_186 = vector.broadcast %add3A_185 : i32 to vector<16xi32>
        %add3A_187 = arith.addi %add3A_180, %add3A_186 : vector<16xi32>
        %get3A_188 = arith.constant 6 : i32
        %get3A_189 = arith.index_cast %get3A_188 : i32 to index
        %get3A_190 = arith.index_cast %multiple_of3A_142 : i32 to index
        %get3A_191 = tpu.vector_load %arg7[%get3A_189, %get3A_190] {strides = array<i32>} : memref<16x512xf32, #tpu.memory_space<vmem>>, vector<16xf32>,
        tpu.vector_store_idx %arg9[%add3A_146, %add3A_187], %get3A_191 : memref<64x128xf32, #tpu.memory_space<vmem>>[vector<16xi32>, vector<16xi32>], vector<16xf32>,
        %add3A_192 = arith.constant 1 : i32
        %add3A_193 = vector.broadcast %add3A_192 : i32 to vector<16xi32>
        %add3A_194 = arith.addi %add3A_187, %add3A_193 : vector<16xi32>
        %get3A_195 = arith.constant 7 : i32
        %get3A_196 = arith.index_cast %get3A_195 : i32 to index
        %get3A_197 = arith.index_cast %multiple_of3A_142 : i32 to index
        %get3A_198 = tpu.vector_load %arg7[%get3A_196, %get3A_197] {strides = array<i32>} : memref<16x512xf32, #tpu.memory_space<vmem>>, vector<16xf32>,
        tpu.vector_store_idx %arg9[%add3A_146, %add3A_194], %get3A_198 : memref<64x128xf32, #tpu.memory_space<vmem>>[vector<16xi32>, vector<16xi32>], vector<16xf32>,
        %add3A_199 = arith.constant 1 : i32
        %add3A_200 = vector.broadcast %add3A_199 : i32 to vector<16xi32>
        %add3A_201 = arith.addi %add3A_194, %add3A_200 : vector<16xi32>
        %get3A_202 = arith.constant 8 : i32
        %get3A_203 = arith.index_cast %get3A_202 : i32 to index
        %get3A_204 = arith.index_cast %multiple_of3A_142 : i32 to index
        %get3A_205 = tpu.vector_load %arg7[%get3A_203, %get3A_204] {strides = array<i32>} : memref<16x512xf32, #tpu.memory_space<vmem>>, vector<16xf32>,
        tpu.vector_store_idx %arg9[%add3A_146, %add3A_201], %get3A_205 : memref<64x128xf32, #tpu.memory_space<vmem>>[vector<16xi32>, vector<16xi32>], vector<16xf32>,
        %add3A_206 = arith.constant 1 : i32
        %add3A_207 = vector.broadcast %add3A_206 : i32 to vector<16xi32>
        %add3A_208 = arith.addi %add3A_201, %add3A_207 : vector<16xi32>
        %get3A_209 = arith.constant 9 : i32
        %get3A_210 = arith.index_cast %get3A_209 : i32 to index
        %get3A_211 = arith.index_cast %multiple_of3A_142 : i32 to index
        %get3A_212 = tpu.vector_load %arg7[%get3A_210, %get3A_211] {strides = array<i32>} : memref<16x512xf32, #tpu.memory_space<vmem>>, vector<16xf32>,
        tpu.vector_store_idx %arg9[%add3A_146, %add3A_208], %get3A_212 : memref<64x128xf32, #tpu.memory_space<vmem>>[vector<16xi32>, vector<16xi32>], vector<16xf32>,
        %add3A_213 = arith.constant 1 : i32
        %add3A_214 = vector.broadcast %add3A_213 : i32 to vector<16xi32>
        %add3A_215 = arith.addi %add3A_208, %add3A_214 : vector<16xi32>
        %get3A_216 = arith.constant 10 : i32
        %get3A_217 = arith.index_cast %get3A_216 : i32 to index
        %get3A_218 = arith.index_cast %multiple_of3A_142 : i32 to index
        %get3A_219 = tpu.vector_load %arg7[%get3A_217, %get3A_218] {strides = array<i32>} : memref<16x512xf32, #tpu.memory_space<vmem>>, vector<16xf32>,
        tpu.vector_store_idx %arg9[%add3A_146, %add3A_215], %get3A_219 : memref<64x128xf32, #tpu.memory_space<vmem>>[vector<16xi32>, vector<16xi32>], vector<16xf32>,
        %add3A_220 = arith.constant 1 : i32
        %add3A_221 = vector.broadcast %add3A_220 : i32 to vector<16xi32>
        %add3A_222 = arith.addi %add3A_215, %add3A_221 : vector<16xi32>
        %get3A_223 = arith.constant 11 : i32
        %get3A_224 = arith.index_cast %get3A_223 : i32 to index
        %get3A_225 = arith.index_cast %multiple_of3A_142 : i32 to index
        %get3A_226 = tpu.vector_load %arg7[%get3A_224, %get3A_225] {strides = array<i32>} : memref<16x512xf32, #tpu.memory_space<vmem>>, vector<16xf32>,
        tpu.vector_store_idx %arg9[%add3A_146, %add3A_222], %get3A_226 : memref<64x128xf32, #tpu.memory_space<vmem>>[vector<16xi32>, vector<16xi32>], vector<16xf32>,
        %add3A_227 = arith.constant 1 : i32
        %add3A_228 = vector.broadcast %add3A_227 : i32 to vector<16xi32>
        %add3A_229 = arith.addi %add3A_222, %add3A_228 : vector<16xi32>
        %get3A_230 = arith.constant 12 : i32
        %get3A_231 = arith.index_cast %get3A_230 : i32 to index
        %get3A_232 = arith.index_cast %multiple_of3A_142 : i32 to index
        %get3A_233 = tpu.vector_load %arg7[%get3A_231, %get3A_232] {strides = array<i32>} : memref<16x512xf32, #tpu.memory_space<vmem>>, vector<16xf32>,
        tpu.vector_store_idx %arg9[%add3A_146, %add3A_229], %get3A_233 : memref<64x128xf32, #tpu.memory_space<vmem>>[vector<16xi32>, vector<16xi32>], vector<16xf32>,
        %add3A_234 = arith.constant 1 : i32
        %add3A_235 = vector.broadcast %add3A_234 : i32 to vector<16xi32>
        %add3A_236 = arith.addi %add3A_229, %add3A_235 : vector<16xi32>
        %get3A_237 = arith.constant 13 : i32
        %get3A_238 = arith.index_cast %get3A_237 : i32 to index
        %get3A_239 = arith.index_cast %multiple_of3A_142 : i32 to index
        %get3A_240 = tpu.vector_load %arg7[%get3A_238, %get3A_239] {strides = array<i32>} : memref<16x512xf32, #tpu.memory_space<vmem>>, vector<16xf32>,
        tpu.vector_store_idx %arg9[%add3A_146, %add3A_236], %get3A_240 : memref<64x128xf32, #tpu.memory_space<vmem>>[vector<16xi32>, vector<16xi32>], vector<16xf32>,
        %add3A_241 = arith.constant 1 : i32
        %add3A_242 = vector.broadcast %add3A_241 : i32 to vector<16xi32>
        %add3A_243 = arith.addi %add3A_236, %add3A_242 : vector<16xi32>
        %get3A_244 = arith.constant 14 : i32
        %get3A_245 = arith.index_cast %get3A_244 : i32 to index
        %get3A_246 = arith.index_cast %multiple_of3A_142 : i32 to index
        %get3A_247 = tpu.vector_load %arg7[%get3A_245, %get3A_246] {strides = array<i32>} : memref<16x512xf32, #tpu.memory_space<vmem>>, vector<16xf32>,
        tpu.vector_store_idx %arg9[%add3A_146, %add3A_243], %get3A_247 : memref<64x128xf32, #tpu.memory_space<vmem>>[vector<16xi32>, vector<16xi32>], vector<16xf32>,
        %add3A_248 = arith.constant 1 : i32
        %add3A_249 = vector.broadcast %add3A_248 : i32 to vector<16xi32>
        %add3A_250 = arith.addi %add3A_243, %add3A_249 : vector<16xi32>
        %get3A_251 = arith.constant 15 : i32
        %get3A_252 = arith.index_cast %get3A_251 : i32 to index
        %get3A_253 = arith.index_cast %multiple_of3A_142 : i32 to index
        %get3A_254 = tpu.vector_load %arg7[%get3A_252, %get3A_253] {strides = array<i32>} : memref<16x512xf32, #tpu.memory_space<vmem>>, vector<16xf32>,
        tpu.vector_store_idx %arg9[%add3A_146, %add3A_250], %get3A_254 : memref<64x128xf32, #tpu.memory_space<vmem>>[vector<16xi32>, vector<16xi32>], vector<16xf32>,
        %add3A_255 = arith.constant 1 : i32
        %add3A_256 = vector.broadcast %add3A_255 : i32 to vector<16xi32>
        %add3A_257 = arith.addi %add3A_250, %add3A_256 : vector<16xi32>
      }
      %scan3A_138 = arith.constant 8 : i32
      "tpu.region"() ({
        %run_scoped3A = tpu.sem_alloc : memref<!tpu.dma_semaphore, #tpu.memory_space<semaphore_mem>>
        %dma_start3A_139 = arith.constant 0 : i32
        %dma_start3A_140 = arith.constant 0 : i32
        %dma_start3A_141 = tpu.memref_slice %arg9[%dma_start3A_139, %dma_start3A_140] : memref<64x128xf32, #tpu.memory_space<vmem>> -> memref<16x128xf32, #tpu.memory_space<vmem>>
        %dma_start3A_142 = arith.constant 124992 : i32
        %dma_start3A_143 = arith.constant 0 : i32
        %dma_start3A_144 = tpu.memref_slice %arg5[%dma_start3A_142, %dma_start3A_143] : memref<125008x128xf32, #tpu.memory_space<hbm>> -> memref<16x128xf32, #tpu.memory_space<hbm>>
        %dma_start3A_145 = arith.constant 124992 : i32
        %dma_start3A_146 = arith.constant 0 : i32
        %dma_start3A_147 = tpu.memref_slice %arg5[%dma_start3A_145, %dma_start3A_146] : memref<125008x128xf32, #tpu.memory_space<hbm>> -> memref<16x128xf32, #tpu.memory_space<hbm>>
        %dma_start3A_148 = arith.constant 0 : i32
        %dma_start3A_149 = arith.constant 0 : i32
        %dma_start3A_150 = tpu.memref_slice %arg9[%dma_start3A_148, %dma_start3A_149] : memref<64x128xf32, #tpu.memory_space<vmem>> -> memref<16x128xf32, #tpu.memory_space<vmem>>
        tpu.enqueue_dma source(%dma_start3A_150 : memref<16x128xf32, #tpu.memory_space<vmem>>) target(%dma_start3A_147 : memref<16x128xf32, #tpu.memory_space<hbm>>) target_semaphore(%run_scoped3A : memref<!tpu.dma_semaphore, #tpu.memory_space<semaphore_mem>>)
        %dma_wait3A_151 = arith.constant 0 : i32
        %dma_wait3A_152 = arith.constant 0 : i32
        %dma_wait3A_153 = tpu.memref_slice %arg9[%dma_wait3A_151, %dma_wait3A_152] : memref<64x128xf32, #tpu.memory_space<vmem>> -> memref<16x128xf32, #tpu.memory_space<vmem>>
        %dma_wait3A_154 = arith.constant 124992 : i32
        %dma_wait3A_155 = arith.constant 0 : i32
        %dma_wait3A_156 = tpu.memref_slice %arg5[%dma_wait3A_154, %dma_wait3A_155] : memref<125008x128xf32, #tpu.memory_space<hbm>> -> memref<16x128xf32, #tpu.memory_space<hbm>>
        %dma_wait3A_157 = arith.constant 124992 : i32
        %dma_wait3A_158 = arith.constant 0 : i32
        %dma_wait3A_159 = tpu.memref_slice %arg5[%dma_wait3A_157, %dma_wait3A_158] : memref<125008x128xf32, #tpu.memory_space<hbm>> -> memref<16x128xf32, #tpu.memory_space<hbm>>
        %dma_wait3A_160 = arith.constant 0 : i32
        %dma_wait3A_161 = arith.constant 0 : i32
        %dma_wait3A_162 = tpu.memref_slice %arg9[%dma_wait3A_160, %dma_wait3A_161] : memref<64x128xf32, #tpu.memory_space<vmem>> -> memref<16x128xf32, #tpu.memory_space<vmem>>
        tpu.wait_dma2 semaphore(%run_scoped3A : memref<!tpu.dma_semaphore, #tpu.memory_space<semaphore_mem>>) src(%dma_wait3A_162 : memref<16x128xf32, #tpu.memory_space<vmem>>) dst(%dma_wait3A_159 : memref<16x128xf32, #tpu.memory_space<hbm>>)
        tpu.yield
      }) : () -> ()
    } else {
    }
    %scan3A = arith.constant -1 : i32
    %scan3A_127 = arith.constant 0 : i32
    %scan3A_128 = arith.constant 13 : i32
    %scan3A_129 = arith.addi %scan3A_127, %scan3A_128 : i32
    %scan3A_130 = arith.constant 1 : i32
    %scan3A_131 = scf.for %scan3A_133 = %scan3A_127 to %scan3A_129 step %scan3A_130 iter_args(%scan3A_134 = %scan3A) -> (i32)  : i32 {
      %mul3A_135 = arith.constant 13 : i32
      %mul3A_136 = arith.muli %add3A, %mul3A_135 : i32
      %add3A_137 = arith.addi %mul3A_136, %scan3A_133 : i32
      %jit3A_138 = arith.constant 26 : i32
      %div3A_139 = arith.divsi %add3A_137, %jit3A_138 : i32
      %sign3A_140 = arith.constant 0 : i32
      %sign3A_141 = arith.cmpi sgt, %add3A_137, %sign3A_140 : i32
      %sign3A_142 = arith.extui %sign3A_141 : i1 to i32
      %sign3A_143 = arith.constant 0 : i32
      %sign3A_144 = arith.cmpi slt, %add3A_137, %sign3A_143 : i32
      %sign3A_145 = arith.extui %sign3A_144 : i1 to i32
      %sign3A_146 = arith.subi %sign3A_142, %sign3A_145 : i32
      %sign3A_147 = arith.constant 0 : i32
      %sign3A_148 = arith.cmpi sgt, %jit3A_138, %sign3A_147 : i32
      %sign3A_149 = arith.extui %sign3A_148 : i1 to i32
      %sign3A_150 = arith.constant 0 : i32
      %sign3A_151 = arith.cmpi slt, %jit3A_138, %sign3A_150 : i32
      %sign3A_152 = arith.extui %sign3A_151 : i1 to i32
      %sign3A_153 = arith.subi %sign3A_149, %sign3A_152 : i32
      %ne3A_154 = arith.cmpi ne, %sign3A_146, %sign3A_153 : i32
      %rem3A_155 = arith.remsi %add3A_137, %jit3A_138 : i32
      %ne3A_156 = arith.constant 0 : i32
      %ne3A_157 = arith.cmpi ne, %rem3A_155, %ne3A_156 : i32
      %and3A_158 = arith.andi %ne3A_154, %ne3A_157 : i1
      %sub3A_159 = arith.constant 1 : i32
      %sub3A_160 = arith.subi %div3A_139, %sub3A_159 : i32
      %select_n3A_161 = arith.select %and3A_158, %sub3A_160, %div3A_139 : i32
      %mul3A_162 = arith.constant 26 : i32
      %mul3A_163 = arith.muli %select_n3A_161, %mul3A_162 : i32
      %sub3A_164 = arith.subi %add3A_137, %mul3A_163 : i32
      %ne3A_165 = arith.cmpi ne, %select_n3A_161, %scan3A_134 : i32
      %convert_element_type3A_166 = arith.extui %ne3A_165 : i1 to i32
      %cond3A_167 = arith.constant 0 : i32
      %cond3A_168 = arith.cmpi ne, %convert_element_type3A_166, %cond3A_167 : i32
      scf.if %cond3A_168 {
        %mul3A_692 = arith.constant 1024 : i32
        %mul3A_693 = arith.muli %select_n3A_161, %mul3A_692 : i32
        %multiple_of3A_694 = tpu.assume_multiple %mul3A_693, 128 : i32
        "tpu.region"() ({
          %run_scoped3A = tpu.sem_alloc : memref<!tpu.dma_semaphore, #tpu.memory_space<semaphore_mem>>
          %dma_start3A_695 = arith.constant 0 : i32
          %dma_start3A_696 = tpu.memref_slice %arg2[%dma_start3A_695, %multiple_of3A_694] : memref<26x16384xi32, #tpu.memory_space<hbm>> -> memref<26x1024xi32, #tpu.memory_space<hbm>>
          %dma_start3A_697 = arith.constant 0 : i32
          %dma_start3A_698 = tpu.memref_slice %arg2[%dma_start3A_697, %multiple_of3A_694] : memref<26x16384xi32, #tpu.memory_space<hbm>> -> memref<26x1024xi32, #tpu.memory_space<hbm>>
          tpu.enqueue_dma source(%dma_start3A_698 : memref<26x1024xi32, #tpu.memory_space<hbm>>) target(%arg11 : memref<26x1024xi32, #tpu.memory_space<vmem>>) target_semaphore(%run_scoped3A : memref<!tpu.dma_semaphore, #tpu.memory_space<semaphore_mem>>)
          %dma_wait3A_699 = arith.constant 0 : i32
          %dma_wait3A_700 = tpu.memref_slice %arg2[%dma_wait3A_699, %multiple_of3A_694] : memref<26x16384xi32, #tpu.memory_space<hbm>> -> memref<26x1024xi32, #tpu.memory_space<hbm>>
          %dma_wait3A_701 = arith.constant 0 : i32
          %dma_wait3A_702 = tpu.memref_slice %arg2[%dma_wait3A_701, %multiple_of3A_694] : memref<26x16384xi32, #tpu.memory_space<hbm>> -> memref<26x1024xi32, #tpu.memory_space<hbm>>
          tpu.wait_dma2 semaphore(%run_scoped3A : memref<!tpu.dma_semaphore, #tpu.memory_space<semaphore_mem>>) src(%dma_wait3A_702 : memref<26x1024xi32, #tpu.memory_space<hbm>>) dst(%arg11 : memref<26x1024xi32, #tpu.memory_space<vmem>>)
          tpu.yield
        }) : () -> ()
      } else {
      }
      %mul3A_169 = arith.constant 0 : i32
      %mul3A_170 = vector.broadcast %mul3A_169 : i32 to vector<16xi32>
      %mul3A_171 = arith.muli %iota3A, %mul3A_170 : vector<16xi32>
      %mul3A_172 = arith.constant 38462 : i32
      %mul3A_173 = arith.muli %sub3A_164, %mul3A_172 : i32
      %add3A_174 = vector.broadcast %mul3A_173 : i32 to vector<16xi32>
      %add3A_175 = arith.addi %mul3A_171, %add3A_174 : vector<16xi32>
      %get3A = arith.index_cast %sub3A_164 : i32 to index
      %get3A_176 = arith.constant 0 : index
      %get3A_177 = tpu.vector_load %arg11[%get3A, %get3A_176] {strides = array<i32>} : memref<26x1024xi32, #tpu.memory_space<vmem>>, vector<16xi32>,
      %add3A_178 = arith.addi %get3A_177, %add3A_175 : vector<16xi32>
      %swap3A = arith.constant 0 : i32
      %swap3A_179 = arith.index_cast %swap3A : i32 to index
      %swap3A_180 = arith.constant 0 : index
      %swap3A_181 = tpu.vector_load %arg12[%swap3A_179, %swap3A_180] {strides = array<i32>} : memref<8x128xi32, #tpu.memory_space<vmem>>, vector<16xi32>,
      tpu.vector_store %arg12[%swap3A_179, %swap3A_180], %add3A_178 {strides = array<i32>} : memref<8x128xi32, #tpu.memory_space<vmem>>, vector<16xi32>,
      %get3A_182 = arith.index_cast %sub3A_164 : i32 to index
      %get3A_183 = arith.constant 16 : index
      %get3A_184 = tpu.vector_load %arg11[%get3A_182, %get3A_183] {strides = array<i32>} : memref<26x1024xi32, #tpu.memory_space<vmem>>, vector<16xi32>,
      %add3A_185 = arith.addi %get3A_184, %add3A_175 : vector<16xi32>
      %swap3A_186 = arith.constant 0 : i32
      %swap3A_187 = arith.index_cast %swap3A_186 : i32 to index
      %swap3A_188 = arith.constant 16 : index
      %swap3A_189 = tpu.vector_load %arg12[%swap3A_187, %swap3A_188] {strides = array<i32>} : memref<8x128xi32, #tpu.memory_space<vmem>>, vector<16xi32>,
      tpu.vector_store %arg12[%swap3A_187, %swap3A_188], %add3A_185 {strides = array<i32>} : memref<8x128xi32, #tpu.memory_space<vmem>>, vector<16xi32>,
      %get3A_190 = arith.index_cast %sub3A_164 : i32 to index
      %get3A_191 = arith.constant 32 : index
      %get3A_192 = tpu.vector_load %arg11[%get3A_190, %get3A_191] {strides = array<i32>} : memref<26x1024xi32, #tpu.memory_space<vmem>>, vector<16xi32>,
      %add3A_193 = arith.addi %get3A_192, %add3A_175 : vector<16xi32>
      %swap3A_194 = arith.constant 0 : i32
      %swap3A_195 = arith.index_cast %swap3A_194 : i32 to index
      %swap3A_196 = arith.constant 32 : index
      %swap3A_197 = tpu.vector_load %arg12[%swap3A_195, %swap3A_196] {strides = array<i32>} : memref<8x128xi32, #tpu.memory_space<vmem>>, vector<16xi32>,
      tpu.vector_store %arg12[%swap3A_195, %swap3A_196], %add3A_193 {strides = array<i32>} : memref<8x128xi32, #tpu.memory_space<vmem>>, vector<16xi32>,
      %get3A_198 = arith.index_cast %sub3A_164 : i32 to index
      %get3A_199 = arith.constant 48 : index
      %get3A_200 = tpu.vector_load %arg11[%get3A_198, %get3A_199] {strides = array<i32>} : memref<26x1024xi32, #tpu.memory_space<vmem>>, vector<16xi32>,
      %add3A_201 = arith.addi %get3A_200, %add3A_175 : vector<16xi32>
      %swap3A_202 = arith.constant 0 : i32
      %swap3A_203 = arith.index_cast %swap3A_202 : i32 to index
      %swap3A_204 = arith.constant 48 : index
      %swap3A_205 = tpu.vector_load %arg12[%swap3A_203, %swap3A_204] {strides = array<i32>} : memref<8x128xi32, #tpu.memory_space<vmem>>, vector<16xi32>,
      tpu.vector_store %arg12[%swap3A_203, %swap3A_204], %add3A_201 {strides = array<i32>} : memref<8x128xi32, #tpu.memory_space<vmem>>, vector<16xi32>,
      %get3A_206 = arith.index_cast %sub3A_164 : i32 to index
      %get3A_207 = arith.constant 64 : index
      %get3A_208 = tpu.vector_load %arg11[%get3A_206, %get3A_207] {strides = array<i32>} : memref<26x1024xi32, #tpu.memory_space<vmem>>, vector<16xi32>,
      %add3A_209 = arith.addi %get3A_208, %add3A_175 : vector<16xi32>
      %swap3A_210 = arith.constant 0 : i32
      %swap3A_211 = arith.index_cast %swap3A_210 : i32 to index
      %swap3A_212 = arith.constant 64 : index
      %swap3A_213 = tpu.vector_load %arg12[%swap3A_211, %swap3A_212] {strides = array<i32>} : memref<8x128xi32, #tpu.memory_space<vmem>>, vector<16xi32>,
      tpu.vector_store %arg12[%swap3A_211, %swap3A_212], %add3A_209 {strides = array<i32>} : memref<8x128xi32, #tpu.memory_space<vmem>>, vector<16xi32>,
      %get3A_214 = arith.index_cast %sub3A_164 : i32 to index
      %get3A_215 = arith.constant 80 : index
      %get3A_216 = tpu.vector_load %arg11[%get3A_214, %get3A_215] {strides = array<i32>} : memref<26x1024xi32, #tpu.memory_space<vmem>>, vector<16xi32>,
      %add3A_217 = arith.addi %get3A_216, %add3A_175 : vector<16xi32>
      %swap3A_218 = arith.constant 0 : i32
      %swap3A_219 = arith.index_cast %swap3A_218 : i32 to index
      %swap3A_220 = arith.constant 80 : index
      %swap3A_221 = tpu.vector_load %arg12[%swap3A_219, %swap3A_220] {strides = array<i32>} : memref<8x128xi32, #tpu.memory_space<vmem>>, vector<16xi32>,
      tpu.vector_store %arg12[%swap3A_219, %swap3A_220], %add3A_217 {strides = array<i32>} : memref<8x128xi32, #tpu.memory_space<vmem>>, vector<16xi32>,
      %get3A_222 = arith.index_cast %sub3A_164 : i32 to index
      %get3A_223 = arith.constant 96 : index
      %get3A_224 = tpu.vector_load %arg11[%get3A_222, %get3A_223] {strides = array<i32>} : memref<26x1024xi32, #tpu.memory_space<vmem>>, vector<16xi32>,
      %add3A_225 = arith.addi %get3A_224, %add3A_175 : vector<16xi32>
      %swap3A_226 = arith.constant 0 : i32
      %swap3A_227 = arith.index_cast %swap3A_226 : i32 to index
      %swap3A_228 = arith.constant 96 : index
      %swap3A_229 = tpu.vector_load %arg12[%swap3A_227, %swap3A_228] {strides = array<i32>} : memref<8x128xi32, #tpu.memory_space<vmem>>, vector<16xi32>,
      tpu.vector_store %arg12[%swap3A_227, %swap3A_228], %add3A_225 {strides = array<i32>} : memref<8x128xi32, #tpu.memory_space<vmem>>, vector<16xi32>,
      %get3A_230 = arith.index_cast %sub3A_164 : i32 to index
      %get3A_231 = arith.constant 112 : index
      %get3A_232 = tpu.vector_load %arg11[%get3A_230, %get3A_231] {strides = array<i32>} : memref<26x1024xi32, #tpu.memory_space<vmem>>, vector<16xi32>,
      %add3A_233 = arith.addi %get3A_232, %add3A_175 : vector<16xi32>
      %swap3A_234 = arith.constant 0 : i32
      %swap3A_235 = arith.index_cast %swap3A_234 : i32 to index
      %swap3A_236 = arith.constant 112 : index
      %swap3A_237 = tpu.vector_load %arg12[%swap3A_235, %swap3A_236] {strides = array<i32>} : memref<8x128xi32, #tpu.memory_space<vmem>>, vector<16xi32>,
      tpu.vector_store %arg12[%swap3A_235, %swap3A_236], %add3A_233 {strides = array<i32>} : memref<8x128xi32, #tpu.memory_space<vmem>>, vector<16xi32>,
      %get3A_238 = arith.index_cast %sub3A_164 : i32 to index
      %get3A_239 = arith.constant 128 : index
      %get3A_240 = tpu.vector_load %arg11[%get3A_238, %get3A_239] {strides = array<i32>} : memref<26x1024xi32, #tpu.memory_space<vmem>>, vector<16xi32>,
      %add3A_241 = arith.addi %get3A_240, %add3A_175 : vector<16xi32>
      %swap3A_242 = arith.constant 1 : i32
      %swap3A_243 = arith.index_cast %swap3A_242 : i32 to index
      %swap3A_244 = arith.constant 0 : index
      %swap3A_245 = tpu.vector_load %arg12[%swap3A_243, %swap3A_244] {strides = array<i32>} : memref<8x128xi32, #tpu.memory_space<vmem>>, vector<16xi32>,
      tpu.vector_store %arg12[%swap3A_243, %swap3A_244], %add3A_241 {strides = array<i32>} : memref<8x128xi32, #tpu.memory_space<vmem>>, vector<16xi32>,
      %get3A_246 = arith.index_cast %sub3A_164 : i32 to index
      %get3A_247 = arith.constant 144 : index
      %get3A_248 = tpu.vector_load %arg11[%get3A_246, %get3A_247] {strides = array<i32>} : memref<26x1024xi32, #tpu.memory_space<vmem>>, vector<16xi32>,
      %add3A_249 = arith.addi %get3A_248, %add3A_175 : vector<16xi32>
      %swap3A_250 = arith.constant 1 : i32
      %swap3A_251 = arith.index_cast %swap3A_250 : i32 to index
      %swap3A_252 = arith.constant 16 : index
      %swap3A_253 = tpu.vector_load %arg12[%swap3A_251, %swap3A_252] {strides = array<i32>} : memref<8x128xi32, #tpu.memory_space<vmem>>, vector<16xi32>,
      tpu.vector_store %arg12[%swap3A_251, %swap3A_252], %add3A_249 {strides = array<i32>} : memref<8x128xi32, #tpu.memory_space<vmem>>, vector<16xi32>,
      %get3A_254 = arith.index_cast %sub3A_164 : i32 to index
      %get3A_255 = arith.constant 160 : index
      %get3A_256 = tpu.vector_load %arg11[%get3A_254, %get3A_255] {strides = array<i32>} : memref<26x1024xi32, #tpu.memory_space<vmem>>, vector<16xi32>,
      %add3A_257 = arith.addi %get3A_256, %add3A_175 : vector<16xi32>
      %swap3A_258 = arith.constant 1 : i32
      %swap3A_259 = arith.index_cast %swap3A_258 : i32 to index
      %swap3A_260 = arith.constant 32 : index
      %swap3A_261 = tpu.vector_load %arg12[%swap3A_259, %swap3A_260] {strides = array<i32>} : memref<8x128xi32, #tpu.memory_space<vmem>>, vector<16xi32>,
      tpu.vector_store %arg12[%swap3A_259, %swap3A_260], %add3A_257 {strides = array<i32>} : memref<8x128xi32, #tpu.memory_space<vmem>>, vector<16xi32>,
      %get3A_262 = arith.index_cast %sub3A_164 : i32 to index
      %get3A_263 = arith.constant 176 : index
      %get3A_264 = tpu.vector_load %arg11[%get3A_262, %get3A_263] {strides = array<i32>} : memref<26x1024xi32, #tpu.memory_space<vmem>>, vector<16xi32>,
      %add3A_265 = arith.addi %get3A_264, %add3A_175 : vector<16xi32>
      %swap3A_266 = arith.constant 1 : i32
      %swap3A_267 = arith.index_cast %swap3A_266 : i32 to index
      %swap3A_268 = arith.constant 48 : index
      %swap3A_269 = tpu.vector_load %arg12[%swap3A_267, %swap3A_268] {strides = array<i32>} : memref<8x128xi32, #tpu.memory_space<vmem>>, vector<16xi32>,
      tpu.vector_store %arg12[%swap3A_267, %swap3A_268], %add3A_265 {strides = array<i32>} : memref<8x128xi32, #tpu.memory_space<vmem>>, vector<16xi32>,
      %get3A_270 = arith.index_cast %sub3A_164 : i32 to index
      %get3A_271 = arith.constant 192 : index
      %get3A_272 = tpu.vector_load %arg11[%get3A_270, %get3A_271] {strides = array<i32>} : memref<26x1024xi32, #tpu.memory_space<vmem>>, vector<16xi32>,
      %add3A_273 = arith.addi %get3A_272, %add3A_175 : vector<16xi32>
      %swap3A_274 = arith.constant 1 : i32
      %swap3A_275 = arith.index_cast %swap3A_274 : i32 to index
      %swap3A_276 = arith.constant 64 : index
      %swap3A_277 = tpu.vector_load %arg12[%swap3A_275, %swap3A_276] {strides = array<i32>} : memref<8x128xi32, #tpu.memory_space<vmem>>, vector<16xi32>,
      tpu.vector_store %arg12[%swap3A_275, %swap3A_276], %add3A_273 {strides = array<i32>} : memref<8x128xi32, #tpu.memory_space<vmem>>, vector<16xi32>,
      %get3A_278 = arith.index_cast %sub3A_164 : i32 to index
      %get3A_279 = arith.constant 208 : index
      %get3A_280 = tpu.vector_load %arg11[%get3A_278, %get3A_279] {strides = array<i32>} : memref<26x1024xi32, #tpu.memory_space<vmem>>, vector<16xi32>,
      %add3A_281 = arith.addi %get3A_280, %add3A_175 : vector<16xi32>
      %swap3A_282 = arith.constant 1 : i32
      %swap3A_283 = arith.index_cast %swap3A_282 : i32 to index
      %swap3A_284 = arith.constant 80 : index
      %swap3A_285 = tpu.vector_load %arg12[%swap3A_283, %swap3A_284] {strides = array<i32>} : memref<8x128xi32, #tpu.memory_space<vmem>>, vector<16xi32>,
      tpu.vector_store %arg12[%swap3A_283, %swap3A_284], %add3A_281 {strides = array<i32>} : memref<8x128xi32, #tpu.memory_space<vmem>>, vector<16xi32>,
      %get3A_286 = arith.index_cast %sub3A_164 : i32 to index
      %get3A_287 = arith.constant 224 : index
      %get3A_288 = tpu.vector_load %arg11[%get3A_286, %get3A_287] {strides = array<i32>} : memref<26x1024xi32, #tpu.memory_space<vmem>>, vector<16xi32>,
      %add3A_289 = arith.addi %get3A_288, %add3A_175 : vector<16xi32>
      %swap3A_290 = arith.constant 1 : i32
      %swap3A_291 = arith.index_cast %swap3A_290 : i32 to index
      %swap3A_292 = arith.constant 96 : index
      %swap3A_293 = tpu.vector_load %arg12[%swap3A_291, %swap3A_292] {strides = array<i32>} : memref<8x128xi32, #tpu.memory_space<vmem>>, vector<16xi32>,
      tpu.vector_store %arg12[%swap3A_291, %swap3A_292], %add3A_289 {strides = array<i32>} : memref<8x128xi32, #tpu.memory_space<vmem>>, vector<16xi32>,
      %get3A_294 = arith.index_cast %sub3A_164 : i32 to index
      %get3A_295 = arith.constant 240 : index
      %get3A_296 = tpu.vector_load %arg11[%get3A_294, %get3A_295] {strides = array<i32>} : memref<26x1024xi32, #tpu.memory_space<vmem>>, vector<16xi32>,
      %add3A_297 = arith.addi %get3A_296, %add3A_175 : vector<16xi32>
      %swap3A_298 = arith.constant 1 : i32
      %swap3A_299 = arith.index_cast %swap3A_298 : i32 to index
      %swap3A_300 = arith.constant 112 : index
      %swap3A_301 = tpu.vector_load %arg12[%swap3A_299, %swap3A_300] {strides = array<i32>} : memref<8x128xi32, #tpu.memory_space<vmem>>, vector<16xi32>,
      tpu.vector_store %arg12[%swap3A_299, %swap3A_300], %add3A_297 {strides = array<i32>} : memref<8x128xi32, #tpu.memory_space<vmem>>, vector<16xi32>,
      %get3A_302 = arith.index_cast %sub3A_164 : i32 to index
      %get3A_303 = arith.constant 256 : index
      %get3A_304 = tpu.vector_load %arg11[%get3A_302, %get3A_303] {strides = array<i32>} : memref<26x1024xi32, #tpu.memory_space<vmem>>, vector<16xi32>,
      %add3A_305 = arith.addi %get3A_304, %add3A_175 : vector<16xi32>
      %swap3A_306 = arith.constant 2 : i32
      %swap3A_307 = arith.index_cast %swap3A_306 : i32 to index
      %swap3A_308 = arith.constant 0 : index
      %swap3A_309 = tpu.vector_load %arg12[%swap3A_307, %swap3A_308] {strides = array<i32>} : memref<8x128xi32, #tpu.memory_space<vmem>>, vector<16xi32>,
      tpu.vector_store %arg12[%swap3A_307, %swap3A_308], %add3A_305 {strides = array<i32>} : memref<8x128xi32, #tpu.memory_space<vmem>>, vector<16xi32>,
      %get3A_310 = arith.index_cast %sub3A_164 : i32 to index
      %get3A_311 = arith.constant 272 : index
      %get3A_312 = tpu.vector_load %arg11[%get3A_310, %get3A_311] {strides = array<i32>} : memref<26x1024xi32, #tpu.memory_space<vmem>>, vector<16xi32>,
      %add3A_313 = arith.addi %get3A_312, %add3A_175 : vector<16xi32>
      %swap3A_314 = arith.constant 2 : i32
      %swap3A_315 = arith.index_cast %swap3A_314 : i32 to index
      %swap3A_316 = arith.constant 16 : index
      %swap3A_317 = tpu.vector_load %arg12[%swap3A_315, %swap3A_316] {strides = array<i32>} : memref<8x128xi32, #tpu.memory_space<vmem>>, vector<16xi32>,
      tpu.vector_store %arg12[%swap3A_315, %swap3A_316], %add3A_313 {strides = array<i32>} : memref<8x128xi32, #tpu.memory_space<vmem>>, vector<16xi32>,
      %get3A_318 = arith.index_cast %sub3A_164 : i32 to index
      %get3A_319 = arith.constant 288 : index
      %get3A_320 = tpu.vector_load %arg11[%get3A_318, %get3A_319] {strides = array<i32>} : memref<26x1024xi32, #tpu.memory_space<vmem>>, vector<16xi32>,
      %add3A_321 = arith.addi %get3A_320, %add3A_175 : vector<16xi32>
      %swap3A_322 = arith.constant 2 : i32
      %swap3A_323 = arith.index_cast %swap3A_322 : i32 to index
      %swap3A_324 = arith.constant 32 : index
      %swap3A_325 = tpu.vector_load %arg12[%swap3A_323, %swap3A_324] {strides = array<i32>} : memref<8x128xi32, #tpu.memory_space<vmem>>, vector<16xi32>,
      tpu.vector_store %arg12[%swap3A_323, %swap3A_324], %add3A_321 {strides = array<i32>} : memref<8x128xi32, #tpu.memory_space<vmem>>, vector<16xi32>,
      %get3A_326 = arith.index_cast %sub3A_164 : i32 to index
      %get3A_327 = arith.constant 304 : index
      %get3A_328 = tpu.vector_load %arg11[%get3A_326, %get3A_327] {strides = array<i32>} : memref<26x1024xi32, #tpu.memory_space<vmem>>, vector<16xi32>,
      %add3A_329 = arith.addi %get3A_328, %add3A_175 : vector<16xi32>
      %swap3A_330 = arith.constant 2 : i32
      %swap3A_331 = arith.index_cast %swap3A_330 : i32 to index
      %swap3A_332 = arith.constant 48 : index
      %swap3A_333 = tpu.vector_load %arg12[%swap3A_331, %swap3A_332] {strides = array<i32>} : memref<8x128xi32, #tpu.memory_space<vmem>>, vector<16xi32>,
      tpu.vector_store %arg12[%swap3A_331, %swap3A_332], %add3A_329 {strides = array<i32>} : memref<8x128xi32, #tpu.memory_space<vmem>>, vector<16xi32>,
      %get3A_334 = arith.index_cast %sub3A_164 : i32 to index
      %get3A_335 = arith.constant 320 : index
      %get3A_336 = tpu.vector_load %arg11[%get3A_334, %get3A_335] {strides = array<i32>} : memref<26x1024xi32, #tpu.memory_space<vmem>>, vector<16xi32>,
      %add3A_337 = arith.addi %get3A_336, %add3A_175 : vector<16xi32>
      %swap3A_338 = arith.constant 2 : i32
      %swap3A_339 = arith.index_cast %swap3A_338 : i32 to index
      %swap3A_340 = arith.constant 64 : index
      %swap3A_341 = tpu.vector_load %arg12[%swap3A_339, %swap3A_340] {strides = array<i32>} : memref<8x128xi32, #tpu.memory_space<vmem>>, vector<16xi32>,
      tpu.vector_store %arg12[%swap3A_339, %swap3A_340], %add3A_337 {strides = array<i32>} : memref<8x128xi32, #tpu.memory_space<vmem>>, vector<16xi32>,
      %get3A_342 = arith.index_cast %sub3A_164 : i32 to index
      %get3A_343 = arith.constant 336 : index
      %get3A_344 = tpu.vector_load %arg11[%get3A_342, %get3A_343] {strides = array<i32>} : memref<26x1024xi32, #tpu.memory_space<vmem>>, vector<16xi32>,
      %add3A_345 = arith.addi %get3A_344, %add3A_175 : vector<16xi32>
      %swap3A_346 = arith.constant 2 : i32
      %swap3A_347 = arith.index_cast %swap3A_346 : i32 to index
      %swap3A_348 = arith.constant 80 : index
      %swap3A_349 = tpu.vector_load %arg12[%swap3A_347, %swap3A_348] {strides = array<i32>} : memref<8x128xi32, #tpu.memory_space<vmem>>, vector<16xi32>,
      tpu.vector_store %arg12[%swap3A_347, %swap3A_348], %add3A_345 {strides = array<i32>} : memref<8x128xi32, #tpu.memory_space<vmem>>, vector<16xi32>,
      %get3A_350 = arith.index_cast %sub3A_164 : i32 to index
      %get3A_351 = arith.constant 352 : index
      %get3A_352 = tpu.vector_load %arg11[%get3A_350, %get3A_351] {strides = array<i32>} : memref<26x1024xi32, #tpu.memory_space<vmem>>, vector<16xi32>,
      %add3A_353 = arith.addi %get3A_352, %add3A_175 : vector<16xi32>
      %swap3A_354 = arith.constant 2 : i32
      %swap3A_355 = arith.index_cast %swap3A_354 : i32 to index
      %swap3A_356 = arith.constant 96 : index
      %swap3A_357 = tpu.vector_load %arg12[%swap3A_355, %swap3A_356] {strides = array<i32>} : memref<8x128xi32, #tpu.memory_space<vmem>>, vector<16xi32>,
      tpu.vector_store %arg12[%swap3A_355, %swap3A_356], %add3A_353 {strides = array<i32>} : memref<8x128xi32, #tpu.memory_space<vmem>>, vector<16xi32>,
      %get3A_358 = arith.index_cast %sub3A_164 : i32 to index
      %get3A_359 = arith.constant 368 : index
      %get3A_360 = tpu.vector_load %arg11[%get3A_358, %get3A_359] {strides = array<i32>} : memref<26x1024xi32, #tpu.memory_space<vmem>>, vector<16xi32>,
      %add3A_361 = arith.addi %get3A_360, %add3A_175 : vector<16xi32>
      %swap3A_362 = arith.constant 2 : i32
      %swap3A_363 = arith.index_cast %swap3A_362 : i32 to index
      %swap3A_364 = arith.constant 112 : index
      %swap3A_365 = tpu.vector_load %arg12[%swap3A_363, %swap3A_364] {strides = array<i32>} : memref<8x128xi32, #tpu.memory_space<vmem>>, vector<16xi32>,
      tpu.vector_store %arg12[%swap3A_363, %swap3A_364], %add3A_361 {strides = array<i32>} : memref<8x128xi32, #tpu.memory_space<vmem>>, vector<16xi32>,
      %get3A_366 = arith.index_cast %sub3A_164 : i32 to index
      %get3A_367 = arith.constant 384 : index
      %get3A_368 = tpu.vector_load %arg11[%get3A_366, %get3A_367] {strides = array<i32>} : memref<26x1024xi32, #tpu.memory_space<vmem>>, vector<16xi32>,
      %add3A_369 = arith.addi %get3A_368, %add3A_175 : vector<16xi32>
      %swap3A_370 = arith.constant 3 : i32
      %swap3A_371 = arith.index_cast %swap3A_370 : i32 to index
      %swap3A_372 = arith.constant 0 : index
      %swap3A_373 = tpu.vector_load %arg12[%swap3A_371, %swap3A_372] {strides = array<i32>} : memref<8x128xi32, #tpu.memory_space<vmem>>, vector<16xi32>,
      tpu.vector_store %arg12[%swap3A_371, %swap3A_372], %add3A_369 {strides = array<i32>} : memref<8x128xi32, #tpu.memory_space<vmem>>, vector<16xi32>,
      %get3A_374 = arith.index_cast %sub3A_164 : i32 to index
      %get3A_375 = arith.constant 400 : index
      %get3A_376 = tpu.vector_load %arg11[%get3A_374, %get3A_375] {strides = array<i32>} : memref<26x1024xi32, #tpu.memory_space<vmem>>, vector<16xi32>,
      %add3A_377 = arith.addi %get3A_376, %add3A_175 : vector<16xi32>
      %swap3A_378 = arith.constant 3 : i32
      %swap3A_379 = arith.index_cast %swap3A_378 : i32 to index
      %swap3A_380 = arith.constant 16 : index
      %swap3A_381 = tpu.vector_load %arg12[%swap3A_379, %swap3A_380] {strides = array<i32>} : memref<8x128xi32, #tpu.memory_space<vmem>>, vector<16xi32>,
      tpu.vector_store %arg12[%swap3A_379, %swap3A_380], %add3A_377 {strides = array<i32>} : memref<8x128xi32, #tpu.memory_space<vmem>>, vector<16xi32>,
      %get3A_382 = arith.index_cast %sub3A_164 : i32 to index
      %get3A_383 = arith.constant 416 : index
      %get3A_384 = tpu.vector_load %arg11[%get3A_382, %get3A_383] {strides = array<i32>} : memref<26x1024xi32, #tpu.memory_space<vmem>>, vector<16xi32>,
      %add3A_385 = arith.addi %get3A_384, %add3A_175 : vector<16xi32>
      %swap3A_386 = arith.constant 3 : i32
      %swap3A_387 = arith.index_cast %swap3A_386 : i32 to index
      %swap3A_388 = arith.constant 32 : index
      %swap3A_389 = tpu.vector_load %arg12[%swap3A_387, %swap3A_388] {strides = array<i32>} : memref<8x128xi32, #tpu.memory_space<vmem>>, vector<16xi32>,
      tpu.vector_store %arg12[%swap3A_387, %swap3A_388], %add3A_385 {strides = array<i32>} : memref<8x128xi32, #tpu.memory_space<vmem>>, vector<16xi32>,
      %get3A_390 = arith.index_cast %sub3A_164 : i32 to index
      %get3A_391 = arith.constant 432 : index
      %get3A_392 = tpu.vector_load %arg11[%get3A_390, %get3A_391] {strides = array<i32>} : memref<26x1024xi32, #tpu.memory_space<vmem>>, vector<16xi32>,
      %add3A_393 = arith.addi %get3A_392, %add3A_175 : vector<16xi32>
      %swap3A_394 = arith.constant 3 : i32
      %swap3A_395 = arith.index_cast %swap3A_394 : i32 to index
      %swap3A_396 = arith.constant 48 : index
      %swap3A_397 = tpu.vector_load %arg12[%swap3A_395, %swap3A_396] {strides = array<i32>} : memref<8x128xi32, #tpu.memory_space<vmem>>, vector<16xi32>,
      tpu.vector_store %arg12[%swap3A_395, %swap3A_396], %add3A_393 {strides = array<i32>} : memref<8x128xi32, #tpu.memory_space<vmem>>, vector<16xi32>,
      %get3A_398 = arith.index_cast %sub3A_164 : i32 to index
      %get3A_399 = arith.constant 448 : index
      %get3A_400 = tpu.vector_load %arg11[%get3A_398, %get3A_399] {strides = array<i32>} : memref<26x1024xi32, #tpu.memory_space<vmem>>, vector<16xi32>,
      %add3A_401 = arith.addi %get3A_400, %add3A_175 : vector<16xi32>
      %swap3A_402 = arith.constant 3 : i32
      %swap3A_403 = arith.index_cast %swap3A_402 : i32 to index
      %swap3A_404 = arith.constant 64 : index
      %swap3A_405 = tpu.vector_load %arg12[%swap3A_403, %swap3A_404] {strides = array<i32>} : memref<8x128xi32, #tpu.memory_space<vmem>>, vector<16xi32>,
      tpu.vector_store %arg12[%swap3A_403, %swap3A_404], %add3A_401 {strides = array<i32>} : memref<8x128xi32, #tpu.memory_space<vmem>>, vector<16xi32>,
      %get3A_406 = arith.index_cast %sub3A_164 : i32 to index
      %get3A_407 = arith.constant 464 : index
      %get3A_408 = tpu.vector_load %arg11[%get3A_406, %get3A_407] {strides = array<i32>} : memref<26x1024xi32, #tpu.memory_space<vmem>>, vector<16xi32>,
      %add3A_409 = arith.addi %get3A_408, %add3A_175 : vector<16xi32>
      %swap3A_410 = arith.constant 3 : i32
      %swap3A_411 = arith.index_cast %swap3A_410 : i32 to index
      %swap3A_412 = arith.constant 80 : index
      %swap3A_413 = tpu.vector_load %arg12[%swap3A_411, %swap3A_412] {strides = array<i32>} : memref<8x128xi32, #tpu.memory_space<vmem>>, vector<16xi32>,
      tpu.vector_store %arg12[%swap3A_411, %swap3A_412], %add3A_409 {strides = array<i32>} : memref<8x128xi32, #tpu.memory_space<vmem>>, vector<16xi32>,
      %get3A_414 = arith.index_cast %sub3A_164 : i32 to index
      %get3A_415 = arith.constant 480 : index
      %get3A_416 = tpu.vector_load %arg11[%get3A_414, %get3A_415] {strides = array<i32>} : memref<26x1024xi32, #tpu.memory_space<vmem>>, vector<16xi32>,
      %add3A_417 = arith.addi %get3A_416, %add3A_175 : vector<16xi32>
      %swap3A_418 = arith.constant 3 : i32
      %swap3A_419 = arith.index_cast %swap3A_418 : i32 to index
      %swap3A_420 = arith.constant 96 : index
      %swap3A_421 = tpu.vector_load %arg12[%swap3A_419, %swap3A_420] {strides = array<i32>} : memref<8x128xi32, #tpu.memory_space<vmem>>, vector<16xi32>,
      tpu.vector_store %arg12[%swap3A_419, %swap3A_420], %add3A_417 {strides = array<i32>} : memref<8x128xi32, #tpu.memory_space<vmem>>, vector<16xi32>,
      %get3A_422 = arith.index_cast %sub3A_164 : i32 to index
      %get3A_423 = arith.constant 496 : index
      %get3A_424 = tpu.vector_load %arg11[%get3A_422, %get3A_423] {strides = array<i32>} : memref<26x1024xi32, #tpu.memory_space<vmem>>, vector<16xi32>,
      %add3A_425 = arith.addi %get3A_424, %add3A_175 : vector<16xi32>
      %swap3A_426 = arith.constant 3 : i32
      %swap3A_427 = arith.index_cast %swap3A_426 : i32 to index
      %swap3A_428 = arith.constant 112 : index
      %swap3A_429 = tpu.vector_load %arg12[%swap3A_427, %swap3A_428] {strides = array<i32>} : memref<8x128xi32, #tpu.memory_space<vmem>>, vector<16xi32>,
      tpu.vector_store %arg12[%swap3A_427, %swap3A_428], %add3A_425 {strides = array<i32>} : memref<8x128xi32, #tpu.memory_space<vmem>>, vector<16xi32>,
      %get3A_430 = arith.index_cast %sub3A_164 : i32 to index
      %get3A_431 = arith.constant 512 : index
      %get3A_432 = tpu.vector_load %arg11[%get3A_430, %get3A_431] {strides = array<i32>} : memref<26x1024xi32, #tpu.memory_space<vmem>>, vector<16xi32>,
      %add3A_433 = arith.addi %get3A_432, %add3A_175 : vector<16xi32>
      %swap3A_434 = arith.constant 4 : i32
      %swap3A_435 = arith.index_cast %swap3A_434 : i32 to index
      %swap3A_436 = arith.constant 0 : index
      %swap3A_437 = tpu.vector_load %arg12[%swap3A_435, %swap3A_436] {strides = array<i32>} : memref<8x128xi32, #tpu.memory_space<vmem>>, vector<16xi32>,
      tpu.vector_store %arg12[%swap3A_435, %swap3A_436], %add3A_433 {strides = array<i32>} : memref<8x128xi32, #tpu.memory_space<vmem>>, vector<16xi32>,
      %get3A_438 = arith.index_cast %sub3A_164 : i32 to index
      %get3A_439 = arith.constant 528 : index
      %get3A_440 = tpu.vector_load %arg11[%get3A_438, %get3A_439] {strides = array<i32>} : memref<26x1024xi32, #tpu.memory_space<vmem>>, vector<16xi32>,
      %add3A_441 = arith.addi %get3A_440, %add3A_175 : vector<16xi32>
      %swap3A_442 = arith.constant 4 : i32
      %swap3A_443 = arith.index_cast %swap3A_442 : i32 to index
      %swap3A_444 = arith.constant 16 : index
      %swap3A_445 = tpu.vector_load %arg12[%swap3A_443, %swap3A_444] {strides = array<i32>} : memref<8x128xi32, #tpu.memory_space<vmem>>, vector<16xi32>,
      tpu.vector_store %arg12[%swap3A_443, %swap3A_444], %add3A_441 {strides = array<i32>} : memref<8x128xi32, #tpu.memory_space<vmem>>, vector<16xi32>,
      %get3A_446 = arith.index_cast %sub3A_164 : i32 to index
      %get3A_447 = arith.constant 544 : index
      %get3A_448 = tpu.vector_load %arg11[%get3A_446, %get3A_447] {strides = array<i32>} : memref<26x1024xi32, #tpu.memory_space<vmem>>, vector<16xi32>,
      %add3A_449 = arith.addi %get3A_448, %add3A_175 : vector<16xi32>
      %swap3A_450 = arith.constant 4 : i32
      %swap3A_451 = arith.index_cast %swap3A_450 : i32 to index
      %swap3A_452 = arith.constant 32 : index
      %swap3A_453 = tpu.vector_load %arg12[%swap3A_451, %swap3A_452] {strides = array<i32>} : memref<8x128xi32, #tpu.memory_space<vmem>>, vector<16xi32>,
      tpu.vector_store %arg12[%swap3A_451, %swap3A_452], %add3A_449 {strides = array<i32>} : memref<8x128xi32, #tpu.memory_space<vmem>>, vector<16xi32>,
      %get3A_454 = arith.index_cast %sub3A_164 : i32 to index
      %get3A_455 = arith.constant 560 : index
      %get3A_456 = tpu.vector_load %arg11[%get3A_454, %get3A_455] {strides = array<i32>} : memref<26x1024xi32, #tpu.memory_space<vmem>>, vector<16xi32>,
      %add3A_457 = arith.addi %get3A_456, %add3A_175 : vector<16xi32>
      %swap3A_458 = arith.constant 4 : i32
      %swap3A_459 = arith.index_cast %swap3A_458 : i32 to index
      %swap3A_460 = arith.constant 48 : index
      %swap3A_461 = tpu.vector_load %arg12[%swap3A_459, %swap3A_460] {strides = array<i32>} : memref<8x128xi32, #tpu.memory_space<vmem>>, vector<16xi32>,
      tpu.vector_store %arg12[%swap3A_459, %swap3A_460], %add3A_457 {strides = array<i32>} : memref<8x128xi32, #tpu.memory_space<vmem>>, vector<16xi32>,
      %get3A_462 = arith.index_cast %sub3A_164 : i32 to index
      %get3A_463 = arith.constant 576 : index
      %get3A_464 = tpu.vector_load %arg11[%get3A_462, %get3A_463] {strides = array<i32>} : memref<26x1024xi32, #tpu.memory_space<vmem>>, vector<16xi32>,
      %add3A_465 = arith.addi %get3A_464, %add3A_175 : vector<16xi32>
      %swap3A_466 = arith.constant 4 : i32
      %swap3A_467 = arith.index_cast %swap3A_466 : i32 to index
      %swap3A_468 = arith.constant 64 : index
      %swap3A_469 = tpu.vector_load %arg12[%swap3A_467, %swap3A_468] {strides = array<i32>} : memref<8x128xi32, #tpu.memory_space<vmem>>, vector<16xi32>,
      tpu.vector_store %arg12[%swap3A_467, %swap3A_468], %add3A_465 {strides = array<i32>} : memref<8x128xi32, #tpu.memory_space<vmem>>, vector<16xi32>,
      %get3A_470 = arith.index_cast %sub3A_164 : i32 to index
      %get3A_471 = arith.constant 592 : index
      %get3A_472 = tpu.vector_load %arg11[%get3A_470, %get3A_471] {strides = array<i32>} : memref<26x1024xi32, #tpu.memory_space<vmem>>, vector<16xi32>,
      %add3A_473 = arith.addi %get3A_472, %add3A_175 : vector<16xi32>
      %swap3A_474 = arith.constant 4 : i32
      %swap3A_475 = arith.index_cast %swap3A_474 : i32 to index
      %swap3A_476 = arith.constant 80 : index
      %swap3A_477 = tpu.vector_load %arg12[%swap3A_475, %swap3A_476] {strides = array<i32>} : memref<8x128xi32, #tpu.memory_space<vmem>>, vector<16xi32>,
      tpu.vector_store %arg12[%swap3A_475, %swap3A_476], %add3A_473 {strides = array<i32>} : memref<8x128xi32, #tpu.memory_space<vmem>>, vector<16xi32>,
      %get3A_478 = arith.index_cast %sub3A_164 : i32 to index
      %get3A_479 = arith.constant 608 : index
      %get3A_480 = tpu.vector_load %arg11[%get3A_478, %get3A_479] {strides = array<i32>} : memref<26x1024xi32, #tpu.memory_space<vmem>>, vector<16xi32>,
      %add3A_481 = arith.addi %get3A_480, %add3A_175 : vector<16xi32>
      %swap3A_482 = arith.constant 4 : i32
      %swap3A_483 = arith.index_cast %swap3A_482 : i32 to index
      %swap3A_484 = arith.constant 96 : index
      %swap3A_485 = tpu.vector_load %arg12[%swap3A_483, %swap3A_484] {strides = array<i32>} : memref<8x128xi32, #tpu.memory_space<vmem>>, vector<16xi32>,
      tpu.vector_store %arg12[%swap3A_483, %swap3A_484], %add3A_481 {strides = array<i32>} : memref<8x128xi32, #tpu.memory_space<vmem>>, vector<16xi32>,
      %get3A_486 = arith.index_cast %sub3A_164 : i32 to index
      %get3A_487 = arith.constant 624 : index
      %get3A_488 = tpu.vector_load %arg11[%get3A_486, %get3A_487] {strides = array<i32>} : memref<26x1024xi32, #tpu.memory_space<vmem>>, vector<16xi32>,
      %add3A_489 = arith.addi %get3A_488, %add3A_175 : vector<16xi32>
      %swap3A_490 = arith.constant 4 : i32
      %swap3A_491 = arith.index_cast %swap3A_490 : i32 to index
      %swap3A_492 = arith.constant 112 : index
      %swap3A_493 = tpu.vector_load %arg12[%swap3A_491, %swap3A_492] {strides = array<i32>} : memref<8x128xi32, #tpu.memory_space<vmem>>, vector<16xi32>,
      tpu.vector_store %arg12[%swap3A_491, %swap3A_492], %add3A_489 {strides = array<i32>} : memref<8x128xi32, #tpu.memory_space<vmem>>, vector<16xi32>,
      %get3A_494 = arith.index_cast %sub3A_164 : i32 to index
      %get3A_495 = arith.constant 640 : index
      %get3A_496 = tpu.vector_load %arg11[%get3A_494, %get3A_495] {strides = array<i32>} : memref<26x1024xi32, #tpu.memory_space<vmem>>, vector<16xi32>,
      %add3A_497 = arith.addi %get3A_496, %add3A_175 : vector<16xi32>
      %swap3A_498 = arith.constant 5 : i32
      %swap3A_499 = arith.index_cast %swap3A_498 : i32 to index
      %swap3A_500 = arith.constant 0 : index
      %swap3A_501 = tpu.vector_load %arg12[%swap3A_499, %swap3A_500] {strides = array<i32>} : memref<8x128xi32, #tpu.memory_space<vmem>>, vector<16xi32>,
      tpu.vector_store %arg12[%swap3A_499, %swap3A_500], %add3A_497 {strides = array<i32>} : memref<8x128xi32, #tpu.memory_space<vmem>>, vector<16xi32>,
      %get3A_502 = arith.index_cast %sub3A_164 : i32 to index
      %get3A_503 = arith.constant 656 : index
      %get3A_504 = tpu.vector_load %arg11[%get3A_502, %get3A_503] {strides = array<i32>} : memref<26x1024xi32, #tpu.memory_space<vmem>>, vector<16xi32>,
      %add3A_505 = arith.addi %get3A_504, %add3A_175 : vector<16xi32>
      %swap3A_506 = arith.constant 5 : i32
      %swap3A_507 = arith.index_cast %swap3A_506 : i32 to index
      %swap3A_508 = arith.constant 16 : index
      %swap3A_509 = tpu.vector_load %arg12[%swap3A_507, %swap3A_508] {strides = array<i32>} : memref<8x128xi32, #tpu.memory_space<vmem>>, vector<16xi32>,
      tpu.vector_store %arg12[%swap3A_507, %swap3A_508], %add3A_505 {strides = array<i32>} : memref<8x128xi32, #tpu.memory_space<vmem>>, vector<16xi32>,
      %get3A_510 = arith.index_cast %sub3A_164 : i32 to index
      %get3A_511 = arith.constant 672 : index
      %get3A_512 = tpu.vector_load %arg11[%get3A_510, %get3A_511] {strides = array<i32>} : memref<26x1024xi32, #tpu.memory_space<vmem>>, vector<16xi32>,
      %add3A_513 = arith.addi %get3A_512, %add3A_175 : vector<16xi32>
      %swap3A_514 = arith.constant 5 : i32
      %swap3A_515 = arith.index_cast %swap3A_514 : i32 to index
      %swap3A_516 = arith.constant 32 : index
      %swap3A_517 = tpu.vector_load %arg12[%swap3A_515, %swap3A_516] {strides = array<i32>} : memref<8x128xi32, #tpu.memory_space<vmem>>, vector<16xi32>,
      tpu.vector_store %arg12[%swap3A_515, %swap3A_516], %add3A_513 {strides = array<i32>} : memref<8x128xi32, #tpu.memory_space<vmem>>, vector<16xi32>,
      %get3A_518 = arith.index_cast %sub3A_164 : i32 to index
      %get3A_519 = arith.constant 688 : index
      %get3A_520 = tpu.vector_load %arg11[%get3A_518, %get3A_519] {strides = array<i32>} : memref<26x1024xi32, #tpu.memory_space<vmem>>, vector<16xi32>,
      %add3A_521 = arith.addi %get3A_520, %add3A_175 : vector<16xi32>
      %swap3A_522 = arith.constant 5 : i32
      %swap3A_523 = arith.index_cast %swap3A_522 : i32 to index
      %swap3A_524 = arith.constant 48 : index
      %swap3A_525 = tpu.vector_load %arg12[%swap3A_523, %swap3A_524] {strides = array<i32>} : memref<8x128xi32, #tpu.memory_space<vmem>>, vector<16xi32>,
      tpu.vector_store %arg12[%swap3A_523, %swap3A_524], %add3A_521 {strides = array<i32>} : memref<8x128xi32, #tpu.memory_space<vmem>>, vector<16xi32>,
      %get3A_526 = arith.index_cast %sub3A_164 : i32 to index
      %get3A_527 = arith.constant 704 : index
      %get3A_528 = tpu.vector_load %arg11[%get3A_526, %get3A_527] {strides = array<i32>} : memref<26x1024xi32, #tpu.memory_space<vmem>>, vector<16xi32>,
      %add3A_529 = arith.addi %get3A_528, %add3A_175 : vector<16xi32>
      %swap3A_530 = arith.constant 5 : i32
      %swap3A_531 = arith.index_cast %swap3A_530 : i32 to index
      %swap3A_532 = arith.constant 64 : index
      %swap3A_533 = tpu.vector_load %arg12[%swap3A_531, %swap3A_532] {strides = array<i32>} : memref<8x128xi32, #tpu.memory_space<vmem>>, vector<16xi32>,
      tpu.vector_store %arg12[%swap3A_531, %swap3A_532], %add3A_529 {strides = array<i32>} : memref<8x128xi32, #tpu.memory_space<vmem>>, vector<16xi32>,
      %get3A_534 = arith.index_cast %sub3A_164 : i32 to index
      %get3A_535 = arith.constant 720 : index
      %get3A_536 = tpu.vector_load %arg11[%get3A_534, %get3A_535] {strides = array<i32>} : memref<26x1024xi32, #tpu.memory_space<vmem>>, vector<16xi32>,
      %add3A_537 = arith.addi %get3A_536, %add3A_175 : vector<16xi32>
      %swap3A_538 = arith.constant 5 : i32
      %swap3A_539 = arith.index_cast %swap3A_538 : i32 to index
      %swap3A_540 = arith.constant 80 : index
      %swap3A_541 = tpu.vector_load %arg12[%swap3A_539, %swap3A_540] {strides = array<i32>} : memref<8x128xi32, #tpu.memory_space<vmem>>, vector<16xi32>,
      tpu.vector_store %arg12[%swap3A_539, %swap3A_540], %add3A_537 {strides = array<i32>} : memref<8x128xi32, #tpu.memory_space<vmem>>, vector<16xi32>,
      %get3A_542 = arith.index_cast %sub3A_164 : i32 to index
      %get3A_543 = arith.constant 736 : index
      %get3A_544 = tpu.vector_load %arg11[%get3A_542, %get3A_543] {strides = array<i32>} : memref<26x1024xi32, #tpu.memory_space<vmem>>, vector<16xi32>,
      %add3A_545 = arith.addi %get3A_544, %add3A_175 : vector<16xi32>
      %swap3A_546 = arith.constant 5 : i32
      %swap3A_547 = arith.index_cast %swap3A_546 : i32 to index
      %swap3A_548 = arith.constant 96 : index
      %swap3A_549 = tpu.vector_load %arg12[%swap3A_547, %swap3A_548] {strides = array<i32>} : memref<8x128xi32, #tpu.memory_space<vmem>>, vector<16xi32>,
      tpu.vector_store %arg12[%swap3A_547, %swap3A_548], %add3A_545 {strides = array<i32>} : memref<8x128xi32, #tpu.memory_space<vmem>>, vector<16xi32>,
      %get3A_550 = arith.index_cast %sub3A_164 : i32 to index
      %get3A_551 = arith.constant 752 : index
      %get3A_552 = tpu.vector_load %arg11[%get3A_550, %get3A_551] {strides = array<i32>} : memref<26x1024xi32, #tpu.memory_space<vmem>>, vector<16xi32>,
      %add3A_553 = arith.addi %get3A_552, %add3A_175 : vector<16xi32>
      %swap3A_554 = arith.constant 5 : i32
      %swap3A_555 = arith.index_cast %swap3A_554 : i32 to index
      %swap3A_556 = arith.constant 112 : index
      %swap3A_557 = tpu.vector_load %arg12[%swap3A_555, %swap3A_556] {strides = array<i32>} : memref<8x128xi32, #tpu.memory_space<vmem>>, vector<16xi32>,
      tpu.vector_store %arg12[%swap3A_555, %swap3A_556], %add3A_553 {strides = array<i32>} : memref<8x128xi32, #tpu.memory_space<vmem>>, vector<16xi32>,
      %get3A_558 = arith.index_cast %sub3A_164 : i32 to index
      %get3A_559 = arith.constant 768 : index
      %get3A_560 = tpu.vector_load %arg11[%get3A_558, %get3A_559] {strides = array<i32>} : memref<26x1024xi32, #tpu.memory_space<vmem>>, vector<16xi32>,
      %add3A_561 = arith.addi %get3A_560, %add3A_175 : vector<16xi32>
      %swap3A_562 = arith.constant 6 : i32
      %swap3A_563 = arith.index_cast %swap3A_562 : i32 to index
      %swap3A_564 = arith.constant 0 : index
      %swap3A_565 = tpu.vector_load %arg12[%swap3A_563, %swap3A_564] {strides = array<i32>} : memref<8x128xi32, #tpu.memory_space<vmem>>, vector<16xi32>,
      tpu.vector_store %arg12[%swap3A_563, %swap3A_564], %add3A_561 {strides = array<i32>} : memref<8x128xi32, #tpu.memory_space<vmem>>, vector<16xi32>,
      %get3A_566 = arith.index_cast %sub3A_164 : i32 to index
      %get3A_567 = arith.constant 784 : index
      %get3A_568 = tpu.vector_load %arg11[%get3A_566, %get3A_567] {strides = array<i32>} : memref<26x1024xi32, #tpu.memory_space<vmem>>, vector<16xi32>,
      %add3A_569 = arith.addi %get3A_568, %add3A_175 : vector<16xi32>
      %swap3A_570 = arith.constant 6 : i32
      %swap3A_571 = arith.index_cast %swap3A_570 : i32 to index
      %swap3A_572 = arith.constant 16 : index
      %swap3A_573 = tpu.vector_load %arg12[%swap3A_571, %swap3A_572] {strides = array<i32>} : memref<8x128xi32, #tpu.memory_space<vmem>>, vector<16xi32>,
      tpu.vector_store %arg12[%swap3A_571, %swap3A_572], %add3A_569 {strides = array<i32>} : memref<8x128xi32, #tpu.memory_space<vmem>>, vector<16xi32>,
      %get3A_574 = arith.index_cast %sub3A_164 : i32 to index
      %get3A_575 = arith.constant 800 : index
      %get3A_576 = tpu.vector_load %arg11[%get3A_574, %get3A_575] {strides = array<i32>} : memref<26x1024xi32, #tpu.memory_space<vmem>>, vector<16xi32>,
      %add3A_577 = arith.addi %get3A_576, %add3A_175 : vector<16xi32>
      %swap3A_578 = arith.constant 6 : i32
      %swap3A_579 = arith.index_cast %swap3A_578 : i32 to index
      %swap3A_580 = arith.constant 32 : index
      %swap3A_581 = tpu.vector_load %arg12[%swap3A_579, %swap3A_580] {strides = array<i32>} : memref<8x128xi32, #tpu.memory_space<vmem>>, vector<16xi32>,
      tpu.vector_store %arg12[%swap3A_579, %swap3A_580], %add3A_577 {strides = array<i32>} : memref<8x128xi32, #tpu.memory_space<vmem>>, vector<16xi32>,
      %get3A_582 = arith.index_cast %sub3A_164 : i32 to index
      %get3A_583 = arith.constant 816 : index
      %get3A_584 = tpu.vector_load %arg11[%get3A_582, %get3A_583] {strides = array<i32>} : memref<26x1024xi32, #tpu.memory_space<vmem>>, vector<16xi32>,
      %add3A_585 = arith.addi %get3A_584, %add3A_175 : vector<16xi32>
      %swap3A_586 = arith.constant 6 : i32
      %swap3A_587 = arith.index_cast %swap3A_586 : i32 to index
      %swap3A_588 = arith.constant 48 : index
      %swap3A_589 = tpu.vector_load %arg12[%swap3A_587, %swap3A_588] {strides = array<i32>} : memref<8x128xi32, #tpu.memory_space<vmem>>, vector<16xi32>,
      tpu.vector_store %arg12[%swap3A_587, %swap3A_588], %add3A_585 {strides = array<i32>} : memref<8x128xi32, #tpu.memory_space<vmem>>, vector<16xi32>,
      %get3A_590 = arith.index_cast %sub3A_164 : i32 to index
      %get3A_591 = arith.constant 832 : index
      %get3A_592 = tpu.vector_load %arg11[%get3A_590, %get3A_591] {strides = array<i32>} : memref<26x1024xi32, #tpu.memory_space<vmem>>, vector<16xi32>,
      %add3A_593 = arith.addi %get3A_592, %add3A_175 : vector<16xi32>
      %swap3A_594 = arith.constant 6 : i32
      %swap3A_595 = arith.index_cast %swap3A_594 : i32 to index
      %swap3A_596 = arith.constant 64 : index
      %swap3A_597 = tpu.vector_load %arg12[%swap3A_595, %swap3A_596] {strides = array<i32>} : memref<8x128xi32, #tpu.memory_space<vmem>>, vector<16xi32>,
      tpu.vector_store %arg12[%swap3A_595, %swap3A_596], %add3A_593 {strides = array<i32>} : memref<8x128xi32, #tpu.memory_space<vmem>>, vector<16xi32>,
      %get3A_598 = arith.index_cast %sub3A_164 : i32 to index
      %get3A_599 = arith.constant 848 : index
      %get3A_600 = tpu.vector_load %arg11[%get3A_598, %get3A_599] {strides = array<i32>} : memref<26x1024xi32, #tpu.memory_space<vmem>>, vector<16xi32>,
      %add3A_601 = arith.addi %get3A_600, %add3A_175 : vector<16xi32>
      %swap3A_602 = arith.constant 6 : i32
      %swap3A_603 = arith.index_cast %swap3A_602 : i32 to index
      %swap3A_604 = arith.constant 80 : index
      %swap3A_605 = tpu.vector_load %arg12[%swap3A_603, %swap3A_604] {strides = array<i32>} : memref<8x128xi32, #tpu.memory_space<vmem>>, vector<16xi32>,
      tpu.vector_store %arg12[%swap3A_603, %swap3A_604], %add3A_601 {strides = array<i32>} : memref<8x128xi32, #tpu.memory_space<vmem>>, vector<16xi32>,
      %get3A_606 = arith.index_cast %sub3A_164 : i32 to index
      %get3A_607 = arith.constant 864 : index
      %get3A_608 = tpu.vector_load %arg11[%get3A_606, %get3A_607] {strides = array<i32>} : memref<26x1024xi32, #tpu.memory_space<vmem>>, vector<16xi32>,
      %add3A_609 = arith.addi %get3A_608, %add3A_175 : vector<16xi32>
      %swap3A_610 = arith.constant 6 : i32
      %swap3A_611 = arith.index_cast %swap3A_610 : i32 to index
      %swap3A_612 = arith.constant 96 : index
      %swap3A_613 = tpu.vector_load %arg12[%swap3A_611, %swap3A_612] {strides = array<i32>} : memref<8x128xi32, #tpu.memory_space<vmem>>, vector<16xi32>,
      tpu.vector_store %arg12[%swap3A_611, %swap3A_612], %add3A_609 {strides = array<i32>} : memref<8x128xi32, #tpu.memory_space<vmem>>, vector<16xi32>,
      %get3A_614 = arith.index_cast %sub3A_164 : i32 to index
      %get3A_615 = arith.constant 880 : index
      %get3A_616 = tpu.vector_load %arg11[%get3A_614, %get3A_615] {strides = array<i32>} : memref<26x1024xi32, #tpu.memory_space<vmem>>, vector<16xi32>,
      %add3A_617 = arith.addi %get3A_616, %add3A_175 : vector<16xi32>
      %swap3A_618 = arith.constant 6 : i32
      %swap3A_619 = arith.index_cast %swap3A_618 : i32 to index
      %swap3A_620 = arith.constant 112 : index
      %swap3A_621 = tpu.vector_load %arg12[%swap3A_619, %swap3A_620] {strides = array<i32>} : memref<8x128xi32, #tpu.memory_space<vmem>>, vector<16xi32>,
      tpu.vector_store %arg12[%swap3A_619, %swap3A_620], %add3A_617 {strides = array<i32>} : memref<8x128xi32, #tpu.memory_space<vmem>>, vector<16xi32>,
      %get3A_622 = arith.index_cast %sub3A_164 : i32 to index
      %get3A_623 = arith.constant 896 : index
      %get3A_624 = tpu.vector_load %arg11[%get3A_622, %get3A_623] {strides = array<i32>} : memref<26x1024xi32, #tpu.memory_space<vmem>>, vector<16xi32>,
      %add3A_625 = arith.addi %get3A_624, %add3A_175 : vector<16xi32>
      %swap3A_626 = arith.constant 7 : i32
      %swap3A_627 = arith.index_cast %swap3A_626 : i32 to index
      %swap3A_628 = arith.constant 0 : index
      %swap3A_629 = tpu.vector_load %arg12[%swap3A_627, %swap3A_628] {strides = array<i32>} : memref<8x128xi32, #tpu.memory_space<vmem>>, vector<16xi32>,
      tpu.vector_store %arg12[%swap3A_627, %swap3A_628], %add3A_625 {strides = array<i32>} : memref<8x128xi32, #tpu.memory_space<vmem>>, vector<16xi32>,
      %get3A_630 = arith.index_cast %sub3A_164 : i32 to index
      %get3A_631 = arith.constant 912 : index
      %get3A_632 = tpu.vector_load %arg11[%get3A_630, %get3A_631] {strides = array<i32>} : memref<26x1024xi32, #tpu.memory_space<vmem>>, vector<16xi32>,
      %add3A_633 = arith.addi %get3A_632, %add3A_175 : vector<16xi32>
      %swap3A_634 = arith.constant 7 : i32
      %swap3A_635 = arith.index_cast %swap3A_634 : i32 to index
      %swap3A_636 = arith.constant 16 : index
      %swap3A_637 = tpu.vector_load %arg12[%swap3A_635, %swap3A_636] {strides = array<i32>} : memref<8x128xi32, #tpu.memory_space<vmem>>, vector<16xi32>,
      tpu.vector_store %arg12[%swap3A_635, %swap3A_636], %add3A_633 {strides = array<i32>} : memref<8x128xi32, #tpu.memory_space<vmem>>, vector<16xi32>,
      %get3A_638 = arith.index_cast %sub3A_164 : i32 to index
      %get3A_639 = arith.constant 928 : index
      %get3A_640 = tpu.vector_load %arg11[%get3A_638, %get3A_639] {strides = array<i32>} : memref<26x1024xi32, #tpu.memory_space<vmem>>, vector<16xi32>,
      %add3A_641 = arith.addi %get3A_640, %add3A_175 : vector<16xi32>
      %swap3A_642 = arith.constant 7 : i32
      %swap3A_643 = arith.index_cast %swap3A_642 : i32 to index
      %swap3A_644 = arith.constant 32 : index
      %swap3A_645 = tpu.vector_load %arg12[%swap3A_643, %swap3A_644] {strides = array<i32>} : memref<8x128xi32, #tpu.memory_space<vmem>>, vector<16xi32>,
      tpu.vector_store %arg12[%swap3A_643, %swap3A_644], %add3A_641 {strides = array<i32>} : memref<8x128xi32, #tpu.memory_space<vmem>>, vector<16xi32>,
      %get3A_646 = arith.index_cast %sub3A_164 : i32 to index
      %get3A_647 = arith.constant 944 : index
      %get3A_648 = tpu.vector_load %arg11[%get3A_646, %get3A_647] {strides = array<i32>} : memref<26x1024xi32, #tpu.memory_space<vmem>>, vector<16xi32>,
      %add3A_649 = arith.addi %get3A_648, %add3A_175 : vector<16xi32>
      %swap3A_650 = arith.constant 7 : i32
      %swap3A_651 = arith.index_cast %swap3A_650 : i32 to index
      %swap3A_652 = arith.constant 48 : index
      %swap3A_653 = tpu.vector_load %arg12[%swap3A_651, %swap3A_652] {strides = array<i32>} : memref<8x128xi32, #tpu.memory_space<vmem>>, vector<16xi32>,
      tpu.vector_store %arg12[%swap3A_651, %swap3A_652], %add3A_649 {strides = array<i32>} : memref<8x128xi32, #tpu.memory_space<vmem>>, vector<16xi32>,
      %get3A_654 = arith.index_cast %sub3A_164 : i32 to index
      %get3A_655 = arith.constant 960 : index
      %get3A_656 = tpu.vector_load %arg11[%get3A_654, %get3A_655] {strides = array<i32>} : memref<26x1024xi32, #tpu.memory_space<vmem>>, vector<16xi32>,
      %add3A_657 = arith.addi %get3A_656, %add3A_175 : vector<16xi32>
      %swap3A_658 = arith.constant 7 : i32
      %swap3A_659 = arith.index_cast %swap3A_658 : i32 to index
      %swap3A_660 = arith.constant 64 : index
      %swap3A_661 = tpu.vector_load %arg12[%swap3A_659, %swap3A_660] {strides = array<i32>} : memref<8x128xi32, #tpu.memory_space<vmem>>, vector<16xi32>,
      tpu.vector_store %arg12[%swap3A_659, %swap3A_660], %add3A_657 {strides = array<i32>} : memref<8x128xi32, #tpu.memory_space<vmem>>, vector<16xi32>,
      %get3A_662 = arith.index_cast %sub3A_164 : i32 to index
      %get3A_663 = arith.constant 976 : index
      %get3A_664 = tpu.vector_load %arg11[%get3A_662, %get3A_663] {strides = array<i32>} : memref<26x1024xi32, #tpu.memory_space<vmem>>, vector<16xi32>,
      %add3A_665 = arith.addi %get3A_664, %add3A_175 : vector<16xi32>
      %swap3A_666 = arith.constant 7 : i32
      %swap3A_667 = arith.index_cast %swap3A_666 : i32 to index
      %swap3A_668 = arith.constant 80 : index
      %swap3A_669 = tpu.vector_load %arg12[%swap3A_667, %swap3A_668] {strides = array<i32>} : memref<8x128xi32, #tpu.memory_space<vmem>>, vector<16xi32>,
      tpu.vector_store %arg12[%swap3A_667, %swap3A_668], %add3A_665 {strides = array<i32>} : memref<8x128xi32, #tpu.memory_space<vmem>>, vector<16xi32>,
      %get3A_670 = arith.index_cast %sub3A_164 : i32 to index
      %get3A_671 = arith.constant 992 : index
      %get3A_672 = tpu.vector_load %arg11[%get3A_670, %get3A_671] {strides = array<i32>} : memref<26x1024xi32, #tpu.memory_space<vmem>>, vector<16xi32>,
      %add3A_673 = arith.addi %get3A_672, %add3A_175 : vector<16xi32>
      %swap3A_674 = arith.constant 7 : i32
      %swap3A_675 = arith.index_cast %swap3A_674 : i32 to index
      %swap3A_676 = arith.constant 96 : index
      %swap3A_677 = tpu.vector_load %arg12[%swap3A_675, %swap3A_676] {strides = array<i32>} : memref<8x128xi32, #tpu.memory_space<vmem>>, vector<16xi32>,
      tpu.vector_store %arg12[%swap3A_675, %swap3A_676], %add3A_673 {strides = array<i32>} : memref<8x128xi32, #tpu.memory_space<vmem>>, vector<16xi32>,
      %get3A_678 = arith.index_cast %sub3A_164 : i32 to index
      %get3A_679 = arith.constant 1008 : index
      %get3A_680 = tpu.vector_load %arg11[%get3A_678, %get3A_679] {strides = array<i32>} : memref<26x1024xi32, #tpu.memory_space<vmem>>, vector<16xi32>,
      %add3A_681 = arith.addi %get3A_680, %add3A_175 : vector<16xi32>
      %swap3A_682 = arith.constant 7 : i32
      %swap3A_683 = arith.index_cast %swap3A_682 : i32 to index
      %swap3A_684 = arith.constant 112 : index
      %swap3A_685 = tpu.vector_load %arg12[%swap3A_683, %swap3A_684] {strides = array<i32>} : memref<8x128xi32, #tpu.memory_space<vmem>>, vector<16xi32>,
      tpu.vector_store %arg12[%swap3A_683, %swap3A_684], %add3A_681 {strides = array<i32>} : memref<8x128xi32, #tpu.memory_space<vmem>>, vector<16xi32>,
      %mul3A_686 = arith.constant 128 : i32
      %mul3A_687 = arith.muli %sub3A_164, %mul3A_686 : i32
      %mul3A_688 = arith.constant 8 : i32
      %mul3A_689 = arith.muli %select_n3A_161, %mul3A_688 : i32
      %add3A_690 = arith.addi %mul3A_687, %mul3A_689 : i32
      %multiple_of3A_691 = tpu.assume_multiple %add3A_690, 8 : i32
      "tpu.region"() ({
        %run_scoped3A = tpu.sem_alloc : memref<!tpu.dma_semaphore, #tpu.memory_space<semaphore_mem>>
        %dma_start3A_692 = arith.constant 0 : i32
        %dma_start3A_693 = tpu.memref_slice %arg6[%multiple_of3A_691, %dma_start3A_692] : memref<3328x128xi32, #tpu.memory_space<hbm>> -> memref<8x128xi32, #tpu.memory_space<hbm>>
        %dma_start3A_694 = arith.constant 0 : i32
        %dma_start3A_695 = tpu.memref_slice %arg6[%multiple_of3A_691, %dma_start3A_694] : memref<3328x128xi32, #tpu.memory_space<hbm>> -> memref<8x128xi32, #tpu.memory_space<hbm>>
        tpu.enqueue_dma source(%arg12 : memref<8x128xi32, #tpu.memory_space<vmem>>) target(%dma_start3A_695 : memref<8x128xi32, #tpu.memory_space<hbm>>) target_semaphore(%run_scoped3A : memref<!tpu.dma_semaphore, #tpu.memory_space<semaphore_mem>>)
        %dma_wait3A_696 = arith.constant 0 : i32
        %dma_wait3A_697 = tpu.memref_slice %arg6[%multiple_of3A_691, %dma_wait3A_696] : memref<3328x128xi32, #tpu.memory_space<hbm>> -> memref<8x128xi32, #tpu.memory_space<hbm>>
        %dma_wait3A_698 = arith.constant 0 : i32
        %dma_wait3A_699 = tpu.memref_slice %arg6[%multiple_of3A_691, %dma_wait3A_698] : memref<3328x128xi32, #tpu.memory_space<hbm>> -> memref<8x128xi32, #tpu.memory_space<hbm>>
        tpu.wait_dma2 semaphore(%run_scoped3A : memref<!tpu.dma_semaphore, #tpu.memory_space<semaphore_mem>>) src(%arg12 : memref<8x128xi32, #tpu.memory_space<vmem>>) dst(%dma_wait3A_699 : memref<8x128xi32, #tpu.memory_space<hbm>>)
        tpu.yield
      }) : () -> ()
      scf.yield %select_n3A_161 : i32
    }
    %scan3A_132 = arith.constant 13 : i32
    return
  }
}

</mosaic_0001>

<sc_bundles>
// kernel: kernel.4.cloned.1.call-start
scs
__scs_entry_jumppad:
0x0: {  	(pc) =	sbr.rel $0x88, $3  }
0x1: {  	(tag) =	ssettag $0x0;
	lr =	simm.s32 $0x1  }
0x2: {  	[smem:$0x3F9F] =	sst lr;
	_ =	strace $0xD0000000  }
0x3: {  	_ = 	snop  }
0x4: {  	_ = 	snop  }
0x5: {  	_ = 	snop  }
0x6: {  	_ = 	snop  }
0x7: {  	_ = 	snop  }
__scs_overlays_trampoline_lowered:
0x8: {  	[smem:$0x3FAE] =	sst s0  }
0x9: {  	[smem:$0x3FAF] =	sst s1  }
0xa: {  	[smem:$0x3FB0] =	sst s2  }
0xb: {  	[smem:$0x3FB1] =	sst s3  }
0xc: {  	[smem:$0x3FB2] =	sst s4  }
0xd: {  	[smem:$0x3FB3] =	sst s5  }
0xe: {  	[smem:$0x3FB4] =	sst s6  }
0xf: {  	[smem:$0x3FB5] =	sst s7  }
0x10: {  	[smem:$0x3FB6] =	sst s8  }
0x11: {  	[smem:$0x3FB7] =	sst s9;
	s0 =	simm.s32 @!p0 $0x0  }
0x12: {  	s1 =	sld [smem:$0x3F9D];
	s0 =	simm.s32 @p0 $0x1  }
0x13: {  	[smem:$0x3FB8] =	sst s0;
	s0 =	simm.s32 @!p1 $0x0  }
0x14: {  	s2 =	sld [smem:$0x3F9C];
	s0 =	simm.s32 @p1 $0x1  }
0x15: {  	[smem:$0x3FB9] =	sst s0;
	s0 =	simm.s32 @!p2 $0x0  }
0x16: {  	s3 =	sld [smem:$0x3FDB];
	s0 =	simm.s32 @p2 $0x1  }
0x17: {  	s4 =	simm.s32 $0x1BF5;
	[smem:$0x3FBB] =	sst s0  }
0x18: {  	s0 =	sld [smem:$0x3F9E];
	_ =	swait.ge [sflag:s4], $0x0  }
0x19: {  	s7 =	sld [smem:$0x3F9F]  }
0x1a: {  	s8 =	sadd.s32 $0xFFFFE003, lr  }
0x1b: {  	s9 =	sadd.s32 $0xFFFFFEF7, lr;
	s5 =	simm.s32 $0xFFFFFFFF;
	p2 =	slt.u32 s8, $0xFFFFF086  }
0x1c: {  	p1 =	slt.u32 s9, $0xF7A;
	s5 =	simm.s32 @!p2 $0x0  }
0x1d: {  	s5 =	simm.s32 @p1 $0x1;
	p0 =	seq.s32 s7, s2  }
0x1e: {  	s7 =	smul.u32 @!p0 $0xF7A, s2;
	p2 =	seq.s32 @!p0 s5, $0x0  }
0x1f: {  	s9 =	smul.u32 $0xF7A, s1;
	s8 =	simm.s32 @!p0 $0x1BF5;
	p2 =	por !p2, p0  }
0x20: {  	[sflag:s8] =	ssyncset.s32 @!p0 $0xFFFFF086;
	s6 =	sadd.s32 @!p0 s3, s7;
	s7 =	simm.s32 @!p0 $0x108  }
0x21: {  	s3 =	sadd.s32 s3, s9;
	s6 =	sadd.s32 @!p0 $0x88, s6;
	s7 =	simm.s32 @p2 $0x1082  }
0x22: {  	[simem:s7], [sflag:s8] =	dma.local @!p0 [hbm:s6], $0xF7A  }
0x23: {  	s9 =	sor.u32 $0xD0000000, s2;
	s6 =	simm.s32 $0x108;
	_ =	swait.ge @!p0 [sflag:s8], $0x0  }
0x24: {  	s3 =	sadd.s32 $0x88, s3;
	s6 =	simm.s32 @!p1 $0x1082;
	[sflag:s4] =	ssyncset.s32 $0xFFFFF086  }
0x25: {  	[simem:s6], [sflag:s4] =	dma.local [hbm:s3], $0xF7A  }
0x26: {  	[smem:$0x3F9F] =	sst s1;
	(tag) =	ssettag s2;
	_ =	strace s9  }
0x27: {  	s1 =	sld [smem:$0x3FAF]  }
0x28: {  	s2 =	sld [smem:$0x3FB0]  }
0x29: {  	s4 =	sld [smem:$0x3FB2]  }
0x2a: {  	p0 =	seq.s32 s5, $0x0;
	s5 =	sld [smem:$0x3FB3]  }
0x2b: {  	s6 =	sld [smem:$0x3FB4]  }
0x2c: {  	s7 =	sld [smem:$0x3FB5]  }
0x2d: {  	s3 =	simm.s32 $0x108;
	s8 =	sld [smem:$0x3FB6]  }
0x2e: {  	s3 =	simm.s32 @!p0 $0x1082;
	s9 =	sld [smem:$0x3FB7]  }
0x2f: {  	lr =	sadd.s32 s0, s3;
	s0 =	sld [smem:$0x3FAE]  }
0x30: {  	s3 =	sld [smem:$0x3FB1]  }
0x31: {  	[smem:$0x3FBA] =	sst s10  }
0x32: {  	s10 =	sld [smem:$0x3FB8];
	_ =	sdelay $0x3  }
0x33: {  	p0 =	seq.s32 s10, $0x1;
	s10 =	sld [smem:$0x3FBA];
	_ =	sdelay $0x3  }
0x34: {  	[smem:$0x3FBA] =	sst s10  }
0x35: {  	s10 =	sld [smem:$0x3FB9];
	_ =	sdelay $0x3  }
0x36: {  	p1 =	seq.s32 s10, $0x1;
	s10 =	sld [smem:$0x3FBA];
	_ =	sdelay $0x3  }
0x37: {  	[smem:$0x3FBA] =	sst s10  }
0x38: {  	s10 =	sld [smem:$0x3FBB]  }
0x39: {  	_ = 	snop;
	(pc) =	sbr.ind lr, $3  }
0x3a: {  	_ = 	snop  }
0x3b: {  	_ = 	snop  }
0x3c: {  	p2 =	seq.s32 s10, $0x1;
	s10 =	sld [smem:$0x3FBA]  }
0x3d: {  	_ =	shalt  }
0x3e: {  	_ =	shalt  }
0x3f: {  	_ =	shalt  }
0x40: {  	_ =	shalt  }
0x41: {  	_ =	shalt  }
0x42: {  	_ =	shalt  }
0x43: {  	_ =	shalt  }
0x44: {  	_ =	shalt  }
0x45: {  	_ =	shalt  }
0x46: {  	_ =	shalt  }
0x47: {  	_ =	shalt  }
0x48: {  	_ =	shalt  }
0x49: {  	_ =	shalt  }
0x4a: {  	_ =	shalt  }
0x4b: {  	_ =	shalt  }
0x4c: {  	_ =	shalt  }
0x4d: {  	_ =	shalt  }
0x4e: {  	_ =	shalt  }
0x4f: {  	_ =	shalt  }
0x50: {  	_ =	shalt  }
0x51: {  	_ =	shalt  }
0x52: {  	_ =	shalt  }
0x53: {  	_ =	shalt  }
0x54: {  	_ =	shalt  }
0x55: {  	_ =	shalt  }
0x56: {  	_ =	shalt  }
0x57: {  	_ =	shalt  }
0x58: {  	_ =	shalt  }
0x59: {  	_ =	shalt  }
0x5a: {  	_ =	shalt  }
0x5b: {  	_ =	shalt  }
0x5c: {  	_ =	shalt  }
0x5d: {  	_ =	shalt  }
0x5e: {  	_ =	shalt  }
0x5f: {  	_ =	shalt  }
0x60: {  	_ =	shalt  }
0x61: {  	_ =	shalt  }
0x62: {  	_ =	shalt  }
0x63: {  	_ =	shalt  }
0x64: {  	_ =	shalt  }
0x65: {  	_ =	shalt  }
0x66: {  	_ =	shalt  }
0x67: {  	_ =	shalt  }
0x68: {  	_ =	shalt  }
0x69: {  	_ =	shalt  }
0x6a: {  	_ =	shalt  }
0x6b: {  	_ =	shalt  }
0x6c: {  	_ =	shalt  }
0x6d: {  	_ =	shalt  }
0x6e: {  	_ =	shalt  }
0x6f: {  	_ =	shalt  }
0x70: {  	_ =	shalt  }
0x71: {  	_ =	shalt  }
0x72: {  	_ =	shalt  }
0x73: {  	_ =	shalt  }
0x74: {  	_ =	shalt  }
0x75: {  	_ =	shalt  }
0x76: {  	_ =	shalt  }
0x77: {  	_ =	shalt  }
0x78: {  	_ =	shalt  }
0x79: {  	_ =	shalt  }
0x7a: {  	_ =	shalt  }
0x7b: {  	_ =	shalt  }
0x7c: {  	_ =	shalt  }
0x7d: {  	_ =	shalt  }
0x7e: {  	_ =	shalt  }
0x7f: {  	_ =	shalt  }
0x80: {  	_ =	shalt  }
0x81: {  	_ =	shalt  }
0x82: {  	_ =	shalt  }
0x83: {  	_ =	shalt  }
0x84: {  	_ =	shalt  }
0x85: {  	_ =	shalt  }
0x86: {  	_ =	shalt  }
0x87: {  	_ =	shalt  }
.Lfunc_end0:
.L_simem_size_0:
called_computation_lowered:
.L_overlay_start_0:
0x88: {  	s2 =	sld [smem:$0x3FD9]  }
0x89: {  	s3 =	sld [smem:$0x3FFE];
	_ =	sdelay $0x1  }
0x8a: {  	s1 =	srdreg.scid  }
0x8b: {  	s0 =	sand.u32 $0x1, s1  }
0x8c: {  	s17 =	sshll.u32 s0, $0xA;
	s2 =	sadd.s32 s3, s2  }
0x8d: {  	s2 =	sadd.s32 s2, s17  }
0x8e: {  	[smem:$0x3FC6] =	sst s2  }
0x8f: {  	_ = 	snop  }
0x90: {  	s2 =	sld [smem:$0x3FC9]  }
0x91: {  	s18 =	sld [smem:$0x3FC8]  }
0x92: {  	s4 =	sld [smem:$0x3FD0];
	(tm) =	ssettm $0x1  }
0x93: {  	s5 =	sld [smem:$0x3FFB];
	_ =	sdelay $0x3  }
0x94: {  	_ =	strace s5  }
0x95: {  	s5 =	sld [smem:$0x3FFC];
	_ =	sdelay $0x3  }
0x96: {  	_ =	strace s5  }
0x97: {  	s5 =	sld [smem:$0x3FFD];
	_ =	sdelay $0x3  }
0x98: {  	_ =	strace s5  }
0x99: {  	_ =	strace $0x8FFFFFFF  }
0x9a: {  	s19 =	sld [smem:$0x3FDB];
	_ =	sdelay $0x1  }
0x9b: {  	s6 =	simm.s32 $_scs_section_size  }
0x9c: {  	s7 =	simm.s32 $_size__tile_overlayer_lowered;
	s8 =	simm.s32 $_tile_overlayer_lowered  }
0x9d: {  	s22 =	simm.s32 $0x1BFF;
	s21 =	sshll.u32 s8, $0x1;
	s5 =	sadd.s32 s6, s19  }
0x9e: {  	s9 =	simm.s32 $0x0;
	s20 =	sshll.u32 s7, $0x1;
	s7 =	sadd.s32 s21, s5  }
0x9f: {  	[timem:s9], [sflag:s22] =	dma.local [hbm:s7], s20  }
0xa0: {  	_ =	swait.ge [sflag:s22], s20  }
0xa1: {  	s6 =	ssub.s32 $0x0, s20;
	[sflag:s22] =	ssyncset.done $0x0  }
0xa2: {  	[sflag:s22] =	ssyncadd.s32 s6;
	_ =	sdelay $0x1  }
0xa3: {  	s23 =	simm.s32 $0x1B8B  }
0xa4: {  	_ =	swait.ge [sflag:s23], $0x1  }
0xa5: {  	[sflag:s23] =	ssyncset.done $0x0  }
0xa6: {  	s25 =	simm.s32 $0x1B8E;
	s24 =	sld [smem:$0x3FFE];
	[sflag:s23] =	ssyncadd.s32 $0xFFFFFFFF  }
0xa7: {  	s26 =	simm.s32 $execute0_lowered;
	[smem:$0x3FD2] =	sst s25  }
0xa8: {  	s7 =	sshll.u32 s26, $0x1;
	_ =	strace $0x80000046;
	[dreg:$0x1] =	wrdreg $0xFFFFFFFF  }
0xa9: {  	s28 =	simm.s32 $_size_execute0_lowered;
	s5 =	sadd.s32 s5, s7;
	[dreg:$0x0] =	wrdreg $0x0  }
0xaa: {  	s7 =	sshll.u32 s28, $0x1;
	[dreg:$0x2] =	wrdreg s5  }
0xab: {  	[dreg:$0x3] =	wrdreg s7  }
0xac: {  	[dreg:$0x4] =	wrdreg $0xC0  }
0xad: {  	_ =	task [dreg:s9], $0x5FFFF  }
0xae: {  	[dreg:$0x1] =	wrdreg $0xFFFFFFFF  }
0xaf: {  	[dreg:$0x0] =	wrdreg $0x60  }
0xb0: {  	[dreg:$0x2] =	wrdreg s2  }
0xb1: {  	[dreg:$0x3] =	wrdreg s18  }
0xb2: {  	[dreg:$0x4] =	wrdreg s4  }
0xb3: {  	[dreg:$0x5] =	wrdreg s24  }
0xb4: {  	[dreg:$0x6] =	wrdreg $0x9  }
0xb5: {  	_ =	task.clear_ibuf [dreg:s9], $0x7FFFF;
	_ =	strace $0x90000046  }
0xb6: {  	s29 =	simm.s32 $0x9;
	_ =	strace $0x80000048  }
0xb7: {  	_ =	swait.ge [sflag:s29], $0x1  }
0xb8: {  	[sflag:s29] =	ssyncadd.s32 $0xFFFFFFFF  }
0xb9: {  	_ =	strace $0x90000048  }
0xba: {  	_ =	sfence  }
0xbb: {  	s30 =	sld [smem:$0x0];
	_ =	sdelay $0x2  }
0xbc: {  	s31 =	sshll.u32 s1, $0xD;
	s1 =	sshrl.u32 s1, $0x2  }
0xbd: {  	s3 =	sand.u32 $0x4000, s31;
	s1 =	sadd.s32 s1, s30  }
0xbe: {  	s0 =	sor.u32 s3, s0;
	s1 =	sshll.u32 s1, $0x11  }
0xbf: {  	s0 =	sor.u32 s1, s0  }
0xc0: {  	s0 =	sadd.s32 $0x8F2B, s0  }
0xc1: {  	[sflag:s0] =	ssyncadd.remote.s32 $0x1  }
0xc2: {  	_ =	sfence.sel $0xFFFF  }
0xc3: {  	[dreg:$0x0] =	wrdreg $0xFFFFFFFF;
	(pc) =	sbr.abs _section_cstart, $3  }
0xc4: {  	[dreg:$0x1] =	wrdreg $0xFFFFFFFF  }
0xc5: {  	_ =	task.clear_ibuf [dreg:s9], $0x2FFFF;
	_ =	strace $0x9FFFFFFF  }
0xc6: {  	(tm) =	ssettm $0x7FFFFFFF  }
0xc7: {  	_ =	shalt  }
tec
execute0_lowered:
.L_overlay_start_1:
0x0: {  	(tag) =	ssettag $0x1  }
0x1: {  	s0 =	rddreg [dreg:$0x0]  }
0x2: {  	s1 =	rddreg [dreg:$0x1]  }
0x3: {  	s21 =	rddreg [dreg:$0x2]  }
0x4: {  	s25 =	rddreg [dreg:$0x3];
	s3 =	simm.s32 $0x0  }
0x5: {  	s2 =	srdreg.scid;
	s22 =	stileid.u32;
	s8 =	simm.s32 $0x1  }
0x6: {  	s12 =	simm.s32 $0x3E;
	s28 =	simm.s32 $0x4;
	s29 =	simm.s32 $0x5  }
0x7: {  	s30 =	simm.s32 $0x0;
	[dreg:$0x5] =	wrdreg s0;
	s11 =	smul.u32 $0x1A, s22  }
0x8: {  	[smem:$0x7FF] =	sst s3;
	s5 =	sadd.s32 $0xC00, s25;
	s14 =	smul.u32 $0x68000, s22  }
0x9: {  	s2 =	sand.u32 $0x1, s2;
	s4 =	sadd.s32 $0x1E9200, s25;
	s16 =	smul.u32 $0xD00, s22  }
0xa: {  	s7 =	sshll.u32 s22, $0x1;
	s20 =	smul.u32 $0x6800, s22;
	s0 =	sadd.s32 $0x1E9000, s25  }
0xb: {  	s23 =	sadd.s32 $0x80, s21;
	s21 =	simm.s32 $0x7A1400;
	s13 =	smul.u32 $0xD, s2  }
0xc: {  	_ =	strace $0x80000047;
	[dreg:$0x6] =	wrdreg s4;
	s15 =	smul.u32 $0x34000, s2  }
0xd: {  	s6 =	ssub.s32 $0x2, s2;
	s18 =	smul.u32 $0x680, s2;
	[dreg:$0xa] =	wrdreg s0  }
0xe: {  	s10 =	sor.u32 s2, s7;
	s31 =	smul.u32 $0x3400, s2;
	[dreg:$0xd] =	wrdreg s23  }
0xf: {  	s24 =	smul.u32 $0x7A126, s2;
	s23 =	simm.s32 $0x4000;
	s26 =	sshrl.u32 s6, $0x1  }
0x10: {  	s7 =	smul.u32 $0x3D, s10;
	p0 =	sne.s32 s10, $0x0;
	p1 =	sne.s32 s10, $0x1F  }
0x11: {  	s4 =	ssub.s32 s6, s26;
	s8 =	simm.s32 @!p0 $0x0;
	p0 =	seq.s32 s10, $0x0  }
0x12: {  	s25 =	sadd.s32 s15, s14;
	s26 =	sadd.s32 s18, s16;
	s18 =	sadd.s32 s31, s20  }
0x13: {  	s20 =	simm.s32 $0x1000;
	s31 =	simm.s32 $0x10000;
	s6 =	sadd.s32 s8, s7  }
0x14: {  	v0 =	vlaneseq.u32;
	s12 =	simm.s32 @!p0 $0x3D;
	s7 =	simm.s32 $0x1;
	[dreg:$0xe] =	wrdreg s25  }
0x15: {  	v1 =	vand.u32 $0x7, v0;
	s4 =	smax.u32 s4, $0x1;
	[dreg:$0xf] =	wrdreg s26;
	s9 =	sadd.s32 s6, s12  }
0x16: {  	v2 =	vshrl.u32 v0, $0x3;
	v0 =	vmul.u32 $0x10, v1;
	[dreg:$0x7] =	wrdreg s31;
	s25 =	simm.s32 $0x6000;
	s9 =	sadd.s32 $0xFFFFFFFF, s9  }
0x17: {  	v1 =	vmul.u32 $0x80, v2;
	s8 =	sshrl.u32 s12, $0x1;
	s19 =	sshll.u32 s6, $0x9;
	s17 =	sshll.u32 s9, $0xA  }
0x18: {  	v2 =	vor.u32 $0x1, v0;
	v3 =	vor.u32 $0x2, v0;
	v4 =	vor.u32 $0x3, v0;
	[dreg:$0xb] =	wrdreg s4;
	s19 =	sadd.s32 s1, s19;
	s17 =	sand.u32 $0x1FFFFC00, s17  }
0x19: {  	v5 =	vor.u32 $0x4, v0;
	v6 =	vor.u32 $0x5, v0;
	v7 =	vor.u32 $0x6, v0;
	s12 =	sand.u32 $0x1, s12;
	[dreg:$0x8] =	wrdreg s19;
	s17 =	sadd.s32 s5, s17  }
0x1a: {  	v8 =	vor.u32 $0x7, v0;
	v9 =	vor.u32 $0x8, v0;
	v10 =	vor.u32 $0x9, v0;
	[dreg:$0x9] =	wrdreg s17;
	s17 =	smul.u32 $0xF424C, s22;
	s22 =	sadd.s32 s13, s11  }
0x1b: {  	v11 =	vor.u32 $0xA, v0;
	v12 =	vor.u32 $0xB, v0;
	v13 =	vor.u32 $0xC, v0;
	s26 =	simm.s32 $0x3;
	p0 =	seq.s32 s12, $0x0;
	[dreg:$0xc] =	wrdreg s22  }
0x1c: {  	v14 =	vor.u32 $0xD, v0;
	v15 =	vor.u32 $0xE, v0;
	v16 =	vor.u32 $0xF, v0;
	s22 =	simm.s32 $0x2000;
	s19 =	sadd.s32 s24, s17;
	s24 =	simm.s32 $0x2  }
.LBB2_1:
0x1d: {  	s0 =	rddreg [dreg:$0x8];
	s31 =	simm.s32 $0x0  }
0x1e: {  	[tilespmem:s3], [sflag:$0x1] =	stream.strided.gather [hbm4b:s0+s20], $0x2000, s21, s20, $0x38;
	[tilespmem:$0x10400] =	vst v63  }
.LBB2_2:
0x1f: {  	s0 =	sshll.u32 s31, $0x1  }
0x20: {  	s4 =	sadd.s32 s6, s0  }
0x21: {  	s0 =	sadd.s32 $0x1, s4  }
0x22: {  	_ =	swait.ge [sflag:s7], $0x2000;
	s10 =	sshll.u32 s0, $0x9  }
0x23: {  	[sflag:s7] =	ssyncset.done $0x0;
	s10 =	sand.u32 $0x1FFFFE00, s10  }
0x24: {  	p2 =	seq.s32 s31, $0x0;
	[sflag:s7] =	ssyncadd.s32 $0xFFFFE000;
	s10 =	sadd.s32 s1, s10  }
0x25: {  	[tilespmem:s22], [sflag:$0x2] =	stream.strided.gather [hbm4b:s10+s20], $0x2000, s21, s20, $0x38;
	[tilespmem:$0x10400] =	vst v63  }
0x26: {  	s11 =	simm.s32 $0x0;
	s10 =	simm.s32 @!p2 $0x3  }
0x27: {  	v17 =	vmov s11;
	_ =	swait.ge @!p2 [sflag:s10], $0x2000  }
0x28: {  	s12 =	sand.u32 $0x70, s11;
	s13 =	sand.u32 $0xC00, s11;
	v17 =	vshll.u32 v17, $0x7;
	[sflag:s10] =	ssyncset.done @!p2 $0x0  }
0x29: {  	s13 =	sor.u32 s12, s13;
	v17 =	vor.u32 v1, v17;
	[sflag:s10] =	ssyncadd.s32 @!p2 $0xFFFFE000  }
0x2a: {  	v19 =	vor.u32 v0, v17;
	v18 =	vld [tilespmem:s13+$0x0];
	_ =	sdelay $0x4  }
0x2b: {  	[tilespmem:v19+s23+$0x0] =	vst.idx.msk $0xffff, v18  }
0x2c: {  	v19 =	vor.u32 v2, v17;
	v18 =	vld [tilespmem:s13+$0x80];
	_ =	sdelay $0x4  }
0x2d: {  	[tilespmem:v19+s23+$0x0] =	vst.idx.msk $0xffff, v18  }
0x2e: {  	v19 =	vor.u32 v3, v17;
	v18 =	vld [tilespmem:s13+$0x100];
	_ =	sdelay $0x4  }
0x2f: {  	[tilespmem:v19+s23+$0x0] =	vst.idx.msk $0xffff, v18  }
0x30: {  	v19 =	vor.u32 v4, v17;
	v18 =	vld [tilespmem:s13+$0x180];
	_ =	sdelay $0x4  }
0x31: {  	[tilespmem:v19+s23+$0x0] =	vst.idx.msk $0xffff, v18  }
0x32: {  	v19 =	vor.u32 v5, v17;
	v18 =	vld [tilespmem:s13+$0x200];
	_ =	sdelay $0x4  }
0x33: {  	[tilespmem:v19+s23+$0x0] =	vst.idx.msk $0xffff, v18  }
0x34: {  	v19 =	vor.u32 v6, v17;
	v18 =	vld [tilespmem:s13+$0x280];
	_ =	sdelay $0x4  }
0x35: {  	[tilespmem:v19+s23+$0x0] =	vst.idx.msk $0xffff, v18  }
0x36: {  	v19 =	vor.u32 v7, v17;
	v18 =	vld [tilespmem:s13+$0x300];
	_ =	sdelay $0x3  }
0x37: {  	s17 =	sor.u32 s11, s11  }
0x38: {  	s10 =	sor.u32 $0x380, s17;
	[tilespmem:v19+s23+$0x0] =	vst.idx.msk $0xffff, v18  }
0x39: {  	v19 =	vor.u32 v8, v17;
	v18 =	vld [tilespmem:s10+$0x0];
	_ =	sdelay $0x4  }
0x3a: {  	[tilespmem:v19+s23+$0x0] =	vst.idx.msk $0xffff, v18  }
0x3b: {  	v19 =	vor.u32 v9, v17;
	v18 =	vld [tilespmem:s13+$0x1000];
	_ =	sdelay $0x4  }
0x3c: {  	[tilespmem:v19+s23+$0x0] =	vst.idx.msk $0xffff, v18  }
0x3d: {  	v19 =	vor.u32 v10, v17;
	v18 =	vld [tilespmem:s13+$0x1080];
	_ =	sdelay $0x4  }
0x3e: {  	[tilespmem:v19+s23+$0x0] =	vst.idx.msk $0xffff, v18  }
0x3f: {  	v19 =	vor.u32 v11, v17;
	v18 =	vld [tilespmem:s13+$0x1100];
	_ =	sdelay $0x4  }
0x40: {  	[tilespmem:v19+s23+$0x0] =	vst.idx.msk $0xffff, v18  }
0x41: {  	v19 =	vor.u32 v12, v17;
	v18 =	vld [tilespmem:s13+$0x1180];
	_ =	sdelay $0x4  }
0x42: {  	[tilespmem:v19+s23+$0x0] =	vst.idx.msk $0xffff, v18  }
0x43: {  	v19 =	vor.u32 v13, v17;
	v18 =	vld [tilespmem:s13+$0x1200];
	_ =	sdelay $0x4  }
0x44: {  	[tilespmem:v19+s23+$0x0] =	vst.idx.msk $0xffff, v18  }
0x45: {  	v19 =	vor.u32 v14, v17;
	v18 =	vld [tilespmem:s13+$0x1280];
	_ =	sdelay $0x4  }
0x46: {  	[tilespmem:v19+s23+$0x0] =	vst.idx.msk $0xffff, v18  }
0x47: {  	v19 =	vor.u32 v15, v17;
	v18 =	vld [tilespmem:s13+$0x1300];
	_ =	sdelay $0x4  }
0x48: {  	[tilespmem:v19+s23+$0x0] =	vst.idx.msk $0xffff, v18  }
0x49: {  	v19 =	vor.u32 v16, v17;
	v18 =	vld [tilespmem:s13+$0x1380];
	_ =	sdelay $0x1  }
0x4a: {  	s10 =	simm.s32 $0x2  }
0x4b: {  	s14 =	simm.s32 $0x80;
	s11 =	simm.s32 $0x20;
	s12 =	simm.s32 $0x10;
	v17 =	vmov s10  }
.LBB2_3:
0x4c: {  	p3 =	sne.s32 s11, $0x1F0;
	v17 =	vshll.u32 v17, $0x7;
	s13 =	sand.u32 $0x70, s12;
	s15 =	sand.u32 $0xC00, s14  }
0x4d: {  	s13 =	sor.u32 s13, s15;
	v17 =	vor.u32 v1, v17;
	[tilespmem:v19+s23+$0x0] =	vst.idx.msk $0xffff, v18  }
0x4e: {  	v18 =	vld [tilespmem:s13+$0x0];
	v19 =	vor.u32 v0, v17;
	_ =	sdelay $0x4  }
0x4f: {  	[tilespmem:v19+s23+$0x0] =	vst.idx.msk $0xffff, v18  }
0x50: {  	v19 =	vor.u32 v2, v17;
	v18 =	vld [tilespmem:s13+$0x80];
	_ =	sdelay $0x4  }
0x51: {  	[tilespmem:v19+s23+$0x0] =	vst.idx.msk $0xffff, v18  }
0x52: {  	v19 =	vor.u32 v3, v17;
	v18 =	vld [tilespmem:s13+$0x100];
	_ =	sdelay $0x4  }
0x53: {  	[tilespmem:v19+s23+$0x0] =	vst.idx.msk $0xffff, v18  }
0x54: {  	v19 =	vor.u32 v4, v17;
	v18 =	vld [tilespmem:s13+$0x180];
	_ =	sdelay $0x4  }
0x55: {  	[tilespmem:v19+s23+$0x0] =	vst.idx.msk $0xffff, v18  }
0x56: {  	v19 =	vor.u32 v5, v17;
	v18 =	vld [tilespmem:s13+$0x200];
	_ =	sdelay $0x4  }
0x57: {  	[tilespmem:v19+s23+$0x0] =	vst.idx.msk $0xffff, v18  }
0x58: {  	v19 =	vor.u32 v6, v17;
	v18 =	vld [tilespmem:s13+$0x280];
	_ =	sdelay $0x4  }
0x59: {  	[tilespmem:v19+s23+$0x0] =	vst.idx.msk $0xffff, v18  }
0x5a: {  	v19 =	vor.u32 v7, v17;
	v18 =	vld [tilespmem:s13+$0x300];
	_ =	sdelay $0x3  }
0x5b: {  	s15 =	sor.u32 s14, s12;
	s12 =	smov.u32 s11  }
0x5c: {  	s15 =	sor.u32 $0x380, s15;
	[tilespmem:v19+s23+$0x0] =	vst.idx.msk $0xffff, v18  }
0x5d: {  	v19 =	vor.u32 v8, v17;
	v18 =	vld [tilespmem:s15+$0x0];
	_ =	sdelay $0x4  }
0x5e: {  	[tilespmem:v19+s23+$0x0] =	vst.idx.msk $0xffff, v18  }
0x5f: {  	v19 =	vor.u32 v9, v17;
	v18 =	vld [tilespmem:s13+$0x1000];
	_ =	sdelay $0x4  }
0x60: {  	[tilespmem:v19+s23+$0x0] =	vst.idx.msk $0xffff, v18  }
0x61: {  	v19 =	vor.u32 v10, v17;
	v18 =	vld [tilespmem:s13+$0x1080];
	_ =	sdelay $0x4  }
0x62: {  	[tilespmem:v19+s23+$0x0] =	vst.idx.msk $0xffff, v18  }
0x63: {  	v19 =	vor.u32 v11, v17;
	v18 =	vld [tilespmem:s13+$0x1100];
	_ =	sdelay $0x4  }
0x64: {  	[tilespmem:v19+s23+$0x0] =	vst.idx.msk $0xffff, v18  }
0x65: {  	v19 =	vor.u32 v12, v17;
	v18 =	vld [tilespmem:s13+$0x1180];
	_ =	sdelay $0x4  }
0x66: {  	[tilespmem:v19+s23+$0x0] =	vst.idx.msk $0xffff, v18  }
0x67: {  	v19 =	vor.u32 v13, v17;
	v18 =	vld [tilespmem:s13+$0x1200];
	_ =	sdelay $0x4  }
0x68: {  	[tilespmem:v19+s23+$0x0] =	vst.idx.msk $0xffff, v18  }
0x69: {  	v19 =	vor.u32 v14, v17;
	v18 =	vld [tilespmem:s13+$0x1280];
	_ =	sdelay $0x4  }
0x6a: {  	[tilespmem:v19+s23+$0x0] =	vst.idx.msk $0xffff, v18  }
0x6b: {  	v19 =	vor.u32 v15, v17;
	v18 =	vld [tilespmem:s13+$0x1300];
	_ =	sdelay $0x4  }
.Ltmp0:
0x6c: {  	[tilespmem:v19+s23+$0x0] =	vst.idx.msk $0xffff, v18;
	(pc) =	sbr.rel @p3 .LBB2_3-.Ltmp0, $3  }
0x6d: {  	v19 =	vor.u32 v16, v17;
	v18 =	vld [tilespmem:s13+$0x1380];
	_ =	sdelay $0x1  }
0x6e: {  	s10 =	sadd.s32 $0x2, s10  }
0x6f: {  	s11 =	sadd.s32 $0x10, s11;
	s14 =	sadd.s32 $0x80, s14;
	v17 =	vmov s10  }
0x70: {  	_ =	sdelay $0x2  }
0x71: {  	v17 =	vshll.u32 v17, $0x7;
	s10 =	sand.u32 $0x70, s12;
	s11 =	sand.u32 $0xC00, s14  }
0x72: {  	s10 =	sor.u32 s10, s11;
	v17 =	vor.u32 v1, v17;
	[tilespmem:v19+s23+$0x0] =	vst.idx.msk $0xffff, v18  }
0x73: {  	v18 =	vld [tilespmem:s10+$0x0];
	v19 =	vor.u32 v0, v17;
	_ =	sdelay $0x4  }
0x74: {  	[tilespmem:v19+s23+$0x0] =	vst.idx.msk $0xffff, v18  }
0x75: {  	v19 =	vor.u32 v2, v17;
	v18 =	vld [tilespmem:s10+$0x80];
	_ =	sdelay $0x4  }
0x76: {  	[tilespmem:v19+s23+$0x0] =	vst.idx.msk $0xffff, v18  }
0x77: {  	v19 =	vor.u32 v3, v17;
	v18 =	vld [tilespmem:s10+$0x100];
	_ =	sdelay $0x4  }
0x78: {  	[tilespmem:v19+s23+$0x0] =	vst.idx.msk $0xffff, v18  }
0x79: {  	v19 =	vor.u32 v4, v17;
	v18 =	vld [tilespmem:s10+$0x180];
	_ =	sdelay $0x4  }
0x7a: {  	[tilespmem:v19+s23+$0x0] =	vst.idx.msk $0xffff, v18  }
0x7b: {  	v19 =	vor.u32 v5, v17;
	v18 =	vld [tilespmem:s10+$0x200];
	_ =	sdelay $0x4  }
0x7c: {  	[tilespmem:v19+s23+$0x0] =	vst.idx.msk $0xffff, v18  }
0x7d: {  	v19 =	vor.u32 v6, v17;
	v18 =	vld [tilespmem:s10+$0x280];
	_ =	sdelay $0x4  }
0x7e: {  	[tilespmem:v19+s23+$0x0] =	vst.idx.msk $0xffff, v18  }
0x7f: {  	v19 =	vor.u32 v7, v17;
	v18 =	vld [tilespmem:s10+$0x300];
	_ =	sdelay $0x3  }
0x80: {  	s12 =	sor.u32 s14, s12  }
0x81: {  	s11 =	sor.u32 $0x380, s12;
	[tilespmem:v19+s23+$0x0] =	vst.idx.msk $0xffff, v18  }
0x82: {  	v19 =	vor.u32 v8, v17;
	v18 =	vld [tilespmem:s11+$0x0];
	_ =	sdelay $0x4  }
0x83: {  	[tilespmem:v19+s23+$0x0] =	vst.idx.msk $0xffff, v18  }
0x84: {  	v19 =	vor.u32 v9, v17;
	v18 =	vld [tilespmem:s10+$0x1000];
	_ =	sdelay $0x4  }
0x85: {  	[tilespmem:v19+s23+$0x0] =	vst.idx.msk $0xffff, v18  }
0x86: {  	v19 =	vor.u32 v10, v17;
	v18 =	vld [tilespmem:s10+$0x1080];
	_ =	sdelay $0x4  }
0x87: {  	[tilespmem:v19+s23+$0x0] =	vst.idx.msk $0xffff, v18  }
0x88: {  	v19 =	vor.u32 v11, v17;
	v18 =	vld [tilespmem:s10+$0x1100];
	_ =	sdelay $0x4  }
0x89: {  	[tilespmem:v19+s23+$0x0] =	vst.idx.msk $0xffff, v18  }
0x8a: {  	v19 =	vor.u32 v12, v17;
	v18 =	vld [tilespmem:s10+$0x1180];
	_ =	sdelay $0x4  }
0x8b: {  	[tilespmem:v19+s23+$0x0] =	vst.idx.msk $0xffff, v18  }
0x8c: {  	v19 =	vor.u32 v13, v17;
	v18 =	vld [tilespmem:s10+$0x1200];
	_ =	sdelay $0x4  }
0x8d: {  	[tilespmem:v19+s23+$0x0] =	vst.idx.msk $0xffff, v18  }
0x8e: {  	v19 =	vor.u32 v14, v17;
	v18 =	vld [tilespmem:s10+$0x1280];
	_ =	sdelay $0x4  }
0x8f: {  	[tilespmem:v19+s23+$0x0] =	vst.idx.msk $0xffff, v18  }
0x90: {  	v19 =	vor.u32 v15, v17;
	v18 =	vld [tilespmem:s10+$0x1300];
	_ =	sdelay $0x4  }
0x91: {  	[tilespmem:v19+s23+$0x0] =	vst.idx.msk $0xffff, v18  }
0x92: {  	v17 =	vor.u32 v16, v17;
	v18 =	vld [tilespmem:s10+$0x1380];
	_ =	sdelay $0x2  }
0x93: {  	s13 =	sshll.u32 s4, $0xA  }
0x94: {  	s10 =	sand.u32 $0x1FFFFC00, s13  }
0x95: {  	s4 =	sadd.s32 $0x2, s4;
	s10 =	sadd.s32 s5, s10;
	[tilespmem:v17+s23+$0x0] =	vst.idx.msk $0xffff, v18  }
0x96: {  	[hbm4b:s10+s3] =	stream.linear.scatter [tilespmem:s23], [sflag:$0x3], $0x2000, $0x38;
	[tilespmem:$0x10400] =	vst v63  }
0x97: {  	p3 =	slt.s32 s4, s9;
	s10 =	smov.u32 s9  }
0x98: {  	s10 =	smov.u32 @p3 s4  }
0x99: {  	_ =	swait.ge [sflag:s24], $0x2000;
	s4 =	sshll.u32 s10, $0x9  }
0x9a: {  	[sflag:s24] =	ssyncset.done $0x0;
	s4 =	sand.u32 $0x1FFFFE00, s4  }
0x9b: {  	[sflag:s24] =	ssyncadd.s32 $0xFFFFE000;
	s4 =	sadd.s32 s1, s4  }
0x9c: {  	[tilespmem:s3], [sflag:$0x1] =	stream.strided.gather [hbm4b:s4+s20], $0x2000, s21, s20, $0x38;
	[tilespmem:$0x10400] =	vst v63  }
0x9d: {  	s14 =	simm.s32 $0x0;
	s4 =	simm.s32 @!p2 $0x4  }
0x9e: {  	v17 =	vmov s14;
	_ =	swait.ge @!p2 [sflag:s4], $0x2000  }
0x9f: {  	s15 =	sand.u32 $0x70, s14;
	s16 =	sand.u32 $0xC00, s14;
	v17 =	vshll.u32 v17, $0x7;
	[sflag:s4] =	ssyncset.done @!p2 $0x0  }
0xa0: {  	s11 =	sor.u32 s15, s16;
	v17 =	vor.u32 v1, v17;
	[sflag:s4] =	ssyncadd.s32 @!p2 $0xFFFFE000  }
0xa1: {  	v19 =	vor.u32 v0, v17;
	v18 =	vld [tilespmem:s11+$0x2000];
	_ =	sdelay $0x4  }
0xa2: {  	[tilespmem:v19+s25+$0x0] =	vst.idx.msk $0xffff, v18  }
0xa3: {  	v19 =	vor.u32 v2, v17;
	v18 =	vld [tilespmem:s11+$0x2080];
	_ =	sdelay $0x4  }
0xa4: {  	[tilespmem:v19+s25+$0x0] =	vst.idx.msk $0xffff, v18  }
0xa5: {  	v19 =	vor.u32 v3, v17;
	v18 =	vld [tilespmem:s11+$0x2100];
	_ =	sdelay $0x4  }
0xa6: {  	[tilespmem:v19+s25+$0x0] =	vst.idx.msk $0xffff, v18  }
0xa7: {  	v19 =	vor.u32 v4, v17;
	v18 =	vld [tilespmem:s11+$0x2180];
	_ =	sdelay $0x4  }
0xa8: {  	[tilespmem:v19+s25+$0x0] =	vst.idx.msk $0xffff, v18  }
0xa9: {  	v19 =	vor.u32 v5, v17;
	v18 =	vld [tilespmem:s11+$0x2200];
	_ =	sdelay $0x4  }
0xaa: {  	[tilespmem:v19+s25+$0x0] =	vst.idx.msk $0xffff, v18  }
0xab: {  	v19 =	vor.u32 v6, v17;
	v18 =	vld [tilespmem:s11+$0x2280];
	_ =	sdelay $0x4  }
0xac: {  	[tilespmem:v19+s25+$0x0] =	vst.idx.msk $0xffff, v18  }
0xad: {  	v19 =	vor.u32 v7, v17;
	v18 =	vld [tilespmem:s11+$0x2300];
	_ =	sdelay $0x3  }
0xae: {  	s17 =	sor.u32 s14, s14  }
0xaf: {  	s4 =	sor.u32 $0x380, s17;
	[tilespmem:v19+s25+$0x0] =	vst.idx.msk $0xffff, v18  }
0xb0: {  	v19 =	vor.u32 v8, v17;
	v18 =	vld [tilespmem:s4+$0x2000];
	_ =	sdelay $0x4  }
0xb1: {  	[tilespmem:v19+s25+$0x0] =	vst.idx.msk $0xffff, v18  }
0xb2: {  	v19 =	vor.u32 v9, v17;
	v18 =	vld [tilespmem:s11+$0x3000];
	_ =	sdelay $0x4  }
0xb3: {  	[tilespmem:v19+s25+$0x0] =	vst.idx.msk $0xffff, v18  }
0xb4: {  	v19 =	vor.u32 v10, v17;
	v18 =	vld [tilespmem:s11+$0x3080];
	_ =	sdelay $0x4  }
0xb5: {  	[tilespmem:v19+s25+$0x0] =	vst.idx.msk $0xffff, v18  }
0xb6: {  	v19 =	vor.u32 v11, v17;
	v18 =	vld [tilespmem:s11+$0x3100];
	_ =	sdelay $0x4  }
0xb7: {  	[tilespmem:v19+s25+$0x0] =	vst.idx.msk $0xffff, v18  }
0xb8: {  	v19 =	vor.u32 v12, v17;
	v18 =	vld [tilespmem:s11+$0x3180];
	_ =	sdelay $0x4  }
0xb9: {  	[tilespmem:v19+s25+$0x0] =	vst.idx.msk $0xffff, v18  }
0xba: {  	v19 =	vor.u32 v13, v17;
	v18 =	vld [tilespmem:s11+$0x3200];
	_ =	sdelay $0x4  }
0xbb: {  	[tilespmem:v19+s25+$0x0] =	vst.idx.msk $0xffff, v18  }
0xbc: {  	v19 =	vor.u32 v14, v17;
	v18 =	vld [tilespmem:s11+$0x3280];
	_ =	sdelay $0x4  }
0xbd: {  	[tilespmem:v19+s25+$0x0] =	vst.idx.msk $0xffff, v18  }
0xbe: {  	v19 =	vor.u32 v15, v17;
	v18 =	vld [tilespmem:s11+$0x3300];
	_ =	sdelay $0x4  }
0xbf: {  	[tilespmem:v19+s25+$0x0] =	vst.idx.msk $0xffff, v18  }
0xc0: {  	v19 =	vor.u32 v16, v17;
	v18 =	vld [tilespmem:s11+$0x3380];
	_ =	sdelay $0x1  }
0xc1: {  	s10 =	simm.s32 $0x2  }
0xc2: {  	s12 =	simm.s32 $0x80;
	s4 =	simm.s32 $0x10;
	v17 =	vmov s10;
	s11 =	simm.s32 $0x20  }
.LBB2_5:
0xc3: {  	p2 =	sne.s32 s11, $0x1F0;
	v17 =	vshll.u32 v17, $0x7;
	s13 =	sand.u32 $0x70, s4;
	s14 =	sand.u32 $0xC00, s12  }
0xc4: {  	s13 =	sor.u32 s13, s14;
	v17 =	vor.u32 v1, v17;
	[tilespmem:v19+s25+$0x0] =	vst.idx.msk $0xffff, v18  }
0xc5: {  	v18 =	vld [tilespmem:s13+$0x2000];
	v19 =	vor.u32 v0, v17;
	_ =	sdelay $0x4  }
0xc6: {  	[tilespmem:v19+s25+$0x0] =	vst.idx.msk $0xffff, v18  }
0xc7: {  	v19 =	vor.u32 v2, v17;
	v18 =	vld [tilespmem:s13+$0x2080];
	_ =	sdelay $0x4  }
0xc8: {  	[tilespmem:v19+s25+$0x0] =	vst.idx.msk $0xffff, v18  }
0xc9: {  	v19 =	vor.u32 v3, v17;
	v18 =	vld [tilespmem:s13+$0x2100];
	_ =	sdelay $0x4  }
0xca: {  	[tilespmem:v19+s25+$0x0] =	vst.idx.msk $0xffff, v18  }
0xcb: {  	v19 =	vor.u32 v4, v17;
	v18 =	vld [tilespmem:s13+$0x2180];
	_ =	sdelay $0x4  }
0xcc: {  	[tilespmem:v19+s25+$0x0] =	vst.idx.msk $0xffff, v18  }
0xcd: {  	v19 =	vor.u32 v5, v17;
	v18 =	vld [tilespmem:s13+$0x2200];
	_ =	sdelay $0x4  }
0xce: {  	[tilespmem:v19+s25+$0x0] =	vst.idx.msk $0xffff, v18  }
0xcf: {  	v19 =	vor.u32 v6, v17;
	v18 =	vld [tilespmem:s13+$0x2280];
	_ =	sdelay $0x4  }
0xd0: {  	[tilespmem:v19+s25+$0x0] =	vst.idx.msk $0xffff, v18  }
0xd1: {  	v19 =	vor.u32 v7, v17;
	v18 =	vld [tilespmem:s13+$0x2300];
	_ =	sdelay $0x3  }
0xd2: {  	s14 =	sor.u32 s12, s4;
	s4 =	smov.u32 s11  }
0xd3: {  	s14 =	sor.u32 $0x380, s14;
	[tilespmem:v19+s25+$0x0] =	vst.idx.msk $0xffff, v18  }
0xd4: {  	v19 =	vor.u32 v8, v17;
	v18 =	vld [tilespmem:s14+$0x2000];
	_ =	sdelay $0x4  }
0xd5: {  	[tilespmem:v19+s25+$0x0] =	vst.idx.msk $0xffff, v18  }
0xd6: {  	v19 =	vor.u32 v9, v17;
	v18 =	vld [tilespmem:s13+$0x3000];
	_ =	sdelay $0x4  }
0xd7: {  	[tilespmem:v19+s25+$0x0] =	vst.idx.msk $0xffff, v18  }
0xd8: {  	v19 =	vor.u32 v10, v17;
	v18 =	vld [tilespmem:s13+$0x3080];
	_ =	sdelay $0x4  }
0xd9: {  	[tilespmem:v19+s25+$0x0] =	vst.idx.msk $0xffff, v18  }
0xda: {  	v19 =	vor.u32 v11, v17;
	v18 =	vld [tilespmem:s13+$0x3100];
	_ =	sdelay $0x4  }
0xdb: {  	[tilespmem:v19+s25+$0x0] =	vst.idx.msk $0xffff, v18  }
0xdc: {  	v19 =	vor.u32 v12, v17;
	v18 =	vld [tilespmem:s13+$0x3180];
	_ =	sdelay $0x4  }
0xdd: {  	[tilespmem:v19+s25+$0x0] =	vst.idx.msk $0xffff, v18  }
0xde: {  	v19 =	vor.u32 v13, v17;
	v18 =	vld [tilespmem:s13+$0x3200];
	_ =	sdelay $0x4  }
0xdf: {  	[tilespmem:v19+s25+$0x0] =	vst.idx.msk $0xffff, v18  }
0xe0: {  	v19 =	vor.u32 v14, v17;
	v18 =	vld [tilespmem:s13+$0x3280];
	_ =	sdelay $0x4  }
0xe1: {  	[tilespmem:v19+s25+$0x0] =	vst.idx.msk $0xffff, v18  }
0xe2: {  	v19 =	vor.u32 v15, v17;
	v18 =	vld [tilespmem:s13+$0x3300];
	_ =	sdelay $0x4  }
.Ltmp1:
0xe3: {  	[tilespmem:v19+s25+$0x0] =	vst.idx.msk $0xffff, v18;
	(pc) =	sbr.rel @p2 .LBB2_5-.Ltmp1, $3  }
0xe4: {  	v19 =	vor.u32 v16, v17;
	v18 =	vld [tilespmem:s13+$0x3380];
	_ =	sdelay $0x1  }
0xe5: {  	s10 =	sadd.s32 $0x2, s10  }
0xe6: {  	s11 =	sadd.s32 $0x10, s11;
	s12 =	sadd.s32 $0x80, s12;
	v17 =	vmov s10  }
0xe7: {  	_ =	sdelay $0x2  }
0xe8: {  	v17 =	vshll.u32 v17, $0x7;
	s10 =	sand.u32 $0x70, s4;
	s11 =	sand.u32 $0xC00, s12  }
0xe9: {  	s10 =	sor.u32 s10, s11;
	v17 =	vor.u32 v1, v17;
	[tilespmem:v19+s25+$0x0] =	vst.idx.msk $0xffff, v18  }
0xea: {  	v18 =	vld [tilespmem:s10+$0x2000];
	v19 =	vor.u32 v0, v17;
	_ =	sdelay $0x4  }
0xeb: {  	[tilespmem:v19+s25+$0x0] =	vst.idx.msk $0xffff, v18  }
0xec: {  	v19 =	vor.u32 v2, v17;
	v18 =	vld [tilespmem:s10+$0x2080];
	_ =	sdelay $0x4  }
0xed: {  	[tilespmem:v19+s25+$0x0] =	vst.idx.msk $0xffff, v18  }
0xee: {  	v19 =	vor.u32 v3, v17;
	v18 =	vld [tilespmem:s10+$0x2100];
	_ =	sdelay $0x4  }
0xef: {  	[tilespmem:v19+s25+$0x0] =	vst.idx.msk $0xffff, v18  }
0xf0: {  	v19 =	vor.u32 v4, v17;
	v18 =	vld [tilespmem:s10+$0x2180];
	_ =	sdelay $0x4  }
0xf1: {  	[tilespmem:v19+s25+$0x0] =	vst.idx.msk $0xffff, v18  }
0xf2: {  	v19 =	vor.u32 v5, v17;
	v18 =	vld [tilespmem:s10+$0x2200];
	_ =	sdelay $0x4  }
0xf3: {  	[tilespmem:v19+s25+$0x0] =	vst.idx.msk $0xffff, v18  }
0xf4: {  	v19 =	vor.u32 v6, v17;
	v18 =	vld [tilespmem:s10+$0x2280];
	_ =	sdelay $0x4  }
0xf5: {  	[tilespmem:v19+s25+$0x0] =	vst.idx.msk $0xffff, v18  }
0xf6: {  	v19 =	vor.u32 v7, v17;
	v18 =	vld [tilespmem:s10+$0x2300];
	_ =	sdelay $0x3  }
0xf7: {  	s17 =	sor.u32 s12, s4  }
0xf8: {  	s4 =	sor.u32 $0x380, s17;
	[tilespmem:v19+s25+$0x0] =	vst.idx.msk $0xffff, v18  }
0xf9: {  	v19 =	vor.u32 v8, v17;
	v18 =	vld [tilespmem:s4+$0x2000];
	_ =	sdelay $0x4  }
0xfa: {  	[tilespmem:v19+s25+$0x0] =	vst.idx.msk $0xffff, v18  }
0xfb: {  	v19 =	vor.u32 v9, v17;
	v18 =	vld [tilespmem:s10+$0x3000];
	_ =	sdelay $0x4  }
0xfc: {  	[tilespmem:v19+s25+$0x0] =	vst.idx.msk $0xffff, v18  }
0xfd: {  	v19 =	vor.u32 v10, v17;
	v18 =	vld [tilespmem:s10+$0x3080];
	_ =	sdelay $0x4  }
0xfe: {  	[tilespmem:v19+s25+$0x0] =	vst.idx.msk $0xffff, v18  }
0xff: {  	v19 =	vor.u32 v11, v17;
	v18 =	vld [tilespmem:s10+$0x3100];
	_ =	sdelay $0x4  }
0x100: {  	[tilespmem:v19+s25+$0x0] =	vst.idx.msk $0xffff, v18  }
0x101: {  	v19 =	vor.u32 v12, v17;
	v18 =	vld [tilespmem:s10+$0x3180];
	_ =	sdelay $0x4  }
0x102: {  	[tilespmem:v19+s25+$0x0] =	vst.idx.msk $0xffff, v18  }
0x103: {  	v19 =	vor.u32 v13, v17;
	v18 =	vld [tilespmem:s10+$0x3200];
	_ =	sdelay $0x4  }
0x104: {  	[tilespmem:v19+s25+$0x0] =	vst.idx.msk $0xffff, v18  }
0x105: {  	v19 =	vor.u32 v14, v17;
	v18 =	vld [tilespmem:s10+$0x3280];
	_ =	sdelay $0x4  }
0x106: {  	[tilespmem:v19+s25+$0x0] =	vst.idx.msk $0xffff, v18  }
0x107: {  	v19 =	vor.u32 v15, v17;
	v18 =	vld [tilespmem:s10+$0x3300];
	_ =	sdelay $0x4  }
0x108: {  	[tilespmem:v19+s25+$0x0] =	vst.idx.msk $0xffff, v18  }
0x109: {  	s31 =	sadd.s32 $0x1, s31;
	v17 =	vor.u32 v16, v17;
	v18 =	vld [tilespmem:s10+$0x3380]  }
0x10a: {  	p2 =	sne.s32 s31, s8  }
.Ltmp2:
0x10b: {  	_ = 	snop;
	(pc) =	sbr.rel @p2 .LBB2_2-.Ltmp2, $4  }
0x10c: {  	s0 =	sshll.u32 s0, $0xA  }
0x10d: {  	s0 =	sand.u32 $0x1FFFFC00, s0  }
0x10e: {  	s0 =	sadd.s32 s5, s0;
	[tilespmem:v17+s25+$0x0] =	vst.idx.msk $0xffff, v18  }
0x10f: {  	[hbm4b:s0+s3] =	stream.linear.scatter [tilespmem:s25], [sflag:$0x4], $0x2000, $0x38;
	[tilespmem:$0x10400] =	vst v63  }
.Ltmp3:
0x110: {  	(pc) =	sbr.rel @p0 .LBB2_11-.Ltmp3, $4  }
0x111: {  	_ = 	snop  }
0x112: {  	_ =	swait.ge [sflag:s7], $0x2000  }
0x113: {  	[sflag:s7] =	ssyncset.done $0x0  }
0x114: {  	[sflag:s7] =	ssyncadd.s32 $0xFFFFE000  }
0x115: {  	s0 =	simm.s32 $0x0  }
0x116: {  	_ =	swait.ge [sflag:s26], $0x2000;
	v17 =	vmov s0  }
0x117: {  	[sflag:s26] =	ssyncset.done $0x0;
	s4 =	sand.u32 $0x70, s0;
	s10 =	sand.u32 $0xC00, s0;
	v17 =	vshll.u32 v17, $0x7  }
0x118: {  	[sflag:s26] =	ssyncadd.s32 $0xFFFFE000;
	s4 =	sor.u32 s4, s10;
	v17 =	vor.u32 v1, v17  }
0x119: {  	v18 =	vld [tilespmem:s4+$0x0];
	v19 =	vor.u32 v0, v17;
	_ =	sdelay $0x4  }
0x11a: {  	[tilespmem:v19+s23+$0x0] =	vst.idx.msk $0xffff, v18  }
0x11b: {  	v19 =	vor.u32 v2, v17;
	v18 =	vld [tilespmem:s4+$0x80];
	_ =	sdelay $0x4  }
0x11c: {  	[tilespmem:v19+s23+$0x0] =	vst.idx.msk $0xffff, v18  }
0x11d: {  	v19 =	vor.u32 v3, v17;
	v18 =	vld [tilespmem:s4+$0x100];
	_ =	sdelay $0x4  }
0x11e: {  	[tilespmem:v19+s23+$0x0] =	vst.idx.msk $0xffff, v18  }
0x11f: {  	v19 =	vor.u32 v4, v17;
	v18 =	vld [tilespmem:s4+$0x180];
	_ =	sdelay $0x4  }
0x120: {  	[tilespmem:v19+s23+$0x0] =	vst.idx.msk $0xffff, v18  }
0x121: {  	v19 =	vor.u32 v5, v17;
	v18 =	vld [tilespmem:s4+$0x200];
	_ =	sdelay $0x4  }
0x122: {  	[tilespmem:v19+s23+$0x0] =	vst.idx.msk $0xffff, v18  }
0x123: {  	v19 =	vor.u32 v6, v17;
	v18 =	vld [tilespmem:s4+$0x280];
	_ =	sdelay $0x4  }
0x124: {  	[tilespmem:v19+s23+$0x0] =	vst.idx.msk $0xffff, v18  }
0x125: {  	v19 =	vor.u32 v7, v17;
	v18 =	vld [tilespmem:s4+$0x300];
	_ =	sdelay $0x3  }
0x126: {  	s0 =	sor.u32 s0, s0  }
0x127: {  	s0 =	sor.u32 $0x380, s0;
	[tilespmem:v19+s23+$0x0] =	vst.idx.msk $0xffff, v18  }
0x128: {  	v19 =	vor.u32 v8, v17;
	v18 =	vld [tilespmem:s0+$0x0];
	_ =	sdelay $0x4  }
0x129: {  	[tilespmem:v19+s23+$0x0] =	vst.idx.msk $0xffff, v18  }
0x12a: {  	v19 =	vor.u32 v9, v17;
	v18 =	vld [tilespmem:s4+$0x1000];
	_ =	sdelay $0x4  }
0x12b: {  	[tilespmem:v19+s23+$0x0] =	vst.idx.msk $0xffff, v18  }
0x12c: {  	v19 =	vor.u32 v10, v17;
	v18 =	vld [tilespmem:s4+$0x1080];
	_ =	sdelay $0x4  }
0x12d: {  	[tilespmem:v19+s23+$0x0] =	vst.idx.msk $0xffff, v18  }
0x12e: {  	v19 =	vor.u32 v11, v17;
	v18 =	vld [tilespmem:s4+$0x1100];
	_ =	sdelay $0x4  }
0x12f: {  	[tilespmem:v19+s23+$0x0] =	vst.idx.msk $0xffff, v18  }
0x130: {  	v19 =	vor.u32 v12, v17;
	v18 =	vld [tilespmem:s4+$0x1180];
	_ =	sdelay $0x4  }
0x131: {  	[tilespmem:v19+s23+$0x0] =	vst.idx.msk $0xffff, v18  }
0x132: {  	v19 =	vor.u32 v13, v17;
	v18 =	vld [tilespmem:s4+$0x1200];
	_ =	sdelay $0x4  }
0x133: {  	[tilespmem:v19+s23+$0x0] =	vst.idx.msk $0xffff, v18  }
0x134: {  	v19 =	vor.u32 v14, v17;
	v18 =	vld [tilespmem:s4+$0x1280];
	_ =	sdelay $0x4  }
0x135: {  	[tilespmem:v19+s23+$0x0] =	vst.idx.msk $0xffff, v18  }
0x136: {  	v19 =	vor.u32 v15, v17;
	v18 =	vld [tilespmem:s4+$0x1300];
	_ =	sdelay $0x4  }
0x137: {  	[tilespmem:v19+s23+$0x0] =	vst.idx.msk $0xffff, v18  }
0x138: {  	v19 =	vor.u32 v16, v17;
	v18 =	vld [tilespmem:s4+$0x1380];
	_ =	sdelay $0x1  }
0x139: {  	s10 =	simm.s32 $0x2  }
0x13a: {  	s11 =	simm.s32 $0x20;
	s0 =	simm.s32 $0x10;
	v17 =	vmov s10;
	s4 =	simm.s32 $0x80  }
.LBB2_9:
0x13b: {  	p2 =	sne.s32 s11, $0x1F0;
	v17 =	vshll.u32 v17, $0x7;
	s12 =	sand.u32 $0x70, s0;
	s13 =	sand.u32 $0xC00, s4  }
0x13c: {  	s12 =	sor.u32 s12, s13;
	v17 =	vor.u32 v1, v17;
	[tilespmem:v19+s23+$0x0] =	vst.idx.msk $0xffff, v18  }
0x13d: {  	v18 =	vld [tilespmem:s12+$0x0];
	v19 =	vor.u32 v0, v17;
	_ =	sdelay $0x4  }
0x13e: {  	[tilespmem:v19+s23+$0x0] =	vst.idx.msk $0xffff, v18  }
0x13f: {  	v19 =	vor.u32 v2, v17;
	v18 =	vld [tilespmem:s12+$0x80];
	_ =	sdelay $0x4  }
0x140: {  	[tilespmem:v19+s23+$0x0] =	vst.idx.msk $0xffff, v18  }
0x141: {  	v19 =	vor.u32 v3, v17;
	v18 =	vld [tilespmem:s12+$0x100];
	_ =	sdelay $0x4  }
0x142: {  	[tilespmem:v19+s23+$0x0] =	vst.idx.msk $0xffff, v18  }
0x143: {  	v19 =	vor.u32 v4, v17;
	v18 =	vld [tilespmem:s12+$0x180];
	_ =	sdelay $0x4  }
0x144: {  	[tilespmem:v19+s23+$0x0] =	vst.idx.msk $0xffff, v18  }
0x145: {  	v19 =	vor.u32 v5, v17;
	v18 =	vld [tilespmem:s12+$0x200];
	_ =	sdelay $0x4  }
0x146: {  	[tilespmem:v19+s23+$0x0] =	vst.idx.msk $0xffff, v18  }
0x147: {  	v19 =	vor.u32 v6, v17;
	v18 =	vld [tilespmem:s12+$0x280];
	_ =	sdelay $0x4  }
0x148: {  	[tilespmem:v19+s23+$0x0] =	vst.idx.msk $0xffff, v18  }
0x149: {  	v19 =	vor.u32 v7, v17;
	v18 =	vld [tilespmem:s12+$0x300];
	_ =	sdelay $0x3  }
0x14a: {  	s13 =	sor.u32 s4, s0;
	s0 =	smov.u32 s11  }
0x14b: {  	s13 =	sor.u32 $0x380, s13;
	[tilespmem:v19+s23+$0x0] =	vst.idx.msk $0xffff, v18  }
0x14c: {  	v19 =	vor.u32 v8, v17;
	v18 =	vld [tilespmem:s13+$0x0];
	_ =	sdelay $0x4  }
0x14d: {  	[tilespmem:v19+s23+$0x0] =	vst.idx.msk $0xffff, v18  }
0x14e: {  	v19 =	vor.u32 v9, v17;
	v18 =	vld [tilespmem:s12+$0x1000];
	_ =	sdelay $0x4  }
0x14f: {  	[tilespmem:v19+s23+$0x0] =	vst.idx.msk $0xffff, v18  }
0x150: {  	v19 =	vor.u32 v10, v17;
	v18 =	vld [tilespmem:s12+$0x1080];
	_ =	sdelay $0x4  }
0x151: {  	[tilespmem:v19+s23+$0x0] =	vst.idx.msk $0xffff, v18  }
0x152: {  	v19 =	vor.u32 v11, v17;
	v18 =	vld [tilespmem:s12+$0x1100];
	_ =	sdelay $0x4  }
0x153: {  	[tilespmem:v19+s23+$0x0] =	vst.idx.msk $0xffff, v18  }
0x154: {  	v19 =	vor.u32 v12, v17;
	v18 =	vld [tilespmem:s12+$0x1180];
	_ =	sdelay $0x4  }
0x155: {  	[tilespmem:v19+s23+$0x0] =	vst.idx.msk $0xffff, v18  }
0x156: {  	v19 =	vor.u32 v13, v17;
	v18 =	vld [tilespmem:s12+$0x1200];
	_ =	sdelay $0x4  }
0x157: {  	[tilespmem:v19+s23+$0x0] =	vst.idx.msk $0xffff, v18  }
0x158: {  	v19 =	vor.u32 v14, v17;
	v18 =	vld [tilespmem:s12+$0x1280];
	_ =	sdelay $0x4  }
0x159: {  	[tilespmem:v19+s23+$0x0] =	vst.idx.msk $0xffff, v18  }
0x15a: {  	v19 =	vor.u32 v15, v17;
	v18 =	vld [tilespmem:s12+$0x1300];
	_ =	sdelay $0x4  }
.Ltmp4:
0x15b: {  	[tilespmem:v19+s23+$0x0] =	vst.idx.msk $0xffff, v18;
	(pc) =	sbr.rel @p2 .LBB2_9-.Ltmp4, $3  }
0x15c: {  	v19 =	vor.u32 v16, v17;
	v18 =	vld [tilespmem:s12+$0x1380];
	_ =	sdelay $0x1  }
0x15d: {  	s10 =	sadd.s32 $0x2, s10  }
0x15e: {  	s11 =	sadd.s32 $0x10, s11;
	s4 =	sadd.s32 $0x80, s4;
	v17 =	vmov s10  }
0x15f: {  	_ =	sdelay $0x2  }
0x160: {  	v17 =	vshll.u32 v17, $0x7;
	s10 =	sand.u32 $0x70, s0;
	s11 =	sand.u32 $0xC00, s4  }
0x161: {  	s10 =	sor.u32 s10, s11;
	v17 =	vor.u32 v1, v17;
	[tilespmem:v19+s23+$0x0] =	vst.idx.msk $0xffff, v18  }
0x162: {  	v18 =	vld [tilespmem:s10+$0x0];
	v19 =	vor.u32 v0, v17;
	_ =	sdelay $0x4  }
0x163: {  	[tilespmem:v19+s23+$0x0] =	vst.idx.msk $0xffff, v18  }
0x164: {  	v19 =	vor.u32 v2, v17;
	v18 =	vld [tilespmem:s10+$0x80];
	_ =	sdelay $0x4  }
0x165: {  	[tilespmem:v19+s23+$0x0] =	vst.idx.msk $0xffff, v18  }
0x166: {  	v19 =	vor.u32 v3, v17;
	v18 =	vld [tilespmem:s10+$0x100];
	_ =	sdelay $0x4  }
0x167: {  	[tilespmem:v19+s23+$0x0] =	vst.idx.msk $0xffff, v18  }
0x168: {  	v19 =	vor.u32 v4, v17;
	v18 =	vld [tilespmem:s10+$0x180];
	_ =	sdelay $0x4  }
0x169: {  	[tilespmem:v19+s23+$0x0] =	vst.idx.msk $0xffff, v18  }
0x16a: {  	v19 =	vor.u32 v5, v17;
	v18 =	vld [tilespmem:s10+$0x200];
	_ =	sdelay $0x4  }
0x16b: {  	[tilespmem:v19+s23+$0x0] =	vst.idx.msk $0xffff, v18  }
0x16c: {  	v19 =	vor.u32 v6, v17;
	v18 =	vld [tilespmem:s10+$0x280];
	_ =	sdelay $0x4  }
0x16d: {  	[tilespmem:v19+s23+$0x0] =	vst.idx.msk $0xffff, v18  }
0x16e: {  	v19 =	vor.u32 v7, v17;
	v18 =	vld [tilespmem:s10+$0x300];
	_ =	sdelay $0x3  }
0x16f: {  	s17 =	sor.u32 s4, s0  }
0x170: {  	s0 =	sor.u32 $0x380, s17;
	[tilespmem:v19+s23+$0x0] =	vst.idx.msk $0xffff, v18  }
0x171: {  	v19 =	vor.u32 v8, v17;
	v18 =	vld [tilespmem:s0+$0x0];
	_ =	sdelay $0x4  }
0x172: {  	[tilespmem:v19+s23+$0x0] =	vst.idx.msk $0xffff, v18  }
0x173: {  	v19 =	vor.u32 v9, v17;
	v18 =	vld [tilespmem:s10+$0x1000];
	_ =	sdelay $0x4  }
0x174: {  	[tilespmem:v19+s23+$0x0] =	vst.idx.msk $0xffff, v18  }
0x175: {  	v19 =	vor.u32 v10, v17;
	v18 =	vld [tilespmem:s10+$0x1080];
	_ =	sdelay $0x4  }
0x176: {  	[tilespmem:v19+s23+$0x0] =	vst.idx.msk $0xffff, v18  }
0x177: {  	v19 =	vor.u32 v11, v17;
	v18 =	vld [tilespmem:s10+$0x1100];
	_ =	sdelay $0x4  }
0x178: {  	[tilespmem:v19+s23+$0x0] =	vst.idx.msk $0xffff, v18  }
0x179: {  	v19 =	vor.u32 v12, v17;
	v18 =	vld [tilespmem:s10+$0x1180];
	_ =	sdelay $0x4  }
0x17a: {  	[tilespmem:v19+s23+$0x0] =	vst.idx.msk $0xffff, v18  }
0x17b: {  	v19 =	vor.u32 v13, v17;
	v18 =	vld [tilespmem:s10+$0x1200];
	_ =	sdelay $0x4  }
0x17c: {  	[tilespmem:v19+s23+$0x0] =	vst.idx.msk $0xffff, v18  }
0x17d: {  	v19 =	vor.u32 v14, v17;
	v18 =	vld [tilespmem:s10+$0x1280];
	_ =	sdelay $0x4  }
0x17e: {  	[tilespmem:v19+s23+$0x0] =	vst.idx.msk $0xffff, v18  }
0x17f: {  	v19 =	vor.u32 v15, v17;
	v18 =	vld [tilespmem:s10+$0x1300];
	_ =	sdelay $0x4  }
0x180: {  	[tilespmem:v19+s23+$0x0] =	vst.idx.msk $0xffff, v18  }
0x181: {  	v17 =	vor.u32 v16, v17;
	v18 =	vld [tilespmem:s10+$0x1380];
	_ =	sdelay $0x4  }
0x182: {  	s31 =	rddreg [dreg:$0x9];
	[tilespmem:v17+s23+$0x0] =	vst.idx.msk $0xffff, v18  }
0x183: {  	[hbm4b:s31+s3] =	stream.linear.scatter [tilespmem:s23], [sflag:$0x3], $0x2000, $0x38;
	[tilespmem:$0x10400] =	vst v63  }
.LBB2_11:
0x184: {  	_ =	swait.ge [sflag:s26], $0x2000  }
.Ltmp5:
0x185: {  	[sflag:s26] =	ssyncset.done $0x0;
	(pc) =	sbr.rel @p1 .LBB2_15-.Ltmp5, $4  }
0x186: {  	[sflag:s26] =	ssyncadd.s32 $0xFFFFE000  }
0x187: {  	_ =	swait.ge [sflag:s28], $0x2000  }
0x188: {  	[sflag:s28] =	ssyncset.done $0x0  }
0x189: {  	[sflag:s28] =	ssyncadd.s32 $0xFFFFE000  }
0x18a: {  	s4 =	simm.s32 $0x0;
	s0 =	rddreg [dreg:$0x2]  }
0x18b: {  	[tilespmem:s4], [sflag:$0x5] =	stream.linear.gather [hbm4b:s0+s4], $0x400, $0x38;
	[tilespmem:$0x10400] =	vst v63  }
0x18c: {  	s2 =	rddreg [dreg:$0xd];
	s0 =	simm.s32 $0x1000  }
0x18d: {  	[tilespmem:s0], [sflag:$0x5] =	stream.linear.gather [hbm4b:s2+s4], $0x400, $0x38;
	[tilespmem:$0x10400] =	vst v63  }
0x18e: {  	v17 =	vmov s4;
	_ =	swait.ge [sflag:s29], $0x800  }
0x18f: {  	v17 =	vshll.u32 v17, $0x7;
	[sflag:s29] =	ssyncset.done $0x0  }
0x190: {  	v17 =	vor.u32 v1, v17;
	[sflag:s29] =	ssyncadd.s32 $0xFFFFF800  }
0x191: {  	v19 =	vor.u32 v0, v17;
	v18 =	vld [tilespmem:s0+$0xFFFFF000];
	_ =	sdelay $0x4  }
0x192: {  	[tilespmem:v19+s23+$0x0] =	vst.idx.msk $0xffff, v18  }
0x193: {  	v19 =	vor.u32 v2, v17;
	v18 =	vld [tilespmem:s0+$0xFFFFF080];
	_ =	sdelay $0x4  }
0x194: {  	[tilespmem:v19+s23+$0x0] =	vst.idx.msk $0xffff, v18  }
0x195: {  	v19 =	vor.u32 v3, v17;
	v18 =	vld [tilespmem:s0+$0xFFFFF100];
	_ =	sdelay $0x4  }
0x196: {  	[tilespmem:v19+s23+$0x0] =	vst.idx.msk $0xffff, v18  }
0x197: {  	v19 =	vor.u32 v4, v17;
	v18 =	vld [tilespmem:s0+$0xFFFFF180];
	_ =	sdelay $0x4  }
0x198: {  	[tilespmem:v19+s23+$0x0] =	vst.idx.msk $0xffff, v18  }
0x199: {  	v19 =	vor.u32 v5, v17;
	v18 =	vld [tilespmem:s0+$0xFFFFF200];
	_ =	sdelay $0x4  }
0x19a: {  	[tilespmem:v19+s23+$0x0] =	vst.idx.msk $0xffff, v18  }
0x19b: {  	v19 =	vor.u32 v6, v17;
	v18 =	vld [tilespmem:s0+$0xFFFFF280];
	_ =	sdelay $0x4  }
0x19c: {  	[tilespmem:v19+s23+$0x0] =	vst.idx.msk $0xffff, v18  }
0x19d: {  	v19 =	vor.u32 v7, v17;
	v18 =	vld [tilespmem:s0+$0xFFFFF300];
	_ =	sdelay $0x4  }
0x19e: {  	[tilespmem:v19+s23+$0x0] =	vst.idx.msk $0xffff, v18  }
0x19f: {  	v19 =	vor.u32 v8, v17;
	v18 =	vld [tilespmem:s0+$0xFFFFF380];
	_ =	sdelay $0x4  }
0x1a0: {  	[tilespmem:v19+s23+$0x0] =	vst.idx.msk $0xffff, v18  }
0x1a1: {  	v19 =	vor.u32 v9, v17;
	v18 =	vld [tilespmem:s0+$0x0];
	_ =	sdelay $0x4  }
0x1a2: {  	[tilespmem:v19+s23+$0x0] =	vst.idx.msk $0xffff, v18  }
0x1a3: {  	v19 =	vor.u32 v10, v17;
	v18 =	vld [tilespmem:s0+$0x80];
	_ =	sdelay $0x4  }
0x1a4: {  	[tilespmem:v19+s23+$0x0] =	vst.idx.msk $0xffff, v18  }
0x1a5: {  	v19 =	vor.u32 v11, v17;
	v18 =	vld [tilespmem:s0+$0x100];
	_ =	sdelay $0x4  }
0x1a6: {  	[tilespmem:v19+s23+$0x0] =	vst.idx.msk $0xffff, v18  }
0x1a7: {  	v19 =	vor.u32 v12, v17;
	v18 =	vld [tilespmem:s0+$0x180];
	_ =	sdelay $0x4  }
0x1a8: {  	[tilespmem:v19+s23+$0x0] =	vst.idx.msk $0xffff, v18  }
0x1a9: {  	v19 =	vor.u32 v13, v17;
	v18 =	vld [tilespmem:s0+$0x200];
	_ =	sdelay $0x4  }
0x1aa: {  	[tilespmem:v19+s23+$0x0] =	vst.idx.msk $0xffff, v18  }
0x1ab: {  	v19 =	vor.u32 v14, v17;
	v18 =	vld [tilespmem:s0+$0x280];
	_ =	sdelay $0x4  }
0x1ac: {  	[tilespmem:v19+s23+$0x0] =	vst.idx.msk $0xffff, v18  }
0x1ad: {  	v19 =	vor.u32 v15, v17;
	v18 =	vld [tilespmem:s0+$0x300];
	_ =	sdelay $0x4  }
0x1ae: {  	[tilespmem:v19+s23+$0x0] =	vst.idx.msk $0xffff, v18  }
0x1af: {  	v19 =	vor.u32 v16, v17;
	v18 =	vld [tilespmem:s0+$0x380];
	_ =	sdelay $0x1  }
0x1b0: {  	s31 =	simm.s32 $0x2  }
0x1b1: {  	s4 =	simm.s32 $0x4;
	v17 =	vmov s31  }
.LBB2_13:
0x1b2: {  	p2 =	sne.s32 s4, $0xE;
	v17 =	vshll.u32 v17, $0x7  }
0x1b3: {  	s0 =	sadd.s32 $0x10, s0;
	v17 =	vor.u32 v1, v17;
	[tilespmem:v19+s23+$0x0] =	vst.idx.msk $0xffff, v18  }
0x1b4: {  	v18 =	vld [tilespmem:s0+$0xFFFFF000];
	v19 =	vor.u32 v0, v17;
	_ =	sdelay $0x4  }
0x1b5: {  	[tilespmem:v19+s23+$0x0] =	vst.idx.msk $0xffff, v18  }
0x1b6: {  	v19 =	vor.u32 v2, v17;
	v18 =	vld [tilespmem:s0+$0xFFFFF080];
	_ =	sdelay $0x4  }
0x1b7: {  	[tilespmem:v19+s23+$0x0] =	vst.idx.msk $0xffff, v18  }
0x1b8: {  	v19 =	vor.u32 v3, v17;
	v18 =	vld [tilespmem:s0+$0xFFFFF100];
	_ =	sdelay $0x4  }
0x1b9: {  	[tilespmem:v19+s23+$0x0] =	vst.idx.msk $0xffff, v18  }
0x1ba: {  	v19 =	vor.u32 v4, v17;
	v18 =	vld [tilespmem:s0+$0xFFFFF180];
	_ =	sdelay $0x4  }
0x1bb: {  	[tilespmem:v19+s23+$0x0] =	vst.idx.msk $0xffff, v18  }
0x1bc: {  	v19 =	vor.u32 v5, v17;
	v18 =	vld [tilespmem:s0+$0xFFFFF200];
	_ =	sdelay $0x4  }
0x1bd: {  	[tilespmem:v19+s23+$0x0] =	vst.idx.msk $0xffff, v18  }
0x1be: {  	v19 =	vor.u32 v6, v17;
	v18 =	vld [tilespmem:s0+$0xFFFFF280];
	_ =	sdelay $0x4  }
0x1bf: {  	[tilespmem:v19+s23+$0x0] =	vst.idx.msk $0xffff, v18  }
0x1c0: {  	v19 =	vor.u32 v7, v17;
	v18 =	vld [tilespmem:s0+$0xFFFFF300];
	_ =	sdelay $0x4  }
0x1c1: {  	[tilespmem:v19+s23+$0x0] =	vst.idx.msk $0xffff, v18  }
0x1c2: {  	v19 =	vor.u32 v8, v17;
	v18 =	vld [tilespmem:s0+$0xFFFFF380];
	_ =	sdelay $0x4  }
0x1c3: {  	[tilespmem:v19+s23+$0x0] =	vst.idx.msk $0xffff, v18  }
0x1c4: {  	v19 =	vor.u32 v9, v17;
	v18 =	vld [tilespmem:s0+$0x0];
	_ =	sdelay $0x4  }
0x1c5: {  	[tilespmem:v19+s23+$0x0] =	vst.idx.msk $0xffff, v18  }
0x1c6: {  	v19 =	vor.u32 v10, v17;
	v18 =	vld [tilespmem:s0+$0x80];
	_ =	sdelay $0x4  }
0x1c7: {  	[tilespmem:v19+s23+$0x0] =	vst.idx.msk $0xffff, v18  }
0x1c8: {  	v19 =	vor.u32 v11, v17;
	v18 =	vld [tilespmem:s0+$0x100];
	_ =	sdelay $0x4  }
0x1c9: {  	[tilespmem:v19+s23+$0x0] =	vst.idx.msk $0xffff, v18  }
0x1ca: {  	v19 =	vor.u32 v12, v17;
	v18 =	vld [tilespmem:s0+$0x180];
	_ =	sdelay $0x4  }
0x1cb: {  	[tilespmem:v19+s23+$0x0] =	vst.idx.msk $0xffff, v18  }
0x1cc: {  	v19 =	vor.u32 v13, v17;
	v18 =	vld [tilespmem:s0+$0x200];
	_ =	sdelay $0x4  }
0x1cd: {  	[tilespmem:v19+s23+$0x0] =	vst.idx.msk $0xffff, v18  }
0x1ce: {  	v19 =	vor.u32 v14, v17;
	v18 =	vld [tilespmem:s0+$0x280];
	_ =	sdelay $0x4  }
0x1cf: {  	[tilespmem:v19+s23+$0x0] =	vst.idx.msk $0xffff, v18  }
0x1d0: {  	v19 =	vor.u32 v15, v17;
	v18 =	vld [tilespmem:s0+$0x300];
	_ =	sdelay $0x4  }
.Ltmp6:
0x1d1: {  	[tilespmem:v19+s23+$0x0] =	vst.idx.msk $0xffff, v18;
	(pc) =	sbr.rel @p2 .LBB2_13-.Ltmp6, $2  }
0x1d2: {  	v19 =	vor.u32 v16, v17;
	v18 =	vld [tilespmem:s0+$0x380];
	_ =	sdelay $0x2  }
0x1d3: {  	v17 =	vmov s4;
	s4 =	sadd.s32 $0x2, s4  }
0x1d4: {  	_ =	sdelay $0x2  }
0x1d5: {  	v17 =	vshll.u32 v17, $0x7  }
0x1d6: {  	s0 =	sadd.s32 $0x10, s0;
	v17 =	vor.u32 v1, v17;
	[tilespmem:v19+s23+$0x0] =	vst.idx.msk $0xffff, v18  }
0x1d7: {  	v18 =	vld [tilespmem:s0+$0xFFFFF000];
	v19 =	vor.u32 v0, v17;
	_ =	sdelay $0x4  }
0x1d8: {  	[tilespmem:v19+s23+$0x0] =	vst.idx.msk $0xffff, v18  }
0x1d9: {  	v19 =	vor.u32 v2, v17;
	v18 =	vld [tilespmem:s0+$0xFFFFF080];
	_ =	sdelay $0x4  }
0x1da: {  	[tilespmem:v19+s23+$0x0] =	vst.idx.msk $0xffff, v18  }
0x1db: {  	v19 =	vor.u32 v3, v17;
	v18 =	vld [tilespmem:s0+$0xFFFFF100];
	_ =	sdelay $0x4  }
0x1dc: {  	[tilespmem:v19+s23+$0x0] =	vst.idx.msk $0xffff, v18  }
0x1dd: {  	v19 =	vor.u32 v4, v17;
	v18 =	vld [tilespmem:s0+$0xFFFFF180];
	_ =	sdelay $0x4  }
0x1de: {  	[tilespmem:v19+s23+$0x0] =	vst.idx.msk $0xffff, v18  }
0x1df: {  	v19 =	vor.u32 v5, v17;
	v18 =	vld [tilespmem:s0+$0xFFFFF200];
	_ =	sdelay $0x4  }
0x1e0: {  	[tilespmem:v19+s23+$0x0] =	vst.idx.msk $0xffff, v18  }
0x1e1: {  	v19 =	vor.u32 v6, v17;
	v18 =	vld [tilespmem:s0+$0xFFFFF280];
	_ =	sdelay $0x4  }
0x1e2: {  	[tilespmem:v19+s23+$0x0] =	vst.idx.msk $0xffff, v18  }
0x1e3: {  	v19 =	vor.u32 v7, v17;
	v18 =	vld [tilespmem:s0+$0xFFFFF300];
	_ =	sdelay $0x4  }
0x1e4: {  	[tilespmem:v19+s23+$0x0] =	vst.idx.msk $0xffff, v18  }
0x1e5: {  	v19 =	vor.u32 v8, v17;
	v18 =	vld [tilespmem:s0+$0xFFFFF380];
	_ =	sdelay $0x4  }
0x1e6: {  	[tilespmem:v19+s23+$0x0] =	vst.idx.msk $0xffff, v18  }
0x1e7: {  	v19 =	vor.u32 v9, v17;
	v18 =	vld [tilespmem:s0+$0x0];
	_ =	sdelay $0x4  }
0x1e8: {  	[tilespmem:v19+s23+$0x0] =	vst.idx.msk $0xffff, v18  }
0x1e9: {  	v19 =	vor.u32 v10, v17;
	v18 =	vld [tilespmem:s0+$0x80];
	_ =	sdelay $0x4  }
0x1ea: {  	[tilespmem:v19+s23+$0x0] =	vst.idx.msk $0xffff, v18  }
0x1eb: {  	v19 =	vor.u32 v11, v17;
	v18 =	vld [tilespmem:s0+$0x100];
	_ =	sdelay $0x4  }
0x1ec: {  	[tilespmem:v19+s23+$0x0] =	vst.idx.msk $0xffff, v18  }
0x1ed: {  	v19 =	vor.u32 v12, v17;
	v18 =	vld [tilespmem:s0+$0x180];
	_ =	sdelay $0x4  }
0x1ee: {  	[tilespmem:v19+s23+$0x0] =	vst.idx.msk $0xffff, v18  }
0x1ef: {  	v19 =	vor.u32 v13, v17;
	v18 =	vld [tilespmem:s0+$0x200];
	_ =	sdelay $0x4  }
0x1f0: {  	[tilespmem:v19+s23+$0x0] =	vst.idx.msk $0xffff, v18  }
0x1f1: {  	v19 =	vor.u32 v14, v17;
	v18 =	vld [tilespmem:s0+$0x280];
	_ =	sdelay $0x4  }
0x1f2: {  	[tilespmem:v19+s23+$0x0] =	vst.idx.msk $0xffff, v18  }
0x1f3: {  	v19 =	vor.u32 v15, v17;
	v18 =	vld [tilespmem:s0+$0x300];
	_ =	sdelay $0x4  }
0x1f4: {  	[tilespmem:v19+s23+$0x0] =	vst.idx.msk $0xffff, v18  }
0x1f5: {  	v17 =	vor.u32 v16, v17;
	v18 =	vld [tilespmem:s0+$0x380];
	_ =	sdelay $0x4  }
0x1f6: {  	s31 =	rddreg [dreg:$0xa];
	[tilespmem:v17+s23+$0x0] =	vst.idx.msk $0xffff, v18  }
0x1f7: {  	[hbm4b:s31+s3] =	stream.linear.scatter [tilespmem:s23], [sflag:$0x5], $0x800, $0x38;
	[tilespmem:$0x10400] =	vst v63  }
0x1f8: {  	_ =	swait.ge [sflag:s29], $0x800  }
0x1f9: {  	[sflag:s29] =	ssyncset.done $0x0  }
0x1fa: {  	[sflag:s29] =	ssyncadd.s32 $0xFFFFF800  }
.LBB2_15:
0x1fb: {  	s31 =	rddreg [dreg:$0xf]  }
0x1fc: {  	s10 =	simm.s32 $0xFFFFFFFF;
	s16 =	rddreg [dreg:$0xe]  }
0x1fd: {  	s0 =	simm.s32 $0x0;
	s4 =	smov.u32 s19;
	s14 =	rddreg [dreg:$0xc]  }
.LBB2_16:
0x1fe: {  	s11 =	smulhi.u32 $0x4EC4EC4F, s14;
	_ =	sdelay $0x1  }
0x1ff: {  	s12 =	sshrl.u32 s11, $0x3  }
0x200: {  	p2 =	seq.s32 s12, s10  }
0x201: {  	s11 =	rddreg [dreg:$0x5];
	s13 =	smul.u32 $0xD00, s12;
	s10 =	sshll.u32 @!p2 s12, $0xA  }
0x202: {  	s2 =	simm.s32 @!p2 $0x20000;
	s17 =	simm.s32 @!p2 $0x8000;
	s15 =	sand.u32 @!p2 $0x1FFFFC00, s10  }
0x203: {  	s10 =	smul.u32 $0x6800, s12;
	s11 =	sadd.s32 @!p2 s11, s15;
	s15 =	simm.s32 @!p2 $0x2000  }
0x204: {  	[tilespmem:s17], [sflag:$0x5] =	stream.strided.gather @!p2 [hbm4b:s11+s15], $0x8000, s2, s15, $0x38;
	[tilespmem:$0x10400] =	vst v63  }
0x205: {  	s15 =	ssub.s32 s18, s10;
	s11 =	simm.s32 @!p2 $0x5  }
0x206: {  	s13 =	ssub.s32 s31, s13;
	_ =	swait.ge @!p2 [sflag:s11], $0x8000;
	s2 =	sadd.s32 s15, s0  }
0x207: {  	s13 =	sand.u32 $0x380, s13;
	[sflag:s11] =	ssyncset.done @!p2 $0x0;
	s2 =	sand.u32 $0xFFFFE000, s2  }
0x208: {  	[sflag:s11] =	ssyncadd.s32 @!p2 $0xFFFF8000;
	s11 =	sor.u32 s13, s2  }
0x209: {  	v17 =	vld [tilespmem:s11+$0x8000];
	_ =	sdelay $0x1  }
0x20a: {  	s17 =	smul.u32 $0xF424C, s12;
	_ =	sdelay $0x1  }
0x20b: {  	s15 =	ssub.s32 s4, s17  }
0x20c: {  	v17 =	vadd.s32 s15, v17  }
0x20d: {  	[tilespmem:$0x10000] =	vst v17  }
0x20e: {  	v17 =	vld [tilespmem:s11+$0x8010];
	_ =	sdelay $0x4  }
0x20f: {  	v17 =	vadd.s32 s15, v17  }
0x210: {  	[tilespmem:$0x10010] =	vst v17  }
0x211: {  	v17 =	vld [tilespmem:s11+$0x8020];
	_ =	sdelay $0x4  }
0x212: {  	v17 =	vadd.s32 s15, v17  }
0x213: {  	[tilespmem:$0x10020] =	vst v17  }
0x214: {  	v17 =	vld [tilespmem:s11+$0x8030];
	_ =	sdelay $0x4  }
0x215: {  	v17 =	vadd.s32 s15, v17  }
0x216: {  	[tilespmem:$0x10030] =	vst v17  }
0x217: {  	v17 =	vld [tilespmem:s11+$0x8040];
	_ =	sdelay $0x4  }
0x218: {  	v17 =	vadd.s32 s15, v17  }
0x219: {  	[tilespmem:$0x10040] =	vst v17  }
0x21a: {  	v17 =	vld [tilespmem:s11+$0x8050];
	_ =	sdelay $0x4  }
0x21b: {  	v17 =	vadd.s32 s15, v17  }
0x21c: {  	[tilespmem:$0x10050] =	vst v17  }
0x21d: {  	v17 =	vld [tilespmem:s11+$0x8060];
	_ =	sdelay $0x4  }
0x21e: {  	v17 =	vadd.s32 s15, v17  }
0x21f: {  	[tilespmem:$0x10060] =	vst v17  }
0x220: {  	v17 =	vld [tilespmem:s11+$0x8070];
	_ =	sdelay $0x4  }
0x221: {  	v17 =	vadd.s32 s15, v17  }
0x222: {  	[tilespmem:$0x10070] =	vst v17  }
0x223: {  	v17 =	vld [tilespmem:s11+$0x8400];
	_ =	sdelay $0x4  }
0x224: {  	v17 =	vadd.s32 s15, v17  }
0x225: {  	[tilespmem:$0x10080] =	vst v17  }
0x226: {  	v17 =	vld [tilespmem:s11+$0x8410];
	_ =	sdelay $0x4  }
0x227: {  	v17 =	vadd.s32 s15, v17  }
0x228: {  	[tilespmem:$0x10090] =	vst v17  }
0x229: {  	v17 =	vld [tilespmem:s11+$0x8420];
	_ =	sdelay $0x4  }
0x22a: {  	v17 =	vadd.s32 s15, v17  }
0x22b: {  	[tilespmem:$0x100A0] =	vst v17  }
0x22c: {  	v17 =	vld [tilespmem:s11+$0x8430];
	_ =	sdelay $0x4  }
0x22d: {  	v17 =	vadd.s32 s15, v17  }
0x22e: {  	[tilespmem:$0x100B0] =	vst v17  }
0x22f: {  	v17 =	vld [tilespmem:s11+$0x8440];
	_ =	sdelay $0x4  }
0x230: {  	v17 =	vadd.s32 s15, v17  }
0x231: {  	[tilespmem:$0x100C0] =	vst v17  }
0x232: {  	v17 =	vld [tilespmem:s11+$0x8450];
	_ =	sdelay $0x4  }
0x233: {  	v17 =	vadd.s32 s15, v17  }
0x234: {  	[tilespmem:$0x100D0] =	vst v17  }
0x235: {  	v17 =	vld [tilespmem:s11+$0x8460];
	_ =	sdelay $0x4  }
0x236: {  	v17 =	vadd.s32 s15, v17  }
0x237: {  	[tilespmem:$0x100E0] =	vst v17  }
0x238: {  	v17 =	vld [tilespmem:s11+$0x8470];
	_ =	sdelay $0x4  }
0x239: {  	v17 =	vadd.s32 s15, v17  }
0x23a: {  	[tilespmem:$0x100F0] =	vst v17  }
0x23b: {  	v17 =	vld [tilespmem:s11+$0x8800];
	_ =	sdelay $0x4  }
0x23c: {  	v17 =	vadd.s32 s15, v17  }
0x23d: {  	[tilespmem:$0x10100] =	vst v17  }
0x23e: {  	v17 =	vld [tilespmem:s11+$0x8810];
	_ =	sdelay $0x4  }
0x23f: {  	v17 =	vadd.s32 s15, v17  }
0x240: {  	[tilespmem:$0x10110] =	vst v17  }
0x241: {  	v17 =	vld [tilespmem:s11+$0x8820];
	_ =	sdelay $0x4  }
0x242: {  	v17 =	vadd.s32 s15, v17  }
0x243: {  	[tilespmem:$0x10120] =	vst v17  }
0x244: {  	v17 =	vld [tilespmem:s11+$0x8830];
	_ =	sdelay $0x4  }
0x245: {  	v17 =	vadd.s32 s15, v17  }
0x246: {  	[tilespmem:$0x10130] =	vst v17  }
0x247: {  	v17 =	vld [tilespmem:s11+$0x8840];
	_ =	sdelay $0x4  }
0x248: {  	v17 =	vadd.s32 s15, v17  }
0x249: {  	[tilespmem:$0x10140] =	vst v17  }
0x24a: {  	v17 =	vld [tilespmem:s11+$0x8850];
	_ =	sdelay $0x4  }
0x24b: {  	v17 =	vadd.s32 s15, v17  }
0x24c: {  	[tilespmem:$0x10150] =	vst v17  }
0x24d: {  	v17 =	vld [tilespmem:s11+$0x8860];
	_ =	sdelay $0x4  }
0x24e: {  	v17 =	vadd.s32 s15, v17  }
0x24f: {  	[tilespmem:$0x10160] =	vst v17  }
0x250: {  	v17 =	vld [tilespmem:s11+$0x8870];
	_ =	sdelay $0x4  }
0x251: {  	v17 =	vadd.s32 s15, v17  }
0x252: {  	[tilespmem:$0x10170] =	vst v17  }
0x253: {  	v17 =	vld [tilespmem:s11+$0x8C00];
	_ =	sdelay $0x4  }
0x254: {  	v17 =	vadd.s32 s15, v17  }
0x255: {  	[tilespmem:$0x10180] =	vst v17  }
0x256: {  	v17 =	vld [tilespmem:s11+$0x8C10];
	_ =	sdelay $0x4  }
0x257: {  	v17 =	vadd.s32 s15, v17  }
0x258: {  	[tilespmem:$0x10190] =	vst v17  }
0x259: {  	v17 =	vld [tilespmem:s11+$0x8C20];
	_ =	sdelay $0x4  }
0x25a: {  	v17 =	vadd.s32 s15, v17  }
0x25b: {  	[tilespmem:$0x101A0] =	vst v17  }
0x25c: {  	v17 =	vld [tilespmem:s11+$0x8C30];
	_ =	sdelay $0x4  }
0x25d: {  	v17 =	vadd.s32 s15, v17  }
0x25e: {  	[tilespmem:$0x101B0] =	vst v17  }
0x25f: {  	v17 =	vld [tilespmem:s11+$0x8C40];
	_ =	sdelay $0x4  }
0x260: {  	v17 =	vadd.s32 s15, v17  }
0x261: {  	[tilespmem:$0x101C0] =	vst v17  }
0x262: {  	v17 =	vld [tilespmem:s11+$0x8C50];
	_ =	sdelay $0x4  }
0x263: {  	v17 =	vadd.s32 s15, v17  }
0x264: {  	[tilespmem:$0x101D0] =	vst v17  }
0x265: {  	v17 =	vld [tilespmem:s11+$0x8C60];
	_ =	sdelay $0x4  }
0x266: {  	v17 =	vadd.s32 s15, v17  }
0x267: {  	[tilespmem:$0x101E0] =	vst v17  }
0x268: {  	v17 =	vld [tilespmem:s11+$0x8C70];
	_ =	sdelay $0x4  }
0x269: {  	v17 =	vadd.s32 s15, v17  }
0x26a: {  	[tilespmem:$0x101F0] =	vst v17  }
0x26b: {  	v17 =	vld [tilespmem:s11+$0x9000];
	_ =	sdelay $0x4  }
0x26c: {  	v17 =	vadd.s32 s15, v17  }
0x26d: {  	[tilespmem:$0x10200] =	vst v17  }
0x26e: {  	v17 =	vld [tilespmem:s11+$0x9010];
	_ =	sdelay $0x4  }
0x26f: {  	v17 =	vadd.s32 s15, v17  }
0x270: {  	[tilespmem:$0x10210] =	vst v17  }
0x271: {  	v17 =	vld [tilespmem:s11+$0x9020];
	_ =	sdelay $0x4  }
0x272: {  	v17 =	vadd.s32 s15, v17  }
0x273: {  	[tilespmem:$0x10220] =	vst v17  }
0x274: {  	v17 =	vld [tilespmem:s11+$0x9030];
	_ =	sdelay $0x4  }
0x275: {  	v17 =	vadd.s32 s15, v17  }
0x276: {  	[tilespmem:$0x10230] =	vst v17  }
0x277: {  	v17 =	vld [tilespmem:s11+$0x9040];
	_ =	sdelay $0x4  }
0x278: {  	v17 =	vadd.s32 s15, v17  }
0x279: {  	[tilespmem:$0x10240] =	vst v17  }
0x27a: {  	v17 =	vld [tilespmem:s11+$0x9050];
	_ =	sdelay $0x4  }
0x27b: {  	v17 =	vadd.s32 s15, v17  }
0x27c: {  	[tilespmem:$0x10250] =	vst v17  }
0x27d: {  	v17 =	vld [tilespmem:s11+$0x9060];
	_ =	sdelay $0x4  }
0x27e: {  	v17 =	vadd.s32 s15, v17  }
0x27f: {  	[tilespmem:$0x10260] =	vst v17  }
0x280: {  	v17 =	vld [tilespmem:s11+$0x9070];
	_ =	sdelay $0x4  }
0x281: {  	v17 =	vadd.s32 s15, v17  }
0x282: {  	[tilespmem:$0x10270] =	vst v17  }
0x283: {  	v17 =	vld [tilespmem:s11+$0x9400];
	_ =	sdelay $0x4  }
0x284: {  	v17 =	vadd.s32 s15, v17  }
0x285: {  	[tilespmem:$0x10280] =	vst v17  }
0x286: {  	v17 =	vld [tilespmem:s11+$0x9410];
	_ =	sdelay $0x4  }
0x287: {  	v17 =	vadd.s32 s15, v17  }
0x288: {  	[tilespmem:$0x10290] =	vst v17  }
0x289: {  	v17 =	vld [tilespmem:s11+$0x9420];
	_ =	sdelay $0x4  }
0x28a: {  	v17 =	vadd.s32 s15, v17  }
0x28b: {  	[tilespmem:$0x102A0] =	vst v17  }
0x28c: {  	v17 =	vld [tilespmem:s11+$0x9430];
	_ =	sdelay $0x4  }
0x28d: {  	v17 =	vadd.s32 s15, v17  }
0x28e: {  	[tilespmem:$0x102B0] =	vst v17  }
0x28f: {  	v17 =	vld [tilespmem:s11+$0x9440];
	_ =	sdelay $0x4  }
0x290: {  	v17 =	vadd.s32 s15, v17  }
0x291: {  	[tilespmem:$0x102C0] =	vst v17  }
0x292: {  	v17 =	vld [tilespmem:s11+$0x9450];
	_ =	sdelay $0x4  }
0x293: {  	v17 =	vadd.s32 s15, v17  }
0x294: {  	[tilespmem:$0x102D0] =	vst v17  }
0x295: {  	v17 =	vld [tilespmem:s11+$0x9460];
	_ =	sdelay $0x4  }
0x296: {  	v17 =	vadd.s32 s15, v17  }
0x297: {  	[tilespmem:$0x102E0] =	vst v17  }
0x298: {  	v17 =	vld [tilespmem:s11+$0x9470];
	_ =	sdelay $0x4  }
0x299: {  	v17 =	vadd.s32 s15, v17  }
0x29a: {  	[tilespmem:$0x102F0] =	vst v17  }
0x29b: {  	v17 =	vld [tilespmem:s11+$0x9800];
	_ =	sdelay $0x4  }
0x29c: {  	v17 =	vadd.s32 s15, v17  }
0x29d: {  	[tilespmem:$0x10300] =	vst v17  }
0x29e: {  	v17 =	vld [tilespmem:s11+$0x9810];
	_ =	sdelay $0x4  }
0x29f: {  	v17 =	vadd.s32 s15, v17  }
0x2a0: {  	[tilespmem:$0x10310] =	vst v17  }
0x2a1: {  	v17 =	vld [tilespmem:s11+$0x9820];
	_ =	sdelay $0x4  }
0x2a2: {  	v17 =	vadd.s32 s15, v17  }
0x2a3: {  	[tilespmem:$0x10320] =	vst v17  }
0x2a4: {  	v17 =	vld [tilespmem:s11+$0x9830];
	_ =	sdelay $0x4  }
0x2a5: {  	v17 =	vadd.s32 s15, v17  }
0x2a6: {  	[tilespmem:$0x10330] =	vst v17  }
0x2a7: {  	v17 =	vld [tilespmem:s11+$0x9840];
	_ =	sdelay $0x4  }
0x2a8: {  	v17 =	vadd.s32 s15, v17  }
0x2a9: {  	[tilespmem:$0x10340] =	vst v17  }
0x2aa: {  	v17 =	vld [tilespmem:s11+$0x9850];
	_ =	sdelay $0x4  }
0x2ab: {  	v17 =	vadd.s32 s15, v17  }
0x2ac: {  	[tilespmem:$0x10350] =	vst v17  }
0x2ad: {  	v17 =	vld [tilespmem:s11+$0x9860];
	_ =	sdelay $0x4  }
0x2ae: {  	v17 =	vadd.s32 s15, v17  }
0x2af: {  	[tilespmem:$0x10360] =	vst v17  }
0x2b0: {  	v17 =	vld [tilespmem:s11+$0x9870];
	_ =	sdelay $0x2  }
0x2b1: {  	s13 =	sadd.s32 s13, s18  }
0x2b2: {  	s2 =	ssub.s32 s13, s10  }
0x2b3: {  	s2 =	sadd.s32 s2, s0;
	v17 =	vadd.s32 s15, v17  }
0x2b4: {  	s17 =	sor.u32 $0x1C00, s2;
	[tilespmem:$0x10370] =	vst v17  }
0x2b5: {  	v17 =	vld [tilespmem:s17+$0x8000];
	_ =	sdelay $0x4  }
0x2b6: {  	v17 =	vadd.s32 s15, v17  }
0x2b7: {  	s11 =	sor.u32 $0x1C10, s2;
	[tilespmem:$0x10380] =	vst v17  }
0x2b8: {  	v17 =	vld [tilespmem:s11+$0x8000];
	_ =	sdelay $0x4  }
0x2b9: {  	v17 =	vadd.s32 s15, v17  }
0x2ba: {  	s13 =	sor.u32 $0x1C20, s2;
	[tilespmem:$0x10390] =	vst v17  }
0x2bb: {  	v17 =	vld [tilespmem:s13+$0x8000];
	_ =	sdelay $0x4  }
0x2bc: {  	v17 =	vadd.s32 s15, v17  }
0x2bd: {  	s17 =	sor.u32 $0x1C30, s2;
	[tilespmem:$0x103A0] =	vst v17  }
0x2be: {  	v17 =	vld [tilespmem:s17+$0x8000];
	_ =	sdelay $0x4  }
0x2bf: {  	v17 =	vadd.s32 s15, v17  }
0x2c0: {  	s11 =	sor.u32 $0x1C40, s2;
	[tilespmem:$0x103B0] =	vst v17  }
0x2c1: {  	v17 =	vld [tilespmem:s11+$0x8000];
	_ =	sdelay $0x4  }
0x2c2: {  	v17 =	vadd.s32 s15, v17  }
0x2c3: {  	s13 =	sor.u32 $0x1C50, s2;
	[tilespmem:$0x103C0] =	vst v17  }
0x2c4: {  	v17 =	vld [tilespmem:s13+$0x8000];
	_ =	sdelay $0x4  }
0x2c5: {  	v17 =	vadd.s32 s15, v17  }
0x2c6: {  	s17 =	sor.u32 $0x1C60, s2;
	[tilespmem:$0x103D0] =	vst v17  }
0x2c7: {  	v17 =	vld [tilespmem:s17+$0x8000];
	_ =	sdelay $0x4  }
0x2c8: {  	v17 =	vadd.s32 s15, v17  }
0x2c9: {  	s2 =	sor.u32 $0x1C70, s2;
	[tilespmem:$0x103E0] =	vst v17  }
0x2ca: {  	v17 =	vld [tilespmem:s2+$0x8000];
	_ =	sdelay $0x1  }
0x2cb: {  	s11 =	smul.u32 $0x67C00, s12;
	_ =	sdelay $0x1  }
0x2cc: {  	s0 =	sadd.s32 $0x400, s0;
	s2 =	ssub.s32 s16, s11  }
0x2cd: {  	p2 =	sne.s32 s0, $0x3400;
	s13 =	rddreg [dreg:$0x6];
	s2 =	sshrl.u32 s2, $0x3;
	v17 =	vadd.s32 s15, v17  }
.Ltmp7:
0x2ce: {  	s17 =	rddreg [dreg:$0x7];
	s2 =	sadd.s32 s13, s2;
	[tilespmem:$0x103F0] =	vst v17;
	(pc) =	sbr.rel @p2 .LBB2_16-.Ltmp7, $4  }
0x2cf: {  	[hbm4b:s2+s3] =	stream.linear.scatter [tilespmem:s17], [sflag:$0x5], $0x400, $0x38;
	[tilespmem:$0x10400] =	vst v63  }
0x2d0: {  	s14 =	sadd.s32 $0x1, s14;
	_ =	swait.ge [sflag:s29], $0x400  }
0x2d1: {  	s31 =	sadd.s32 $0x80, s31;
	s4 =	sadd.s32 $0x963E, s4;
	[sflag:s29] =	ssyncset.done $0x0  }
0x2d2: {  	s10 =	smov.u32 s12;
	s16 =	sadd.s32 $0x4000, s16;
	[sflag:s29] =	ssyncadd.s32 $0xFFFFFC00  }
0x2d3: {  	s30 =	sadd.s32 $0x1, s30;
	s0 =	rddreg [dreg:$0xb]  }
0x2d4: {  	p2 =	sne.s32 s30, s0  }
.Ltmp8:
0x2d5: {  	_ = 	snop;
	(pc) =	sbr.rel @p2 .LBB2_1-.Ltmp8, $1  }
0x2d6: {  	_ =	sdelay $0x3  }
0x2d7: {  	_ =	sfence.sel $0x180000  }
0x2d8: {  	[bflag:$0x0] =	sbarrier.arrive $0xFFFF  }
0x2d9: {  	_ =	strace $0x90000047  }
0x2da: {  	s0 =	stileid.u32;
	[bflag:$0x2] =	sbarrier.arrive $0xFFFF  }
0x2db: {  	p0 =	sne.s32 s0, $0x0;
	s0 =	rddreg [dreg:$0x4]  }
0x2dc: {  	s0 =	sadd.s32 @!p0 $0x100000, s0  }
0x2dd: {  	[sflag:s0] =	ssyncadd.tile.s32 @!p0 $0x1;
	_ =	shalt  }
.Lfunc_end2:
_tile_overlayer_lowered:
.L_overlay_start_2:
0x2de: {  	(tag) =	ssettag $0x2  }
0x2df: {  	s0 =	rddreg [dreg:$0x0];
	s2 =	stileid.u32  }
0x2e0: {  	s1 =	rddreg [dreg:$0x1];
	p0 =	sne.s32 s2, $0x0  }
0x2e1: {  	s3 =	rddreg [dreg:$0x2];
	[bflag:$0x3] =	sbarrier.arrive $0xFFFF;
	s2 =	simm.s32 @!p0 $0x1C05  }
0x2e2: {  	[timem:s3], [sflag:s2] =	dma.local @!p0 [hbm:s0], s1  }
0x2e3: {  	s0 =	simm.s32 @!p0 $0x5  }
0x2e4: {  	_ =	swait.ge @!p0 [sflag:s0], s1  }
0x2e5: {  	s1 =	ssub.s32 @!p0 $0x0, s1;
	[sflag:s0] =	ssyncset.done @!p0 $0x0  }
0x2e6: {  	[sflag:s0] =	ssyncadd.s32 @!p0 s1  }
0x2e7: {  	[bflag:$0x3] =	sbarrier.arrive $0xFFFF  }
0x2e8: {  	_ =	shalt  }

// kernel: kernel.7.cloned.1.call-start
scs
__scs_entry_jumppad:
0x0: {  	(pc) =	sbr.rel $0x88, $3  }
0x1: {  	(tag) =	ssettag $0x0;
	lr =	simm.s32 $0x1  }
0x2: {  	[smem:$0x3F9F] =	sst lr;
	_ =	strace $0xD0000000  }
0x3: {  	_ = 	snop  }
0x4: {  	_ = 	snop  }
0x5: {  	_ = 	snop  }
0x6: {  	_ = 	snop  }
0x7: {  	_ = 	snop  }
__scs_overlays_trampoline_lowered:
0x8: {  	[smem:$0x3FAE] =	sst s0  }
0x9: {  	[smem:$0x3FAF] =	sst s1  }
0xa: {  	[smem:$0x3FB0] =	sst s2  }
0xb: {  	[smem:$0x3FB1] =	sst s3  }
0xc: {  	[smem:$0x3FB2] =	sst s4  }
0xd: {  	[smem:$0x3FB3] =	sst s5  }
0xe: {  	[smem:$0x3FB4] =	sst s6  }
0xf: {  	[smem:$0x3FB5] =	sst s7  }
0x10: {  	[smem:$0x3FB6] =	sst s8  }
0x11: {  	[smem:$0x3FB7] =	sst s9;
	s0 =	simm.s32 @!p0 $0x0  }
0x12: {  	s1 =	sld [smem:$0x3F9D];
	s0 =	simm.s32 @p0 $0x1  }
0x13: {  	[smem:$0x3FB8] =	sst s0;
	s0 =	simm.s32 @!p1 $0x0  }
0x14: {  	s2 =	sld [smem:$0x3F9C];
	s0 =	simm.s32 @p1 $0x1  }
0x15: {  	[smem:$0x3FB9] =	sst s0;
	s0 =	simm.s32 @!p2 $0x0  }
0x16: {  	s3 =	sld [smem:$0x3FDB];
	s0 =	simm.s32 @p2 $0x1  }
0x17: {  	s4 =	simm.s32 $0x1BF5;
	[smem:$0x3FBB] =	sst s0  }
0x18: {  	s0 =	sld [smem:$0x3F9E];
	_ =	swait.ge [sflag:s4], $0x0  }
0x19: {  	s7 =	sld [smem:$0x3F9F]  }
0x1a: {  	s8 =	sadd.s32 $0xFFFFE003, lr  }
0x1b: {  	s9 =	sadd.s32 $0xFFFFFEF7, lr;
	s5 =	simm.s32 $0xFFFFFFFF;
	p2 =	slt.u32 s8, $0xFFFFF086  }
0x1c: {  	p1 =	slt.u32 s9, $0xF7A;
	s5 =	simm.s32 @!p2 $0x0  }
0x1d: {  	s5 =	simm.s32 @p1 $0x1;
	p0 =	seq.s32 s7, s2  }
0x1e: {  	s7 =	smul.u32 @!p0 $0xF7A, s2;
	p2 =	seq.s32 @!p0 s5, $0x0  }
0x1f: {  	s9 =	smul.u32 $0xF7A, s1;
	s8 =	simm.s32 @!p0 $0x1BF5;
	p2 =	por !p2, p0  }
0x20: {  	[sflag:s8] =	ssyncset.s32 @!p0 $0xFFFFF086;
	s6 =	sadd.s32 @!p0 s3, s7;
	s7 =	simm.s32 @!p0 $0x108  }
0x21: {  	s3 =	sadd.s32 s3, s9;
	s6 =	sadd.s32 @!p0 $0x88, s6;
	s7 =	simm.s32 @p2 $0x1082  }
0x22: {  	[simem:s7], [sflag:s8] =	dma.local @!p0 [hbm:s6], $0xF7A  }
0x23: {  	s9 =	sor.u32 $0xD0000000, s2;
	s6 =	simm.s32 $0x108;
	_ =	swait.ge @!p0 [sflag:s8], $0x0  }
0x24: {  	s3 =	sadd.s32 $0x88, s3;
	s6 =	simm.s32 @!p1 $0x1082;
	[sflag:s4] =	ssyncset.s32 $0xFFFFF086  }
0x25: {  	[simem:s6], [sflag:s4] =	dma.local [hbm:s3], $0xF7A  }
0x26: {  	[smem:$0x3F9F] =	sst s1;
	(tag) =	ssettag s2;
	_ =	strace s9  }
0x27: {  	s1 =	sld [smem:$0x3FAF]  }
0x28: {  	s2 =	sld [smem:$0x3FB0]  }
0x29: {  	s4 =	sld [smem:$0x3FB2]  }
0x2a: {  	p0 =	seq.s32 s5, $0x0;
	s5 =	sld [smem:$0x3FB3]  }
0x2b: {  	s6 =	sld [smem:$0x3FB4]  }
0x2c: {  	s7 =	sld [smem:$0x3FB5]  }
0x2d: {  	s3 =	simm.s32 $0x108;
	s8 =	sld [smem:$0x3FB6]  }
0x2e: {  	s3 =	simm.s32 @!p0 $0x1082;
	s9 =	sld [smem:$0x3FB7]  }
0x2f: {  	lr =	sadd.s32 s0, s3;
	s0 =	sld [smem:$0x3FAE]  }
0x30: {  	s3 =	sld [smem:$0x3FB1]  }
0x31: {  	[smem:$0x3FBA] =	sst s10  }
0x32: {  	s10 =	sld [smem:$0x3FB8];
	_ =	sdelay $0x3  }
0x33: {  	p0 =	seq.s32 s10, $0x1;
	s10 =	sld [smem:$0x3FBA];
	_ =	sdelay $0x3  }
0x34: {  	[smem:$0x3FBA] =	sst s10  }
0x35: {  	s10 =	sld [smem:$0x3FB9];
	_ =	sdelay $0x3  }
0x36: {  	p1 =	seq.s32 s10, $0x1;
	s10 =	sld [smem:$0x3FBA];
	_ =	sdelay $0x3  }
0x37: {  	[smem:$0x3FBA] =	sst s10  }
0x38: {  	s10 =	sld [smem:$0x3FBB]  }
0x39: {  	_ = 	snop;
	(pc) =	sbr.ind lr, $3  }
0x3a: {  	_ = 	snop  }
0x3b: {  	_ = 	snop  }
0x3c: {  	p2 =	seq.s32 s10, $0x1;
	s10 =	sld [smem:$0x3FBA]  }
0x3d: {  	_ =	shalt  }
0x3e: {  	_ =	shalt  }
0x3f: {  	_ =	shalt  }
0x40: {  	_ =	shalt  }
0x41: {  	_ =	shalt  }
0x42: {  	_ =	shalt  }
0x43: {  	_ =	shalt  }
0x44: {  	_ =	shalt  }
0x45: {  	_ =	shalt  }
0x46: {  	_ =	shalt  }
0x47: {  	_ =	shalt  }
0x48: {  	_ =	shalt  }
0x49: {  	_ =	shalt  }
0x4a: {  	_ =	shalt  }
0x4b: {  	_ =	shalt  }
0x4c: {  	_ =	shalt  }
0x4d: {  	_ =	shalt  }
0x4e: {  	_ =	shalt  }
0x4f: {  	_ =	shalt  }
0x50: {  	_ =	shalt  }
0x51: {  	_ =	shalt  }
0x52: {  	_ =	shalt  }
0x53: {  	_ =	shalt  }
0x54: {  	_ =	shalt  }
0x55: {  	_ =	shalt  }
0x56: {  	_ =	shalt  }
0x57: {  	_ =	shalt  }
0x58: {  	_ =	shalt  }
0x59: {  	_ =	shalt  }
0x5a: {  	_ =	shalt  }
0x5b: {  	_ =	shalt  }
0x5c: {  	_ =	shalt  }
0x5d: {  	_ =	shalt  }
0x5e: {  	_ =	shalt  }
0x5f: {  	_ =	shalt  }
0x60: {  	_ =	shalt  }
0x61: {  	_ =	shalt  }
0x62: {  	_ =	shalt  }
0x63: {  	_ =	shalt  }
0x64: {  	_ =	shalt  }
0x65: {  	_ =	shalt  }
0x66: {  	_ =	shalt  }
0x67: {  	_ =	shalt  }
0x68: {  	_ =	shalt  }
0x69: {  	_ =	shalt  }
0x6a: {  	_ =	shalt  }
0x6b: {  	_ =	shalt  }
0x6c: {  	_ =	shalt  }
0x6d: {  	_ =	shalt  }
0x6e: {  	_ =	shalt  }
0x6f: {  	_ =	shalt  }
0x70: {  	_ =	shalt  }
0x71: {  	_ =	shalt  }
0x72: {  	_ =	shalt  }
0x73: {  	_ =	shalt  }
0x74: {  	_ =	shalt  }
0x75: {  	_ =	shalt  }
0x76: {  	_ =	shalt  }
0x77: {  	_ =	shalt  }
0x78: {  	_ =	shalt  }
0x79: {  	_ =	shalt  }
0x7a: {  	_ =	shalt  }
0x7b: {  	_ =	shalt  }
0x7c: {  	_ =	shalt  }
0x7d: {  	_ =	shalt  }
0x7e: {  	_ =	shalt  }
0x7f: {  	_ =	shalt  }
0x80: {  	_ =	shalt  }
0x81: {  	_ =	shalt  }
0x82: {  	_ =	shalt  }
0x83: {  	_ =	shalt  }
0x84: {  	_ =	shalt  }
0x85: {  	_ =	shalt  }
0x86: {  	_ =	shalt  }
0x87: {  	_ =	shalt  }
.Lfunc_end0:
.L_simem_size_0:
called_computation.1_lowered:
.L_overlay_start_0:
0x88: {  	s2 =	sld [smem:$0x3FD9]  }
0x89: {  	s3 =	sld [smem:$0x3FFE];
	_ =	sdelay $0x1  }
0x8a: {  	s1 =	srdreg.scid  }
0x8b: {  	s0 =	sand.u32 $0x1, s1  }
0x8c: {  	s17 =	sshll.u32 s0, $0xA;
	s2 =	sadd.s32 s3, s2  }
0x8d: {  	s2 =	sadd.s32 s2, s17  }
0x8e: {  	[smem:$0x3FC6] =	sst s2  }
0x8f: {  	_ = 	snop  }
0x90: {  	s2 =	sld [smem:$0x3FD0];
	(tm) =	ssettm $0x1  }
0x91: {  	s18 =	sld [smem:$0x3FFB];
	_ =	sdelay $0x3  }
0x92: {  	_ =	strace s18  }
0x93: {  	s3 =	sld [smem:$0x3FFC];
	_ =	sdelay $0x3  }
0x94: {  	_ =	strace s3  }
0x95: {  	s3 =	sld [smem:$0x3FFD];
	_ =	sdelay $0x3  }
0x96: {  	_ =	strace s3  }
0x97: {  	_ =	strace $0x8FFFFFFF  }
0x98: {  	s19 =	sld [smem:$0x3FDB];
	_ =	sdelay $0x1  }
0x99: {  	s4 =	simm.s32 $_scs_section_size  }
0x9a: {  	s5 =	simm.s32 $_size__tile_overlayer_lowered;
	s6 =	simm.s32 $_tile_overlayer_lowered  }
0x9b: {  	s22 =	simm.s32 $0x1BFF;
	s21 =	sshll.u32 s6, $0x1;
	s3 =	sadd.s32 s4, s19  }
0x9c: {  	s7 =	simm.s32 $0x0;
	s20 =	sshll.u32 s5, $0x1;
	s5 =	sadd.s32 s21, s3  }
0x9d: {  	[timem:s7], [sflag:s22] =	dma.local [hbm:s5], s20  }
0x9e: {  	_ =	swait.ge [sflag:s22], s20  }
0x9f: {  	s4 =	ssub.s32 $0x0, s20;
	[sflag:s22] =	ssyncset.done $0x0  }
0xa0: {  	[sflag:s22] =	ssyncadd.s32 s4;
	_ =	sdelay $0x1  }
0xa1: {  	s23 =	simm.s32 $0x1B8B  }
0xa2: {  	_ =	swait.ge [sflag:s23], $0x1  }
0xa3: {  	[sflag:s23] =	ssyncset.done $0x0  }
0xa4: {  	s25 =	simm.s32 $0x1B8E;
	s24 =	sld [smem:$0x3FFE];
	[sflag:s23] =	ssyncadd.s32 $0xFFFFFFFF  }
0xa5: {  	s26 =	simm.s32 $execute0_lowered;
	[smem:$0x3FD2] =	sst s25  }
0xa6: {  	s5 =	sshll.u32 s26, $0x1;
	_ =	strace $0x80000049;
	[dreg:$0x1] =	wrdreg $0xFFFFFFFF  }
0xa7: {  	s28 =	simm.s32 $_size_execute0_lowered;
	s3 =	sadd.s32 s3, s5;
	[dreg:$0x0] =	wrdreg $0x0  }
0xa8: {  	s5 =	sshll.u32 s28, $0x1;
	[dreg:$0x2] =	wrdreg s3  }
0xa9: {  	[dreg:$0x3] =	wrdreg s5  }
0xaa: {  	[dreg:$0x4] =	wrdreg $0xC0  }
0xab: {  	_ =	task [dreg:s7], $0x5FFFF  }
0xac: {  	[dreg:$0x1] =	wrdreg $0xFFFFFFFF  }
0xad: {  	[dreg:$0x0] =	wrdreg $0x60  }
0xae: {  	[dreg:$0x2] =	wrdreg s24  }
0xaf: {  	[dreg:$0x3] =	wrdreg s2  }
0xb0: {  	[dreg:$0x4] =	wrdreg $0x9  }
0xb1: {  	_ =	task.clear_ibuf [dreg:s7], $0x5FFFF;
	_ =	strace $0x90000049  }
0xb2: {  	s29 =	simm.s32 $0x9;
	_ =	strace $0x8000004B  }
0xb3: {  	_ =	swait.ge [sflag:s29], $0x1  }
0xb4: {  	[sflag:s29] =	ssyncadd.s32 $0xFFFFFFFF  }
0xb5: {  	_ =	strace $0x9000004B  }
0xb6: {  	_ =	sfence  }
0xb7: {  	s30 =	sld [smem:$0x0];
	_ =	sdelay $0x2  }
0xb8: {  	s31 =	sshll.u32 s1, $0xD;
	s1 =	sshrl.u32 s1, $0x2  }
0xb9: {  	s3 =	sand.u32 $0x4000, s31;
	s1 =	sadd.s32 s1, s30  }
0xba: {  	s0 =	sor.u32 s3, s0;
	s1 =	sshll.u32 s1, $0x11  }
0xbb: {  	s0 =	sor.u32 s1, s0  }
0xbc: {  	s0 =	sadd.s32 $0x8F2B, s0  }
0xbd: {  	[sflag:s0] =	ssyncadd.remote.s32 $0x1  }
0xbe: {  	_ =	sfence.sel $0xFFFF  }
0xbf: {  	[dreg:$0x0] =	wrdreg $0xFFFFFFFF;
	(pc) =	sbr.abs _section_cstart, $3  }
0xc0: {  	[dreg:$0x1] =	wrdreg $0xFFFFFFFF  }
0xc1: {  	_ =	task.clear_ibuf [dreg:s7], $0x2FFFF;
	_ =	strace $0x9FFFFFFF  }
0xc2: {  	(tm) =	ssettm $0x7FFFFFFF  }
0xc3: {  	_ =	shalt  }
tec
execute0_lowered:
.L_overlay_start_1:
0x0: {  	(tag) =	ssettag $0x1  }
0x1: {  	v0 =	vimm.s32 $0x300;
	vm12 =	vcmask $0x300;
	vm11 =	vcmask $0x704  }
0x2: {  	vm9 =	vcmask $0xB08;
	vm10 =	vcmask $0xF0C;
	vm8 =	vcmask $0x1310  }
0x3: {  	vm7 =	vcmask $0x1714;
	vm6 =	vcmask $0x1B18;
	v4 =	vimm.s32 $0x280  }
0x4: {  	vm13 =	vcmask $0x2320;
	vm0 =	vcmask $0x2724;
	vm1 =	vcmask $0x2B28  }
0x5: {  	vm2 =	vcmask $0x2F2C;
	vm3 =	vcmask $0x3330;
	vm4 =	vcmask $0x3734  }
0x6: {  	vm5 =	vcmask $0x3B38;
	v6 =	vimm.s32 $0x180;
	v21 =	vimm.s32 $0x100  }
0x7: {  	v8 =	vimm.s32 $0x80;
	v24 =	vimm.s32 $0x0;
	v10 =	vimm.s32 $0x76543210  }
0x8: {  	vm14 =	vcmask $0x1F00;
	v12 =	vimm.s32 $0x6543210;
	v16 =	vimm.s32 $0x87654321  }
0x9: {  	vm15 =	vcmask $0x1700;
	v19 =	vimm.s32 $0xA9876543;
	v22 =	vimm.s32 $0x3210FEDC  }
0xa: {  	v23 =	vimm.s32 $0xBA987654;
	v27 =	vimm.s32 $0x43210FED;
	v28 =	vimm.s32 $0xCBA98765  }
0xb: {  	v30 =	vimm.s32 $0xDCBA9876;
	v0 =	vsel vm12, $0x380, v0;
	v4 =	vsel vm12, $0x300, v4  }
0xc: {  	v6 =	vsel vm12, $0x200, v6;
	v7 =	vsel vm12, $0x180, v21;
	v8 =	vsel vm12, $0x100, v8  }
0xd: {  	v9 =	vsel vm12, $0x80, v24;
	v10 =	vunpack.c.l.s4.s8 v10;
	v12 =	vunpack.c.l.s4.s8 v12  }
0xe: {  	v16 =	vunpack.c.l.s4.s8 v16;
	v19 =	vunpack.c.l.s4.s8 v19;
	v22 =	vunpack.c.l.s4.s8 v22  }
0xf: {  	v23 =	vunpack.c.l.s4.s8 v23;
	v27 =	vunpack.c.l.s4.s8 v27;
	v28 =	vunpack.c.l.s4.s8 v28  }
0x10: {  	v24 =	vsel vm11, $0x1001, v24;
	v1 =	vsel vm11, $0x0, v0;
	v0 =	vlaneseq.u32  }
0x11: {  	v4 =	vsel vm11, $0x380, v4;
	v6 =	vsel vm11, $0x280, v6;
	v7 =	vsel vm11, $0x200, v7  }
0x12: {  	v8 =	vsel vm11, $0x180, v8;
	v9 =	vsel vm11, $0x100, v9;
	v24 =	vsel vm9, $0x1002, v24  }
0x13: {  	v2 =	vsel vm9, $0x80, v1;
	v1 =	vmul.u32 $0x10, v0;
	v3 =	vshrl.u32 v0, $0x3  }
0x14: {  	v4 =	vsel vm9, $0x0, v4;
	v6 =	vsel vm9, $0x300, v6;
	v7 =	vsel vm9, $0x280, v7  }
0x15: {  	v8 =	vsel vm9, $0x200, v8;
	v9 =	vsel vm9, $0x180, v9;
	v15 =	vunpack.c.0.s8.s32 v12  }
0x16: {  	v35 =	vunpack.c.0.s8.s32 v16;
	v16 =	vimm.s32 $0x98765432;
	v40 =	vunpack.c.0.s8.s32 v19  }
0x17: {  	v19 =	vimm.s32 $0x7060500;
	v41 =	vunpack.c.0.s8.s32 v22;
	v42 =	vunpack.c.0.s8.s32 v23  }
0x18: {  	v22 =	vimm.s32 $0x3020100;
	v23 =	vimm.s32 $0x20100;
	v43 =	vunpack.c.0.s8.s32 v27  }
0x19: {  	v44 =	vunpack.c.0.s8.s32 v28;
	v27 =	vimm.s32 $0x76543200;
	v28 =	vunpack.c.0.s8.s32 v21  }
0x1a: {  	v24 =	vsel vm10, $0x1003, v24;
	v2 =	vsel vm10, $0x100, v2;
	v4 =	vsel vm10, $0x80, v4  }
0x1b: {  	v6 =	vsel vm10, $0x380, v6;
	v7 =	vsel vm10, $0x300, v7;
	v8 =	vsel vm10, $0x280, v8  }
0x1c: {  	v9 =	vsel vm10, $0x200, v9;
	v16 =	vunpack.c.l.s4.s8 v16;
	v19 =	vunpack.c.0.s8.s32 v19  }
0x1d: {  	v22 =	vunpack.c.0.s8.s32 v22;
	v23 =	vunpack.c.0.s8.s32 v23;
	v27 =	vunpack.c.l.s4.s8 v27  }
0x1e: {  	v2 =	vsel vm8, $0x180, v2;
	v4 =	vsel vm8, $0x100, v4;
	v6 =	vsel vm8, $0x0, v6  }
0x1f: {  	v7 =	vsel vm8, $0x380, v7;
	v8 =	vsel vm8, $0x300, v8;
	v9 =	vsel vm8, $0x280, v9  }
0x20: {  	v29 =	vcombine.low v44, v43;
	v28 =	vsel vm9, $0x1002, v28;
	v43 =	vcombine.low v43, v44  }
0x21: {  	v2 =	vsel vm7, $0x200, v2;
	v4 =	vsel vm7, $0x180, v4;
	v6 =	vsel vm7, $0x80, v6  }
0x22: {  	v7 =	vsel vm7, $0x0, v7;
	v8 =	vsel vm7, $0x380, v8;
	v9 =	vsel vm7, $0x300, v9  }
0x23: {  	v38 =	vunpack.c.0.s8.s32 v16;
	v22 =	vsel vm8, $0x1004, v22;
	v2 =	vsel vm6, $0x280, v2  }
0x24: {  	v4 =	vsel vm6, $0x200, v4;
	v6 =	vsel vm6, $0x100, v6;
	v7 =	vsel vm6, $0x80, v7  }
0x25: {  	v8 =	vsel vm6, $0x0, v8;
	v9 =	vsel vm6, $0x380, v9;
	v22 =	vsel vm7, $0x1005, v22  }
0x26: {  	v29 =	vand.u32 $0xF, v29;
	v43 =	vand.u32 $0xF, v43;
	v2 =	vsel vm13, $0x380, v2  }
0x27: {  	v4 =	vsel vm13, $0x300, v4;
	v6 =	vsel vm13, $0x200, v6;
	v7 =	vsel vm13, $0x180, v7  }
0x28: {  	v8 =	vsel vm13, $0x100, v8;
	v9 =	vsel vm13, $0x80, v9;
	v22 =	vsel vm6, $0x1006, v22  }
0x29: {  	v2 =	vsel vm0, $0x0, v2;
	v4 =	vsel vm0, $0x380, v4;
	v6 =	vsel vm0, $0x280, v6  }
0x2a: {  	v7 =	vsel vm0, $0x200, v7;
	v11 =	vsel vm0, $0x180, v8;
	v8 =	vunpack.c.0.s8.s32 v10  }
0x2b: {  	v9 =	vsel vm0, $0x100, v9;
	v2 =	vsel vm1, $0x80, v2;
	v4 =	vsel vm1, $0x0, v4  }
0x2c: {  	v6 =	vsel vm1, $0x300, v6;
	v7 =	vsel vm1, $0x280, v7;
	v10 =	vsel vm1, $0x200, v11  }
0x2d: {  	v9 =	vsel vm1, $0x180, v9;
	v2 =	vsel vm2, $0x100, v2;
	v4 =	vsel vm2, $0x80, v4  }
0x2e: {  	v6 =	vsel vm2, $0x380, v6;
	v7 =	vsel vm2, $0x300, v7;
	v10 =	vsel vm2, $0x280, v10  }
0x2f: {  	v11 =	vnsel vm14, $0x1007, v8;
	v9 =	vsel vm2, $0x200, v9;
	vm14 =	vcmask $0x1B00  }
0x30: {  	v5 =	vsel vm3, $0x180, v2;
	v2 =	vmul.u32 $0x8, v3;
	v4 =	vsel vm3, $0x100, v4  }
0x31: {  	v6 =	vsel vm3, $0x0, v6;
	v7 =	vsel vm3, $0x380, v7;
	v10 =	vsel vm3, $0x300, v10  }
0x32: {  	v11 =	vsel vm13, $0x1000, v11;
	v9 =	vsel vm3, $0x280, v9;
	v3 =	vsel vm4, $0x200, v5  }
0x33: {  	v5 =	vimm.s32 $0x200;
	v4 =	vsel vm4, $0x180, v4;
	v6 =	vsel vm4, $0x80, v6  }
0x34: {  	v7 =	vsel vm4, $0x0, v7;
	v10 =	vsel vm4, $0x380, v10;
	v11 =	vsel vm0, $0x1001, v11  }
0x35: {  	v13 =	vsel vm4, $0x300, v9;
	v3 =	vsel vm5, $0x280, v3;
	v5 =	vsel vm12, $0x280, v5  }
0x36: {  	v4 =	vsel vm5, $0x200, v4;
	v6 =	vsel vm5, $0x100, v6;
	v7 =	vsel vm5, $0x80, v7  }
0x37: {  	v11 =	vsel vm1, $0x1002, v11;
	v9 =	vsel vm5, $0x0, v10;
	v5 =	vsel vm11, $0x300, v5  }
0x38: {  	v10 =	vsel vm5, $0x380, v13;
	v11 =	vsel vm2, $0x1003, v11;
	v5 =	vsel vm9, $0x380, v5  }
0x39: {  	v13 =	vand.u32 $0x7, v0;
	v11 =	vsel vm3, $0x1004, v11;
	v5 =	vsel vm10, $0x0, v5  }
0x3a: {  	v14 =	vsel vm4, $0x1005, v11;
	v11 =	vmul.u32 $0x80, v13;
	v13 =	vnsel vm14, $0x7, v15  }
0x3b: {  	vm14 =	vcmask $0x1F1C;
	v12 =	vsel vm5, $0x1006, v14;
	v14 =	vimm.s32 $0x543210  }
0x3c: {  	v15 =	vimm.s32 $0xFEDCBA9;
	v5 =	vsel vm8, $0x80, v5;
	v14 =	vunpack.c.l.s4.s8 v14  }
0x3d: {  	v13 =	vsel vm14, $0x1007, v13;
	v15 =	vunpack.c.l.s4.s8 v15;
	v22 =	vsel vm14, $0x1007, v22  }
0x3e: {  	v5 =	vsel vm7, $0x100, v5;
	v13 =	vsel vm13, $0x1000, v13;
	v14 =	vunpack.c.0.s8.s32 v14  }
0x3f: {  	v5 =	vsel vm6, $0x180, v5;
	v13 =	vsel vm0, $0x1001, v13;
	v34 =	vunpack.c.0.s8.s32 v15  }
0x40: {  	v15 =	vimm.s32 $0x10FEDCBA;
	v5 =	vsel vm13, $0x280, v5;
	v14 =	vnsel vm15, $0x7, v14  }
0x41: {  	v13 =	vsel vm1, $0x1002, v13;
	v15 =	vunpack.c.l.s4.s8 v15;
	v14 =	vsel vm6, $0x1006, v14  }
0x42: {  	v5 =	vsel vm0, $0x300, v5;
	v13 =	vsel vm2, $0x1003, v13;
	v14 =	vsel vm14, $0x1007, v14  }
0x43: {  	v17 =	vcombine.low v35, v34;
	v18 =	vsel vm3, $0x1004, v13;
	v13 =	vsel vm13, $0x1000, v14  }
0x44: {  	v37 =	vunpack.c.0.s8.s32 v15;
	v15 =	vsel vm4, $0x1005, v18;
	v14 =	vsel vm0, $0x1001, v13  }
0x45: {  	v13 =	vand.u32 $0xF, v17;
	v17 =	vimm.s32 $0x210FEDCB;
	v14 =	vsel vm1, $0x1002, v14  }
0x46: {  	v16 =	vcombine.low v38, v37;
	v17 =	vunpack.c.l.s4.s8 v17;
	v14 =	vsel vm2, $0x1003, v14  }
0x47: {  	v35 =	vcombine.low v34, v35;
	v18 =	vsel vm3, $0x1004, v14;
	v14 =	vsel vm5, $0x1006, v15  }
0x48: {  	v15 =	vand.u32 $0xF, v16;
	v39 =	vunpack.c.0.s8.s32 v17;
	v18 =	vsel vm4, $0x1005, v18  }
0x49: {  	v17 =	vimm.s32 $0x1000;
	v16 =	vsel vm5, $0x6, v18;
	v18 =	vimm.s32 $0x43210  }
0x4a: {  	v5 =	vsel vm1, $0x380, v5;
	v25 =	vsel vm11, $0x1001, v17;
	v17 =	vunpack.c.l.s4.s8 v18  }
0x4b: {  	vm15 =	vcmask $0x1F14;
	v5 =	vsel vm2, $0x0, v5;
	v35 =	vand.u32 $0xF, v35  }
0x4c: {  	v5 =	vsel vm3, $0x80, v5;
	v20 =	vsel vm9, $0x1002, v25;
	v17 =	vunpack.c.0.s8.s32 v17  }
0x4d: {  	v37 =	vcombine.low v37, v38;
	v18 =	vcombine.low v40, v39;
	v20 =	vsel vm10, $0x1003, v20  }
0x4e: {  	v5 =	vsel vm4, $0x100, v5;
	v33 =	vsel vm8, $0x1004, v20;
	v26 =	vsel vm7, $0x1005, v17  }
0x4f: {  	v17 =	vand.u32 $0xF, v18;
	v18 =	vsel vm15, v19, v33;
	vm15 =	vcmask $0xB00  }
0x50: {  	v5 =	vsel vm5, $0x180, v5;
	v37 =	vand.u32 $0xF, v37;
	v23 =	vnsel vm15, $0x7, v23  }
0x51: {  	v39 =	vcombine.low v39, v40;
	v46 =	vsel vm7, $0x1005, v33;
	v23 =	vsel vm10, $0x1003, v23  }
0x52: {  	v19 =	vsel vm6, $0x1006, v26;
	v26 =	vimm.s32 $0x7060504;
	v23 =	vsel vm8, $0x1004, v23  }
0x53: {  	v39 =	vand.u32 $0xF, v39;
	v26 =	vunpack.c.0.s8.s32 v26;
	v23 =	vsel vm7, $0x1005, v23  }
0x54: {  	v57 =	vsel vm6, $0x1006, v46;
	vm15 =	vcmask $0x1F10;
	v23 =	vsel vm6, $0x1006, v23  }
0x55: {  	v19 =	vsel vm14, $0x1007, v19;
	v20 =	vsel vm15, v26, v20;
	v23 =	vsel vm14, $0x1007, v23  }
0x56: {  	v20 =	vcombine.low v22, v20;
	v22 =	vsel vm13, $0x1000, v23;
	v23 =	vimm.s32 $0x3060504  }
0x57: {  	v26 =	vimm.s32 $0x543210FE;
	v22 =	vsel vm0, $0x1001, v22;
	v23 =	vunpack.c.0.s8.s32 v23  }
0x58: {  	v26 =	vunpack.c.l.s4.s8 v26;
	vm13 =	vcmask $0x3B2C;
	v22 =	vsel vm1, $0x1002, v22  }
0x59: {  	v18 =	vcombine.low v19, v18;
	v21 =	vsel vm13, v23, v22;
	v23 =	vunpack.c.l.s4.s8 v30  }
0x5a: {  	v22 =	vunpack.c.0.s8.s32 v26;
	v26 =	vunpack.c.0.s8.s32 v27;
	v27 =	vsel vm10, $0x1003, v28  }
0x5b: {  	vm13 =	vcmask $0x1F08;
	v28 =	vimm.s32 $0xEDCBA987;
	v27 =	vsel vm8, $0x1004, v27  }
0x5c: {  	v25 =	vsel vm13, v26, v25;
	v26 =	vsel vm7, $0x1005, v27;
	v27 =	vimm.s32 $0x6543210F  }
0x5d: {  	v30 =	vsel vm8, $0x1004, v24;
	v26 =	vsel vm6, $0x1006, v26;
	v27 =	vunpack.c.l.s4.s8 v27  }
0x5e: {  	v28 =	vunpack.c.l.s4.s8 v28;
	v23 =	vunpack.c.0.s8.s32 v23;
	v26 =	vsel vm14, $0x1007, v26  }
0x5f: {  	v24 =	vcombine.low v26, v25;
	v25 =	vunpack.c.0.s8.s32 v27;
	v27 =	vsel vm7, $0x1005, v30  }
0x60: {  	vm13 =	vcmask $0x1F04;
	v26 =	vunpack.c.0.s8.s32 v28;
	v27 =	vsel vm6, $0x1006, v27  }
0x61: {  	v28 =	vnsel vm13, $0x1000, v8;
	v30 =	vimm.s32 $0xFEDCBA98;
	v27 =	vsel vm14, $0x1007, v27  }
0x62: {  	v30 =	vunpack.c.l.s4.s8 v30;
	v27 =	vcombine.low v27, v28;
	v28 =	vimm.s32 $0x1007  }
0x63: {  	v19 =	vcombine.low v42, v41;
	v41 =	vcombine.low v41, v42;
	v28 =	vsel vm12, $0x1000, v28  }
0x64: {  	v31 =	vcombine.low v23, v22;
	v36 =	vunpack.c.0.s8.s32 v30;
	v30 =	vsel vm11, $0x1001, v28  }
0x65: {  	s4 =	rddreg [dreg:$0x0];
	s1 =	srdreg.scid;
	v19 =	vand.u32 $0xF, v19;
	v32 =	vcombine.low v26, v25;
	v45 =	vsel vm9, $0x1002, v30  }
0x66: {  	s0 =	stileid.u32;
	s2 =	rddreg [dreg:$0x1];
	s3 =	simm.s32 $0x0;
	v41 =	vand.u32 $0xF, v41;
	v31 =	vand.u32 $0xF, v31;
	v47 =	vsel vm10, $0x1003, v45  }
0x67: {  	s10 =	simm.s32 $0x4000;
	s11 =	simm.s32 $0x5;
	s12 =	simm.s32 $0x3400;
	v32 =	vand.u32 $0xF, v32;
	v36 =	vand.u32 $0xF, v36;
	v58 =	vsel vm8, $0x1004, v47  }
0x68: {  	s13 =	simm.s32 $0x1;
	s14 =	simm.s32 $0x5400;
	s15 =	simm.s32 $0x7400;
	v33 =	vcombine.low v36, v8;
	v36 =	vsel vm14, $0x1007, v57;
	v48 =	vsel vm7, $0x1005, v58  }
0x69: {  	s16 =	simm.s32 $0x8400;
	s17 =	simm.s32 $0x2;
	s18 =	simm.s32 $0x9400;
	v34 =	vcombine.low v36, v8;
	vm7 =	vcmask $0x3314;
	v59 =	vsel vm6, $0x1006, v48  }
0x6a: {  	s19 =	simm.s32 $0xA400;
	s20 =	simm.s32 $0x3;
	s21 =	simm.s32 $0x4;
	vm6 =	vcmask $0x3B1C;
	v61 =	vsel vm7, v8, v58;
	vm7 =	vcmask $0x2B0C  }
0x6b: {  	s5 =	sand.u32 $0x1, s1;
	s6 =	sshll.u32 s0, $0x1;
	s1 =	rddreg [dreg:$0x2];
	v36 =	vsel vm6, v8, v59;
	vm6 =	vcmask $0x3718;
	v40 =	vsel vm4, $0x1005, v61  }
0x6c: {  	s22 =	simm.s32 $0x0;
	[smem:$0x7FF] =	sst s3;
	s6 =	sor.u32 s5, s6;
	v45 =	vsel vm7, v8, v45;
	v60 =	vsel vm6, v8, v48;
	vm6 =	vcmask $0x2F10  }
0x6d: {  	_ =	strace $0x8000004A;
	s8 =	ssub.s32 $0x2, s5;
	s7 =	sshll.u32 s6, $0x6;
	vm7 =	vcmask $0x2304;
	v63 =	vsel vm2, $0x1003, v45;
	v62 =	vsel vm6, v8, v47  }
0x6e: {  	s9 =	sshrl.u32 s8, $0x1;
	s6 =	sshll.u32 s6, $0x9;
	s7 =	sadd.s32 s7, s4;
	v40 =	vsel vm5, $0x1006, v40;
	v44 =	vsel vm3, $0x1004, v63;
	v42 =	vsel vm3, $0x1004, v62  }
0x6f: {  	s4 =	sadd.s32 $0xC00, s4;
	s8 =	ssub.s32 s8, s9;
	s9 =	simm.s32 $0x200;
	v38 =	vsel vm5, $0x1006, v60;
	v44 =	vsel vm4, $0x1005, v44;
	v42 =	vsel vm4, $0x1005, v42  }
0x70: {  	s5 =	sadd.s32 $0x1E9200, s7;
	s7 =	sadd.s32 $0x4000, s2;
	s8 =	smax.u32 s8, $0x1;
	vm6 =	vcmask $0x2708;
	v44 =	vsel vm5, $0x1006, v44;
	v42 =	vsel vm5, $0x1006, v42  }
.LBB2_1:
0x71: {  	[tilespmem:s3], [sflag:$0x5] =	stream.strided.gather [hbm4b:s5+s9], $0x3400, s10, s9, $0x38;
	[tilespmem:$0xB400] =	vst v63  }
0x72: {  	_ =	swait.ge [sflag:s11], $0x3400  }
0x73: {  	[sflag:s11] =	ssyncset.done $0x0  }
0x74: {  	s23 =	simm.s32 $0x0;
	[sflag:s11] =	ssyncadd.s32 $0xFFFFCC00  }
0x75: {  	[tilespmem:s12], [sflag:$0x1] =	stream.indirect.gather [hbm4b:s4+s9], $0x10, s3, s9, $0xb8;
	[tilespmem:$0xB400] =	vst v63  }
.LBB2_2:
0x76: {  	_ =	swait.ge [sflag:s13], $0x2000;
	s24 =	sshllo.u32 s23, $0x1;
	s31 =	simm.s32 $0x0  }
0x77: {  	p0 =	seq.s32 s23, $0x0;
	[sflag:s13] =	ssyncset.done $0x0;
	s25 =	sshll.u32 s24, $0x9  }
0x78: {  	v45 =	vmov s31;
	s26 =	simm.s32 @!p0 $0x3;
	[sflag:s13] =	ssyncadd.s32 $0xFFFFE000;
	s25 =	sand.u32 $0x3FFFFE00, s25  }
0x79: {  	v45 =	vshll.u32 v45, $0x4;
	[tilespmem:s14], [sflag:$0x2] =	stream.indirect.gather [hbm4b:s4+s9], $0x10, s25, s9, $0xb8;
	[tilespmem:$0xB400] =	vst v63  }
0x7a: {  	v48 =	vor.u32 v1, v45;
	_ =	swait.ge @!p0 [sflag:s26], $0x1000  }
0x7b: {  	s28 =	sand.u32 $0x18, s31;
	v45 =	vor.u32 v0, v48;
	[sflag:s26] =	ssyncset.done @!p0 $0x0  }
0x7c: {  	v46 =	vmov s28;
	[sflag:s26] =	ssyncadd.s32 @!p0 $0xFFFFF000  }
0x7d: {  	s25 =	sand.u32 $0x70, s31;
	v46 =	vshll.u32 v46, $0x7;
	_ =	swait.ge @!p0 [sflag:s26], $0x1000  }
0x7e: {  	v47 =	vor.u32 s25, v2;
	v49 =	vor.u32 v11, v46;
	[sflag:s26] =	ssyncset.done @!p0 $0x0  }
0x7f: {  	v49 =	vor.u32 v49, v47;
	[sflag:s26] =	ssyncadd.s32 @!p0 $0xFFFFF000  }
0x80: {  	v50 =	vor.u32 v12, v49;
	v45 =	vld.idx.msk [tilespmem:v45+s12+$0x0], $0xffff  }
0x81: {  	v51 =	vor.u32 v13, v48;
	_ =	sdelay $0x2  }
0x82: {  	v52 =	vor.u32 v10, v46  }
0x83: {  	[tilespmem:v50+s15+$0x0] =	vst.idx.msk $0xffff, v45;
	v45 =	vor.u32 v52, v47  }
0x84: {  	v50 =	vld.idx.msk [tilespmem:v51+s12+$0x0], $0xffff;
	v61 =	vor.u32 v14, v45  }
0x85: {  	v62 =	vor.u32 v15, v48;
	_ =	sdelay $0x2  }
0x86: {  	v53 =	vor.u32 v9, v46  }
0x87: {  	v51 =	vor.u32 v53, v47;
	[tilespmem:v61+s15+$0x0] =	vst.idx.msk $0xffff, v50  }
0x88: {  	v63 =	vor.u32 v16, v51;
	v50 =	vld.idx.msk [tilespmem:v62+s12+$0x0], $0xffff  }
0x89: {  	v57 =	vor.u32 v17, v48;
	_ =	sdelay $0x2  }
0x8a: {  	v54 =	vor.u32 v7, v46  }
0x8b: {  	v52 =	vor.u32 v54, v47;
	[tilespmem:v63+s15+$0x0] =	vst.idx.msk $0xffff, v50  }
0x8c: {  	v58 =	vor.u32 v18, v52;
	v50 =	vld.idx.msk [tilespmem:v57+s12+$0x0], $0xffff  }
0x8d: {  	v59 =	vor.u32 v19, v48;
	_ =	sdelay $0x2  }
0x8e: {  	v55 =	vor.u32 v6, v46  }
0x8f: {  	v53 =	vor.u32 v55, v47;
	[tilespmem:v58+s15+$0x0] =	vst.idx.msk $0xffff, v50  }
0x90: {  	v60 =	vor.u32 v20, v53;
	v50 =	vld.idx.msk [tilespmem:v59+s12+$0x0], $0xffff  }
0x91: {  	v61 =	vor.u32 v29, v48;
	_ =	sdelay $0x2  }
0x92: {  	v56 =	vor.u32 v5, v46  }
0x93: {  	v54 =	vor.u32 v56, v47;
	[tilespmem:v60+s15+$0x0] =	vst.idx.msk $0xffff, v50  }
0x94: {  	v62 =	vor.u32 v21, v54;
	v50 =	vld.idx.msk [tilespmem:v61+s12+$0x0], $0xffff  }
0x95: {  	v63 =	vor.u32 v31, v48;
	_ =	sdelay $0x2  }
0x96: {  	v57 =	vor.u32 v4, v46  }
0x97: {  	v55 =	vor.u32 v57, v47;
	[tilespmem:v62+s15+$0x0] =	vst.idx.msk $0xffff, v50  }
0x98: {  	v60 =	vor.u32 v24, v55;
	v50 =	vld.idx.msk [tilespmem:v63+s12+$0x0], $0xffff  }
0x99: {  	v61 =	vor.u32 v32, v48;
	_ =	sdelay $0x2  }
0x9a: {  	v46 =	vor.u32 v3, v46  }
0x9b: {  	[tilespmem:v60+s15+$0x0] =	vst.idx.msk $0xffff, v50;
	v50 =	vor.u32 v46, v47  }
0x9c: {  	v62 =	vld.idx.msk [tilespmem:v61+s12+$0x0], $0xffff;
	v47 =	vor.u32 v27, v50  }
0x9d: {  	v63 =	vor.u32 v33, v48;
	_ =	sdelay $0x3  }
0x9e: {  	[tilespmem:v47+s15+$0x0] =	vst.idx.msk $0xffff, v62  }
0x9f: {  	v56 =	vor.u32 v34, v49;
	v46 =	vld.idx.msk [tilespmem:v63+s12+$0x0], $0xffff  }
0xa0: {  	v57 =	vor.u32 v35, v48;
	_ =	sdelay $0x3  }
0xa1: {  	[tilespmem:v56+s15+$0x0] =	vst.idx.msk $0xffff, v46  }
0xa2: {  	v45 =	vor.u32 v36, v45;
	v46 =	vld.idx.msk [tilespmem:v57+s12+$0x0], $0xffff  }
0xa3: {  	v58 =	vor.u32 v37, v48;
	_ =	sdelay $0x3  }
0xa4: {  	[tilespmem:v45+s15+$0x0] =	vst.idx.msk $0xffff, v46  }
0xa5: {  	v59 =	vor.u32 v38, v51;
	v45 =	vld.idx.msk [tilespmem:v58+s12+$0x0], $0xffff  }
0xa6: {  	v60 =	vor.u32 v39, v48;
	_ =	sdelay $0x3  }
0xa7: {  	[tilespmem:v59+s15+$0x0] =	vst.idx.msk $0xffff, v45  }
0xa8: {  	v61 =	vor.u32 v40, v52;
	v45 =	vld.idx.msk [tilespmem:v60+s12+$0x0], $0xffff  }
0xa9: {  	v62 =	vor.u32 v41, v48;
	_ =	sdelay $0x3  }
0xaa: {  	[tilespmem:v61+s15+$0x0] =	vst.idx.msk $0xffff, v45  }
0xab: {  	v63 =	vor.u32 v42, v53;
	v45 =	vld.idx.msk [tilespmem:v62+s12+$0x0], $0xffff  }
0xac: {  	v52 =	vor.u32 v43, v48;
	_ =	sdelay $0x2  }
0xad: {  	v53 =	vcombine.low v22, v23  }
0xae: {  	[tilespmem:v63+s15+$0x0] =	vst.idx.msk $0xffff, v45  }
0xaf: {  	v54 =	vor.u32 v44, v54;
	v56 =	vsel vm6, v8, v30;
	v45 =	vand.u32 $0xF, v53;
	v46 =	vld.idx.msk [tilespmem:v52+s12+$0x0], $0xffff  }
0xb0: {  	v49 =	vsel vm1, $0x1002, v56;
	v57 =	vor.u32 v45, v48  }
0xb1: {  	v49 =	vsel vm2, $0x1003, v49  }
0xb2: {  	v49 =	vsel vm3, $0x1004, v49;
	v60 =	vsel vm7, v8, v28  }
0xb3: {  	v49 =	vsel vm4, $0x1005, v49;
	v47 =	vsel vm0, $0x1001, v60;
	v61 =	vcombine.low v25, v26  }
0xb4: {  	v47 =	vsel vm1, $0x1002, v47;
	[tilespmem:v54+s15+$0x0] =	vst.idx.msk $0xffff, v46;
	v46 =	vsel vm5, $0x1006, v49  }
0xb5: {  	v62 =	vsel vm2, $0x1003, v47;
	v47 =	vand.u32 $0xF, v61;
	v58 =	vld.idx.msk [tilespmem:v57+s12+$0x0], $0xffff;
	v59 =	vor.u32 v46, v55  }
0xb6: {  	v49 =	vor.u32 v47, v48;
	_ =	sdelay $0x2  }
0xb7: {  	s26 =	simm.s32 $0x10;
	v63 =	vsel vm3, $0x1004, v62  }
0xb8: {  	s29 =	simm.s32 $0x2;
	s28 =	simm.s32 $0x1;
	s25 =	sshll.u32 s23, $0x1;
	v51 =	vmov s26;
	v48 =	vsel vm4, $0x1005, v63;
	[tilespmem:v59+s15+$0x0] =	vst.idx.msk $0xffff, v58  }
.LBB2_3:
0xb9: {  	p1 =	sne.s32 s29, $0x1F;
	v51 =	vshll.u32 v51, $0x4;
	v52 =	vld.idx.msk [tilespmem:v49+s12+$0x0], $0xffff;
	v53 =	vsel vm5, $0x1006, v48  }
0xba: {  	v49 =	vor.u32 v1, v51;
	v50 =	vor.u32 v53, v50  }
0xbb: {  	v51 =	vor.u32 v0, v49  }
0xbc: {  	s30 =	sand.u32 $0x18, s28;
	s28 =	smov.u32 s29  }
0xbd: {  	v53 =	vmov s30  }
0xbe: {  	s30 =	sand.u32 $0x70, s26;
	v53 =	vshll.u32 v53, $0x7  }
0xbf: {  	v54 =	vor.u32 s30, v2;
	v55 =	vor.u32 v11, v53;
	[tilespmem:v50+s15+$0x0] =	vst.idx.msk $0xffff, v52  }
0xc0: {  	v50 =	vld.idx.msk [tilespmem:v51+s12+$0x0], $0xffff;
	v51 =	vor.u32 v55, v54  }
0xc1: {  	v52 =	vor.u32 v12, v51  }
0xc2: {  	v55 =	vor.u32 v13, v49;
	_ =	sdelay $0x3  }
0xc3: {  	[tilespmem:v52+s15+$0x0] =	vst.idx.msk $0xffff, v50;
	v50 =	vor.u32 v10, v53  }
0xc4: {  	v52 =	vld.idx.msk [tilespmem:v55+s12+$0x0], $0xffff;
	v55 =	vor.u32 v50, v54  }
0xc5: {  	v50 =	vor.u32 v14, v55  }
0xc6: {  	v56 =	vor.u32 v15, v49;
	_ =	sdelay $0x3  }
0xc7: {  	[tilespmem:v50+s15+$0x0] =	vst.idx.msk $0xffff, v52;
	v50 =	vor.u32 v9, v53  }
0xc8: {  	v52 =	vld.idx.msk [tilespmem:v56+s12+$0x0], $0xffff;
	v56 =	vor.u32 v50, v54  }
0xc9: {  	v50 =	vor.u32 v16, v56  }
0xca: {  	v57 =	vor.u32 v17, v49;
	_ =	sdelay $0x3  }
0xcb: {  	[tilespmem:v50+s15+$0x0] =	vst.idx.msk $0xffff, v52;
	v50 =	vor.u32 v7, v53  }
0xcc: {  	v52 =	vld.idx.msk [tilespmem:v57+s12+$0x0], $0xffff;
	v57 =	vor.u32 v50, v54  }
0xcd: {  	v50 =	vor.u32 v18, v57  }
0xce: {  	v58 =	vor.u32 v19, v49;
	_ =	sdelay $0x3  }
0xcf: {  	[tilespmem:v50+s15+$0x0] =	vst.idx.msk $0xffff, v52;
	v50 =	vor.u32 v6, v53  }
0xd0: {  	v52 =	vld.idx.msk [tilespmem:v58+s12+$0x0], $0xffff;
	v58 =	vor.u32 v50, v54  }
0xd1: {  	v50 =	vor.u32 v20, v58  }
0xd2: {  	v59 =	vor.u32 v29, v49;
	_ =	sdelay $0x3  }
0xd3: {  	[tilespmem:v50+s15+$0x0] =	vst.idx.msk $0xffff, v52;
	v50 =	vor.u32 v5, v53  }
0xd4: {  	v52 =	vld.idx.msk [tilespmem:v59+s12+$0x0], $0xffff;
	v59 =	vor.u32 v50, v54  }
0xd5: {  	v50 =	vor.u32 v21, v59  }
0xd6: {  	v60 =	vor.u32 v31, v49;
	_ =	sdelay $0x3  }
0xd7: {  	[tilespmem:v50+s15+$0x0] =	vst.idx.msk $0xffff, v52;
	v50 =	vor.u32 v4, v53  }
0xd8: {  	v52 =	vld.idx.msk [tilespmem:v60+s12+$0x0], $0xffff;
	v60 =	vor.u32 v50, v54  }
0xd9: {  	v50 =	vor.u32 v24, v60  }
0xda: {  	v61 =	vor.u32 v32, v49;
	_ =	sdelay $0x3  }
0xdb: {  	[tilespmem:v50+s15+$0x0] =	vst.idx.msk $0xffff, v52;
	v50 =	vor.u32 v3, v53  }
0xdc: {  	v52 =	vld.idx.msk [tilespmem:v61+s12+$0x0], $0xffff;
	v50 =	vor.u32 v50, v54  }
0xdd: {  	v53 =	vor.u32 v27, v50  }
0xde: {  	v54 =	vor.u32 v33, v49;
	_ =	sdelay $0x3  }
0xdf: {  	[tilespmem:v53+s15+$0x0] =	vst.idx.msk $0xffff, v52  }
0xe0: {  	v52 =	vld.idx.msk [tilespmem:v54+s12+$0x0], $0xffff  }
0xe1: {  	v51 =	vor.u32 v34, v51  }
0xe2: {  	v53 =	vor.u32 v35, v49;
	_ =	sdelay $0x3  }
0xe3: {  	[tilespmem:v51+s15+$0x0] =	vst.idx.msk $0xffff, v52  }
0xe4: {  	v51 =	vld.idx.msk [tilespmem:v53+s12+$0x0], $0xffff  }
0xe5: {  	v52 =	vor.u32 v36, v55  }
0xe6: {  	v53 =	vor.u32 v37, v49;
	_ =	sdelay $0x3  }
0xe7: {  	[tilespmem:v52+s15+$0x0] =	vst.idx.msk $0xffff, v51  }
0xe8: {  	v51 =	vld.idx.msk [tilespmem:v53+s12+$0x0], $0xffff  }
0xe9: {  	v52 =	vor.u32 v38, v56  }
0xea: {  	v53 =	vor.u32 v39, v49;
	_ =	sdelay $0x3  }
0xeb: {  	[tilespmem:v52+s15+$0x0] =	vst.idx.msk $0xffff, v51  }
0xec: {  	v51 =	vld.idx.msk [tilespmem:v53+s12+$0x0], $0xffff  }
0xed: {  	v52 =	vor.u32 v40, v57  }
0xee: {  	v53 =	vor.u32 v41, v49;
	_ =	sdelay $0x3  }
0xef: {  	[tilespmem:v52+s15+$0x0] =	vst.idx.msk $0xffff, v51  }
0xf0: {  	v51 =	vld.idx.msk [tilespmem:v53+s12+$0x0], $0xffff  }
0xf1: {  	v52 =	vor.u32 v42, v58  }
0xf2: {  	v53 =	vor.u32 v43, v49;
	_ =	sdelay $0x3  }
0xf3: {  	[tilespmem:v52+s15+$0x0] =	vst.idx.msk $0xffff, v51  }
0xf4: {  	v51 =	vld.idx.msk [tilespmem:v53+s12+$0x0], $0xffff  }
0xf5: {  	v52 =	vor.u32 v44, v59  }
0xf6: {  	v53 =	vor.u32 v45, v49;
	_ =	sdelay $0x3  }
0xf7: {  	[tilespmem:v52+s15+$0x0] =	vst.idx.msk $0xffff, v51  }
0xf8: {  	v52 =	vld.idx.msk [tilespmem:v53+s12+$0x0], $0xffff  }
0xf9: {  	v53 =	vor.u32 v46, v60  }
.Ltmp0:
0xfa: {  	v49 =	vor.u32 v47, v49;
	(pc) =	sbr.rel @p1 .LBB2_3-.Ltmp0, $3  }
0xfb: {  	_ =	sdelay $0x1  }
0xfc: {  	s26 =	sadd.s32 $0x10, s26  }
0xfd: {  	s29 =	sadd.s32 $0x1, s29;
	v51 =	vmov s26;
	[tilespmem:v53+s15+$0x0] =	vst.idx.msk $0xffff, v52  }
0xfe: {  	_ =	sdelay $0x2  }
0xff: {  	v51 =	vshll.u32 v51, $0x4;
	v48 =	vsel vm5, $0x1006, v48  }
0x100: {  	v49 =	vld.idx.msk [tilespmem:v49+s12+$0x0], $0xffff;
	v51 =	vor.u32 v1, v51;
	v50 =	vor.u32 v48, v50  }
0x101: {  	s28 =	sand.u32 $0x18, s28;
	v52 =	vor.u32 v0, v51  }
0x102: {  	v53 =	vmov s28  }
0x103: {  	s26 =	sand.u32 $0x70, s26;
	v53 =	vshll.u32 v53, $0x7  }
0x104: {  	v54 =	vor.u32 s26, v2;
	v55 =	vor.u32 v11, v53  }
0x105: {  	[tilespmem:v50+s15+$0x0] =	vst.idx.msk $0xffff, v49;
	v49 =	vor.u32 v55, v54  }
0x106: {  	v50 =	vld.idx.msk [tilespmem:v52+s12+$0x0], $0xffff;
	v63 =	vor.u32 v12, v49  }
0x107: {  	v60 =	vor.u32 v13, v51;
	_ =	sdelay $0x2  }
0x108: {  	v56 =	vor.u32 v10, v53  }
0x109: {  	[tilespmem:v63+s15+$0x0] =	vst.idx.msk $0xffff, v50;
	v50 =	vor.u32 v56, v54  }
0x10a: {  	v52 =	vld.idx.msk [tilespmem:v60+s12+$0x0], $0xffff;
	v61 =	vor.u32 v14, v50  }
0x10b: {  	v62 =	vor.u32 v15, v51;
	_ =	sdelay $0x2  }
0x10c: {  	v57 =	vor.u32 v9, v53  }
0x10d: {  	[tilespmem:v61+s15+$0x0] =	vst.idx.msk $0xffff, v52;
	v52 =	vor.u32 v57, v54  }
0x10e: {  	v55 =	vld.idx.msk [tilespmem:v62+s12+$0x0], $0xffff;
	v63 =	vor.u32 v16, v52  }
0x10f: {  	v60 =	vor.u32 v17, v51;
	_ =	sdelay $0x2  }
0x110: {  	v58 =	vor.u32 v7, v53  }
0x111: {  	[tilespmem:v63+s15+$0x0] =	vst.idx.msk $0xffff, v55;
	v55 =	vor.u32 v58, v54  }
0x112: {  	v56 =	vld.idx.msk [tilespmem:v60+s12+$0x0], $0xffff;
	v61 =	vor.u32 v18, v55  }
0x113: {  	v62 =	vor.u32 v19, v51;
	_ =	sdelay $0x2  }
0x114: {  	v59 =	vor.u32 v6, v53  }
0x115: {  	[tilespmem:v61+s15+$0x0] =	vst.idx.msk $0xffff, v56;
	v56 =	vor.u32 v59, v54  }
0x116: {  	v57 =	vld.idx.msk [tilespmem:v62+s12+$0x0], $0xffff;
	v58 =	vor.u32 v20, v56  }
0x117: {  	v59 =	vor.u32 v29, v51;
	_ =	sdelay $0x2  }
0x118: {  	v60 =	vor.u32 v5, v53  }
0x119: {  	[tilespmem:v58+s15+$0x0] =	vst.idx.msk $0xffff, v57;
	v57 =	vor.u32 v60, v54  }
0x11a: {  	v58 =	vld.idx.msk [tilespmem:v59+s12+$0x0], $0xffff;
	v59 =	vor.u32 v21, v57  }
0x11b: {  	v60 =	vor.u32 v31, v51;
	_ =	sdelay $0x2  }
0x11c: {  	v61 =	vor.u32 v4, v53  }
0x11d: {  	[tilespmem:v59+s15+$0x0] =	vst.idx.msk $0xffff, v58;
	v58 =	vor.u32 v61, v54  }
0x11e: {  	v59 =	vld.idx.msk [tilespmem:v60+s12+$0x0], $0xffff;
	v60 =	vor.u32 v24, v58  }
0x11f: {  	v61 =	vor.u32 v32, v51;
	_ =	sdelay $0x2  }
0x120: {  	v53 =	vor.u32 v3, v53  }
0x121: {  	v53 =	vor.u32 v53, v54;
	[tilespmem:v60+s15+$0x0] =	vst.idx.msk $0xffff, v59  }
0x122: {  	v59 =	vor.u32 v27, v53;
	v54 =	vld.idx.msk [tilespmem:v61+s12+$0x0], $0xffff  }
0x123: {  	v60 =	vor.u32 v33, v51;
	_ =	sdelay $0x3  }
0x124: {  	[tilespmem:v59+s15+$0x0] =	vst.idx.msk $0xffff, v54  }
0x125: {  	v49 =	vor.u32 v34, v49;
	v54 =	vld.idx.msk [tilespmem:v60+s12+$0x0], $0xffff  }
0x126: {  	v63 =	vor.u32 v35, v51;
	_ =	sdelay $0x3  }
0x127: {  	[tilespmem:v49+s15+$0x0] =	vst.idx.msk $0xffff, v54  }
0x128: {  	v50 =	vor.u32 v36, v50;
	v49 =	vld.idx.msk [tilespmem:v63+s12+$0x0], $0xffff  }
0x129: {  	v60 =	vor.u32 v37, v51;
	_ =	sdelay $0x3  }
0x12a: {  	[tilespmem:v50+s15+$0x0] =	vst.idx.msk $0xffff, v49  }
0x12b: {  	v61 =	vor.u32 v38, v52;
	v49 =	vld.idx.msk [tilespmem:v60+s12+$0x0], $0xffff  }
0x12c: {  	v62 =	vor.u32 v39, v51;
	_ =	sdelay $0x3  }
0x12d: {  	[tilespmem:v61+s15+$0x0] =	vst.idx.msk $0xffff, v49  }
0x12e: {  	v63 =	vor.u32 v40, v55;
	v49 =	vld.idx.msk [tilespmem:v62+s12+$0x0], $0xffff  }
0x12f: {  	v59 =	vor.u32 v41, v51;
	_ =	sdelay $0x3  }
0x130: {  	[tilespmem:v63+s15+$0x0] =	vst.idx.msk $0xffff, v49  }
0x131: {  	v60 =	vor.u32 v42, v56;
	v49 =	vld.idx.msk [tilespmem:v59+s12+$0x0], $0xffff  }
0x132: {  	v61 =	vor.u32 v43, v51;
	_ =	sdelay $0x3  }
0x133: {  	[tilespmem:v60+s15+$0x0] =	vst.idx.msk $0xffff, v49  }
0x134: {  	v62 =	vor.u32 v44, v57;
	v49 =	vld.idx.msk [tilespmem:v61+s12+$0x0], $0xffff  }
0x135: {  	v63 =	vor.u32 v45, v51;
	_ =	sdelay $0x3  }
0x136: {  	[tilespmem:v62+s15+$0x0] =	vst.idx.msk $0xffff, v49  }
0x137: {  	v55 =	vor.u32 v46, v58;
	v49 =	vld.idx.msk [tilespmem:v63+s12+$0x0], $0xffff  }
0x138: {  	v51 =	vor.u32 v47, v51;
	_ =	sdelay $0x3  }
0x139: {  	[tilespmem:v55+s15+$0x0] =	vst.idx.msk $0xffff, v49  }
0x13a: {  	v56 =	vor.u32 v48, v53;
	v49 =	vld.idx.msk [tilespmem:v51+s12+$0x0], $0xffff;
	_ =	sdelay $0x2  }
0x13b: {  	s30 =	sshll.u32 s23, $0x10  }
0x13c: {  	s26 =	sor.u32 s6, s30  }
0x13d: {  	s28 =	sadd.s32 s2, s26;
	[tilespmem:v56+s15+$0x0] =	vst.idx.msk $0xffff, v49  }
0x13e: {  	[hbm4b:s28+s3] =	stream.linear.scatter [tilespmem:s15], [sflag:$0x3], $0x1000, $0x38;
	[tilespmem:$0xB400] =	vst v63  }
0x13f: {  	s26 =	sadd.s32 s26, s7  }
0x140: {  	[hbm4b:s26+s3] =	stream.linear.scatter [tilespmem:s16], [sflag:$0x3], $0x1000, $0x38;
	[tilespmem:$0xB400] =	vst v63  }
0x141: {  	s25 =	smin.u32 s25, $0x17;
	_ =	swait.ge [sflag:s17], $0x2000  }
0x142: {  	s25 =	sshll.u32 s25, $0x9;
	[sflag:s17] =	ssyncset.done $0x0  }
0x143: {  	s31 =	simm.s32 $0x0;
	s25 =	sadd.s32 $0x400, s25;
	[sflag:s17] =	ssyncadd.s32 $0xFFFFE000  }
0x144: {  	v57 =	vmov s31;
	[tilespmem:s12], [sflag:$0x1] =	stream.indirect.gather [hbm4b:s4+s9], $0x10, s25, s9, $0xb8;
	[tilespmem:$0xB400] =	vst v63  }
0x145: {  	v49 =	vshll.u32 v57, $0x4;
	s25 =	simm.s32 @!p0 $0x4  }
0x146: {  	v49 =	vor.u32 v1, v49;
	_ =	swait.ge @!p0 [sflag:s25], $0x1000  }
0x147: {  	s28 =	sand.u32 $0x18, s31;
	v58 =	vor.u32 v0, v49;
	[sflag:s25] =	ssyncset.done @!p0 $0x0  }
0x148: {  	v59 =	vmov s28;
	[sflag:s25] =	ssyncadd.s32 @!p0 $0xFFFFF000  }
0x149: {  	s26 =	sand.u32 $0x70, s31;
	v51 =	vshll.u32 v59, $0x7;
	_ =	swait.ge @!p0 [sflag:s25], $0x1000  }
0x14a: {  	v52 =	vor.u32 s26, v2;
	v60 =	vor.u32 v11, v51;
	[sflag:s25] =	ssyncset.done @!p0 $0x0  }
0x14b: {  	v53 =	vor.u32 v60, v52;
	[sflag:s25] =	ssyncadd.s32 @!p0 $0xFFFFF000  }
0x14c: {  	v61 =	vor.u32 v12, v53;
	v50 =	vld.idx.msk [tilespmem:v58+s14+$0x0], $0xffff  }
0x14d: {  	v62 =	vor.u32 v13, v49;
	_ =	sdelay $0x2  }
0x14e: {  	v63 =	vor.u32 v10, v51  }
0x14f: {  	v54 =	vor.u32 v63, v52;
	[tilespmem:v61+s18+$0x0] =	vst.idx.msk $0xffff, v50  }
0x150: {  	v60 =	vor.u32 v14, v54;
	v50 =	vld.idx.msk [tilespmem:v62+s14+$0x0], $0xffff  }
0x151: {  	v61 =	vor.u32 v15, v49;
	_ =	sdelay $0x2  }
0x152: {  	v62 =	vor.u32 v9, v51  }
0x153: {  	v55 =	vor.u32 v62, v52;
	[tilespmem:v60+s18+$0x0] =	vst.idx.msk $0xffff, v50  }
0x154: {  	v63 =	vor.u32 v16, v55;
	v50 =	vld.idx.msk [tilespmem:v61+s14+$0x0], $0xffff  }
0x155: {  	v60 =	vor.u32 v17, v49;
	_ =	sdelay $0x2  }
0x156: {  	v61 =	vor.u32 v7, v51  }
0x157: {  	v56 =	vor.u32 v61, v52;
	[tilespmem:v63+s18+$0x0] =	vst.idx.msk $0xffff, v50  }
0x158: {  	v62 =	vor.u32 v18, v56;
	v50 =	vld.idx.msk [tilespmem:v60+s14+$0x0], $0xffff  }
0x159: {  	v63 =	vor.u32 v19, v49;
	_ =	sdelay $0x2  }
0x15a: {  	v60 =	vor.u32 v6, v51  }
0x15b: {  	v57 =	vor.u32 v60, v52;
	[tilespmem:v62+s18+$0x0] =	vst.idx.msk $0xffff, v50  }
0x15c: {  	v58 =	vor.u32 v20, v57;
	v50 =	vld.idx.msk [tilespmem:v63+s14+$0x0], $0xffff  }
0x15d: {  	v59 =	vor.u32 v29, v49;
	_ =	sdelay $0x2  }
0x15e: {  	v60 =	vor.u32 v5, v51  }
0x15f: {  	[tilespmem:v58+s18+$0x0] =	vst.idx.msk $0xffff, v50;
	v58 =	vor.u32 v60, v52  }
0x160: {  	v50 =	vld.idx.msk [tilespmem:v59+s14+$0x0], $0xffff;
	v59 =	vor.u32 v21, v58  }
0x161: {  	v60 =	vor.u32 v31, v49;
	_ =	sdelay $0x2  }
0x162: {  	v61 =	vor.u32 v4, v51  }
0x163: {  	[tilespmem:v59+s18+$0x0] =	vst.idx.msk $0xffff, v50;
	v59 =	vor.u32 v61, v52  }
0x164: {  	v50 =	vld.idx.msk [tilespmem:v60+s14+$0x0], $0xffff;
	v60 =	vor.u32 v24, v59  }
0x165: {  	v61 =	vor.u32 v32, v49;
	_ =	sdelay $0x2  }
0x166: {  	v51 =	vor.u32 v3, v51  }
0x167: {  	[tilespmem:v60+s18+$0x0] =	vst.idx.msk $0xffff, v50;
	v50 =	vor.u32 v51, v52  }
0x168: {  	v51 =	vld.idx.msk [tilespmem:v61+s14+$0x0], $0xffff;
	v52 =	vor.u32 v27, v50  }
0x169: {  	v60 =	vor.u32 v33, v49;
	_ =	sdelay $0x3  }
0x16a: {  	[tilespmem:v52+s18+$0x0] =	vst.idx.msk $0xffff, v51  }
0x16b: {  	v61 =	vor.u32 v34, v53;
	v51 =	vld.idx.msk [tilespmem:v60+s14+$0x0], $0xffff  }
0x16c: {  	v62 =	vor.u32 v35, v49;
	_ =	sdelay $0x3  }
0x16d: {  	[tilespmem:v61+s18+$0x0] =	vst.idx.msk $0xffff, v51  }
0x16e: {  	v63 =	vor.u32 v36, v54;
	v51 =	vld.idx.msk [tilespmem:v62+s14+$0x0], $0xffff  }
0x16f: {  	v60 =	vor.u32 v37, v49;
	_ =	sdelay $0x3  }
0x170: {  	[tilespmem:v63+s18+$0x0] =	vst.idx.msk $0xffff, v51  }
0x171: {  	v61 =	vor.u32 v38, v55;
	v51 =	vld.idx.msk [tilespmem:v60+s14+$0x0], $0xffff  }
0x172: {  	v62 =	vor.u32 v39, v49;
	_ =	sdelay $0x3  }
0x173: {  	[tilespmem:v61+s18+$0x0] =	vst.idx.msk $0xffff, v51  }
0x174: {  	v63 =	vor.u32 v40, v56;
	v51 =	vld.idx.msk [tilespmem:v62+s14+$0x0], $0xffff  }
0x175: {  	v56 =	vor.u32 v41, v49;
	_ =	sdelay $0x3  }
0x176: {  	[tilespmem:v63+s18+$0x0] =	vst.idx.msk $0xffff, v51  }
0x177: {  	v57 =	vor.u32 v42, v57;
	v51 =	vld.idx.msk [tilespmem:v56+s14+$0x0], $0xffff  }
0x178: {  	v60 =	vor.u32 v43, v49;
	_ =	sdelay $0x3  }
0x179: {  	[tilespmem:v57+s18+$0x0] =	vst.idx.msk $0xffff, v51  }
0x17a: {  	v61 =	vor.u32 v44, v58;
	v51 =	vld.idx.msk [tilespmem:v60+s14+$0x0], $0xffff  }
0x17b: {  	v62 =	vor.u32 v45, v49;
	_ =	sdelay $0x3  }
0x17c: {  	[tilespmem:v61+s18+$0x0] =	vst.idx.msk $0xffff, v51  }
0x17d: {  	v63 =	vor.u32 v46, v59;
	v52 =	vld.idx.msk [tilespmem:v62+s14+$0x0], $0xffff  }
0x17e: {  	v49 =	vor.u32 v47, v49;
	_ =	sdelay $0x2  }
0x17f: {  	s25 =	simm.s32 $0x10  }
0x180: {  	s28 =	simm.s32 $0x2;
	s26 =	simm.s32 $0x1;
	v51 =	vmov s25;
	[tilespmem:v63+s18+$0x0] =	vst.idx.msk $0xffff, v52  }
.LBB2_5:
0x181: {  	p0 =	sne.s32 s28, $0x1F;
	v51 =	vshll.u32 v51, $0x4;
	v52 =	vld.idx.msk [tilespmem:v49+s14+$0x0], $0xffff  }
0x182: {  	v50 =	vor.u32 v48, v50;
	v49 =	vor.u32 v1, v51  }
0x183: {  	v51 =	vor.u32 v0, v49  }
0x184: {  	s29 =	sand.u32 $0x18, s26;
	s26 =	smov.u32 s28  }
0x185: {  	v53 =	vmov s29  }
0x186: {  	s29 =	sand.u32 $0x70, s25;
	v53 =	vshll.u32 v53, $0x7  }
0x187: {  	v54 =	vor.u32 s29, v2;
	v55 =	vor.u32 v11, v53;
	[tilespmem:v50+s18+$0x0] =	vst.idx.msk $0xffff, v52  }
0x188: {  	v50 =	vld.idx.msk [tilespmem:v51+s14+$0x0], $0xffff;
	v51 =	vor.u32 v55, v54  }
0x189: {  	v52 =	vor.u32 v12, v51  }
0x18a: {  	v55 =	vor.u32 v13, v49;
	_ =	sdelay $0x3  }
0x18b: {  	[tilespmem:v52+s18+$0x0] =	vst.idx.msk $0xffff, v50;
	v50 =	vor.u32 v10, v53  }
0x18c: {  	v52 =	vld.idx.msk [tilespmem:v55+s14+$0x0], $0xffff;
	v55 =	vor.u32 v50, v54  }
0x18d: {  	v50 =	vor.u32 v14, v55  }
0x18e: {  	v56 =	vor.u32 v15, v49;
	_ =	sdelay $0x3  }
0x18f: {  	[tilespmem:v50+s18+$0x0] =	vst.idx.msk $0xffff, v52;
	v50 =	vor.u32 v9, v53  }
0x190: {  	v52 =	vld.idx.msk [tilespmem:v56+s14+$0x0], $0xffff;
	v56 =	vor.u32 v50, v54  }
0x191: {  	v50 =	vor.u32 v16, v56  }
0x192: {  	v57 =	vor.u32 v17, v49;
	_ =	sdelay $0x3  }
0x193: {  	[tilespmem:v50+s18+$0x0] =	vst.idx.msk $0xffff, v52;
	v50 =	vor.u32 v7, v53  }
0x194: {  	v52 =	vld.idx.msk [tilespmem:v57+s14+$0x0], $0xffff;
	v57 =	vor.u32 v50, v54  }
0x195: {  	v50 =	vor.u32 v18, v57  }
0x196: {  	v58 =	vor.u32 v19, v49;
	_ =	sdelay $0x3  }
0x197: {  	[tilespmem:v50+s18+$0x0] =	vst.idx.msk $0xffff, v52;
	v50 =	vor.u32 v6, v53  }
0x198: {  	v52 =	vld.idx.msk [tilespmem:v58+s14+$0x0], $0xffff;
	v58 =	vor.u32 v50, v54  }
0x199: {  	v50 =	vor.u32 v20, v58  }
0x19a: {  	v59 =	vor.u32 v29, v49;
	_ =	sdelay $0x3  }
0x19b: {  	[tilespmem:v50+s18+$0x0] =	vst.idx.msk $0xffff, v52;
	v50 =	vor.u32 v5, v53  }
0x19c: {  	v52 =	vld.idx.msk [tilespmem:v59+s14+$0x0], $0xffff;
	v59 =	vor.u32 v50, v54  }
0x19d: {  	v50 =	vor.u32 v21, v59  }
0x19e: {  	v60 =	vor.u32 v31, v49;
	_ =	sdelay $0x3  }
0x19f: {  	[tilespmem:v50+s18+$0x0] =	vst.idx.msk $0xffff, v52;
	v50 =	vor.u32 v4, v53  }
0x1a0: {  	v52 =	vld.idx.msk [tilespmem:v60+s14+$0x0], $0xffff;
	v60 =	vor.u32 v50, v54  }
0x1a1: {  	v50 =	vor.u32 v24, v60  }
0x1a2: {  	v61 =	vor.u32 v32, v49;
	_ =	sdelay $0x3  }
0x1a3: {  	[tilespmem:v50+s18+$0x0] =	vst.idx.msk $0xffff, v52;
	v50 =	vor.u32 v3, v53  }
0x1a4: {  	v52 =	vld.idx.msk [tilespmem:v61+s14+$0x0], $0xffff;
	v50 =	vor.u32 v50, v54  }
0x1a5: {  	v53 =	vor.u32 v27, v50  }
0x1a6: {  	v54 =	vor.u32 v33, v49;
	_ =	sdelay $0x3  }
0x1a7: {  	[tilespmem:v53+s18+$0x0] =	vst.idx.msk $0xffff, v52  }
0x1a8: {  	v52 =	vld.idx.msk [tilespmem:v54+s14+$0x0], $0xffff  }
0x1a9: {  	v51 =	vor.u32 v34, v51  }
0x1aa: {  	v53 =	vor.u32 v35, v49;
	_ =	sdelay $0x3  }
0x1ab: {  	[tilespmem:v51+s18+$0x0] =	vst.idx.msk $0xffff, v52  }
0x1ac: {  	v51 =	vld.idx.msk [tilespmem:v53+s14+$0x0], $0xffff  }
0x1ad: {  	v52 =	vor.u32 v36, v55  }
0x1ae: {  	v53 =	vor.u32 v37, v49;
	_ =	sdelay $0x3  }
0x1af: {  	[tilespmem:v52+s18+$0x0] =	vst.idx.msk $0xffff, v51  }
0x1b0: {  	v51 =	vld.idx.msk [tilespmem:v53+s14+$0x0], $0xffff  }
0x1b1: {  	v52 =	vor.u32 v38, v56  }
0x1b2: {  	v53 =	vor.u32 v39, v49;
	_ =	sdelay $0x3  }
0x1b3: {  	[tilespmem:v52+s18+$0x0] =	vst.idx.msk $0xffff, v51  }
0x1b4: {  	v51 =	vld.idx.msk [tilespmem:v53+s14+$0x0], $0xffff  }
0x1b5: {  	v52 =	vor.u32 v40, v57  }
0x1b6: {  	v53 =	vor.u32 v41, v49;
	_ =	sdelay $0x3  }
0x1b7: {  	[tilespmem:v52+s18+$0x0] =	vst.idx.msk $0xffff, v51  }
0x1b8: {  	v51 =	vld.idx.msk [tilespmem:v53+s14+$0x0], $0xffff  }
0x1b9: {  	v52 =	vor.u32 v42, v58  }
0x1ba: {  	v53 =	vor.u32 v43, v49;
	_ =	sdelay $0x3  }
0x1bb: {  	[tilespmem:v52+s18+$0x0] =	vst.idx.msk $0xffff, v51  }
0x1bc: {  	v51 =	vld.idx.msk [tilespmem:v53+s14+$0x0], $0xffff  }
0x1bd: {  	v52 =	vor.u32 v44, v59  }
0x1be: {  	v53 =	vor.u32 v45, v49;
	_ =	sdelay $0x3  }
0x1bf: {  	[tilespmem:v52+s18+$0x0] =	vst.idx.msk $0xffff, v51  }
0x1c0: {  	v52 =	vld.idx.msk [tilespmem:v53+s14+$0x0], $0xffff  }
0x1c1: {  	v53 =	vor.u32 v46, v60  }
.Ltmp1:
0x1c2: {  	v49 =	vor.u32 v47, v49;
	(pc) =	sbr.rel @p0 .LBB2_5-.Ltmp1, $3  }
0x1c3: {  	_ =	sdelay $0x1  }
0x1c4: {  	s25 =	sadd.s32 $0x10, s25  }
0x1c5: {  	s28 =	sadd.s32 $0x1, s28;
	v51 =	vmov s25;
	[tilespmem:v53+s18+$0x0] =	vst.idx.msk $0xffff, v52  }
0x1c6: {  	_ =	sdelay $0x2  }
0x1c7: {  	v51 =	vshll.u32 v51, $0x4  }
0x1c8: {  	v49 =	vld.idx.msk [tilespmem:v49+s14+$0x0], $0xffff;
	v50 =	vor.u32 v48, v50;
	v51 =	vor.u32 v1, v51  }
0x1c9: {  	s26 =	sand.u32 $0x18, s26;
	v52 =	vor.u32 v0, v51  }
0x1ca: {  	v53 =	vmov s26  }
0x1cb: {  	s25 =	sand.u32 $0x70, s25;
	v53 =	vshll.u32 v53, $0x7  }
0x1cc: {  	v54 =	vor.u32 s25, v2;
	v55 =	vor.u32 v11, v53  }
0x1cd: {  	[tilespmem:v50+s18+$0x0] =	vst.idx.msk $0xffff, v49;
	v49 =	vor.u32 v55, v54  }
0x1ce: {  	v63 =	vor.u32 v12, v49;
	v50 =	vld.idx.msk [tilespmem:v52+s14+$0x0], $0xffff  }
0x1cf: {  	v60 =	vor.u32 v13, v51;
	_ =	sdelay $0x2  }
0x1d0: {  	v56 =	vor.u32 v10, v53  }
0x1d1: {  	[tilespmem:v63+s18+$0x0] =	vst.idx.msk $0xffff, v50;
	v50 =	vor.u32 v56, v54  }
0x1d2: {  	v52 =	vld.idx.msk [tilespmem:v60+s14+$0x0], $0xffff;
	v61 =	vor.u32 v14, v50  }
0x1d3: {  	v62 =	vor.u32 v15, v51;
	_ =	sdelay $0x2  }
0x1d4: {  	v57 =	vor.u32 v9, v53  }
0x1d5: {  	[tilespmem:v61+s18+$0x0] =	vst.idx.msk $0xffff, v52;
	v52 =	vor.u32 v57, v54  }
0x1d6: {  	v55 =	vld.idx.msk [tilespmem:v62+s14+$0x0], $0xffff;
	v63 =	vor.u32 v16, v52  }
0x1d7: {  	v60 =	vor.u32 v17, v51;
	_ =	sdelay $0x2  }
0x1d8: {  	v58 =	vor.u32 v7, v53  }
0x1d9: {  	[tilespmem:v63+s18+$0x0] =	vst.idx.msk $0xffff, v55;
	v55 =	vor.u32 v58, v54  }
0x1da: {  	v56 =	vld.idx.msk [tilespmem:v60+s14+$0x0], $0xffff;
	v61 =	vor.u32 v18, v55  }
0x1db: {  	v62 =	vor.u32 v19, v51;
	_ =	sdelay $0x2  }
0x1dc: {  	v59 =	vor.u32 v6, v53  }
0x1dd: {  	[tilespmem:v61+s18+$0x0] =	vst.idx.msk $0xffff, v56;
	v56 =	vor.u32 v59, v54  }
0x1de: {  	v57 =	vld.idx.msk [tilespmem:v62+s14+$0x0], $0xffff;
	v58 =	vor.u32 v20, v56  }
0x1df: {  	v59 =	vor.u32 v29, v51;
	_ =	sdelay $0x2  }
0x1e0: {  	v60 =	vor.u32 v5, v53  }
0x1e1: {  	[tilespmem:v58+s18+$0x0] =	vst.idx.msk $0xffff, v57;
	v57 =	vor.u32 v60, v54  }
0x1e2: {  	v58 =	vld.idx.msk [tilespmem:v59+s14+$0x0], $0xffff;
	v59 =	vor.u32 v21, v57  }
0x1e3: {  	v60 =	vor.u32 v31, v51;
	_ =	sdelay $0x2  }
0x1e4: {  	v61 =	vor.u32 v4, v53  }
0x1e5: {  	[tilespmem:v59+s18+$0x0] =	vst.idx.msk $0xffff, v58;
	v58 =	vor.u32 v61, v54  }
0x1e6: {  	v59 =	vld.idx.msk [tilespmem:v60+s14+$0x0], $0xffff;
	v60 =	vor.u32 v24, v58  }
0x1e7: {  	v61 =	vor.u32 v32, v51;
	_ =	sdelay $0x2  }
0x1e8: {  	v53 =	vor.u32 v3, v53  }
0x1e9: {  	v53 =	vor.u32 v53, v54;
	[tilespmem:v60+s18+$0x0] =	vst.idx.msk $0xffff, v59  }
0x1ea: {  	v59 =	vor.u32 v27, v53;
	v54 =	vld.idx.msk [tilespmem:v61+s14+$0x0], $0xffff  }
0x1eb: {  	v60 =	vor.u32 v33, v51;
	_ =	sdelay $0x3  }
0x1ec: {  	[tilespmem:v59+s18+$0x0] =	vst.idx.msk $0xffff, v54  }
0x1ed: {  	v49 =	vor.u32 v34, v49;
	v54 =	vld.idx.msk [tilespmem:v60+s14+$0x0], $0xffff  }
0x1ee: {  	v63 =	vor.u32 v35, v51;
	_ =	sdelay $0x3  }
0x1ef: {  	[tilespmem:v49+s18+$0x0] =	vst.idx.msk $0xffff, v54  }
0x1f0: {  	v50 =	vor.u32 v36, v50;
	v49 =	vld.idx.msk [tilespmem:v63+s14+$0x0], $0xffff  }
0x1f1: {  	v60 =	vor.u32 v37, v51;
	_ =	sdelay $0x3  }
0x1f2: {  	[tilespmem:v50+s18+$0x0] =	vst.idx.msk $0xffff, v49  }
0x1f3: {  	v61 =	vor.u32 v38, v52;
	v49 =	vld.idx.msk [tilespmem:v60+s14+$0x0], $0xffff  }
0x1f4: {  	v62 =	vor.u32 v39, v51;
	_ =	sdelay $0x3  }
0x1f5: {  	[tilespmem:v61+s18+$0x0] =	vst.idx.msk $0xffff, v49  }
0x1f6: {  	v63 =	vor.u32 v40, v55;
	v49 =	vld.idx.msk [tilespmem:v62+s14+$0x0], $0xffff  }
0x1f7: {  	v59 =	vor.u32 v41, v51;
	_ =	sdelay $0x3  }
0x1f8: {  	[tilespmem:v63+s18+$0x0] =	vst.idx.msk $0xffff, v49  }
0x1f9: {  	v60 =	vor.u32 v42, v56;
	v49 =	vld.idx.msk [tilespmem:v59+s14+$0x0], $0xffff  }
0x1fa: {  	v61 =	vor.u32 v43, v51;
	_ =	sdelay $0x3  }
0x1fb: {  	[tilespmem:v60+s18+$0x0] =	vst.idx.msk $0xffff, v49  }
0x1fc: {  	v62 =	vor.u32 v44, v57;
	v49 =	vld.idx.msk [tilespmem:v61+s14+$0x0], $0xffff  }
0x1fd: {  	v45 =	vor.u32 v45, v51;
	_ =	sdelay $0x3  }
0x1fe: {  	[tilespmem:v62+s18+$0x0] =	vst.idx.msk $0xffff, v49  }
0x1ff: {  	v46 =	vor.u32 v46, v58;
	v45 =	vld.idx.msk [tilespmem:v45+s14+$0x0], $0xffff  }
0x200: {  	v47 =	vor.u32 v47, v51;
	_ =	sdelay $0x3  }
0x201: {  	[tilespmem:v46+s18+$0x0] =	vst.idx.msk $0xffff, v45  }
0x202: {  	v63 =	vor.u32 v48, v53;
	v45 =	vld.idx.msk [tilespmem:v47+s14+$0x0], $0xffff;
	_ =	sdelay $0x1  }
0x203: {  	s23 =	sadd.s32 $0x1, s23  }
0x204: {  	s24 =	sshll.u32 s24, $0xF;
	p0 =	sne.s32 s23, $0xD  }
.Ltmp2:
0x205: {  	s24 =	sor.u32 s6, s24;
	(pc) =	sbr.rel @p0 .LBB2_2-.Ltmp2, $4  }
0x206: {  	s31 =	sadd.s32 s2, s24;
	[tilespmem:v63+s18+$0x0] =	vst.idx.msk $0xffff, v45  }
0x207: {  	[hbm4b:s31+s3] =	stream.linear.scatter [tilespmem:s18], [sflag:$0x4], $0x1000, $0x38;
	[tilespmem:$0xB400] =	vst v63  }
0x208: {  	s24 =	sadd.s32 s24, s7  }
0x209: {  	[hbm4b:s24+s3] =	stream.linear.scatter [tilespmem:s19], [sflag:$0x4], $0x1000, $0x38;
	[tilespmem:$0xB400] =	vst v63  }
0x20a: {  	_ =	swait.ge [sflag:s13], $0x2000  }
0x20b: {  	[sflag:s13] =	ssyncset.done $0x0  }
0x20c: {  	[sflag:s13] =	ssyncadd.s32 $0xFFFFE000  }
0x20d: {  	_ =	swait.ge [sflag:s20], $0x1000  }
0x20e: {  	[sflag:s20] =	ssyncset.done $0x0  }
0x20f: {  	[sflag:s20] =	ssyncadd.s32 $0xFFFFF000  }
0x210: {  	_ =	swait.ge [sflag:s20], $0x1000  }
0x211: {  	[sflag:s20] =	ssyncset.done $0x0  }
0x212: {  	s22 =	sadd.s32 $0x1, s22;
	[sflag:s20] =	ssyncadd.s32 $0xFFFFF000  }
0x213: {  	p0 =	sne.s32 s22, s8;
	_ =	swait.ge [sflag:s21], $0x1000  }
.Ltmp3:
0x214: {  	[sflag:s21] =	ssyncset.done $0x0;
	(pc) =	sbr.rel @p0 .LBB2_1-.Ltmp3, $4  }
0x215: {  	[sflag:s21] =	ssyncadd.s32 $0xFFFFF000  }
0x216: {  	_ =	swait.ge [sflag:s21], $0x1000  }
0x217: {  	[sflag:s21] =	ssyncset.done $0x0  }
0x218: {  	[sflag:s21] =	ssyncadd.s32 $0xFFFFF000  }
0x219: {  	_ =	sfence.sel $0x180000  }
0x21a: {  	[bflag:$0x0] =	sbarrier.arrive $0xFFFF  }
0x21b: {  	p0 =	sne.s32 s0, $0x0;
	_ =	strace $0x9000004A  }
0x21c: {  	s0 =	sadd.s32 @!p0 $0x100000, s1;
	[bflag:$0x2] =	sbarrier.arrive $0xFFFF  }
0x21d: {  	[sflag:s0] =	ssyncadd.tile.s32 @!p0 $0x1;
	_ =	shalt  }
.Lfunc_end2:
_tile_overlayer_lowered:
.L_overlay_start_2:
0x21e: {  	(tag) =	ssettag $0x2  }
0x21f: {  	s0 =	rddreg [dreg:$0x0];
	s2 =	stileid.u32  }
0x220: {  	s1 =	rddreg [dreg:$0x1];
	p0 =	sne.s32 s2, $0x0  }
0x221: {  	s3 =	rddreg [dreg:$0x2];
	[bflag:$0x3] =	sbarrier.arrive $0xFFFF;
	s2 =	simm.s32 @!p0 $0x1C05  }
0x222: {  	[timem:s3], [sflag:s2] =	dma.local @!p0 [hbm:s0], s1  }
0x223: {  	s0 =	simm.s32 @!p0 $0x5  }
0x224: {  	_ =	swait.ge @!p0 [sflag:s0], s1  }
0x225: {  	s1 =	ssub.s32 @!p0 $0x0, s1;
	[sflag:s0] =	ssyncset.done @!p0 $0x0  }
0x226: {  	[sflag:s0] =	ssyncadd.s32 @!p0 s1  }
0x227: {  	[bflag:$0x3] =	sbarrier.arrive $0xFFFF  }
0x228: {  	_ =	shalt  }

</sc_bundles>
